<compile_context>
chip_gen: v7x
topology: tpu7x:2x2x1
jax: 0.10.2.dev20260603
libtpu: 0.0.44.dev20260713+nightly
codegen_flags: <defaults>
</compile_context>

<pallas_src>
import functools

import jax
import jax.numpy as jnp
from jax import lax
from jax.experimental import pallas as pl
from jax.experimental.pallas import tpu as pltpu
from jax.experimental.pallas import tpu_sc as plsc

NU = 5000
NI = 5000
N = 10000
H = 128
E = 320000
G = 10000

NC = 2
NS = 16
NW = NC * NS

NP = 10240
EP = 327680
EW = EP // NW
BP = 12288
TRASH = 10000

ROWS_PER_TILE = NP // NS

_mesh = plsc.VectorSubcoreMesh(core_axis_name="c", subcore_axis_name="s")

_f32 = jnp.float32
_i32 = jnp.int32


def _wid():
    return lax.axis_index("s") * NC + lax.axis_index("c")


def _pass_a(user_ids, item_ids, user_table, item_table, dstp, batp,
            ones128, zeros1d):
    @functools.partial(
        pl.kernel,
        out_type=(
            jax.ShapeDtypeStruct((NP, H), _f32),
            jax.ShapeDtypeStruct((NC, NP), _f32),
            jax.ShapeDtypeStruct((NC, NP), _f32),
        ),
        mesh=_mesh,
        scratch_types=[
            pltpu.VMEM((40,), _i32),
            pltpu.VMEM((40, H), _f32),
            pltpu.VMEM((128,), _i32),
            pltpu.VMEM((128,), _f32),
            pltpu.VMEM((ROWS_PER_TILE,), _f32),
            pltpu.VMEM_SHARED((NP,), _f32),
            pltpu.VMEM_SHARED((NP,), _f32),
        ],
    )
    def k(uid_hbm, iid_hbm, utab_hbm, itab_hbm, dstp_hbm, batp_hbm,
          ones_hbm, z1d_hbm, x_hbm, deg_hbm, cnt_hbm,
          idx_v, rows_v, eidx_v, ones_v, z1d_v, deg_sh, cnt_sh):
        cid = lax.axis_index("c")
        sid = lax.axis_index("s")
        wid = _wid()

        pltpu.sync_copy(z1d_hbm, z1d_v)
        pltpu.sync_copy(z1d_v, deg_sh.at[pl.ds(sid * ROWS_PER_TILE, ROWS_PER_TILE)])
        pltpu.sync_copy(z1d_v, cnt_sh.at[pl.ds(sid * ROWS_PER_TILE, ROWS_PER_TILE)])
        pltpu.sync_copy(ones_hbm, ones_v)

        @pl.when(wid < 16)
        def _():
            @pl.loop(0, 8)
            def _(j):
                c = wid * 8 + j

                @pl.when(c < 125)
                def _():
                    pltpu.sync_copy(uid_hbm.at[pl.ds(c * 40, 40)], idx_v)
                    pltpu.sync_copy(utab_hbm.at[idx_v], rows_v)
                    pltpu.sync_copy(rows_v, x_hbm.at[pl.ds(c * 40, 40)])

        @pl.when(wid >= 16)
        def _():
            @pl.loop(0, 8)
            def _(j):
                c = (wid - 16) * 8 + j

                @pl.when(c < 125)
                def _():
                    pltpu.sync_copy(iid_hbm.at[pl.ds(c * 40, 40)], idx_v)
                    pltpu.sync_copy(itab_hbm.at[idx_v], rows_v)
                    pltpu.sync_copy(rows_v, x_hbm.at[pl.ds(NU + c * 40, 40)])

        plsc.subcore_barrier()

        @pl.loop(0, EW // 128)
        def _(j):
            pltpu.sync_copy(dstp_hbm.at[pl.ds(wid * EW + j * 128, 128)], eidx_v)
            pltpu.sync_copy(ones_v, deg_sh.at[eidx_v], add=True)

        @pl.loop(0, BP // NW // 128)
        def _(j):
            pltpu.sync_copy(batp_hbm.at[pl.ds(wid * (BP // NW) + j * 128, 128)], eidx_v)
            pltpu.sync_copy(ones_v, cnt_sh.at[eidx_v], add=True)

        plsc.subcore_barrier()

        @pl.when(sid == 0)
        def _():
            pltpu.sync_copy(deg_sh, deg_hbm.at[cid])
            pltpu.sync_copy(cnt_sh, cnt_hbm.at[cid])

    return k(user_ids, item_ids, user_table, item_table, dstp, batp,
             ones128, zeros1d)


HH = H // 2
CK = 128
NCHUNK = EP // CK
NBLK = 20
NBUF = 2
QT = NCHUNK // NS


def _pass_c(edges2, ylo, yhi, zfull):
    @functools.partial(
        pl.kernel,
        out_type=jax.ShapeDtypeStruct((NC, NP, HH), _f32),
        mesh=_mesh,
        scratch_types=[
            pltpu.VMEM((NBLK, 2, CK), _i32),
            pltpu.VMEM_SHARED((NP, HH), _f32),
            pltpu.VMEM_SHARED((NP, HH), _f32),
        ]
        + [pltpu.VMEM((CK, HH), _f32)] * NBUF
        + [pltpu.SemaphoreType.DMA] * (2 * NBUF),
    )
    def k(edges_hbm, ylo_hbm, yhi_hbm, zf_hbm, zp_hbm,
          idx_v, y_sh, z_sh, *bufs_sems):
        rows = bufs_sems[:NBUF]
        gsem = bufs_sems[NBUF:2 * NBUF]
        ssem = bufs_sems[2 * NBUF:]
        cid = lax.axis_index("c")
        sid = lax.axis_index("s")
        row0 = sid * ROWS_PER_TILE

        @pl.loop(0, ROWS_PER_TILE // 64)
        def _(m):
            off = row0 + m * 64
            pltpu.sync_copy(zf_hbm.at[pl.ds(off, 64)], z_sh.at[pl.ds(off, 64)])

        @pl.when(cid == 0)
        def _():
            pltpu.sync_copy(ylo_hbm.at[pl.ds(row0, ROWS_PER_TILE)],
                            y_sh.at[pl.ds(row0, ROWS_PER_TILE)])

        @pl.when(cid == 1)
        def _():
            pltpu.sync_copy(yhi_hbm.at[pl.ds(row0, ROWS_PER_TILE)],
                            y_sh.at[pl.ds(row0, ROWS_PER_TILE)])

        plsc.subcore_barrier()

        @pl.loop(0, QT // NBLK)
        def _(blk):
            pltpu.sync_copy(
                edges_hbm.at[pl.ds(sid * QT + blk * NBLK, NBLK)], idx_v)
            for b in range(NBUF):
                pltpu.async_copy(y_sh.at[idx_v.at[b, 0]], rows[b], gsem[b])

            @pl.loop(0, NBLK, step=NBUF)
            def _(m):
                for b in range(NBUF):
                    pltpu.make_async_copy(y_sh.at[idx_v.at[m + b, 0]],
                                          rows[b], gsem[b]).wait()
                    pltpu.async_copy(rows[b], z_sh.at[idx_v.at[m + b, 1]],
                                     ssem[b], add=True)
                for b in range(NBUF):
                    pltpu.make_async_copy(rows[b], z_sh.at[idx_v.at[m + b, 1]],
                                          ssem[b]).wait()

                    @pl.when(m + NBUF + b < NBLK)
                    def _():
                        pltpu.async_copy(y_sh.at[idx_v.at[m + NBUF + b, 0]],
                                         rows[b], gsem[b])

        plsc.subcore_barrier()

        pltpu.sync_copy(z_sh.at[pl.ds(row0, ROWS_PER_TILE)],
                        zp_hbm.at[cid, pl.ds(row0, ROWS_PER_TILE)])

    return k(edges2, ylo, yhi, zfull)


def _pass_e(x3, batp, zfull):
    @functools.partial(
        pl.kernel,
        out_type=jax.ShapeDtypeStruct((NC, NP, H), _f32),
        mesh=_mesh,
        scratch_types=[
            pltpu.VMEM((64,), _i32),
            pltpu.VMEM((64, H), _f32),
            pltpu.VMEM_SHARED((NP, H), _f32),
        ],
    )
    def k(x3_hbm, batp_hbm, zf_hbm, sp_hbm, bidx_v, rows_v, s_sh):
        cid = lax.axis_index("c")
        sid = lax.axis_index("s")
        wid = _wid()

        @pl.loop(0, ROWS_PER_TILE // 64)
        def _(m):
            off = sid * ROWS_PER_TILE + m * 64
            pltpu.sync_copy(zf_hbm.at[pl.ds(off, 64)], s_sh.at[pl.ds(off, 64)])

        plsc.subcore_barrier()

        @pl.loop(0, NP // NW // 64)
        def _(j):
            off = wid * (NP // NW) + j * 64
            pltpu.sync_copy(x3_hbm.at[pl.ds(off, 64)], rows_v)
            pltpu.sync_copy(batp_hbm.at[pl.ds(off, 64)], bidx_v)
            pltpu.sync_copy(rows_v, s_sh.at[bidx_v], add=True)

        plsc.subcore_barrier()

        pltpu.sync_copy(s_sh.at[pl.ds(sid * ROWS_PER_TILE, ROWS_PER_TILE)],
                        sp_hbm.at[cid, pl.ds(sid * ROWS_PER_TILE, ROWS_PER_TILE)])

    return k(x3, batp, zfull)


_BLK = 2048
_GRID = NP // _BLK

_row_spec = pl.BlockSpec((_BLK, H), lambda i: (i, 0))
_half_spec = pl.BlockSpec((_BLK, HH), lambda i: (i, 0))
_col_spec = pl.BlockSpec((_BLK, 1), lambda i: (i, 0))
_w_spec = pl.BlockSpec((H, H), lambda i: (0, 0))
_b_spec = pl.BlockSpec((1, H), lambda i: (0, 0))


def _b_body(x_ref, d0_ref, d1_ref, c0_ref, c1_ref,
            ylo_ref, yhi_ref, dinv_ref, cntinv_ref):
    deg = d0_ref[...] + d1_ref[...] + 1.0
    dinv = lax.rsqrt(deg)
    dinv_ref[...] = dinv
    y = x_ref[...] * dinv
    ylo_ref[...] = y[:, :HH]
    yhi_ref[...] = y[:, HH:]
    cnt = c0_ref[...] + c1_ref[...]
    cntinv_ref[...] = 1.0 / jnp.maximum(cnt, 1.0)


def _pass_b(x, d0, d1, c0, c1):
    return pl.pallas_call(
        _b_body,
        grid=(_GRID,),
        in_specs=[_row_spec, _col_spec, _col_spec, _col_spec, _col_spec],
        out_specs=(_half_spec, _half_spec, _col_spec, _col_spec),
        out_shape=(
            jax.ShapeDtypeStruct((NP, HH), _f32),
            jax.ShapeDtypeStruct((NP, HH), _f32),
            jax.ShapeDtypeStruct((NP, 1), _f32),
            jax.ShapeDtypeStruct((NP, 1), _f32),
        ),
    )(x, d0, d1, c0, c1)


def _d_body(zlo_ref, zhi_ref, ylo_ref, yhi_ref, dinv_ref, w_ref, b_ref,
            *out_refs, relu, split_out):
    dinv = dinv_ref[...]
    t = jnp.concatenate([zlo_ref[...] + ylo_ref[...],
                         zhi_ref[...] + yhi_ref[...]], axis=1) * dinv
    m = jnp.dot(t, w_ref[...], preferred_element_type=_f32) + b_ref[...]
    if relu:
        m = jnp.maximum(m, 0.0)
    if split_out:
        y = m * dinv
        out_refs[0][...] = y[:, :HH]
        out_refs[1][...] = y[:, HH:]
    else:
        out_refs[0][...] = m


def _pass_d(zlo, zhi, ylo, yhi, dinv, w, b, relu, split_out):
    if split_out:
        out_specs = (_half_spec, _half_spec)
        out_shape = (jax.ShapeDtypeStruct((NP, HH), _f32),) * 2
    else:
        out_specs = _row_spec
        out_shape = jax.ShapeDtypeStruct((NP, H), _f32)
    return pl.pallas_call(
        functools.partial(_d_body, relu=relu, split_out=split_out),
        grid=(_GRID,),
        in_specs=[_half_spec, _half_spec, _half_spec, _half_spec,
                  _col_spec, _w_spec, _b_spec],
        out_specs=out_specs,
        out_shape=out_shape,
    )(zlo, zhi, ylo, yhi, dinv, w, b)


def _f_body(s0_ref, s1_ref, cntinv_ref, w_ref, b_ref, o_ref):
    t = (s0_ref[...] + s1_ref[...]) * cntinv_ref[...]
    o_ref[...] = jnp.dot(t, w_ref[...], preferred_element_type=_f32) + b_ref[...]


def _pass_f(s0, s1, cntinv, wl, bl):
    return pl.pallas_call(
        _f_body,
        grid=(_GRID,),
        in_specs=[_row_spec, _row_spec, _col_spec, _w_spec, _b_spec],
        out_specs=_row_spec,
        out_shape=jax.ShapeDtypeStruct((NP, H), _f32),
    )(s0, s1, cntinv, wl, bl)


def kernel(user_ids, item_ids, edge_index, batch, user_table, item_table,
           W1, b1, W2, b2, W3, b3, Wl, bl):
    srcp = jnp.concatenate([edge_index[0], jnp.zeros((EP - E,), _i32)])
    dstp = jnp.concatenate([edge_index[1], jnp.full((EP - E,), TRASH, _i32)])
    edges2 = jnp.stack([srcp.reshape(EP // CK, CK),
                        dstp.reshape(EP // CK, CK)], axis=1)
    batp = jnp.concatenate([batch, jnp.full((BP - N,), TRASH, _i32)])
    ones128 = jnp.ones((128,), _f32)
    zeros1d = jnp.zeros((ROWS_PER_TILE,), _f32)
    zfull = jnp.zeros((NP, H), _f32)
    zhalf = jnp.zeros((NP, HH), _f32)

    x, degc, cntc = _pass_a(user_ids, item_ids, user_table, item_table,
                            dstp, batp, ones128, zeros1d)
    d0 = degc[0].reshape(NP, 1)
    d1 = degc[1].reshape(NP, 1)
    c0 = cntc[0].reshape(NP, 1)
    c1 = cntc[1].reshape(NP, 1)

    ylo, yhi, dinv, cntinv = _pass_b(x, d0, d1, c0, c1)

    for w, b, relu, split_out in ((W1, b1, True, True),
                                  (W2, b2, True, True),
                                  (W3, b3, False, False)):
        zp = _pass_c(edges2, ylo, yhi, zhalf)
        res = _pass_d(zp[0], zp[1], ylo, yhi, dinv, w, b.reshape(1, H),
                      relu, split_out)
        if split_out:
            ylo, yhi = res
        else:
            x3 = res

    sp = _pass_e(x3, batp, zfull)
    out = _pass_f(sp[0], sp[1], cntinv, Wl, bl.reshape(1, H))
    return (out[:NU], out[NU:N])

# --- scband reference (transcript-rebuilt; emitter-appended) ---
"""Pipeline reference for scband-gcnrecommender-7060926234754 (READ-ONLY COPY).

The authoritative reference and input builder live on the scoring server;
editing this copy changes nothing except your own understanding.
"""

import jax, jax.numpy as jnp
import numpy as np

NUM_USERS = 100000
NUM_ITEMS = 100000
H = 128
NU = 5000
NI = 5000
N = NU + NI
E = 320000
G = 10000  # number of pooling segments (graphs)


def setup_inputs(seed: int = 0):
    key = jax.random.key(seed)
    ks = jax.random.split(key, 14)
    user_ids = jax.random.randint(ks[0], (NU,), 0, NUM_USERS, dtype=jnp.int64) if jax.config.jax_enable_x64 else jax.random.randint(ks[0], (NU,), 0, NUM_USERS).astype(jnp.int32)
    item_ids = jax.random.randint(ks[1], (NI,), 0, NUM_ITEMS).astype(jnp.int32)
    user_ids = jax.random.randint(ks[0], (NU,), 0, NUM_USERS).astype(jnp.int32)
    edge_index = jax.random.randint(ks[2], (2, E), 0, N).astype(jnp.int32)
    batch = jnp.sort(jax.random.randint(ks[3], (N,), 0, G)).astype(jnp.int32)
    user_table = jax.random.normal(ks[4], (NUM_USERS, H), dtype=jnp.float32)
    item_table = jax.random.normal(ks[5], (NUM_ITEMS, H), dtype=jnp.float32)
    W1 = jax.random.normal(ks[6], (H, H), dtype=jnp.float32) * 0.05
    b1 = jnp.zeros((H,), dtype=jnp.float32)
    W2 = jax.random.normal(ks[7], (H, H), dtype=jnp.float32) * 0.05
    b2 = jnp.zeros((H,), dtype=jnp.float32)
    W3 = jax.random.normal(ks[8], (H, H), dtype=jnp.float32) * 0.05
    b3 = jnp.zeros((H,), dtype=jnp.float32)
    Wl = jax.random.normal(ks[9], (H, H), dtype=jnp.float32) * 0.05
    bl = jnp.zeros((H,), dtype=jnp.float32)
    return {"user_ids": user_ids, "item_ids": item_ids, "edge_index": edge_index,
            "batch": batch, "user_table": user_table, "item_table": item_table,
            "W1": W1, "b1": b1, "W2": W2, "b2": b2, "W3": W3, "b3": b3,
            "Wl": Wl, "bl": bl}


def gcn_conv(x, src, dst, W, b, num_nodes):
    # PyG GCNConv: add self-loops, symmetric normalization D^-1/2 (A+I) D^-1/2, then linear
    loop = jnp.arange(num_nodes, dtype=src.dtype)
    s = jnp.concatenate([src, loop])
    d = jnp.concatenate([dst, loop])
    xw = x @ W
    deg = jnp.zeros((num_nodes,), dtype=x.dtype).at[d].add(1.0)
    dinv = jnp.where(deg > 0, 1.0 / jnp.sqrt(deg), 0.0)
    norm = dinv[s] * dinv[d]
    msgs = xw[s] * norm[:, None]
    out = jnp.zeros((num_nodes, xw.shape[1]), dtype=x.dtype).at[d].add(msgs)
    return out + b


def global_mean_pool(x, batch, num_segments):
    sums = jnp.zeros((num_segments, x.shape[1]), dtype=x.dtype).at[batch].add(x)
    counts = jnp.zeros((num_segments,), dtype=x.dtype).at[batch].add(1.0)
    return sums / jnp.maximum(counts, 1.0)[:, None]


def reference(user_ids, item_ids, edge_index, batch, user_table, item_table,
              W1, b1, W2, b2, W3, b3, Wl, bl):
    user_emb = user_table[user_ids]
    item_emb = item_table[item_ids]
    x = jnp.concatenate([user_emb, item_emb], axis=0)
    src, dst = edge_index[0], edge_index[1]
    n = x.shape[0]
    x = gcn_conv(x, src, dst, W1, b1, n)
    x = jax.nn.relu(x)
    # dropout is identity in eval mode
    x = gcn_conv(x, src, dst, W2, b2, n)
    x = jax.nn.relu(x)
    x = gcn_conv(x, src, dst, W3, b3, n)
    x = global_mean_pool(x, batch, G)
    x = x @ Wl + bl
    u = x[:NU]
    i = x[NU:]
    return (u, i)

if __name__ == "__main__":
    import jax
    _d = setup_inputs()
    print(jax.jit(kernel)(*tuple(_d.values())))

</pallas_src>

<mosaic_0001>
#map = affine_map<(d0, d1) -> (0, 0, 0)>
#map1 = affine_map<(d0, d1) -> (0, 0)>
module attributes {stable_mosaic.version = 14 : i64} {
  func.func @k(%arg0: i32, %arg1: i32, %arg2: memref<2560x2x128xi32, #tpu.memory_space<hbm>>, %arg3: memref<10240x64xf32, #tpu.memory_space<hbm>>, %arg4: memref<10240x64xf32, #tpu.memory_space<hbm>>, %arg5: memref<10240x64xf32, #tpu.memory_space<hbm>>, %arg6: memref<2x10240x64xf32, #tpu.memory_space<hbm>>, %arg7: memref<20x2x128xi32, #tpu.memory_space<vmem>>, %arg8: memref<10240x64xf32, #tpu.memory_space<vmem_shared>>, %arg9: memref<10240x64xf32, #tpu.memory_space<vmem_shared>>, %arg10: memref<128x64xf32, #tpu.memory_space<vmem>>, %arg11: memref<128x64xf32, #tpu.memory_space<vmem>>, %arg12: memref<!tpu.dma_semaphore, #tpu.memory_space<semaphore_mem>>, %arg13: memref<!tpu.dma_semaphore, #tpu.memory_space<semaphore_mem>>, %arg14: memref<!tpu.dma_semaphore, #tpu.memory_space<semaphore_mem>>, %arg15: memref<!tpu.dma_semaphore, #tpu.memory_space<semaphore_mem>>) attributes {dimension_semantics = [#tpu.dimension_semantics<core_parallel>, #tpu.dimension_semantics<subcore_parallel>], iteration_bounds = array<i64: 2, 16>, scalar_prefetch = 0 : i64, scratch_operands = 9 : i64, tpu.core_type = #tpu.core_type<sc_vector_subcore>, window_params = [{transform_indices = #map}, {transform_indices = #map1}, {transform_indices = #map1}, {transform_indices = #map1}, {transform_indices = #map}]} {
    %mul3A = arith.constant 640 : i32
    %mul3A_0 = arith.muli %arg1, %mul3A : i32
    %scan3A = arith.constant 0 : i32
    %scan3A_1 = arith.constant 10 : i32
    %scan3A_2 = arith.addi %scan3A, %scan3A_1 : i32
    %scan3A_3 = arith.constant 1 : i32
    scf.for %scan3A_18 = %scan3A to %scan3A_2 step %scan3A_3  : i32 {
      %mul3A_19 = arith.constant 1 : i32
      %mul3A_20 = arith.muli %scan3A_18, %mul3A_19 : i32
      %add3A = arith.constant 0 : i32
      %add3A_21 = arith.addi %add3A, %mul3A_20 : i32
      %mul3A_22 = arith.constant 64 : i32
      %mul3A_23 = arith.muli %add3A_21, %mul3A_22 : i32
      %add3A_24 = arith.addi %mul3A_0, %mul3A_23 : i32
      "tpu.region"() ({
        %run_scoped3A = tpu.sem_alloc : memref<!tpu.dma_semaphore, #tpu.memory_space<semaphore_mem>>
        %dma_start3A = arith.constant 0 : i32
        %dma_start3A_25 = tpu.memref_slice %arg9[%add3A_24, %dma_start3A] : memref<10240x64xf32, #tpu.memory_space<vmem_shared>> -> memref<64x64xf32, #tpu.memory_space<vmem_shared>>
        %dma_start3A_26 = arith.constant 0 : i32
        %dma_start3A_27 = tpu.memref_slice %arg5[%add3A_24, %dma_start3A_26] : memref<10240x64xf32, #tpu.memory_space<hbm>> -> memref<64x64xf32, #tpu.memory_space<hbm>>
        tpu.enqueue_dma source(%dma_start3A_27 : memref<64x64xf32, #tpu.memory_space<hbm>>) target(%dma_start3A_25 : memref<64x64xf32, #tpu.memory_space<vmem_shared>>) target_semaphore(%run_scoped3A : memref<!tpu.dma_semaphore, #tpu.memory_space<semaphore_mem>>)
        %dma_wait3A = arith.constant 0 : i32
        %dma_wait3A_28 = tpu.memref_slice %arg9[%add3A_24, %dma_wait3A] : memref<10240x64xf32, #tpu.memory_space<vmem_shared>> -> memref<64x64xf32, #tpu.memory_space<vmem_shared>>
        %dma_wait3A_29 = arith.constant 0 : i32
        %dma_wait3A_30 = tpu.memref_slice %arg5[%add3A_24, %dma_wait3A_29] : memref<10240x64xf32, #tpu.memory_space<hbm>> -> memref<64x64xf32, #tpu.memory_space<hbm>>
        tpu.wait_dma2 semaphore(%run_scoped3A : memref<!tpu.dma_semaphore, #tpu.memory_space<semaphore_mem>>) src(%dma_wait3A_30 : memref<64x64xf32, #tpu.memory_space<hbm>>) dst(%dma_wait3A_28 : memref<64x64xf32, #tpu.memory_space<vmem_shared>>)
        tpu.yield
      }) : () -> ()
    }
    %scan3A_4 = arith.constant 10 : i32
    %eq3A = arith.constant 0 : i32
    %eq3A_5 = arith.cmpi eq, %arg0, %eq3A : i32
    %convert_element_type3A = arith.extui %eq3A_5 : i1 to i32
    %cond3A = arith.constant 0 : i32
    %cond3A_6 = arith.cmpi ne, %convert_element_type3A, %cond3A : i32
    scf.if %cond3A_6 {
      "tpu.region"() ({
        %run_scoped3A = tpu.sem_alloc : memref<!tpu.dma_semaphore, #tpu.memory_space<semaphore_mem>>
        %dma_start3A = arith.constant 0 : i32
        %dma_start3A_18 = tpu.memref_slice %arg8[%mul3A_0, %dma_start3A] : memref<10240x64xf32, #tpu.memory_space<vmem_shared>> -> memref<640x64xf32, #tpu.memory_space<vmem_shared>>
        %dma_start3A_19 = arith.constant 0 : i32
        %dma_start3A_20 = tpu.memref_slice %arg3[%mul3A_0, %dma_start3A_19] : memref<10240x64xf32, #tpu.memory_space<hbm>> -> memref<640x64xf32, #tpu.memory_space<hbm>>
        tpu.enqueue_dma source(%dma_start3A_20 : memref<640x64xf32, #tpu.memory_space<hbm>>) target(%dma_start3A_18 : memref<640x64xf32, #tpu.memory_space<vmem_shared>>) target_semaphore(%run_scoped3A : memref<!tpu.dma_semaphore, #tpu.memory_space<semaphore_mem>>)
        %dma_wait3A = arith.constant 0 : i32
        %dma_wait3A_21 = tpu.memref_slice %arg8[%mul3A_0, %dma_wait3A] : memref<10240x64xf32, #tpu.memory_space<vmem_shared>> -> memref<640x64xf32, #tpu.memory_space<vmem_shared>>
        %dma_wait3A_22 = arith.constant 0 : i32
        %dma_wait3A_23 = tpu.memref_slice %arg3[%mul3A_0, %dma_wait3A_22] : memref<10240x64xf32, #tpu.memory_space<hbm>> -> memref<640x64xf32, #tpu.memory_space<hbm>>
        tpu.wait_dma2 semaphore(%run_scoped3A : memref<!tpu.dma_semaphore, #tpu.memory_space<semaphore_mem>>) src(%dma_wait3A_23 : memref<640x64xf32, #tpu.memory_space<hbm>>) dst(%dma_wait3A_21 : memref<640x64xf32, #tpu.memory_space<vmem_shared>>)
        tpu.yield
      }) : () -> ()
    } else {
    }
    %eq3A_7 = arith.constant 1 : i32
    %eq3A_8 = arith.cmpi eq, %arg0, %eq3A_7 : i32
    %convert_element_type3A_9 = arith.extui %eq3A_8 : i1 to i32
    %cond3A_10 = arith.constant 0 : i32
    %cond3A_11 = arith.cmpi ne, %convert_element_type3A_9, %cond3A_10 : i32
    scf.if %cond3A_11 {
      "tpu.region"() ({
        %run_scoped3A = tpu.sem_alloc : memref<!tpu.dma_semaphore, #tpu.memory_space<semaphore_mem>>
        %dma_start3A = arith.constant 0 : i32
        %dma_start3A_18 = tpu.memref_slice %arg8[%mul3A_0, %dma_start3A] : memref<10240x64xf32, #tpu.memory_space<vmem_shared>> -> memref<640x64xf32, #tpu.memory_space<vmem_shared>>
        %dma_start3A_19 = arith.constant 0 : i32
        %dma_start3A_20 = tpu.memref_slice %arg4[%mul3A_0, %dma_start3A_19] : memref<10240x64xf32, #tpu.memory_space<hbm>> -> memref<640x64xf32, #tpu.memory_space<hbm>>
        tpu.enqueue_dma source(%dma_start3A_20 : memref<640x64xf32, #tpu.memory_space<hbm>>) target(%dma_start3A_18 : memref<640x64xf32, #tpu.memory_space<vmem_shared>>) target_semaphore(%run_scoped3A : memref<!tpu.dma_semaphore, #tpu.memory_space<semaphore_mem>>)
        %dma_wait3A = arith.constant 0 : i32
        %dma_wait3A_21 = tpu.memref_slice %arg8[%mul3A_0, %dma_wait3A] : memref<10240x64xf32, #tpu.memory_space<vmem_shared>> -> memref<640x64xf32, #tpu.memory_space<vmem_shared>>
        %dma_wait3A_22 = arith.constant 0 : i32
        %dma_wait3A_23 = tpu.memref_slice %arg4[%mul3A_0, %dma_wait3A_22] : memref<10240x64xf32, #tpu.memory_space<hbm>> -> memref<640x64xf32, #tpu.memory_space<hbm>>
        tpu.wait_dma2 semaphore(%run_scoped3A : memref<!tpu.dma_semaphore, #tpu.memory_space<semaphore_mem>>) src(%dma_wait3A_23 : memref<640x64xf32, #tpu.memory_space<hbm>>) dst(%dma_wait3A_21 : memref<640x64xf32, #tpu.memory_space<vmem_shared>>)
        tpu.yield
      }) : () -> ()
    } else {
    }
    %barrier3A = arith.constant 0 : index
    tpu.barrier barrier_id(%barrier3A)
    %scan3A_12 = arith.constant 0 : i32
    %scan3A_13 = arith.constant 8 : i32
    %scan3A_14 = arith.addi %scan3A_12, %scan3A_13 : i32
    %scan3A_15 = arith.constant 1 : i32
    scf.for %scan3A_18 = %scan3A_12 to %scan3A_14 step %scan3A_15  : i32 {
      %mul3A_19 = arith.constant 1 : i32
      %mul3A_20 = arith.muli %scan3A_18, %mul3A_19 : i32
      %add3A = arith.constant 0 : i32
      %add3A_21 = arith.addi %add3A, %mul3A_20 : i32
      %mul3A_22 = arith.constant 160 : i32
      %mul3A_23 = arith.muli %arg1, %mul3A_22 : i32
      %mul3A_24 = arith.constant 20 : i32
      %mul3A_25 = arith.muli %add3A_21, %mul3A_24 : i32
      %add3A_26 = arith.addi %mul3A_23, %mul3A_25 : i32
      "tpu.region"() ({
        %run_scoped3A = tpu.sem_alloc : memref<!tpu.dma_semaphore, #tpu.memory_space<semaphore_mem>>
        %dma_start3A_47 = arith.constant 0 : i32
        %dma_start3A_48 = arith.constant 0 : i32
        %dma_start3A_49 = tpu.memref_slice %arg2[%add3A_26, %dma_start3A_47, %dma_start3A_48] : memref<2560x2x128xi32, #tpu.memory_space<hbm>> -> memref<20x2x128xi32, #tpu.memory_space<hbm>>
        %dma_start3A_50 = arith.constant 0 : i32
        %dma_start3A_51 = arith.constant 0 : i32
        %dma_start3A_52 = tpu.memref_slice %arg2[%add3A_26, %dma_start3A_50, %dma_start3A_51] : memref<2560x2x128xi32, #tpu.memory_space<hbm>> -> memref<20x2x128xi32, #tpu.memory_space<hbm>>
        tpu.enqueue_dma source(%dma_start3A_52 : memref<20x2x128xi32, #tpu.memory_space<hbm>>) target(%arg7 : memref<20x2x128xi32, #tpu.memory_space<vmem>>) target_semaphore(%run_scoped3A : memref<!tpu.dma_semaphore, #tpu.memory_space<semaphore_mem>>)
        %dma_wait3A = arith.constant 0 : i32
        %dma_wait3A_53 = arith.constant 0 : i32
        %dma_wait3A_54 = tpu.memref_slice %arg2[%add3A_26, %dma_wait3A, %dma_wait3A_53] : memref<2560x2x128xi32, #tpu.memory_space<hbm>> -> memref<20x2x128xi32, #tpu.memory_space<hbm>>
        %dma_wait3A_55 = arith.constant 0 : i32
        %dma_wait3A_56 = arith.constant 0 : i32
        %dma_wait3A_57 = tpu.memref_slice %arg2[%add3A_26, %dma_wait3A_55, %dma_wait3A_56] : memref<2560x2x128xi32, #tpu.memory_space<hbm>> -> memref<20x2x128xi32, #tpu.memory_space<hbm>>
        tpu.wait_dma2 semaphore(%run_scoped3A : memref<!tpu.dma_semaphore, #tpu.memory_space<semaphore_mem>>) src(%dma_wait3A_57 : memref<20x2x128xi32, #tpu.memory_space<hbm>>) dst(%arg7 : memref<20x2x128xi32, #tpu.memory_space<vmem>>)
        tpu.yield
      }) : () -> ()
      %dma_start3A = arith.constant 0 : i32
      %dma_start3A_27 = arith.constant 0 : i32
      %dma_start3A_28 = arith.constant 0 : i32
      %dma_start3A_29 = tpu.memref_slice %arg7[%dma_start3A, %dma_start3A_27, %dma_start3A_28] : memref<20x2x128xi32, #tpu.memory_space<vmem>> -> memref<1x1x128xi32, #tpu.memory_space<vmem>>
      %dma_start3A_30 = tpu.memref_squeeze %dma_start3A_29 : memref<1x1x128xi32, #tpu.memory_space<vmem>> -> memref<128xi32, #tpu.memory_space<vmem>>
      %dma_start3A_31 = arith.constant 0 : i32
      %dma_start3A_32 = arith.constant 0 : i32
      %dma_start3A_33 = tpu.memref_slice %arg8[%dma_start3A_31, %dma_start3A_32] : memref<10240x64xf32, #tpu.memory_space<vmem_shared>> -> memref<10240x64xf32, #tpu.memory_space<vmem_shared>>
      tpu.enqueue_indirect_dma source(%dma_start3A_33 : memref<10240x64xf32, #tpu.memory_space<vmem_shared>>) target(%arg10 : memref<128x64xf32, #tpu.memory_space<vmem>>) offsets(%dma_start3A_30 : memref<128xi32, #tpu.memory_space<vmem>>) semaphore(%arg12 : memref<!tpu.dma_semaphore, #tpu.memory_space<semaphore_mem>>)
      %dma_start3A_34 = arith.constant 1 : i32
      %dma_start3A_35 = arith.constant 0 : i32
      %dma_start3A_36 = arith.constant 0 : i32
      %dma_start3A_37 = tpu.memref_slice %arg7[%dma_start3A_34, %dma_start3A_35, %dma_start3A_36] : memref<20x2x128xi32, #tpu.memory_space<vmem>> -> memref<1x1x128xi32, #tpu.memory_space<vmem>>
      %dma_start3A_38 = tpu.memref_squeeze %dma_start3A_37 : memref<1x1x128xi32, #tpu.memory_space<vmem>> -> memref<128xi32, #tpu.memory_space<vmem>>
      %dma_start3A_39 = arith.constant 0 : i32
      %dma_start3A_40 = arith.constant 0 : i32
      %dma_start3A_41 = tpu.memref_slice %arg8[%dma_start3A_39, %dma_start3A_40] : memref<10240x64xf32, #tpu.memory_space<vmem_shared>> -> memref<10240x64xf32, #tpu.memory_space<vmem_shared>>
      tpu.enqueue_indirect_dma source(%dma_start3A_41 : memref<10240x64xf32, #tpu.memory_space<vmem_shared>>) target(%arg11 : memref<128x64xf32, #tpu.memory_space<vmem>>) offsets(%dma_start3A_38 : memref<128xi32, #tpu.memory_space<vmem>>) semaphore(%arg13 : memref<!tpu.dma_semaphore, #tpu.memory_space<semaphore_mem>>)
      %scan3A_42 = arith.constant 0 : i32
      %scan3A_43 = arith.constant 10 : i32
      %scan3A_44 = arith.addi %scan3A_42, %scan3A_43 : i32
      %scan3A_45 = arith.constant 1 : i32
      scf.for %scan3A_47 = %scan3A_42 to %scan3A_44 step %scan3A_45  : i32 {
        %mul3A_48 = arith.constant 2 : i32
        %mul3A_49 = arith.muli %scan3A_47, %mul3A_48 : i32
        %add3A_50 = arith.constant 0 : i32
        %add3A_51 = arith.addi %add3A_50, %mul3A_49 : i32
        %add3A_52 = arith.constant 0 : i32
        %add3A_53 = arith.addi %add3A_51, %add3A_52 : i32
        %dma_wait3A = arith.constant 0 : i32
        %dma_wait3A_54 = arith.constant 0 : i32
        %dma_wait3A_55 = tpu.memref_slice %arg7[%add3A_53, %dma_wait3A, %dma_wait3A_54] : memref<20x2x128xi32, #tpu.memory_space<vmem>> -> memref<1x1x128xi32, #tpu.memory_space<vmem>>
        %dma_wait3A_56 = tpu.memref_squeeze %dma_wait3A_55 : memref<1x1x128xi32, #tpu.memory_space<vmem>> -> memref<128xi32, #tpu.memory_space<vmem>>
        %dma_wait3A_57 = arith.constant 0 : i32
        %dma_wait3A_58 = arith.constant 0 : i32
        %dma_wait3A_59 = tpu.memref_slice %arg8[%dma_wait3A_57, %dma_wait3A_58] : memref<10240x64xf32, #tpu.memory_space<vmem_shared>> -> memref<10240x64xf32, #tpu.memory_space<vmem_shared>>
        tpu.wait_indirect_dma semaphore(%arg12 : memref<!tpu.dma_semaphore, #tpu.memory_space<semaphore_mem>>) src(%dma_wait3A_59 : memref<10240x64xf32, #tpu.memory_space<vmem_shared>>) dst(%arg10 : memref<128x64xf32, #tpu.memory_space<vmem>>)
        %add3A_60 = arith.constant 0 : i32
        %add3A_61 = arith.addi %add3A_51, %add3A_60 : i32
        %dma_start3A_62 = arith.constant 1 : i32
        %dma_start3A_63 = arith.constant 0 : i32
        %dma_start3A_64 = tpu.memref_slice %arg7[%add3A_61, %dma_start3A_62, %dma_start3A_63] : memref<20x2x128xi32, #tpu.memory_space<vmem>> -> memref<1x1x128xi32, #tpu.memory_space<vmem>>
        %dma_start3A_65 = tpu.memref_squeeze %dma_start3A_64 : memref<1x1x128xi32, #tpu.memory_space<vmem>> -> memref<128xi32, #tpu.memory_space<vmem>>
        %dma_start3A_66 = arith.constant 0 : i32
        %dma_start3A_67 = arith.constant 0 : i32
        %dma_start3A_68 = tpu.memref_slice %arg9[%dma_start3A_66, %dma_start3A_67] : memref<10240x64xf32, #tpu.memory_space<vmem_shared>> -> memref<10240x64xf32, #tpu.memory_space<vmem_shared>>
        tpu.enqueue_indirect_dma source(%arg10 : memref<128x64xf32, #tpu.memory_space<vmem>>) target(%dma_start3A_68 : memref<10240x64xf32, #tpu.memory_space<vmem_shared>>) offsets(%dma_start3A_65 : memref<128xi32, #tpu.memory_space<vmem>>) semaphore(%arg14 : memref<!tpu.dma_semaphore, #tpu.memory_space<semaphore_mem>>) {add = true}
        %add3A_69 = arith.constant 1 : i32
        %add3A_70 = arith.addi %add3A_51, %add3A_69 : i32
        %dma_wait3A_71 = arith.constant 0 : i32
        %dma_wait3A_72 = arith.constant 0 : i32
        %dma_wait3A_73 = tpu.memref_slice %arg7[%add3A_70, %dma_wait3A_71, %dma_wait3A_72] : memref<20x2x128xi32, #tpu.memory_space<vmem>> -> memref<1x1x128xi32, #tpu.memory_space<vmem>>
        %dma_wait3A_74 = tpu.memref_squeeze %dma_wait3A_73 : memref<1x1x128xi32, #tpu.memory_space<vmem>> -> memref<128xi32, #tpu.memory_space<vmem>>
        %dma_wait3A_75 = arith.constant 0 : i32
        %dma_wait3A_76 = arith.constant 0 : i32
        %dma_wait3A_77 = tpu.memref_slice %arg8[%dma_wait3A_75, %dma_wait3A_76] : memref<10240x64xf32, #tpu.memory_space<vmem_shared>> -> memref<10240x64xf32, #tpu.memory_space<vmem_shared>>
        tpu.wait_indirect_dma semaphore(%arg13 : memref<!tpu.dma_semaphore, #tpu.memory_space<semaphore_mem>>) src(%dma_wait3A_77 : memref<10240x64xf32, #tpu.memory_space<vmem_shared>>) dst(%arg11 : memref<128x64xf32, #tpu.memory_space<vmem>>)
        %add3A_78 = arith.constant 1 : i32
        %add3A_79 = arith.addi %add3A_51, %add3A_78 : i32
        %dma_start3A_80 = arith.constant 1 : i32
        %dma_start3A_81 = arith.constant 0 : i32
        %dma_start3A_82 = tpu.memref_slice %arg7[%add3A_79, %dma_start3A_80, %dma_start3A_81] : memref<20x2x128xi32, #tpu.memory_space<vmem>> -> memref<1x1x128xi32, #tpu.memory_space<vmem>>
        %dma_start3A_83 = tpu.memref_squeeze %dma_start3A_82 : memref<1x1x128xi32, #tpu.memory_space<vmem>> -> memref<128xi32, #tpu.memory_space<vmem>>
        %dma_start3A_84 = arith.constant 0 : i32
        %dma_start3A_85 = arith.constant 0 : i32
        %dma_start3A_86 = tpu.memref_slice %arg9[%dma_start3A_84, %dma_start3A_85] : memref<10240x64xf32, #tpu.memory_space<vmem_shared>> -> memref<10240x64xf32, #tpu.memory_space<vmem_shared>>
        tpu.enqueue_indirect_dma source(%arg11 : memref<128x64xf32, #tpu.memory_space<vmem>>) target(%dma_start3A_86 : memref<10240x64xf32, #tpu.memory_space<vmem_shared>>) offsets(%dma_start3A_83 : memref<128xi32, #tpu.memory_space<vmem>>) semaphore(%arg15 : memref<!tpu.dma_semaphore, #tpu.memory_space<semaphore_mem>>) {add = true}
        %add3A_87 = arith.constant 0 : i32
        %add3A_88 = arith.addi %add3A_51, %add3A_87 : i32
        %dma_wait3A_89 = arith.constant 1 : i32
        %dma_wait3A_90 = arith.constant 0 : i32
        %dma_wait3A_91 = tpu.memref_slice %arg7[%add3A_88, %dma_wait3A_89, %dma_wait3A_90] : memref<20x2x128xi32, #tpu.memory_space<vmem>> -> memref<1x1x128xi32, #tpu.memory_space<vmem>>
        %dma_wait3A_92 = tpu.memref_squeeze %dma_wait3A_91 : memref<1x1x128xi32, #tpu.memory_space<vmem>> -> memref<128xi32, #tpu.memory_space<vmem>>
        %dma_wait3A_93 = arith.constant 0 : i32
        %dma_wait3A_94 = arith.constant 0 : i32
        %dma_wait3A_95 = tpu.memref_slice %arg9[%dma_wait3A_93, %dma_wait3A_94] : memref<10240x64xf32, #tpu.memory_space<vmem_shared>> -> memref<10240x64xf32, #tpu.memory_space<vmem_shared>>
        tpu.wait_indirect_dma semaphore(%arg14 : memref<!tpu.dma_semaphore, #tpu.memory_space<semaphore_mem>>) src(%arg10 : memref<128x64xf32, #tpu.memory_space<vmem>>) dst(%dma_wait3A_95 : memref<10240x64xf32, #tpu.memory_space<vmem_shared>>)
        %add3A_96 = arith.constant 2 : i32
        %add3A_97 = arith.addi %add3A_51, %add3A_96 : i32
        %add3A_98 = arith.constant 0 : i32
        %add3A_99 = arith.addi %add3A_97, %add3A_98 : i32
        %lt3A = arith.constant 20 : i32
        %lt3A_100 = arith.cmpi slt, %add3A_99, %lt3A : i32
        %convert_element_type3A_101 = arith.extui %lt3A_100 : i1 to i32
        %cond3A_102 = arith.constant 0 : i32
        %cond3A_103 = arith.cmpi ne, %convert_element_type3A_101, %cond3A_102 : i32
        scf.if %cond3A_103 {
          %add3A_122 = arith.constant 2 : i32
          %add3A_123 = arith.addi %add3A_51, %add3A_122 : i32
          %add3A_124 = arith.constant 0 : i32
          %add3A_125 = arith.addi %add3A_123, %add3A_124 : i32
          %dma_start3A_126 = arith.constant 0 : i32
          %dma_start3A_127 = arith.constant 0 : i32
          %dma_start3A_128 = tpu.memref_slice %arg7[%add3A_125, %dma_start3A_126, %dma_start3A_127] : memref<20x2x128xi32, #tpu.memory_space<vmem>> -> memref<1x1x128xi32, #tpu.memory_space<vmem>>
          %dma_start3A_129 = tpu.memref_squeeze %dma_start3A_128 : memref<1x1x128xi32, #tpu.memory_space<vmem>> -> memref<128xi32, #tpu.memory_space<vmem>>
          %dma_start3A_130 = arith.constant 0 : i32
          %dma_start3A_131 = arith.constant 0 : i32
          %dma_start3A_132 = tpu.memref_slice %arg8[%dma_start3A_130, %dma_start3A_131] : memref<10240x64xf32, #tpu.memory_space<vmem_shared>> -> memref<10240x64xf32, #tpu.memory_space<vmem_shared>>
          tpu.enqueue_indirect_dma source(%dma_start3A_132 : memref<10240x64xf32, #tpu.memory_space<vmem_shared>>) target(%arg10 : memref<128x64xf32, #tpu.memory_space<vmem>>) offsets(%dma_start3A_129 : memref<128xi32, #tpu.memory_space<vmem>>) semaphore(%arg12 : memref<!tpu.dma_semaphore, #tpu.memory_space<semaphore_mem>>)
        } else {
        }
        %add3A_104 = arith.constant 1 : i32
        %add3A_105 = arith.addi %add3A_51, %add3A_104 : i32
        %dma_wait3A_106 = arith.constant 1 : i32
        %dma_wait3A_107 = arith.constant 0 : i32
        %dma_wait3A_108 = tpu.memref_slice %arg7[%add3A_105, %dma_wait3A_106, %dma_wait3A_107] : memref<20x2x128xi32, #tpu.memory_space<vmem>> -> memref<1x1x128xi32, #tpu.memory_space<vmem>>
        %dma_wait3A_109 = tpu.memref_squeeze %dma_wait3A_108 : memref<1x1x128xi32, #tpu.memory_space<vmem>> -> memref<128xi32, #tpu.memory_space<vmem>>
        %dma_wait3A_110 = arith.constant 0 : i32
        %dma_wait3A_111 = arith.constant 0 : i32
        %dma_wait3A_112 = tpu.memref_slice %arg9[%dma_wait3A_110, %dma_wait3A_111] : memref<10240x64xf32, #tpu.memory_space<vmem_shared>> -> memref<10240x64xf32, #tpu.memory_space<vmem_shared>>
        tpu.wait_indirect_dma semaphore(%arg15 : memref<!tpu.dma_semaphore, #tpu.memory_space<semaphore_mem>>) src(%arg11 : memref<128x64xf32, #tpu.memory_space<vmem>>) dst(%dma_wait3A_112 : memref<10240x64xf32, #tpu.memory_space<vmem_shared>>)
        %add3A_113 = arith.constant 2 : i32
        %add3A_114 = arith.addi %add3A_51, %add3A_113 : i32
        %add3A_115 = arith.constant 1 : i32
        %add3A_116 = arith.addi %add3A_114, %add3A_115 : i32
        %lt3A_117 = arith.constant 20 : i32
        %lt3A_118 = arith.cmpi slt, %add3A_116, %lt3A_117 : i32
        %convert_element_type3A_119 = arith.extui %lt3A_118 : i1 to i32
        %cond3A_120 = arith.constant 0 : i32
        %cond3A_121 = arith.cmpi ne, %convert_element_type3A_119, %cond3A_120 : i32
        scf.if %cond3A_121 {
          %add3A_122 = arith.constant 2 : i32
          %add3A_123 = arith.addi %add3A_51, %add3A_122 : i32
          %add3A_124 = arith.constant 1 : i32
          %add3A_125 = arith.addi %add3A_123, %add3A_124 : i32
          %dma_start3A_126 = arith.constant 0 : i32
          %dma_start3A_127 = arith.constant 0 : i32
          %dma_start3A_128 = tpu.memref_slice %arg7[%add3A_125, %dma_start3A_126, %dma_start3A_127] : memref<20x2x128xi32, #tpu.memory_space<vmem>> -> memref<1x1x128xi32, #tpu.memory_space<vmem>>
          %dma_start3A_129 = tpu.memref_squeeze %dma_start3A_128 : memref<1x1x128xi32, #tpu.memory_space<vmem>> -> memref<128xi32, #tpu.memory_space<vmem>>
          %dma_start3A_130 = arith.constant 0 : i32
          %dma_start3A_131 = arith.constant 0 : i32
          %dma_start3A_132 = tpu.memref_slice %arg8[%dma_start3A_130, %dma_start3A_131] : memref<10240x64xf32, #tpu.memory_space<vmem_shared>> -> memref<10240x64xf32, #tpu.memory_space<vmem_shared>>
          tpu.enqueue_indirect_dma source(%dma_start3A_132 : memref<10240x64xf32, #tpu.memory_space<vmem_shared>>) target(%arg11 : memref<128x64xf32, #tpu.memory_space<vmem>>) offsets(%dma_start3A_129 : memref<128xi32, #tpu.memory_space<vmem>>) semaphore(%arg13 : memref<!tpu.dma_semaphore, #tpu.memory_space<semaphore_mem>>)
        } else {
        }
      }
      %scan3A_46 = arith.constant 10 : i32
    }
    %scan3A_16 = arith.constant 8 : i32
    %barrier3A_17 = arith.constant 0 : index
    tpu.barrier barrier_id(%barrier3A_17)
    "tpu.region"() ({
      %run_scoped3A = tpu.sem_alloc : memref<!tpu.dma_semaphore, #tpu.memory_space<semaphore_mem>>
      %dma_start3A = arith.constant 0 : i32
      %dma_start3A_18 = tpu.memref_slice %arg6[%arg0, %mul3A_0, %dma_start3A] : memref<2x10240x64xf32, #tpu.memory_space<hbm>> -> memref<1x640x64xf32, #tpu.memory_space<hbm>>
      %dma_start3A_19 = tpu.memref_squeeze %dma_start3A_18 : memref<1x640x64xf32, #tpu.memory_space<hbm>> -> memref<640x64xf32, #tpu.memory_space<hbm>>
      %dma_start3A_20 = arith.constant 0 : i32
      %dma_start3A_21 = tpu.memref_slice %arg9[%mul3A_0, %dma_start3A_20] : memref<10240x64xf32, #tpu.memory_space<vmem_shared>> -> memref<640x64xf32, #tpu.memory_space<vmem_shared>>
      tpu.enqueue_dma source(%dma_start3A_21 : memref<640x64xf32, #tpu.memory_space<vmem_shared>>) target(%dma_start3A_19 : memref<640x64xf32, #tpu.memory_space<hbm>>) target_semaphore(%run_scoped3A : memref<!tpu.dma_semaphore, #tpu.memory_space<semaphore_mem>>)
      %dma_wait3A = arith.constant 0 : i32
      %dma_wait3A_22 = tpu.memref_slice %arg6[%arg0, %mul3A_0, %dma_wait3A] : memref<2x10240x64xf32, #tpu.memory_space<hbm>> -> memref<1x640x64xf32, #tpu.memory_space<hbm>>
      %dma_wait3A_23 = tpu.memref_squeeze %dma_wait3A_22 : memref<1x640x64xf32, #tpu.memory_space<hbm>> -> memref<640x64xf32, #tpu.memory_space<hbm>>
      %dma_wait3A_24 = arith.constant 0 : i32
      %dma_wait3A_25 = tpu.memref_slice %arg9[%mul3A_0, %dma_wait3A_24] : memref<10240x64xf32, #tpu.memory_space<vmem_shared>> -> memref<640x64xf32, #tpu.memory_space<vmem_shared>>
      tpu.wait_dma2 semaphore(%run_scoped3A : memref<!tpu.dma_semaphore, #tpu.memory_space<semaphore_mem>>) src(%dma_wait3A_25 : memref<640x64xf32, #tpu.memory_space<vmem_shared>>) dst(%dma_wait3A_23 : memref<640x64xf32, #tpu.memory_space<hbm>>)
      tpu.yield
    }) : () -> ()
    return
  }
}

#map = affine_map<(d0, d1) -> (0, 0, 0)>
#map1 = affine_map<(d0, d1) -> (0, 0)>
module attributes {stable_mosaic.version = 14 : i64} {
  func.func @k(%arg0: i32, %arg1: i32, %arg2: memref<2560x2x128xi32, #tpu.memory_space<hbm>>, %arg3: memref<10240x64xf32, #tpu.memory_space<hbm>>, %arg4: memref<10240x64xf32, #tpu.memory_space<hbm>>, %arg5: memref<10240x64xf32, #tpu.memory_space<hbm>>, %arg6: memref<2x10240x64xf32, #tpu.memory_space<hbm>>, %arg7: memref<20x2x128xi32, #tpu.memory_space<vmem>>, %arg8: memref<10240x64xf32, #tpu.memory_space<vmem_shared>>, %arg9: memref<10240x64xf32, #tpu.memory_space<vmem_shared>>, %arg10: memref<128x64xf32, #tpu.memory_space<vmem>>, %arg11: memref<128x64xf32, #tpu.memory_space<vmem>>, %arg12: memref<!tpu.dma_semaphore, #tpu.memory_space<semaphore_mem>>, %arg13: memref<!tpu.dma_semaphore, #tpu.memory_space<semaphore_mem>>, %arg14: memref<!tpu.dma_semaphore, #tpu.memory_space<semaphore_mem>>, %arg15: memref<!tpu.dma_semaphore, #tpu.memory_space<semaphore_mem>>) attributes {dimension_semantics = [#tpu.dimension_semantics<core_parallel>, #tpu.dimension_semantics<subcore_parallel>], iteration_bounds = array<i64: 2, 16>, scalar_prefetch = 0 : i64, scratch_operands = 9 : i64, tpu.core_type = #tpu.core_type<sc_vector_subcore>, window_params = [{transform_indices = #map}, {transform_indices = #map1}, {transform_indices = #map1}, {transform_indices = #map1}, {transform_indices = #map}]} {
    %mul3A = arith.constant 640 : i32
    %mul3A_0 = arith.muli %arg1, %mul3A : i32
    %scan3A = arith.constant 0 : i32
    %scan3A_1 = arith.constant 10 : i32
    %scan3A_2 = arith.addi %scan3A, %scan3A_1 : i32
    %scan3A_3 = arith.constant 1 : i32
    scf.for %scan3A_18 = %scan3A to %scan3A_2 step %scan3A_3  : i32 {
      %mul3A_19 = arith.constant 1 : i32
      %mul3A_20 = arith.muli %scan3A_18, %mul3A_19 : i32
      %add3A = arith.constant 0 : i32
      %add3A_21 = arith.addi %add3A, %mul3A_20 : i32
      %mul3A_22 = arith.constant 64 : i32
      %mul3A_23 = arith.muli %add3A_21, %mul3A_22 : i32
      %add3A_24 = arith.addi %mul3A_0, %mul3A_23 : i32
      "tpu.region"() ({
        %run_scoped3A = tpu.sem_alloc : memref<!tpu.dma_semaphore, #tpu.memory_space<semaphore_mem>>
        %dma_start3A = arith.constant 0 : i32
        %dma_start3A_25 = tpu.memref_slice %arg9[%add3A_24, %dma_start3A] : memref<10240x64xf32, #tpu.memory_space<vmem_shared>> -> memref<64x64xf32, #tpu.memory_space<vmem_shared>>
        %dma_start3A_26 = arith.constant 0 : i32
        %dma_start3A_27 = tpu.memref_slice %arg5[%add3A_24, %dma_start3A_26] : memref<10240x64xf32, #tpu.memory_space<hbm>> -> memref<64x64xf32, #tpu.memory_space<hbm>>
        tpu.enqueue_dma source(%dma_start3A_27 : memref<64x64xf32, #tpu.memory_space<hbm>>) target(%dma_start3A_25 : memref<64x64xf32, #tpu.memory_space<vmem_shared>>) target_semaphore(%run_scoped3A : memref<!tpu.dma_semaphore, #tpu.memory_space<semaphore_mem>>)
        %dma_wait3A = arith.constant 0 : i32
        %dma_wait3A_28 = tpu.memref_slice %arg9[%add3A_24, %dma_wait3A] : memref<10240x64xf32, #tpu.memory_space<vmem_shared>> -> memref<64x64xf32, #tpu.memory_space<vmem_shared>>
        %dma_wait3A_29 = arith.constant 0 : i32
        %dma_wait3A_30 = tpu.memref_slice %arg5[%add3A_24, %dma_wait3A_29] : memref<10240x64xf32, #tpu.memory_space<hbm>> -> memref<64x64xf32, #tpu.memory_space<hbm>>
        tpu.wait_dma2 semaphore(%run_scoped3A : memref<!tpu.dma_semaphore, #tpu.memory_space<semaphore_mem>>) src(%dma_wait3A_30 : memref<64x64xf32, #tpu.memory_space<hbm>>) dst(%dma_wait3A_28 : memref<64x64xf32, #tpu.memory_space<vmem_shared>>)
        tpu.yield
      }) : () -> ()
    }
    %scan3A_4 = arith.constant 10 : i32
    %eq3A = arith.constant 0 : i32
    %eq3A_5 = arith.cmpi eq, %arg0, %eq3A : i32
    %convert_element_type3A = arith.extui %eq3A_5 : i1 to i32
    %cond3A = arith.constant 0 : i32
    %cond3A_6 = arith.cmpi ne, %convert_element_type3A, %cond3A : i32
    scf.if %cond3A_6 {
      "tpu.region"() ({
        %run_scoped3A = tpu.sem_alloc : memref<!tpu.dma_semaphore, #tpu.memory_space<semaphore_mem>>
        %dma_start3A = arith.constant 0 : i32
        %dma_start3A_18 = tpu.memref_slice %arg8[%mul3A_0, %dma_start3A] : memref<10240x64xf32, #tpu.memory_space<vmem_shared>> -> memref<640x64xf32, #tpu.memory_space<vmem_shared>>
        %dma_start3A_19 = arith.constant 0 : i32
        %dma_start3A_20 = tpu.memref_slice %arg3[%mul3A_0, %dma_start3A_19] : memref<10240x64xf32, #tpu.memory_space<hbm>> -> memref<640x64xf32, #tpu.memory_space<hbm>>
        tpu.enqueue_dma source(%dma_start3A_20 : memref<640x64xf32, #tpu.memory_space<hbm>>) target(%dma_start3A_18 : memref<640x64xf32, #tpu.memory_space<vmem_shared>>) target_semaphore(%run_scoped3A : memref<!tpu.dma_semaphore, #tpu.memory_space<semaphore_mem>>)
        %dma_wait3A = arith.constant 0 : i32
        %dma_wait3A_21 = tpu.memref_slice %arg8[%mul3A_0, %dma_wait3A] : memref<10240x64xf32, #tpu.memory_space<vmem_shared>> -> memref<640x64xf32, #tpu.memory_space<vmem_shared>>
        %dma_wait3A_22 = arith.constant 0 : i32
        %dma_wait3A_23 = tpu.memref_slice %arg3[%mul3A_0, %dma_wait3A_22] : memref<10240x64xf32, #tpu.memory_space<hbm>> -> memref<640x64xf32, #tpu.memory_space<hbm>>
        tpu.wait_dma2 semaphore(%run_scoped3A : memref<!tpu.dma_semaphore, #tpu.memory_space<semaphore_mem>>) src(%dma_wait3A_23 : memref<640x64xf32, #tpu.memory_space<hbm>>) dst(%dma_wait3A_21 : memref<640x64xf32, #tpu.memory_space<vmem_shared>>)
        tpu.yield
      }) : () -> ()
    } else {
    }
    %eq3A_7 = arith.constant 1 : i32
    %eq3A_8 = arith.cmpi eq, %arg0, %eq3A_7 : i32
    %convert_element_type3A_9 = arith.extui %eq3A_8 : i1 to i32
    %cond3A_10 = arith.constant 0 : i32
    %cond3A_11 = arith.cmpi ne, %convert_element_type3A_9, %cond3A_10 : i32
    scf.if %cond3A_11 {
      "tpu.region"() ({
        %run_scoped3A = tpu.sem_alloc : memref<!tpu.dma_semaphore, #tpu.memory_space<semaphore_mem>>
        %dma_start3A = arith.constant 0 : i32
        %dma_start3A_18 = tpu.memref_slice %arg8[%mul3A_0, %dma_start3A] : memref<10240x64xf32, #tpu.memory_space<vmem_shared>> -> memref<640x64xf32, #tpu.memory_space<vmem_shared>>
        %dma_start3A_19 = arith.constant 0 : i32
        %dma_start3A_20 = tpu.memref_slice %arg4[%mul3A_0, %dma_start3A_19] : memref<10240x64xf32, #tpu.memory_space<hbm>> -> memref<640x64xf32, #tpu.memory_space<hbm>>
        tpu.enqueue_dma source(%dma_start3A_20 : memref<640x64xf32, #tpu.memory_space<hbm>>) target(%dma_start3A_18 : memref<640x64xf32, #tpu.memory_space<vmem_shared>>) target_semaphore(%run_scoped3A : memref<!tpu.dma_semaphore, #tpu.memory_space<semaphore_mem>>)
        %dma_wait3A = arith.constant 0 : i32
        %dma_wait3A_21 = tpu.memref_slice %arg8[%mul3A_0, %dma_wait3A] : memref<10240x64xf32, #tpu.memory_space<vmem_shared>> -> memref<640x64xf32, #tpu.memory_space<vmem_shared>>
        %dma_wait3A_22 = arith.constant 0 : i32
        %dma_wait3A_23 = tpu.memref_slice %arg4[%mul3A_0, %dma_wait3A_22] : memref<10240x64xf32, #tpu.memory_space<hbm>> -> memref<640x64xf32, #tpu.memory_space<hbm>>
        tpu.wait_dma2 semaphore(%run_scoped3A : memref<!tpu.dma_semaphore, #tpu.memory_space<semaphore_mem>>) src(%dma_wait3A_23 : memref<640x64xf32, #tpu.memory_space<hbm>>) dst(%dma_wait3A_21 : memref<640x64xf32, #tpu.memory_space<vmem_shared>>)
        tpu.yield
      }) : () -> ()
    } else {
    }
    %barrier3A = arith.constant 0 : index
    tpu.barrier barrier_id(%barrier3A)
    %scan3A_12 = arith.constant 0 : i32
    %scan3A_13 = arith.constant 8 : i32
    %scan3A_14 = arith.addi %scan3A_12, %scan3A_13 : i32
    %scan3A_15 = arith.constant 1 : i32
    scf.for %scan3A_18 = %scan3A_12 to %scan3A_14 step %scan3A_15  : i32 {
      %mul3A_19 = arith.constant 1 : i32
      %mul3A_20 = arith.muli %scan3A_18, %mul3A_19 : i32
      %add3A = arith.constant 0 : i32
      %add3A_21 = arith.addi %add3A, %mul3A_20 : i32
      %mul3A_22 = arith.constant 160 : i32
      %mul3A_23 = arith.muli %arg1, %mul3A_22 : i32
      %mul3A_24 = arith.constant 20 : i32
      %mul3A_25 = arith.muli %add3A_21, %mul3A_24 : i32
      %add3A_26 = arith.addi %mul3A_23, %mul3A_25 : i32
      "tpu.region"() ({
        %run_scoped3A = tpu.sem_alloc : memref<!tpu.dma_semaphore, #tpu.memory_space<semaphore_mem>>
        %dma_start3A_47 = arith.constant 0 : i32
        %dma_start3A_48 = arith.constant 0 : i32
        %dma_start3A_49 = tpu.memref_slice %arg2[%add3A_26, %dma_start3A_47, %dma_start3A_48] : memref<2560x2x128xi32, #tpu.memory_space<hbm>> -> memref<20x2x128xi32, #tpu.memory_space<hbm>>
        %dma_start3A_50 = arith.constant 0 : i32
        %dma_start3A_51 = arith.constant 0 : i32
        %dma_start3A_52 = tpu.memref_slice %arg2[%add3A_26, %dma_start3A_50, %dma_start3A_51] : memref<2560x2x128xi32, #tpu.memory_space<hbm>> -> memref<20x2x128xi32, #tpu.memory_space<hbm>>
        tpu.enqueue_dma source(%dma_start3A_52 : memref<20x2x128xi32, #tpu.memory_space<hbm>>) target(%arg7 : memref<20x2x128xi32, #tpu.memory_space<vmem>>) target_semaphore(%run_scoped3A : memref<!tpu.dma_semaphore, #tpu.memory_space<semaphore_mem>>)
        %dma_wait3A = arith.constant 0 : i32
        %dma_wait3A_53 = arith.constant 0 : i32
        %dma_wait3A_54 = tpu.memref_slice %arg2[%add3A_26, %dma_wait3A, %dma_wait3A_53] : memref<2560x2x128xi32, #tpu.memory_space<hbm>> -> memref<20x2x128xi32, #tpu.memory_space<hbm>>
        %dma_wait3A_55 = arith.constant 0 : i32
        %dma_wait3A_56 = arith.constant 0 : i32
        %dma_wait3A_57 = tpu.memref_slice %arg2[%add3A_26, %dma_wait3A_55, %dma_wait3A_56] : memref<2560x2x128xi32, #tpu.memory_space<hbm>> -> memref<20x2x128xi32, #tpu.memory_space<hbm>>
        tpu.wait_dma2 semaphore(%run_scoped3A : memref<!tpu.dma_semaphore, #tpu.memory_space<semaphore_mem>>) src(%dma_wait3A_57 : memref<20x2x128xi32, #tpu.memory_space<hbm>>) dst(%arg7 : memref<20x2x128xi32, #tpu.memory_space<vmem>>)
        tpu.yield
      }) : () -> ()
      %dma_start3A = arith.constant 0 : i32
      %dma_start3A_27 = arith.constant 0 : i32
      %dma_start3A_28 = arith.constant 0 : i32
      %dma_start3A_29 = tpu.memref_slice %arg7[%dma_start3A, %dma_start3A_27, %dma_start3A_28] : memref<20x2x128xi32, #tpu.memory_space<vmem>> -> memref<1x1x128xi32, #tpu.memory_space<vmem>>
      %dma_start3A_30 = tpu.memref_squeeze %dma_start3A_29 : memref<1x1x128xi32, #tpu.memory_space<vmem>> -> memref<128xi32, #tpu.memory_space<vmem>>
      %dma_start3A_31 = arith.constant 0 : i32
      %dma_start3A_32 = arith.constant 0 : i32
      %dma_start3A_33 = tpu.memref_slice %arg8[%dma_start3A_31, %dma_start3A_32] : memref<10240x64xf32, #tpu.memory_space<vmem_shared>> -> memref<10240x64xf32, #tpu.memory_space<vmem_shared>>
      tpu.enqueue_indirect_dma source(%dma_start3A_33 : memref<10240x64xf32, #tpu.memory_space<vmem_shared>>) target(%arg10 : memref<128x64xf32, #tpu.memory_space<vmem>>) offsets(%dma_start3A_30 : memref<128xi32, #tpu.memory_space<vmem>>) semaphore(%arg12 : memref<!tpu.dma_semaphore, #tpu.memory_space<semaphore_mem>>)
      %dma_start3A_34 = arith.constant 1 : i32
      %dma_start3A_35 = arith.constant 0 : i32
      %dma_start3A_36 = arith.constant 0 : i32
      %dma_start3A_37 = tpu.memref_slice %arg7[%dma_start3A_34, %dma_start3A_35, %dma_start3A_36] : memref<20x2x128xi32, #tpu.memory_space<vmem>> -> memref<1x1x128xi32, #tpu.memory_space<vmem>>
      %dma_start3A_38 = tpu.memref_squeeze %dma_start3A_37 : memref<1x1x128xi32, #tpu.memory_space<vmem>> -> memref<128xi32, #tpu.memory_space<vmem>>
      %dma_start3A_39 = arith.constant 0 : i32
      %dma_start3A_40 = arith.constant 0 : i32
      %dma_start3A_41 = tpu.memref_slice %arg8[%dma_start3A_39, %dma_start3A_40] : memref<10240x64xf32, #tpu.memory_space<vmem_shared>> -> memref<10240x64xf32, #tpu.memory_space<vmem_shared>>
      tpu.enqueue_indirect_dma source(%dma_start3A_41 : memref<10240x64xf32, #tpu.memory_space<vmem_shared>>) target(%arg11 : memref<128x64xf32, #tpu.memory_space<vmem>>) offsets(%dma_start3A_38 : memref<128xi32, #tpu.memory_space<vmem>>) semaphore(%arg13 : memref<!tpu.dma_semaphore, #tpu.memory_space<semaphore_mem>>)
      %scan3A_42 = arith.constant 0 : i32
      %scan3A_43 = arith.constant 10 : i32
      %scan3A_44 = arith.addi %scan3A_42, %scan3A_43 : i32
      %scan3A_45 = arith.constant 1 : i32
      scf.for %scan3A_47 = %scan3A_42 to %scan3A_44 step %scan3A_45  : i32 {
        %mul3A_48 = arith.constant 2 : i32
        %mul3A_49 = arith.muli %scan3A_47, %mul3A_48 : i32
        %add3A_50 = arith.constant 0 : i32
        %add3A_51 = arith.addi %add3A_50, %mul3A_49 : i32
        %add3A_52 = arith.constant 0 : i32
        %add3A_53 = arith.addi %add3A_51, %add3A_52 : i32
        %dma_wait3A = arith.constant 0 : i32
        %dma_wait3A_54 = arith.constant 0 : i32
        %dma_wait3A_55 = tpu.memref_slice %arg7[%add3A_53, %dma_wait3A, %dma_wait3A_54] : memref<20x2x128xi32, #tpu.memory_space<vmem>> -> memref<1x1x128xi32, #tpu.memory_space<vmem>>
        %dma_wait3A_56 = tpu.memref_squeeze %dma_wait3A_55 : memref<1x1x128xi32, #tpu.memory_space<vmem>> -> memref<128xi32, #tpu.memory_space<vmem>>
        %dma_wait3A_57 = arith.constant 0 : i32
        %dma_wait3A_58 = arith.constant 0 : i32
        %dma_wait3A_59 = tpu.memref_slice %arg8[%dma_wait3A_57, %dma_wait3A_58] : memref<10240x64xf32, #tpu.memory_space<vmem_shared>> -> memref<10240x64xf32, #tpu.memory_space<vmem_shared>>
        tpu.wait_indirect_dma semaphore(%arg12 : memref<!tpu.dma_semaphore, #tpu.memory_space<semaphore_mem>>) src(%dma_wait3A_59 : memref<10240x64xf32, #tpu.memory_space<vmem_shared>>) dst(%arg10 : memref<128x64xf32, #tpu.memory_space<vmem>>)
        %add3A_60 = arith.constant 0 : i32
        %add3A_61 = arith.addi %add3A_51, %add3A_60 : i32
        %dma_start3A_62 = arith.constant 1 : i32
        %dma_start3A_63 = arith.constant 0 : i32
        %dma_start3A_64 = tpu.memref_slice %arg7[%add3A_61, %dma_start3A_62, %dma_start3A_63] : memref<20x2x128xi32, #tpu.memory_space<vmem>> -> memref<1x1x128xi32, #tpu.memory_space<vmem>>
        %dma_start3A_65 = tpu.memref_squeeze %dma_start3A_64 : memref<1x1x128xi32, #tpu.memory_space<vmem>> -> memref<128xi32, #tpu.memory_space<vmem>>
        %dma_start3A_66 = arith.constant 0 : i32
        %dma_start3A_67 = arith.constant 0 : i32
        %dma_start3A_68 = tpu.memref_slice %arg9[%dma_start3A_66, %dma_start3A_67] : memref<10240x64xf32, #tpu.memory_space<vmem_shared>> -> memref<10240x64xf32, #tpu.memory_space<vmem_shared>>
        tpu.enqueue_indirect_dma source(%arg10 : memref<128x64xf32, #tpu.memory_space<vmem>>) target(%dma_start3A_68 : memref<10240x64xf32, #tpu.memory_space<vmem_shared>>) offsets(%dma_start3A_65 : memref<128xi32, #tpu.memory_space<vmem>>) semaphore(%arg14 : memref<!tpu.dma_semaphore, #tpu.memory_space<semaphore_mem>>) {add = true}
        %add3A_69 = arith.constant 1 : i32
        %add3A_70 = arith.addi %add3A_51, %add3A_69 : i32
        %dma_wait3A_71 = arith.constant 0 : i32
        %dma_wait3A_72 = arith.constant 0 : i32
        %dma_wait3A_73 = tpu.memref_slice %arg7[%add3A_70, %dma_wait3A_71, %dma_wait3A_72] : memref<20x2x128xi32, #tpu.memory_space<vmem>> -> memref<1x1x128xi32, #tpu.memory_space<vmem>>
        %dma_wait3A_74 = tpu.memref_squeeze %dma_wait3A_73 : memref<1x1x128xi32, #tpu.memory_space<vmem>> -> memref<128xi32, #tpu.memory_space<vmem>>
        %dma_wait3A_75 = arith.constant 0 : i32
        %dma_wait3A_76 = arith.constant 0 : i32
        %dma_wait3A_77 = tpu.memref_slice %arg8[%dma_wait3A_75, %dma_wait3A_76] : memref<10240x64xf32, #tpu.memory_space<vmem_shared>> -> memref<10240x64xf32, #tpu.memory_space<vmem_shared>>
        tpu.wait_indirect_dma semaphore(%arg13 : memref<!tpu.dma_semaphore, #tpu.memory_space<semaphore_mem>>) src(%dma_wait3A_77 : memref<10240x64xf32, #tpu.memory_space<vmem_shared>>) dst(%arg11 : memref<128x64xf32, #tpu.memory_space<vmem>>)
        %add3A_78 = arith.constant 1 : i32
        %add3A_79 = arith.addi %add3A_51, %add3A_78 : i32
        %dma_start3A_80 = arith.constant 1 : i32
        %dma_start3A_81 = arith.constant 0 : i32
        %dma_start3A_82 = tpu.memref_slice %arg7[%add3A_79, %dma_start3A_80, %dma_start3A_81] : memref<20x2x128xi32, #tpu.memory_space<vmem>> -> memref<1x1x128xi32, #tpu.memory_space<vmem>>
        %dma_start3A_83 = tpu.memref_squeeze %dma_start3A_82 : memref<1x1x128xi32, #tpu.memory_space<vmem>> -> memref<128xi32, #tpu.memory_space<vmem>>
        %dma_start3A_84 = arith.constant 0 : i32
        %dma_start3A_85 = arith.constant 0 : i32
        %dma_start3A_86 = tpu.memref_slice %arg9[%dma_start3A_84, %dma_start3A_85] : memref<10240x64xf32, #tpu.memory_space<vmem_shared>> -> memref<10240x64xf32, #tpu.memory_space<vmem_shared>>
        tpu.enqueue_indirect_dma source(%arg11 : memref<128x64xf32, #tpu.memory_space<vmem>>) target(%dma_start3A_86 : memref<10240x64xf32, #tpu.memory_space<vmem_shared>>) offsets(%dma_start3A_83 : memref<128xi32, #tpu.memory_space<vmem>>) semaphore(%arg15 : memref<!tpu.dma_semaphore, #tpu.memory_space<semaphore_mem>>) {add = true}
        %add3A_87 = arith.constant 0 : i32
        %add3A_88 = arith.addi %add3A_51, %add3A_87 : i32
        %dma_wait3A_89 = arith.constant 1 : i32
        %dma_wait3A_90 = arith.constant 0 : i32
        %dma_wait3A_91 = tpu.memref_slice %arg7[%add3A_88, %dma_wait3A_89, %dma_wait3A_90] : memref<20x2x128xi32, #tpu.memory_space<vmem>> -> memref<1x1x128xi32, #tpu.memory_space<vmem>>
        %dma_wait3A_92 = tpu.memref_squeeze %dma_wait3A_91 : memref<1x1x128xi32, #tpu.memory_space<vmem>> -> memref<128xi32, #tpu.memory_space<vmem>>
        %dma_wait3A_93 = arith.constant 0 : i32
        %dma_wait3A_94 = arith.constant 0 : i32
        %dma_wait3A_95 = tpu.memref_slice %arg9[%dma_wait3A_93, %dma_wait3A_94] : memref<10240x64xf32, #tpu.memory_space<vmem_shared>> -> memref<10240x64xf32, #tpu.memory_space<vmem_shared>>
        tpu.wait_indirect_dma semaphore(%arg14 : memref<!tpu.dma_semaphore, #tpu.memory_space<semaphore_mem>>) src(%arg10 : memref<128x64xf32, #tpu.memory_space<vmem>>) dst(%dma_wait3A_95 : memref<10240x64xf32, #tpu.memory_space<vmem_shared>>)
        %add3A_96 = arith.constant 2 : i32
        %add3A_97 = arith.addi %add3A_51, %add3A_96 : i32
        %add3A_98 = arith.constant 0 : i32
        %add3A_99 = arith.addi %add3A_97, %add3A_98 : i32
        %lt3A = arith.constant 20 : i32
        %lt3A_100 = arith.cmpi slt, %add3A_99, %lt3A : i32
        %convert_element_type3A_101 = arith.extui %lt3A_100 : i1 to i32
        %cond3A_102 = arith.constant 0 : i32
        %cond3A_103 = arith.cmpi ne, %convert_element_type3A_101, %cond3A_102 : i32
        scf.if %cond3A_103 {
          %add3A_122 = arith.constant 2 : i32
          %add3A_123 = arith.addi %add3A_51, %add3A_122 : i32
          %add3A_124 = arith.constant 0 : i32
          %add3A_125 = arith.addi %add3A_123, %add3A_124 : i32
          %dma_start3A_126 = arith.constant 0 : i32
          %dma_start3A_127 = arith.constant 0 : i32
          %dma_start3A_128 = tpu.memref_slice %arg7[%add3A_125, %dma_start3A_126, %dma_start3A_127] : memref<20x2x128xi32, #tpu.memory_space<vmem>> -> memref<1x1x128xi32, #tpu.memory_space<vmem>>
          %dma_start3A_129 = tpu.memref_squeeze %dma_start3A_128 : memref<1x1x128xi32, #tpu.memory_space<vmem>> -> memref<128xi32, #tpu.memory_space<vmem>>
          %dma_start3A_130 = arith.constant 0 : i32
          %dma_start3A_131 = arith.constant 0 : i32
          %dma_start3A_132 = tpu.memref_slice %arg8[%dma_start3A_130, %dma_start3A_131] : memref<10240x64xf32, #tpu.memory_space<vmem_shared>> -> memref<10240x64xf32, #tpu.memory_space<vmem_shared>>
          tpu.enqueue_indirect_dma source(%dma_start3A_132 : memref<10240x64xf32, #tpu.memory_space<vmem_shared>>) target(%arg10 : memref<128x64xf32, #tpu.memory_space<vmem>>) offsets(%dma_start3A_129 : memref<128xi32, #tpu.memory_space<vmem>>) semaphore(%arg12 : memref<!tpu.dma_semaphore, #tpu.memory_space<semaphore_mem>>)
        } else {
        }
        %add3A_104 = arith.constant 1 : i32
        %add3A_105 = arith.addi %add3A_51, %add3A_104 : i32
        %dma_wait3A_106 = arith.constant 1 : i32
        %dma_wait3A_107 = arith.constant 0 : i32
        %dma_wait3A_108 = tpu.memref_slice %arg7[%add3A_105, %dma_wait3A_106, %dma_wait3A_107] : memref<20x2x128xi32, #tpu.memory_space<vmem>> -> memref<1x1x128xi32, #tpu.memory_space<vmem>>
        %dma_wait3A_109 = tpu.memref_squeeze %dma_wait3A_108 : memref<1x1x128xi32, #tpu.memory_space<vmem>> -> memref<128xi32, #tpu.memory_space<vmem>>
        %dma_wait3A_110 = arith.constant 0 : i32
        %dma_wait3A_111 = arith.constant 0 : i32
        %dma_wait3A_112 = tpu.memref_slice %arg9[%dma_wait3A_110, %dma_wait3A_111] : memref<10240x64xf32, #tpu.memory_space<vmem_shared>> -> memref<10240x64xf32, #tpu.memory_space<vmem_shared>>
        tpu.wait_indirect_dma semaphore(%arg15 : memref<!tpu.dma_semaphore, #tpu.memory_space<semaphore_mem>>) src(%arg11 : memref<128x64xf32, #tpu.memory_space<vmem>>) dst(%dma_wait3A_112 : memref<10240x64xf32, #tpu.memory_space<vmem_shared>>)
        %add3A_113 = arith.constant 2 : i32
        %add3A_114 = arith.addi %add3A_51, %add3A_113 : i32
        %add3A_115 = arith.constant 1 : i32
        %add3A_116 = arith.addi %add3A_114, %add3A_115 : i32
        %lt3A_117 = arith.constant 20 : i32
        %lt3A_118 = arith.cmpi slt, %add3A_116, %lt3A_117 : i32
        %convert_element_type3A_119 = arith.extui %lt3A_118 : i1 to i32
        %cond3A_120 = arith.constant 0 : i32
        %cond3A_121 = arith.cmpi ne, %convert_element_type3A_119, %cond3A_120 : i32
        scf.if %cond3A_121 {
          %add3A_122 = arith.constant 2 : i32
          %add3A_123 = arith.addi %add3A_51, %add3A_122 : i32
          %add3A_124 = arith.constant 1 : i32
          %add3A_125 = arith.addi %add3A_123, %add3A_124 : i32
          %dma_start3A_126 = arith.constant 0 : i32
          %dma_start3A_127 = arith.constant 0 : i32
          %dma_start3A_128 = tpu.memref_slice %arg7[%add3A_125, %dma_start3A_126, %dma_start3A_127] : memref<20x2x128xi32, #tpu.memory_space<vmem>> -> memref<1x1x128xi32, #tpu.memory_space<vmem>>
          %dma_start3A_129 = tpu.memref_squeeze %dma_start3A_128 : memref<1x1x128xi32, #tpu.memory_space<vmem>> -> memref<128xi32, #tpu.memory_space<vmem>>
          %dma_start3A_130 = arith.constant 0 : i32
          %dma_start3A_131 = arith.constant 0 : i32
          %dma_start3A_132 = tpu.memref_slice %arg8[%dma_start3A_130, %dma_start3A_131] : memref<10240x64xf32, #tpu.memory_space<vmem_shared>> -> memref<10240x64xf32, #tpu.memory_space<vmem_shared>>
          tpu.enqueue_indirect_dma source(%dma_start3A_132 : memref<10240x64xf32, #tpu.memory_space<vmem_shared>>) target(%arg11 : memref<128x64xf32, #tpu.memory_space<vmem>>) offsets(%dma_start3A_129 : memref<128xi32, #tpu.memory_space<vmem>>) semaphore(%arg13 : memref<!tpu.dma_semaphore, #tpu.memory_space<semaphore_mem>>)
        } else {
        }
      }
      %scan3A_46 = arith.constant 10 : i32
    }
    %scan3A_16 = arith.constant 8 : i32
    %barrier3A_17 = arith.constant 0 : index
    tpu.barrier barrier_id(%barrier3A_17)
    "tpu.region"() ({
      %run_scoped3A = tpu.sem_alloc : memref<!tpu.dma_semaphore, #tpu.memory_space<semaphore_mem>>
      %dma_start3A = arith.constant 0 : i32
      %dma_start3A_18 = tpu.memref_slice %arg6[%arg0, %mul3A_0, %dma_start3A] : memref<2x10240x64xf32, #tpu.memory_space<hbm>> -> memref<1x640x64xf32, #tpu.memory_space<hbm>>
      %dma_start3A_19 = tpu.memref_squeeze %dma_start3A_18 : memref<1x640x64xf32, #tpu.memory_space<hbm>> -> memref<640x64xf32, #tpu.memory_space<hbm>>
      %dma_start3A_20 = arith.constant 0 : i32
      %dma_start3A_21 = tpu.memref_slice %arg9[%mul3A_0, %dma_start3A_20] : memref<10240x64xf32, #tpu.memory_space<vmem_shared>> -> memref<640x64xf32, #tpu.memory_space<vmem_shared>>
      tpu.enqueue_dma source(%dma_start3A_21 : memref<640x64xf32, #tpu.memory_space<vmem_shared>>) target(%dma_start3A_19 : memref<640x64xf32, #tpu.memory_space<hbm>>) target_semaphore(%run_scoped3A : memref<!tpu.dma_semaphore, #tpu.memory_space<semaphore_mem>>)
      %dma_wait3A = arith.constant 0 : i32
      %dma_wait3A_22 = tpu.memref_slice %arg6[%arg0, %mul3A_0, %dma_wait3A] : memref<2x10240x64xf32, #tpu.memory_space<hbm>> -> memref<1x640x64xf32, #tpu.memory_space<hbm>>
      %dma_wait3A_23 = tpu.memref_squeeze %dma_wait3A_22 : memref<1x640x64xf32, #tpu.memory_space<hbm>> -> memref<640x64xf32, #tpu.memory_space<hbm>>
      %dma_wait3A_24 = arith.constant 0 : i32
      %dma_wait3A_25 = tpu.memref_slice %arg9[%mul3A_0, %dma_wait3A_24] : memref<10240x64xf32, #tpu.memory_space<vmem_shared>> -> memref<640x64xf32, #tpu.memory_space<vmem_shared>>
      tpu.wait_dma2 semaphore(%run_scoped3A : memref<!tpu.dma_semaphore, #tpu.memory_space<semaphore_mem>>) src(%dma_wait3A_25 : memref<640x64xf32, #tpu.memory_space<vmem_shared>>) dst(%dma_wait3A_23 : memref<640x64xf32, #tpu.memory_space<hbm>>)
      tpu.yield
    }) : () -> ()
    return
  }
}

#map = affine_map<(d0, d1) -> (0)>
#map1 = affine_map<(d0, d1) -> (0, 0)>
module attributes {stable_mosaic.version = 14 : i64} {
  func.func @k(%arg0: i32, %arg1: i32, %arg2: memref<5000xi32, #tpu.memory_space<hbm>>, %arg3: memref<5000xi32, #tpu.memory_space<hbm>>, %arg4: memref<100000x128xf32, #tpu.memory_space<hbm>>, %arg5: memref<100000x128xf32, #tpu.memory_space<hbm>>, %arg6: memref<327680xi32, #tpu.memory_space<hbm>>, %arg7: memref<12288xi32, #tpu.memory_space<hbm>>, %arg8: memref<128xf32, #tpu.memory_space<hbm>>, %arg9: memref<640xf32, #tpu.memory_space<hbm>>, %arg10: memref<10240x128xf32, #tpu.memory_space<hbm>>, %arg11: memref<2x10240xf32, #tpu.memory_space<hbm>>, %arg12: memref<2x10240xf32, #tpu.memory_space<hbm>>, %arg13: memref<40xi32, #tpu.memory_space<vmem>>, %arg14: memref<40x128xf32, #tpu.memory_space<vmem>>, %arg15: memref<128xi32, #tpu.memory_space<vmem>>, %arg16: memref<128xf32, #tpu.memory_space<vmem>>, %arg17: memref<640xf32, #tpu.memory_space<vmem>>, %arg18: memref<10240xf32, #tpu.memory_space<vmem_shared>>, %arg19: memref<10240xf32, #tpu.memory_space<vmem_shared>>) attributes {dimension_semantics = [#tpu.dimension_semantics<core_parallel>, #tpu.dimension_semantics<subcore_parallel>], iteration_bounds = array<i64: 2, 16>, scalar_prefetch = 0 : i64, scratch_operands = 7 : i64, tpu.core_type = #tpu.core_type<sc_vector_subcore>, window_params = [{transform_indices = #map}, {transform_indices = #map}, {transform_indices = #map1}, {transform_indices = #map1}, {transform_indices = #map}, {transform_indices = #map}, {transform_indices = #map}, {transform_indices = #map}, {transform_indices = #map1}, {transform_indices = #map1}, {transform_indices = #map1}]} {
    %mul3A = arith.constant 2 : i32
    %mul3A_0 = arith.muli %arg1, %mul3A : i32
    %add3A = arith.addi %mul3A_0, %arg0 : i32
    "tpu.region"() ({
      %run_scoped3A = tpu.sem_alloc : memref<!tpu.dma_semaphore, #tpu.memory_space<semaphore_mem>>
      tpu.enqueue_dma source(%arg9 : memref<640xf32, #tpu.memory_space<hbm>>) target(%arg17 : memref<640xf32, #tpu.memory_space<vmem>>) target_semaphore(%run_scoped3A : memref<!tpu.dma_semaphore, #tpu.memory_space<semaphore_mem>>)
      tpu.wait_dma2 semaphore(%run_scoped3A : memref<!tpu.dma_semaphore, #tpu.memory_space<semaphore_mem>>) src(%arg9 : memref<640xf32, #tpu.memory_space<hbm>>) dst(%arg17 : memref<640xf32, #tpu.memory_space<vmem>>)
      tpu.yield
    }) : () -> ()
    %mul3A_1 = arith.constant 640 : i32
    %mul3A_2 = arith.muli %arg1, %mul3A_1 : i32
    "tpu.region"() ({
      %run_scoped3A = tpu.sem_alloc : memref<!tpu.dma_semaphore, #tpu.memory_space<semaphore_mem>>
      %dma_start3A = tpu.memref_slice %arg18[%mul3A_2] : memref<10240xf32, #tpu.memory_space<vmem_shared>> -> memref<640xf32, #tpu.memory_space<vmem_shared>>
      %dma_start3A_25 = tpu.memref_slice %arg18[%mul3A_2] : memref<10240xf32, #tpu.memory_space<vmem_shared>> -> memref<640xf32, #tpu.memory_space<vmem_shared>>
      tpu.enqueue_dma source(%arg17 : memref<640xf32, #tpu.memory_space<vmem>>) target(%dma_start3A_25 : memref<640xf32, #tpu.memory_space<vmem_shared>>) target_semaphore(%run_scoped3A : memref<!tpu.dma_semaphore, #tpu.memory_space<semaphore_mem>>)
      %dma_wait3A = tpu.memref_slice %arg18[%mul3A_2] : memref<10240xf32, #tpu.memory_space<vmem_shared>> -> memref<640xf32, #tpu.memory_space<vmem_shared>>
      %dma_wait3A_26 = tpu.memref_slice %arg18[%mul3A_2] : memref<10240xf32, #tpu.memory_space<vmem_shared>> -> memref<640xf32, #tpu.memory_space<vmem_shared>>
      tpu.wait_dma2 semaphore(%run_scoped3A : memref<!tpu.dma_semaphore, #tpu.memory_space<semaphore_mem>>) src(%arg17 : memref<640xf32, #tpu.memory_space<vmem>>) dst(%dma_wait3A_26 : memref<640xf32, #tpu.memory_space<vmem_shared>>)
      tpu.yield
    }) : () -> ()
    %mul3A_3 = arith.constant 640 : i32
    %mul3A_4 = arith.muli %arg1, %mul3A_3 : i32
    "tpu.region"() ({
      %run_scoped3A = tpu.sem_alloc : memref<!tpu.dma_semaphore, #tpu.memory_space<semaphore_mem>>
      %dma_start3A = tpu.memref_slice %arg19[%mul3A_4] : memref<10240xf32, #tpu.memory_space<vmem_shared>> -> memref<640xf32, #tpu.memory_space<vmem_shared>>
      %dma_start3A_25 = tpu.memref_slice %arg19[%mul3A_4] : memref<10240xf32, #tpu.memory_space<vmem_shared>> -> memref<640xf32, #tpu.memory_space<vmem_shared>>
      tpu.enqueue_dma source(%arg17 : memref<640xf32, #tpu.memory_space<vmem>>) target(%dma_start3A_25 : memref<640xf32, #tpu.memory_space<vmem_shared>>) target_semaphore(%run_scoped3A : memref<!tpu.dma_semaphore, #tpu.memory_space<semaphore_mem>>)
      %dma_wait3A = tpu.memref_slice %arg19[%mul3A_4] : memref<10240xf32, #tpu.memory_space<vmem_shared>> -> memref<640xf32, #tpu.memory_space<vmem_shared>>
      %dma_wait3A_26 = tpu.memref_slice %arg19[%mul3A_4] : memref<10240xf32, #tpu.memory_space<vmem_shared>> -> memref<640xf32, #tpu.memory_space<vmem_shared>>
      tpu.wait_dma2 semaphore(%run_scoped3A : memref<!tpu.dma_semaphore, #tpu.memory_space<semaphore_mem>>) src(%arg17 : memref<640xf32, #tpu.memory_space<vmem>>) dst(%dma_wait3A_26 : memref<640xf32, #tpu.memory_space<vmem_shared>>)
      tpu.yield
    }) : () -> ()
    "tpu.region"() ({
      %run_scoped3A = tpu.sem_alloc : memref<!tpu.dma_semaphore, #tpu.memory_space<semaphore_mem>>
      tpu.enqueue_dma source(%arg8 : memref<128xf32, #tpu.memory_space<hbm>>) target(%arg16 : memref<128xf32, #tpu.memory_space<vmem>>) target_semaphore(%run_scoped3A : memref<!tpu.dma_semaphore, #tpu.memory_space<semaphore_mem>>)
      tpu.wait_dma2 semaphore(%run_scoped3A : memref<!tpu.dma_semaphore, #tpu.memory_space<semaphore_mem>>) src(%arg8 : memref<128xf32, #tpu.memory_space<hbm>>) dst(%arg16 : memref<128xf32, #tpu.memory_space<vmem>>)
      tpu.yield
    }) : () -> ()
    %lt3A = arith.constant 16 : i32
    %lt3A_5 = arith.cmpi slt, %add3A, %lt3A : i32
    %convert_element_type3A = arith.extui %lt3A_5 : i1 to i32
    %cond3A = arith.constant 0 : i32
    %cond3A_6 = arith.cmpi ne, %convert_element_type3A, %cond3A : i32
    scf.if %cond3A_6 {
      %scan3A_25 = arith.constant 0 : i32
      %scan3A_26 = arith.constant 8 : i32
      %scan3A_27 = arith.addi %scan3A_25, %scan3A_26 : i32
      %scan3A_28 = arith.constant 1 : i32
      scf.for %scan3A_30 = %scan3A_25 to %scan3A_27 step %scan3A_28  : i32 {
        %mul3A_31 = arith.constant 1 : i32
        %mul3A_32 = arith.muli %scan3A_30, %mul3A_31 : i32
        %add3A_33 = arith.constant 0 : i32
        %add3A_34 = arith.addi %add3A_33, %mul3A_32 : i32
        %mul3A_35 = arith.constant 8 : i32
        %mul3A_36 = arith.muli %add3A, %mul3A_35 : i32
        %add3A_37 = arith.addi %mul3A_36, %add3A_34 : i32
        %lt3A_38 = arith.constant 125 : i32
        %lt3A_39 = arith.cmpi slt, %add3A_37, %lt3A_38 : i32
        %convert_element_type3A_40 = arith.extui %lt3A_39 : i1 to i32
        %cond3A_41 = arith.constant 0 : i32
        %cond3A_42 = arith.cmpi ne, %convert_element_type3A_40, %cond3A_41 : i32
        scf.if %cond3A_42 {
          %mul3A_43 = arith.constant 40 : i32
          %mul3A_44 = arith.muli %add3A_37, %mul3A_43 : i32
          "tpu.region"() ({
            %run_scoped3A = tpu.sem_alloc : memref<!tpu.dma_semaphore, #tpu.memory_space<semaphore_mem>>
            %dma_start3A = tpu.memref_slice %arg2[%mul3A_44] : memref<5000xi32, #tpu.memory_space<hbm>> -> memref<40xi32, #tpu.memory_space<hbm>>
            %dma_start3A_47 = tpu.memref_slice %arg2[%mul3A_44] : memref<5000xi32, #tpu.memory_space<hbm>> -> memref<40xi32, #tpu.memory_space<hbm>>
            tpu.enqueue_dma source(%dma_start3A_47 : memref<40xi32, #tpu.memory_space<hbm>>) target(%arg13 : memref<40xi32, #tpu.memory_space<vmem>>) target_semaphore(%run_scoped3A : memref<!tpu.dma_semaphore, #tpu.memory_space<semaphore_mem>>)
            %dma_wait3A = tpu.memref_slice %arg2[%mul3A_44] : memref<5000xi32, #tpu.memory_space<hbm>> -> memref<40xi32, #tpu.memory_space<hbm>>
            %dma_wait3A_48 = tpu.memref_slice %arg2[%mul3A_44] : memref<5000xi32, #tpu.memory_space<hbm>> -> memref<40xi32, #tpu.memory_space<hbm>>
            tpu.wait_dma2 semaphore(%run_scoped3A : memref<!tpu.dma_semaphore, #tpu.memory_space<semaphore_mem>>) src(%dma_wait3A_48 : memref<40xi32, #tpu.memory_space<hbm>>) dst(%arg13 : memref<40xi32, #tpu.memory_space<vmem>>)
            tpu.yield
          }) : () -> ()
          "tpu.region"() ({
            %run_scoped3A = tpu.sem_alloc : memref<!tpu.dma_semaphore, #tpu.memory_space<semaphore_mem>>
            %dma_start3A = arith.constant 0 : i32
            %dma_start3A_47 = arith.constant 0 : i32
            %dma_start3A_48 = tpu.memref_slice %arg4[%dma_start3A, %dma_start3A_47] : memref<100000x128xf32, #tpu.memory_space<hbm>> -> memref<100000x128xf32, #tpu.memory_space<hbm>>
            tpu.enqueue_indirect_dma source(%dma_start3A_48 : memref<100000x128xf32, #tpu.memory_space<hbm>>) target(%arg14 : memref<40x128xf32, #tpu.memory_space<vmem>>) offsets(%arg13 : memref<40xi32, #tpu.memory_space<vmem>>) semaphore(%run_scoped3A : memref<!tpu.dma_semaphore, #tpu.memory_space<semaphore_mem>>)
            %dma_wait3A = arith.constant 0 : i32
            %dma_wait3A_49 = arith.constant 0 : i32
            %dma_wait3A_50 = tpu.memref_slice %arg4[%dma_wait3A, %dma_wait3A_49] : memref<100000x128xf32, #tpu.memory_space<hbm>> -> memref<100000x128xf32, #tpu.memory_space<hbm>>
            tpu.wait_indirect_dma semaphore(%run_scoped3A : memref<!tpu.dma_semaphore, #tpu.memory_space<semaphore_mem>>) src(%dma_wait3A_50 : memref<100000x128xf32, #tpu.memory_space<hbm>>) dst(%arg14 : memref<40x128xf32, #tpu.memory_space<vmem>>)
            tpu.yield
          }) : () -> ()
          %mul3A_45 = arith.constant 40 : i32
          %mul3A_46 = arith.muli %add3A_37, %mul3A_45 : i32
          "tpu.region"() ({
            %run_scoped3A = tpu.sem_alloc : memref<!tpu.dma_semaphore, #tpu.memory_space<semaphore_mem>>
            %dma_start3A = arith.constant 0 : i32
            %dma_start3A_47 = tpu.memref_slice %arg10[%mul3A_46, %dma_start3A] : memref<10240x128xf32, #tpu.memory_space<hbm>> -> memref<40x128xf32, #tpu.memory_space<hbm>>
            %dma_start3A_48 = arith.constant 0 : i32
            %dma_start3A_49 = tpu.memref_slice %arg10[%mul3A_46, %dma_start3A_48] : memref<10240x128xf32, #tpu.memory_space<hbm>> -> memref<40x128xf32, #tpu.memory_space<hbm>>
            tpu.enqueue_dma source(%arg14 : memref<40x128xf32, #tpu.memory_space<vmem>>) target(%dma_start3A_49 : memref<40x128xf32, #tpu.memory_space<hbm>>) target_semaphore(%run_scoped3A : memref<!tpu.dma_semaphore, #tpu.memory_space<semaphore_mem>>)
            %dma_wait3A = arith.constant 0 : i32
            %dma_wait3A_50 = tpu.memref_slice %arg10[%mul3A_46, %dma_wait3A] : memref<10240x128xf32, #tpu.memory_space<hbm>> -> memref<40x128xf32, #tpu.memory_space<hbm>>
            %dma_wait3A_51 = arith.constant 0 : i32
            %dma_wait3A_52 = tpu.memref_slice %arg10[%mul3A_46, %dma_wait3A_51] : memref<10240x128xf32, #tpu.memory_space<hbm>> -> memref<40x128xf32, #tpu.memory_space<hbm>>
            tpu.wait_dma2 semaphore(%run_scoped3A : memref<!tpu.dma_semaphore, #tpu.memory_space<semaphore_mem>>) src(%arg14 : memref<40x128xf32, #tpu.memory_space<vmem>>) dst(%dma_wait3A_52 : memref<40x128xf32, #tpu.memory_space<hbm>>)
            tpu.yield
          }) : () -> ()
        } else {
        }
      }
      %scan3A_29 = arith.constant 8 : i32
    } else {
    }
    %ge3A = arith.constant 16 : i32
    %ge3A_7 = arith.cmpi sge, %add3A, %ge3A : i32
    %convert_element_type3A_8 = arith.extui %ge3A_7 : i1 to i32
    %cond3A_9 = arith.constant 0 : i32
    %cond3A_10 = arith.cmpi ne, %convert_element_type3A_8, %cond3A_9 : i32
    scf.if %cond3A_10 {
      %scan3A_25 = arith.constant 0 : i32
      %scan3A_26 = arith.constant 8 : i32
      %scan3A_27 = arith.addi %scan3A_25, %scan3A_26 : i32
      %scan3A_28 = arith.constant 1 : i32
      scf.for %scan3A_30 = %scan3A_25 to %scan3A_27 step %scan3A_28  : i32 {
        %mul3A_31 = arith.constant 1 : i32
        %mul3A_32 = arith.muli %scan3A_30, %mul3A_31 : i32
        %add3A_33 = arith.constant 0 : i32
        %add3A_34 = arith.addi %add3A_33, %mul3A_32 : i32
        %sub3A = arith.constant 16 : i32
        %sub3A_35 = arith.subi %add3A, %sub3A : i32
        %mul3A_36 = arith.constant 8 : i32
        %mul3A_37 = arith.muli %sub3A_35, %mul3A_36 : i32
        %add3A_38 = arith.addi %mul3A_37, %add3A_34 : i32
        %lt3A_39 = arith.constant 125 : i32
        %lt3A_40 = arith.cmpi slt, %add3A_38, %lt3A_39 : i32
        %convert_element_type3A_41 = arith.extui %lt3A_40 : i1 to i32
        %cond3A_42 = arith.constant 0 : i32
        %cond3A_43 = arith.cmpi ne, %convert_element_type3A_41, %cond3A_42 : i32
        scf.if %cond3A_43 {
          %mul3A_44 = arith.constant 40 : i32
          %mul3A_45 = arith.muli %add3A_38, %mul3A_44 : i32
          "tpu.region"() ({
            %run_scoped3A = tpu.sem_alloc : memref<!tpu.dma_semaphore, #tpu.memory_space<semaphore_mem>>
            %dma_start3A = tpu.memref_slice %arg3[%mul3A_45] : memref<5000xi32, #tpu.memory_space<hbm>> -> memref<40xi32, #tpu.memory_space<hbm>>
            %dma_start3A_50 = tpu.memref_slice %arg3[%mul3A_45] : memref<5000xi32, #tpu.memory_space<hbm>> -> memref<40xi32, #tpu.memory_space<hbm>>
            tpu.enqueue_dma source(%dma_start3A_50 : memref<40xi32, #tpu.memory_space<hbm>>) target(%arg13 : memref<40xi32, #tpu.memory_space<vmem>>) target_semaphore(%run_scoped3A : memref<!tpu.dma_semaphore, #tpu.memory_space<semaphore_mem>>)
            %dma_wait3A = tpu.memref_slice %arg3[%mul3A_45] : memref<5000xi32, #tpu.memory_space<hbm>> -> memref<40xi32, #tpu.memory_space<hbm>>
            %dma_wait3A_51 = tpu.memref_slice %arg3[%mul3A_45] : memref<5000xi32, #tpu.memory_space<hbm>> -> memref<40xi32, #tpu.memory_space<hbm>>
            tpu.wait_dma2 semaphore(%run_scoped3A : memref<!tpu.dma_semaphore, #tpu.memory_space<semaphore_mem>>) src(%dma_wait3A_51 : memref<40xi32, #tpu.memory_space<hbm>>) dst(%arg13 : memref<40xi32, #tpu.memory_space<vmem>>)
            tpu.yield
          }) : () -> ()
          "tpu.region"() ({
            %run_scoped3A = tpu.sem_alloc : memref<!tpu.dma_semaphore, #tpu.memory_space<semaphore_mem>>
            %dma_start3A = arith.constant 0 : i32
            %dma_start3A_50 = arith.constant 0 : i32
            %dma_start3A_51 = tpu.memref_slice %arg5[%dma_start3A, %dma_start3A_50] : memref<100000x128xf32, #tpu.memory_space<hbm>> -> memref<100000x128xf32, #tpu.memory_space<hbm>>
            tpu.enqueue_indirect_dma source(%dma_start3A_51 : memref<100000x128xf32, #tpu.memory_space<hbm>>) target(%arg14 : memref<40x128xf32, #tpu.memory_space<vmem>>) offsets(%arg13 : memref<40xi32, #tpu.memory_space<vmem>>) semaphore(%run_scoped3A : memref<!tpu.dma_semaphore, #tpu.memory_space<semaphore_mem>>)
            %dma_wait3A = arith.constant 0 : i32
            %dma_wait3A_52 = arith.constant 0 : i32
            %dma_wait3A_53 = tpu.memref_slice %arg5[%dma_wait3A, %dma_wait3A_52] : memref<100000x128xf32, #tpu.memory_space<hbm>> -> memref<100000x128xf32, #tpu.memory_space<hbm>>
            tpu.wait_indirect_dma semaphore(%run_scoped3A : memref<!tpu.dma_semaphore, #tpu.memory_space<semaphore_mem>>) src(%dma_wait3A_53 : memref<100000x128xf32, #tpu.memory_space<hbm>>) dst(%arg14 : memref<40x128xf32, #tpu.memory_space<vmem>>)
            tpu.yield
          }) : () -> ()
          %mul3A_46 = arith.constant 40 : i32
          %mul3A_47 = arith.muli %add3A_38, %mul3A_46 : i32
          %add3A_48 = arith.constant 5000 : i32
          %add3A_49 = arith.addi %add3A_48, %mul3A_47 : i32
          "tpu.region"() ({
            %run_scoped3A = tpu.sem_alloc : memref<!tpu.dma_semaphore, #tpu.memory_space<semaphore_mem>>
            %dma_start3A = arith.constant 0 : i32
            %dma_start3A_50 = tpu.memref_slice %arg10[%add3A_49, %dma_start3A] : memref<10240x128xf32, #tpu.memory_space<hbm>> -> memref<40x128xf32, #tpu.memory_space<hbm>>
            %dma_start3A_51 = arith.constant 0 : i32
            %dma_start3A_52 = tpu.memref_slice %arg10[%add3A_49, %dma_start3A_51] : memref<10240x128xf32, #tpu.memory_space<hbm>> -> memref<40x128xf32, #tpu.memory_space<hbm>>
            tpu.enqueue_dma source(%arg14 : memref<40x128xf32, #tpu.memory_space<vmem>>) target(%dma_start3A_52 : memref<40x128xf32, #tpu.memory_space<hbm>>) target_semaphore(%run_scoped3A : memref<!tpu.dma_semaphore, #tpu.memory_space<semaphore_mem>>)
            %dma_wait3A = arith.constant 0 : i32
            %dma_wait3A_53 = tpu.memref_slice %arg10[%add3A_49, %dma_wait3A] : memref<10240x128xf32, #tpu.memory_space<hbm>> -> memref<40x128xf32, #tpu.memory_space<hbm>>
            %dma_wait3A_54 = arith.constant 0 : i32
            %dma_wait3A_55 = tpu.memref_slice %arg10[%add3A_49, %dma_wait3A_54] : memref<10240x128xf32, #tpu.memory_space<hbm>> -> memref<40x128xf32, #tpu.memory_space<hbm>>
            tpu.wait_dma2 semaphore(%run_scoped3A : memref<!tpu.dma_semaphore, #tpu.memory_space<semaphore_mem>>) src(%arg14 : memref<40x128xf32, #tpu.memory_space<vmem>>) dst(%dma_wait3A_55 : memref<40x128xf32, #tpu.memory_space<hbm>>)
            tpu.yield
          }) : () -> ()
        } else {
        }
      }
      %scan3A_29 = arith.constant 8 : i32
    } else {
    }
    %barrier3A = arith.constant 0 : index
    tpu.barrier barrier_id(%barrier3A)
    %scan3A = arith.constant 0 : i32
    %scan3A_11 = arith.constant 80 : i32
    %scan3A_12 = arith.addi %scan3A, %scan3A_11 : i32
    %scan3A_13 = arith.constant 1 : i32
    scf.for %scan3A_25 = %scan3A to %scan3A_12 step %scan3A_13  : i32 {
      %mul3A_26 = arith.constant 1 : i32
      %mul3A_27 = arith.muli %scan3A_25, %mul3A_26 : i32
      %add3A_28 = arith.constant 0 : i32
      %add3A_29 = arith.addi %add3A_28, %mul3A_27 : i32
      %mul3A_30 = arith.constant 10240 : i32
      %mul3A_31 = arith.muli %add3A, %mul3A_30 : i32
      %mul3A_32 = arith.constant 128 : i32
      %mul3A_33 = arith.muli %add3A_29, %mul3A_32 : i32
      %add3A_34 = arith.addi %mul3A_31, %mul3A_33 : i32
      "tpu.region"() ({
        %run_scoped3A = tpu.sem_alloc : memref<!tpu.dma_semaphore, #tpu.memory_space<semaphore_mem>>
        %dma_start3A = tpu.memref_slice %arg6[%add3A_34] : memref<327680xi32, #tpu.memory_space<hbm>> -> memref<128xi32, #tpu.memory_space<hbm>>
        %dma_start3A_35 = tpu.memref_slice %arg6[%add3A_34] : memref<327680xi32, #tpu.memory_space<hbm>> -> memref<128xi32, #tpu.memory_space<hbm>>
        tpu.enqueue_dma source(%dma_start3A_35 : memref<128xi32, #tpu.memory_space<hbm>>) target(%arg15 : memref<128xi32, #tpu.memory_space<vmem>>) target_semaphore(%run_scoped3A : memref<!tpu.dma_semaphore, #tpu.memory_space<semaphore_mem>>)
        %dma_wait3A = tpu.memref_slice %arg6[%add3A_34] : memref<327680xi32, #tpu.memory_space<hbm>> -> memref<128xi32, #tpu.memory_space<hbm>>
        %dma_wait3A_36 = tpu.memref_slice %arg6[%add3A_34] : memref<327680xi32, #tpu.memory_space<hbm>> -> memref<128xi32, #tpu.memory_space<hbm>>
        tpu.wait_dma2 semaphore(%run_scoped3A : memref<!tpu.dma_semaphore, #tpu.memory_space<semaphore_mem>>) src(%dma_wait3A_36 : memref<128xi32, #tpu.memory_space<hbm>>) dst(%arg15 : memref<128xi32, #tpu.memory_space<vmem>>)
        tpu.yield
      }) : () -> ()
      "tpu.region"() ({
        %run_scoped3A = tpu.sem_alloc : memref<!tpu.dma_semaphore, #tpu.memory_space<semaphore_mem>>
        %dma_start3A = arith.constant 0 : i32
        %dma_start3A_35 = tpu.memref_slice %arg18[%dma_start3A] : memref<10240xf32, #tpu.memory_space<vmem_shared>> -> memref<10240xf32, #tpu.memory_space<vmem_shared>>
        tpu.enqueue_indirect_dma source(%arg16 : memref<128xf32, #tpu.memory_space<vmem>>) target(%dma_start3A_35 : memref<10240xf32, #tpu.memory_space<vmem_shared>>) offsets(%arg15 : memref<128xi32, #tpu.memory_space<vmem>>) semaphore(%run_scoped3A : memref<!tpu.dma_semaphore, #tpu.memory_space<semaphore_mem>>) {add = true}
        %dma_wait3A = arith.constant 0 : i32
        %dma_wait3A_36 = tpu.memref_slice %arg18[%dma_wait3A] : memref<10240xf32, #tpu.memory_space<vmem_shared>> -> memref<10240xf32, #tpu.memory_space<vmem_shared>>
        tpu.wait_indirect_dma semaphore(%run_scoped3A : memref<!tpu.dma_semaphore, #tpu.memory_space<semaphore_mem>>) src(%arg16 : memref<128xf32, #tpu.memory_space<vmem>>) dst(%dma_wait3A_36 : memref<10240xf32, #tpu.memory_space<vmem_shared>>)
        tpu.yield
      }) : () -> ()
    }
    %scan3A_14 = arith.constant 80 : i32
    %scan3A_15 = arith.constant 0 : i32
    %scan3A_16 = arith.constant 3 : i32
    %scan3A_17 = arith.addi %scan3A_15, %scan3A_16 : i32
    %scan3A_18 = arith.constant 1 : i32
    scf.for %scan3A_25 = %scan3A_15 to %scan3A_17 step %scan3A_18  : i32 {
      %mul3A_26 = arith.constant 1 : i32
      %mul3A_27 = arith.muli %scan3A_25, %mul3A_26 : i32
      %add3A_28 = arith.constant 0 : i32
      %add3A_29 = arith.addi %add3A_28, %mul3A_27 : i32
      %mul3A_30 = arith.constant 384 : i32
      %mul3A_31 = arith.muli %add3A, %mul3A_30 : i32
      %mul3A_32 = arith.constant 128 : i32
      %mul3A_33 = arith.muli %add3A_29, %mul3A_32 : i32
      %add3A_34 = arith.addi %mul3A_31, %mul3A_33 : i32
      "tpu.region"() ({
        %run_scoped3A = tpu.sem_alloc : memref<!tpu.dma_semaphore, #tpu.memory_space<semaphore_mem>>
        %dma_start3A = tpu.memref_slice %arg7[%add3A_34] : memref<12288xi32, #tpu.memory_space<hbm>> -> memref<128xi32, #tpu.memory_space<hbm>>
        %dma_start3A_35 = tpu.memref_slice %arg7[%add3A_34] : memref<12288xi32, #tpu.memory_space<hbm>> -> memref<128xi32, #tpu.memory_space<hbm>>
        tpu.enqueue_dma source(%dma_start3A_35 : memref<128xi32, #tpu.memory_space<hbm>>) target(%arg15 : memref<128xi32, #tpu.memory_space<vmem>>) target_semaphore(%run_scoped3A : memref<!tpu.dma_semaphore, #tpu.memory_space<semaphore_mem>>)
        %dma_wait3A = tpu.memref_slice %arg7[%add3A_34] : memref<12288xi32, #tpu.memory_space<hbm>> -> memref<128xi32, #tpu.memory_space<hbm>>
        %dma_wait3A_36 = tpu.memref_slice %arg7[%add3A_34] : memref<12288xi32, #tpu.memory_space<hbm>> -> memref<128xi32, #tpu.memory_space<hbm>>
        tpu.wait_dma2 semaphore(%run_scoped3A : memref<!tpu.dma_semaphore, #tpu.memory_space<semaphore_mem>>) src(%dma_wait3A_36 : memref<128xi32, #tpu.memory_space<hbm>>) dst(%arg15 : memref<128xi32, #tpu.memory_space<vmem>>)
        tpu.yield
      }) : () -> ()
      "tpu.region"() ({
        %run_scoped3A = tpu.sem_alloc : memref<!tpu.dma_semaphore, #tpu.memory_space<semaphore_mem>>
        %dma_start3A = arith.constant 0 : i32
        %dma_start3A_35 = tpu.memref_slice %arg19[%dma_start3A] : memref<10240xf32, #tpu.memory_space<vmem_shared>> -> memref<10240xf32, #tpu.memory_space<vmem_shared>>
        tpu.enqueue_indirect_dma source(%arg16 : memref<128xf32, #tpu.memory_space<vmem>>) target(%dma_start3A_35 : memref<10240xf32, #tpu.memory_space<vmem_shared>>) offsets(%arg15 : memref<128xi32, #tpu.memory_space<vmem>>) semaphore(%run_scoped3A : memref<!tpu.dma_semaphore, #tpu.memory_space<semaphore_mem>>) {add = true}
        %dma_wait3A = arith.constant 0 : i32
        %dma_wait3A_36 = tpu.memref_slice %arg19[%dma_wait3A] : memref<10240xf32, #tpu.memory_space<vmem_shared>> -> memref<10240xf32, #tpu.memory_space<vmem_shared>>
        tpu.wait_indirect_dma semaphore(%run_scoped3A : memref<!tpu.dma_semaphore, #tpu.memory_space<semaphore_mem>>) src(%arg16 : memref<128xf32, #tpu.memory_space<vmem>>) dst(%dma_wait3A_36 : memref<10240xf32, #tpu.memory_space<vmem_shared>>)
        tpu.yield
      }) : () -> ()
    }
    %scan3A_19 = arith.constant 3 : i32
    %barrier3A_20 = arith.constant 0 : index
    tpu.barrier barrier_id(%barrier3A_20)
    %eq3A = arith.constant 0 : i32
    %eq3A_21 = arith.cmpi eq, %arg1, %eq3A : i32
    %convert_element_type3A_22 = arith.extui %eq3A_21 : i1 to i32
    %cond3A_23 = arith.constant 0 : i32
    %cond3A_24 = arith.cmpi ne, %convert_element_type3A_22, %cond3A_23 : i32
    scf.if %cond3A_24 {
      "tpu.region"() ({
        %run_scoped3A = tpu.sem_alloc : memref<!tpu.dma_semaphore, #tpu.memory_space<semaphore_mem>>
        %dma_start3A = arith.constant 0 : i32
        %dma_start3A_25 = tpu.memref_slice %arg11[%arg0, %dma_start3A] : memref<2x10240xf32, #tpu.memory_space<hbm>> -> memref<1x10240xf32, #tpu.memory_space<hbm>>
        %dma_start3A_26 = tpu.memref_squeeze %dma_start3A_25 : memref<1x10240xf32, #tpu.memory_space<hbm>> -> memref<10240xf32, #tpu.memory_space<hbm>>
        tpu.enqueue_dma source(%arg18 : memref<10240xf32, #tpu.memory_space<vmem_shared>>) target(%dma_start3A_26 : memref<10240xf32, #tpu.memory_space<hbm>>) target_semaphore(%run_scoped3A : memref<!tpu.dma_semaphore, #tpu.memory_space<semaphore_mem>>)
        %dma_wait3A = arith.constant 0 : i32
        %dma_wait3A_27 = tpu.memref_slice %arg11[%arg0, %dma_wait3A] : memref<2x10240xf32, #tpu.memory_space<hbm>> -> memref<1x10240xf32, #tpu.memory_space<hbm>>
        %dma_wait3A_28 = tpu.memref_squeeze %dma_wait3A_27 : memref<1x10240xf32, #tpu.memory_space<hbm>> -> memref<10240xf32, #tpu.memory_space<hbm>>
        tpu.wait_dma2 semaphore(%run_scoped3A : memref<!tpu.dma_semaphore, #tpu.memory_space<semaphore_mem>>) src(%arg18 : memref<10240xf32, #tpu.memory_space<vmem_shared>>) dst(%dma_wait3A_28 : memref<10240xf32, #tpu.memory_space<hbm>>)
        tpu.yield
      }) : () -> ()
      "tpu.region"() ({
        %run_scoped3A = tpu.sem_alloc : memref<!tpu.dma_semaphore, #tpu.memory_space<semaphore_mem>>
        %dma_start3A = arith.constant 0 : i32
        %dma_start3A_25 = tpu.memref_slice %arg12[%arg0, %dma_start3A] : memref<2x10240xf32, #tpu.memory_space<hbm>> -> memref<1x10240xf32, #tpu.memory_space<hbm>>
        %dma_start3A_26 = tpu.memref_squeeze %dma_start3A_25 : memref<1x10240xf32, #tpu.memory_space<hbm>> -> memref<10240xf32, #tpu.memory_space<hbm>>
        tpu.enqueue_dma source(%arg19 : memref<10240xf32, #tpu.memory_space<vmem_shared>>) target(%dma_start3A_26 : memref<10240xf32, #tpu.memory_space<hbm>>) target_semaphore(%run_scoped3A : memref<!tpu.dma_semaphore, #tpu.memory_space<semaphore_mem>>)
        %dma_wait3A = arith.constant 0 : i32
        %dma_wait3A_27 = tpu.memref_slice %arg12[%arg0, %dma_wait3A] : memref<2x10240xf32, #tpu.memory_space<hbm>> -> memref<1x10240xf32, #tpu.memory_space<hbm>>
        %dma_wait3A_28 = tpu.memref_squeeze %dma_wait3A_27 : memref<1x10240xf32, #tpu.memory_space<hbm>> -> memref<10240xf32, #tpu.memory_space<hbm>>
        tpu.wait_dma2 semaphore(%run_scoped3A : memref<!tpu.dma_semaphore, #tpu.memory_space<semaphore_mem>>) src(%arg19 : memref<10240xf32, #tpu.memory_space<vmem_shared>>) dst(%dma_wait3A_28 : memref<10240xf32, #tpu.memory_space<hbm>>)
        tpu.yield
      }) : () -> ()
    } else {
    }
    return
  }
}

#map = affine_map<(d0, d1) -> (0, 0, 0)>
#map1 = affine_map<(d0, d1) -> (0, 0)>
module attributes {stable_mosaic.version = 14 : i64} {
  func.func @k(%arg0: i32, %arg1: i32, %arg2: memref<2560x2x128xi32, #tpu.memory_space<hbm>>, %arg3: memref<10240x64xf32, #tpu.memory_space<hbm>>, %arg4: memref<10240x64xf32, #tpu.memory_space<hbm>>, %arg5: memref<10240x64xf32, #tpu.memory_space<hbm>>, %arg6: memref<2x10240x64xf32, #tpu.memory_space<hbm>>, %arg7: memref<20x2x128xi32, #tpu.memory_space<vmem>>, %arg8: memref<10240x64xf32, #tpu.memory_space<vmem_shared>>, %arg9: memref<10240x64xf32, #tpu.memory_space<vmem_shared>>, %arg10: memref<128x64xf32, #tpu.memory_space<vmem>>, %arg11: memref<128x64xf32, #tpu.memory_space<vmem>>, %arg12: memref<!tpu.dma_semaphore, #tpu.memory_space<semaphore_mem>>, %arg13: memref<!tpu.dma_semaphore, #tpu.memory_space<semaphore_mem>>, %arg14: memref<!tpu.dma_semaphore, #tpu.memory_space<semaphore_mem>>, %arg15: memref<!tpu.dma_semaphore, #tpu.memory_space<semaphore_mem>>) attributes {dimension_semantics = [#tpu.dimension_semantics<core_parallel>, #tpu.dimension_semantics<subcore_parallel>], iteration_bounds = array<i64: 2, 16>, scalar_prefetch = 0 : i64, scratch_operands = 9 : i64, tpu.core_type = #tpu.core_type<sc_vector_subcore>, window_params = [{transform_indices = #map}, {transform_indices = #map1}, {transform_indices = #map1}, {transform_indices = #map1}, {transform_indices = #map}]} {
    %mul3A = arith.constant 640 : i32
    %mul3A_0 = arith.muli %arg1, %mul3A : i32
    %scan3A = arith.constant 0 : i32
    %scan3A_1 = arith.constant 10 : i32
    %scan3A_2 = arith.addi %scan3A, %scan3A_1 : i32
    %scan3A_3 = arith.constant 1 : i32
    scf.for %scan3A_18 = %scan3A to %scan3A_2 step %scan3A_3  : i32 {
      %mul3A_19 = arith.constant 1 : i32
      %mul3A_20 = arith.muli %scan3A_18, %mul3A_19 : i32
      %add3A = arith.constant 0 : i32
      %add3A_21 = arith.addi %add3A, %mul3A_20 : i32
      %mul3A_22 = arith.constant 64 : i32
      %mul3A_23 = arith.muli %add3A_21, %mul3A_22 : i32
      %add3A_24 = arith.addi %mul3A_0, %mul3A_23 : i32
      "tpu.region"() ({
        %run_scoped3A = tpu.sem_alloc : memref<!tpu.dma_semaphore, #tpu.memory_space<semaphore_mem>>
        %dma_start3A = arith.constant 0 : i32
        %dma_start3A_25 = tpu.memref_slice %arg9[%add3A_24, %dma_start3A] : memref<10240x64xf32, #tpu.memory_space<vmem_shared>> -> memref<64x64xf32, #tpu.memory_space<vmem_shared>>
        %dma_start3A_26 = arith.constant 0 : i32
        %dma_start3A_27 = tpu.memref_slice %arg5[%add3A_24, %dma_start3A_26] : memref<10240x64xf32, #tpu.memory_space<hbm>> -> memref<64x64xf32, #tpu.memory_space<hbm>>
        tpu.enqueue_dma source(%dma_start3A_27 : memref<64x64xf32, #tpu.memory_space<hbm>>) target(%dma_start3A_25 : memref<64x64xf32, #tpu.memory_space<vmem_shared>>) target_semaphore(%run_scoped3A : memref<!tpu.dma_semaphore, #tpu.memory_space<semaphore_mem>>)
        %dma_wait3A = arith.constant 0 : i32
        %dma_wait3A_28 = tpu.memref_slice %arg9[%add3A_24, %dma_wait3A] : memref<10240x64xf32, #tpu.memory_space<vmem_shared>> -> memref<64x64xf32, #tpu.memory_space<vmem_shared>>
        %dma_wait3A_29 = arith.constant 0 : i32
        %dma_wait3A_30 = tpu.memref_slice %arg5[%add3A_24, %dma_wait3A_29] : memref<10240x64xf32, #tpu.memory_space<hbm>> -> memref<64x64xf32, #tpu.memory_space<hbm>>
        tpu.wait_dma2 semaphore(%run_scoped3A : memref<!tpu.dma_semaphore, #tpu.memory_space<semaphore_mem>>) src(%dma_wait3A_30 : memref<64x64xf32, #tpu.memory_space<hbm>>) dst(%dma_wait3A_28 : memref<64x64xf32, #tpu.memory_space<vmem_shared>>)
        tpu.yield
      }) : () -> ()
    }
    %scan3A_4 = arith.constant 10 : i32
    %eq3A = arith.constant 0 : i32
    %eq3A_5 = arith.cmpi eq, %arg0, %eq3A : i32
    %convert_element_type3A = arith.extui %eq3A_5 : i1 to i32
    %cond3A = arith.constant 0 : i32
    %cond3A_6 = arith.cmpi ne, %convert_element_type3A, %cond3A : i32
    scf.if %cond3A_6 {
      "tpu.region"() ({
        %run_scoped3A = tpu.sem_alloc : memref<!tpu.dma_semaphore, #tpu.memory_space<semaphore_mem>>
        %dma_start3A = arith.constant 0 : i32
        %dma_start3A_18 = tpu.memref_slice %arg8[%mul3A_0, %dma_start3A] : memref<10240x64xf32, #tpu.memory_space<vmem_shared>> -> memref<640x64xf32, #tpu.memory_space<vmem_shared>>
        %dma_start3A_19 = arith.constant 0 : i32
        %dma_start3A_20 = tpu.memref_slice %arg3[%mul3A_0, %dma_start3A_19] : memref<10240x64xf32, #tpu.memory_space<hbm>> -> memref<640x64xf32, #tpu.memory_space<hbm>>
        tpu.enqueue_dma source(%dma_start3A_20 : memref<640x64xf32, #tpu.memory_space<hbm>>) target(%dma_start3A_18 : memref<640x64xf32, #tpu.memory_space<vmem_shared>>) target_semaphore(%run_scoped3A : memref<!tpu.dma_semaphore, #tpu.memory_space<semaphore_mem>>)
        %dma_wait3A = arith.constant 0 : i32
        %dma_wait3A_21 = tpu.memref_slice %arg8[%mul3A_0, %dma_wait3A] : memref<10240x64xf32, #tpu.memory_space<vmem_shared>> -> memref<640x64xf32, #tpu.memory_space<vmem_shared>>
        %dma_wait3A_22 = arith.constant 0 : i32
        %dma_wait3A_23 = tpu.memref_slice %arg3[%mul3A_0, %dma_wait3A_22] : memref<10240x64xf32, #tpu.memory_space<hbm>> -> memref<640x64xf32, #tpu.memory_space<hbm>>
        tpu.wait_dma2 semaphore(%run_scoped3A : memref<!tpu.dma_semaphore, #tpu.memory_space<semaphore_mem>>) src(%dma_wait3A_23 : memref<640x64xf32, #tpu.memory_space<hbm>>) dst(%dma_wait3A_21 : memref<640x64xf32, #tpu.memory_space<vmem_shared>>)
        tpu.yield
      }) : () -> ()
    } else {
    }
    %eq3A_7 = arith.constant 1 : i32
    %eq3A_8 = arith.cmpi eq, %arg0, %eq3A_7 : i32
    %convert_element_type3A_9 = arith.extui %eq3A_8 : i1 to i32
    %cond3A_10 = arith.constant 0 : i32
    %cond3A_11 = arith.cmpi ne, %convert_element_type3A_9, %cond3A_10 : i32
    scf.if %cond3A_11 {
      "tpu.region"() ({
        %run_scoped3A = tpu.sem_alloc : memref<!tpu.dma_semaphore, #tpu.memory_space<semaphore_mem>>
        %dma_start3A = arith.constant 0 : i32
        %dma_start3A_18 = tpu.memref_slice %arg8[%mul3A_0, %dma_start3A] : memref<10240x64xf32, #tpu.memory_space<vmem_shared>> -> memref<640x64xf32, #tpu.memory_space<vmem_shared>>
        %dma_start3A_19 = arith.constant 0 : i32
        %dma_start3A_20 = tpu.memref_slice %arg4[%mul3A_0, %dma_start3A_19] : memref<10240x64xf32, #tpu.memory_space<hbm>> -> memref<640x64xf32, #tpu.memory_space<hbm>>
        tpu.enqueue_dma source(%dma_start3A_20 : memref<640x64xf32, #tpu.memory_space<hbm>>) target(%dma_start3A_18 : memref<640x64xf32, #tpu.memory_space<vmem_shared>>) target_semaphore(%run_scoped3A : memref<!tpu.dma_semaphore, #tpu.memory_space<semaphore_mem>>)
        %dma_wait3A = arith.constant 0 : i32
        %dma_wait3A_21 = tpu.memref_slice %arg8[%mul3A_0, %dma_wait3A] : memref<10240x64xf32, #tpu.memory_space<vmem_shared>> -> memref<640x64xf32, #tpu.memory_space<vmem_shared>>
        %dma_wait3A_22 = arith.constant 0 : i32
        %dma_wait3A_23 = tpu.memref_slice %arg4[%mul3A_0, %dma_wait3A_22] : memref<10240x64xf32, #tpu.memory_space<hbm>> -> memref<640x64xf32, #tpu.memory_space<hbm>>
        tpu.wait_dma2 semaphore(%run_scoped3A : memref<!tpu.dma_semaphore, #tpu.memory_space<semaphore_mem>>) src(%dma_wait3A_23 : memref<640x64xf32, #tpu.memory_space<hbm>>) dst(%dma_wait3A_21 : memref<640x64xf32, #tpu.memory_space<vmem_shared>>)
        tpu.yield
      }) : () -> ()
    } else {
    }
    %barrier3A = arith.constant 0 : index
    tpu.barrier barrier_id(%barrier3A)
    %scan3A_12 = arith.constant 0 : i32
    %scan3A_13 = arith.constant 8 : i32
    %scan3A_14 = arith.addi %scan3A_12, %scan3A_13 : i32
    %scan3A_15 = arith.constant 1 : i32
    scf.for %scan3A_18 = %scan3A_12 to %scan3A_14 step %scan3A_15  : i32 {
      %mul3A_19 = arith.constant 1 : i32
      %mul3A_20 = arith.muli %scan3A_18, %mul3A_19 : i32
      %add3A = arith.constant 0 : i32
      %add3A_21 = arith.addi %add3A, %mul3A_20 : i32
      %mul3A_22 = arith.constant 160 : i32
      %mul3A_23 = arith.muli %arg1, %mul3A_22 : i32
      %mul3A_24 = arith.constant 20 : i32
      %mul3A_25 = arith.muli %add3A_21, %mul3A_24 : i32
      %add3A_26 = arith.addi %mul3A_23, %mul3A_25 : i32
      "tpu.region"() ({
        %run_scoped3A = tpu.sem_alloc : memref<!tpu.dma_semaphore, #tpu.memory_space<semaphore_mem>>
        %dma_start3A_47 = arith.constant 0 : i32
        %dma_start3A_48 = arith.constant 0 : i32
        %dma_start3A_49 = tpu.memref_slice %arg2[%add3A_26, %dma_start3A_47, %dma_start3A_48] : memref<2560x2x128xi32, #tpu.memory_space<hbm>> -> memref<20x2x128xi32, #tpu.memory_space<hbm>>
        %dma_start3A_50 = arith.constant 0 : i32
        %dma_start3A_51 = arith.constant 0 : i32
        %dma_start3A_52 = tpu.memref_slice %arg2[%add3A_26, %dma_start3A_50, %dma_start3A_51] : memref<2560x2x128xi32, #tpu.memory_space<hbm>> -> memref<20x2x128xi32, #tpu.memory_space<hbm>>
        tpu.enqueue_dma source(%dma_start3A_52 : memref<20x2x128xi32, #tpu.memory_space<hbm>>) target(%arg7 : memref<20x2x128xi32, #tpu.memory_space<vmem>>) target_semaphore(%run_scoped3A : memref<!tpu.dma_semaphore, #tpu.memory_space<semaphore_mem>>)
        %dma_wait3A = arith.constant 0 : i32
        %dma_wait3A_53 = arith.constant 0 : i32
        %dma_wait3A_54 = tpu.memref_slice %arg2[%add3A_26, %dma_wait3A, %dma_wait3A_53] : memref<2560x2x128xi32, #tpu.memory_space<hbm>> -> memref<20x2x128xi32, #tpu.memory_space<hbm>>
        %dma_wait3A_55 = arith.constant 0 : i32
        %dma_wait3A_56 = arith.constant 0 : i32
        %dma_wait3A_57 = tpu.memref_slice %arg2[%add3A_26, %dma_wait3A_55, %dma_wait3A_56] : memref<2560x2x128xi32, #tpu.memory_space<hbm>> -> memref<20x2x128xi32, #tpu.memory_space<hbm>>
        tpu.wait_dma2 semaphore(%run_scoped3A : memref<!tpu.dma_semaphore, #tpu.memory_space<semaphore_mem>>) src(%dma_wait3A_57 : memref<20x2x128xi32, #tpu.memory_space<hbm>>) dst(%arg7 : memref<20x2x128xi32, #tpu.memory_space<vmem>>)
        tpu.yield
      }) : () -> ()
      %dma_start3A = arith.constant 0 : i32
      %dma_start3A_27 = arith.constant 0 : i32
      %dma_start3A_28 = arith.constant 0 : i32
      %dma_start3A_29 = tpu.memref_slice %arg7[%dma_start3A, %dma_start3A_27, %dma_start3A_28] : memref<20x2x128xi32, #tpu.memory_space<vmem>> -> memref<1x1x128xi32, #tpu.memory_space<vmem>>
      %dma_start3A_30 = tpu.memref_squeeze %dma_start3A_29 : memref<1x1x128xi32, #tpu.memory_space<vmem>> -> memref<128xi32, #tpu.memory_space<vmem>>
      %dma_start3A_31 = arith.constant 0 : i32
      %dma_start3A_32 = arith.constant 0 : i32
      %dma_start3A_33 = tpu.memref_slice %arg8[%dma_start3A_31, %dma_start3A_32] : memref<10240x64xf32, #tpu.memory_space<vmem_shared>> -> memref<10240x64xf32, #tpu.memory_space<vmem_shared>>
      tpu.enqueue_indirect_dma source(%dma_start3A_33 : memref<10240x64xf32, #tpu.memory_space<vmem_shared>>) target(%arg10 : memref<128x64xf32, #tpu.memory_space<vmem>>) offsets(%dma_start3A_30 : memref<128xi32, #tpu.memory_space<vmem>>) semaphore(%arg12 : memref<!tpu.dma_semaphore, #tpu.memory_space<semaphore_mem>>)
      %dma_start3A_34 = arith.constant 1 : i32
      %dma_start3A_35 = arith.constant 0 : i32
      %dma_start3A_36 = arith.constant 0 : i32
      %dma_start3A_37 = tpu.memref_slice %arg7[%dma_start3A_34, %dma_start3A_35, %dma_start3A_36] : memref<20x2x128xi32, #tpu.memory_space<vmem>> -> memref<1x1x128xi32, #tpu.memory_space<vmem>>
      %dma_start3A_38 = tpu.memref_squeeze %dma_start3A_37 : memref<1x1x128xi32, #tpu.memory_space<vmem>> -> memref<128xi32, #tpu.memory_space<vmem>>
      %dma_start3A_39 = arith.constant 0 : i32
      %dma_start3A_40 = arith.constant 0 : i32
      %dma_start3A_41 = tpu.memref_slice %arg8[%dma_start3A_39, %dma_start3A_40] : memref<10240x64xf32, #tpu.memory_space<vmem_shared>> -> memref<10240x64xf32, #tpu.memory_space<vmem_shared>>
      tpu.enqueue_indirect_dma source(%dma_start3A_41 : memref<10240x64xf32, #tpu.memory_space<vmem_shared>>) target(%arg11 : memref<128x64xf32, #tpu.memory_space<vmem>>) offsets(%dma_start3A_38 : memref<128xi32, #tpu.memory_space<vmem>>) semaphore(%arg13 : memref<!tpu.dma_semaphore, #tpu.memory_space<semaphore_mem>>)
      %scan3A_42 = arith.constant 0 : i32
      %scan3A_43 = arith.constant 10 : i32
      %scan3A_44 = arith.addi %scan3A_42, %scan3A_43 : i32
      %scan3A_45 = arith.constant 1 : i32
      scf.for %scan3A_47 = %scan3A_42 to %scan3A_44 step %scan3A_45  : i32 {
        %mul3A_48 = arith.constant 2 : i32
        %mul3A_49 = arith.muli %scan3A_47, %mul3A_48 : i32
        %add3A_50 = arith.constant 0 : i32
        %add3A_51 = arith.addi %add3A_50, %mul3A_49 : i32
        %add3A_52 = arith.constant 0 : i32
        %add3A_53 = arith.addi %add3A_51, %add3A_52 : i32
        %dma_wait3A = arith.constant 0 : i32
        %dma_wait3A_54 = arith.constant 0 : i32
        %dma_wait3A_55 = tpu.memref_slice %arg7[%add3A_53, %dma_wait3A, %dma_wait3A_54] : memref<20x2x128xi32, #tpu.memory_space<vmem>> -> memref<1x1x128xi32, #tpu.memory_space<vmem>>
        %dma_wait3A_56 = tpu.memref_squeeze %dma_wait3A_55 : memref<1x1x128xi32, #tpu.memory_space<vmem>> -> memref<128xi32, #tpu.memory_space<vmem>>
        %dma_wait3A_57 = arith.constant 0 : i32
        %dma_wait3A_58 = arith.constant 0 : i32
        %dma_wait3A_59 = tpu.memref_slice %arg8[%dma_wait3A_57, %dma_wait3A_58] : memref<10240x64xf32, #tpu.memory_space<vmem_shared>> -> memref<10240x64xf32, #tpu.memory_space<vmem_shared>>
        tpu.wait_indirect_dma semaphore(%arg12 : memref<!tpu.dma_semaphore, #tpu.memory_space<semaphore_mem>>) src(%dma_wait3A_59 : memref<10240x64xf32, #tpu.memory_space<vmem_shared>>) dst(%arg10 : memref<128x64xf32, #tpu.memory_space<vmem>>)
        %add3A_60 = arith.constant 0 : i32
        %add3A_61 = arith.addi %add3A_51, %add3A_60 : i32
        %dma_start3A_62 = arith.constant 1 : i32
        %dma_start3A_63 = arith.constant 0 : i32
        %dma_start3A_64 = tpu.memref_slice %arg7[%add3A_61, %dma_start3A_62, %dma_start3A_63] : memref<20x2x128xi32, #tpu.memory_space<vmem>> -> memref<1x1x128xi32, #tpu.memory_space<vmem>>
        %dma_start3A_65 = tpu.memref_squeeze %dma_start3A_64 : memref<1x1x128xi32, #tpu.memory_space<vmem>> -> memref<128xi32, #tpu.memory_space<vmem>>
        %dma_start3A_66 = arith.constant 0 : i32
        %dma_start3A_67 = arith.constant 0 : i32
        %dma_start3A_68 = tpu.memref_slice %arg9[%dma_start3A_66, %dma_start3A_67] : memref<10240x64xf32, #tpu.memory_space<vmem_shared>> -> memref<10240x64xf32, #tpu.memory_space<vmem_shared>>
        tpu.enqueue_indirect_dma source(%arg10 : memref<128x64xf32, #tpu.memory_space<vmem>>) target(%dma_start3A_68 : memref<10240x64xf32, #tpu.memory_space<vmem_shared>>) offsets(%dma_start3A_65 : memref<128xi32, #tpu.memory_space<vmem>>) semaphore(%arg14 : memref<!tpu.dma_semaphore, #tpu.memory_space<semaphore_mem>>) {add = true}
        %add3A_69 = arith.constant 1 : i32
        %add3A_70 = arith.addi %add3A_51, %add3A_69 : i32
        %dma_wait3A_71 = arith.constant 0 : i32
        %dma_wait3A_72 = arith.constant 0 : i32
        %dma_wait3A_73 = tpu.memref_slice %arg7[%add3A_70, %dma_wait3A_71, %dma_wait3A_72] : memref<20x2x128xi32, #tpu.memory_space<vmem>> -> memref<1x1x128xi32, #tpu.memory_space<vmem>>
        %dma_wait3A_74 = tpu.memref_squeeze %dma_wait3A_73 : memref<1x1x128xi32, #tpu.memory_space<vmem>> -> memref<128xi32, #tpu.memory_space<vmem>>
        %dma_wait3A_75 = arith.constant 0 : i32
        %dma_wait3A_76 = arith.constant 0 : i32
        %dma_wait3A_77 = tpu.memref_slice %arg8[%dma_wait3A_75, %dma_wait3A_76] : memref<10240x64xf32, #tpu.memory_space<vmem_shared>> -> memref<10240x64xf32, #tpu.memory_space<vmem_shared>>
        tpu.wait_indirect_dma semaphore(%arg13 : memref<!tpu.dma_semaphore, #tpu.memory_space<semaphore_mem>>) src(%dma_wait3A_77 : memref<10240x64xf32, #tpu.memory_space<vmem_shared>>) dst(%arg11 : memref<128x64xf32, #tpu.memory_space<vmem>>)
        %add3A_78 = arith.constant 1 : i32
        %add3A_79 = arith.addi %add3A_51, %add3A_78 : i32
        %dma_start3A_80 = arith.constant 1 : i32
        %dma_start3A_81 = arith.constant 0 : i32
        %dma_start3A_82 = tpu.memref_slice %arg7[%add3A_79, %dma_start3A_80, %dma_start3A_81] : memref<20x2x128xi32, #tpu.memory_space<vmem>> -> memref<1x1x128xi32, #tpu.memory_space<vmem>>
        %dma_start3A_83 = tpu.memref_squeeze %dma_start3A_82 : memref<1x1x128xi32, #tpu.memory_space<vmem>> -> memref<128xi32, #tpu.memory_space<vmem>>
        %dma_start3A_84 = arith.constant 0 : i32
        %dma_start3A_85 = arith.constant 0 : i32
        %dma_start3A_86 = tpu.memref_slice %arg9[%dma_start3A_84, %dma_start3A_85] : memref<10240x64xf32, #tpu.memory_space<vmem_shared>> -> memref<10240x64xf32, #tpu.memory_space<vmem_shared>>
        tpu.enqueue_indirect_dma source(%arg11 : memref<128x64xf32, #tpu.memory_space<vmem>>) target(%dma_start3A_86 : memref<10240x64xf32, #tpu.memory_space<vmem_shared>>) offsets(%dma_start3A_83 : memref<128xi32, #tpu.memory_space<vmem>>) semaphore(%arg15 : memref<!tpu.dma_semaphore, #tpu.memory_space<semaphore_mem>>) {add = true}
        %add3A_87 = arith.constant 0 : i32
        %add3A_88 = arith.addi %add3A_51, %add3A_87 : i32
        %dma_wait3A_89 = arith.constant 1 : i32
        %dma_wait3A_90 = arith.constant 0 : i32
        %dma_wait3A_91 = tpu.memref_slice %arg7[%add3A_88, %dma_wait3A_89, %dma_wait3A_90] : memref<20x2x128xi32, #tpu.memory_space<vmem>> -> memref<1x1x128xi32, #tpu.memory_space<vmem>>
        %dma_wait3A_92 = tpu.memref_squeeze %dma_wait3A_91 : memref<1x1x128xi32, #tpu.memory_space<vmem>> -> memref<128xi32, #tpu.memory_space<vmem>>
        %dma_wait3A_93 = arith.constant 0 : i32
        %dma_wait3A_94 = arith.constant 0 : i32
        %dma_wait3A_95 = tpu.memref_slice %arg9[%dma_wait3A_93, %dma_wait3A_94] : memref<10240x64xf32, #tpu.memory_space<vmem_shared>> -> memref<10240x64xf32, #tpu.memory_space<vmem_shared>>
        tpu.wait_indirect_dma semaphore(%arg14 : memref<!tpu.dma_semaphore, #tpu.memory_space<semaphore_mem>>) src(%arg10 : memref<128x64xf32, #tpu.memory_space<vmem>>) dst(%dma_wait3A_95 : memref<10240x64xf32, #tpu.memory_space<vmem_shared>>)
        %add3A_96 = arith.constant 2 : i32
        %add3A_97 = arith.addi %add3A_51, %add3A_96 : i32
        %add3A_98 = arith.constant 0 : i32
        %add3A_99 = arith.addi %add3A_97, %add3A_98 : i32
        %lt3A = arith.constant 20 : i32
        %lt3A_100 = arith.cmpi slt, %add3A_99, %lt3A : i32
        %convert_element_type3A_101 = arith.extui %lt3A_100 : i1 to i32
        %cond3A_102 = arith.constant 0 : i32
        %cond3A_103 = arith.cmpi ne, %convert_element_type3A_101, %cond3A_102 : i32
        scf.if %cond3A_103 {
          %add3A_122 = arith.constant 2 : i32
          %add3A_123 = arith.addi %add3A_51, %add3A_122 : i32
          %add3A_124 = arith.constant 0 : i32
          %add3A_125 = arith.addi %add3A_123, %add3A_124 : i32
          %dma_start3A_126 = arith.constant 0 : i32
          %dma_start3A_127 = arith.constant 0 : i32
          %dma_start3A_128 = tpu.memref_slice %arg7[%add3A_125, %dma_start3A_126, %dma_start3A_127] : memref<20x2x128xi32, #tpu.memory_space<vmem>> -> memref<1x1x128xi32, #tpu.memory_space<vmem>>
          %dma_start3A_129 = tpu.memref_squeeze %dma_start3A_128 : memref<1x1x128xi32, #tpu.memory_space<vmem>> -> memref<128xi32, #tpu.memory_space<vmem>>
          %dma_start3A_130 = arith.constant 0 : i32
          %dma_start3A_131 = arith.constant 0 : i32
          %dma_start3A_132 = tpu.memref_slice %arg8[%dma_start3A_130, %dma_start3A_131] : memref<10240x64xf32, #tpu.memory_space<vmem_shared>> -> memref<10240x64xf32, #tpu.memory_space<vmem_shared>>
          tpu.enqueue_indirect_dma source(%dma_start3A_132 : memref<10240x64xf32, #tpu.memory_space<vmem_shared>>) target(%arg10 : memref<128x64xf32, #tpu.memory_space<vmem>>) offsets(%dma_start3A_129 : memref<128xi32, #tpu.memory_space<vmem>>) semaphore(%arg12 : memref<!tpu.dma_semaphore, #tpu.memory_space<semaphore_mem>>)
        } else {
        }
        %add3A_104 = arith.constant 1 : i32
        %add3A_105 = arith.addi %add3A_51, %add3A_104 : i32
        %dma_wait3A_106 = arith.constant 1 : i32
        %dma_wait3A_107 = arith.constant 0 : i32
        %dma_wait3A_108 = tpu.memref_slice %arg7[%add3A_105, %dma_wait3A_106, %dma_wait3A_107] : memref<20x2x128xi32, #tpu.memory_space<vmem>> -> memref<1x1x128xi32, #tpu.memory_space<vmem>>
        %dma_wait3A_109 = tpu.memref_squeeze %dma_wait3A_108 : memref<1x1x128xi32, #tpu.memory_space<vmem>> -> memref<128xi32, #tpu.memory_space<vmem>>
        %dma_wait3A_110 = arith.constant 0 : i32
        %dma_wait3A_111 = arith.constant 0 : i32
        %dma_wait3A_112 = tpu.memref_slice %arg9[%dma_wait3A_110, %dma_wait3A_111] : memref<10240x64xf32, #tpu.memory_space<vmem_shared>> -> memref<10240x64xf32, #tpu.memory_space<vmem_shared>>
        tpu.wait_indirect_dma semaphore(%arg15 : memref<!tpu.dma_semaphore, #tpu.memory_space<semaphore_mem>>) src(%arg11 : memref<128x64xf32, #tpu.memory_space<vmem>>) dst(%dma_wait3A_112 : memref<10240x64xf32, #tpu.memory_space<vmem_shared>>)
        %add3A_113 = arith.constant 2 : i32
        %add3A_114 = arith.addi %add3A_51, %add3A_113 : i32
        %add3A_115 = arith.constant 1 : i32
        %add3A_116 = arith.addi %add3A_114, %add3A_115 : i32
        %lt3A_117 = arith.constant 20 : i32
        %lt3A_118 = arith.cmpi slt, %add3A_116, %lt3A_117 : i32
        %convert_element_type3A_119 = arith.extui %lt3A_118 : i1 to i32
        %cond3A_120 = arith.constant 0 : i32
        %cond3A_121 = arith.cmpi ne, %convert_element_type3A_119, %cond3A_120 : i32
        scf.if %cond3A_121 {
          %add3A_122 = arith.constant 2 : i32
          %add3A_123 = arith.addi %add3A_51, %add3A_122 : i32
          %add3A_124 = arith.constant 1 : i32
          %add3A_125 = arith.addi %add3A_123, %add3A_124 : i32
          %dma_start3A_126 = arith.constant 0 : i32
          %dma_start3A_127 = arith.constant 0 : i32
          %dma_start3A_128 = tpu.memref_slice %arg7[%add3A_125, %dma_start3A_126, %dma_start3A_127] : memref<20x2x128xi32, #tpu.memory_space<vmem>> -> memref<1x1x128xi32, #tpu.memory_space<vmem>>
          %dma_start3A_129 = tpu.memref_squeeze %dma_start3A_128 : memref<1x1x128xi32, #tpu.memory_space<vmem>> -> memref<128xi32, #tpu.memory_space<vmem>>
          %dma_start3A_130 = arith.constant 0 : i32
          %dma_start3A_131 = arith.constant 0 : i32
          %dma_start3A_132 = tpu.memref_slice %arg8[%dma_start3A_130, %dma_start3A_131] : memref<10240x64xf32, #tpu.memory_space<vmem_shared>> -> memref<10240x64xf32, #tpu.memory_space<vmem_shared>>
          tpu.enqueue_indirect_dma source(%dma_start3A_132 : memref<10240x64xf32, #tpu.memory_space<vmem_shared>>) target(%arg11 : memref<128x64xf32, #tpu.memory_space<vmem>>) offsets(%dma_start3A_129 : memref<128xi32, #tpu.memory_space<vmem>>) semaphore(%arg13 : memref<!tpu.dma_semaphore, #tpu.memory_space<semaphore_mem>>)
        } else {
        }
      }
      %scan3A_46 = arith.constant 10 : i32
    }
    %scan3A_16 = arith.constant 8 : i32
    %barrier3A_17 = arith.constant 0 : index
    tpu.barrier barrier_id(%barrier3A_17)
    "tpu.region"() ({
      %run_scoped3A = tpu.sem_alloc : memref<!tpu.dma_semaphore, #tpu.memory_space<semaphore_mem>>
      %dma_start3A = arith.constant 0 : i32
      %dma_start3A_18 = tpu.memref_slice %arg6[%arg0, %mul3A_0, %dma_start3A] : memref<2x10240x64xf32, #tpu.memory_space<hbm>> -> memref<1x640x64xf32, #tpu.memory_space<hbm>>
      %dma_start3A_19 = tpu.memref_squeeze %dma_start3A_18 : memref<1x640x64xf32, #tpu.memory_space<hbm>> -> memref<640x64xf32, #tpu.memory_space<hbm>>
      %dma_start3A_20 = arith.constant 0 : i32
      %dma_start3A_21 = tpu.memref_slice %arg9[%mul3A_0, %dma_start3A_20] : memref<10240x64xf32, #tpu.memory_space<vmem_shared>> -> memref<640x64xf32, #tpu.memory_space<vmem_shared>>
      tpu.enqueue_dma source(%dma_start3A_21 : memref<640x64xf32, #tpu.memory_space<vmem_shared>>) target(%dma_start3A_19 : memref<640x64xf32, #tpu.memory_space<hbm>>) target_semaphore(%run_scoped3A : memref<!tpu.dma_semaphore, #tpu.memory_space<semaphore_mem>>)
      %dma_wait3A = arith.constant 0 : i32
      %dma_wait3A_22 = tpu.memref_slice %arg6[%arg0, %mul3A_0, %dma_wait3A] : memref<2x10240x64xf32, #tpu.memory_space<hbm>> -> memref<1x640x64xf32, #tpu.memory_space<hbm>>
      %dma_wait3A_23 = tpu.memref_squeeze %dma_wait3A_22 : memref<1x640x64xf32, #tpu.memory_space<hbm>> -> memref<640x64xf32, #tpu.memory_space<hbm>>
      %dma_wait3A_24 = arith.constant 0 : i32
      %dma_wait3A_25 = tpu.memref_slice %arg9[%mul3A_0, %dma_wait3A_24] : memref<10240x64xf32, #tpu.memory_space<vmem_shared>> -> memref<640x64xf32, #tpu.memory_space<vmem_shared>>
      tpu.wait_dma2 semaphore(%run_scoped3A : memref<!tpu.dma_semaphore, #tpu.memory_space<semaphore_mem>>) src(%dma_wait3A_25 : memref<640x64xf32, #tpu.memory_space<vmem_shared>>) dst(%dma_wait3A_23 : memref<640x64xf32, #tpu.memory_space<hbm>>)
      tpu.yield
    }) : () -> ()
    return
  }
}

#map = affine_map<(d0, d1) -> (0, 0)>
#map1 = affine_map<(d0, d1) -> (0)>
#map2 = affine_map<(d0, d1) -> (0, 0, 0)>
module attributes {stable_mosaic.version = 14 : i64} {
  func.func @k(%arg0: i32, %arg1: i32, %arg2: memref<10240x128xf32, #tpu.memory_space<hbm>>, %arg3: memref<12288xi32, #tpu.memory_space<hbm>>, %arg4: memref<10240x128xf32, #tpu.memory_space<hbm>>, %arg5: memref<2x10240x128xf32, #tpu.memory_space<hbm>>, %arg6: memref<64xi32, #tpu.memory_space<vmem>>, %arg7: memref<64x128xf32, #tpu.memory_space<vmem>>, %arg8: memref<10240x128xf32, #tpu.memory_space<vmem_shared>>) attributes {dimension_semantics = [#tpu.dimension_semantics<core_parallel>, #tpu.dimension_semantics<subcore_parallel>], iteration_bounds = array<i64: 2, 16>, scalar_prefetch = 0 : i64, scratch_operands = 3 : i64, tpu.core_type = #tpu.core_type<sc_vector_subcore>, window_params = [{transform_indices = #map}, {transform_indices = #map1}, {transform_indices = #map}, {transform_indices = #map2}]} {
    %mul3A = arith.constant 2 : i32
    %mul3A_0 = arith.muli %arg1, %mul3A : i32
    %add3A = arith.addi %mul3A_0, %arg0 : i32
    %scan3A = arith.constant 0 : i32
    %scan3A_1 = arith.constant 10 : i32
    %scan3A_2 = arith.addi %scan3A, %scan3A_1 : i32
    %scan3A_3 = arith.constant 1 : i32
    scf.for %scan3A_15 = %scan3A to %scan3A_2 step %scan3A_3  : i32 {
      %mul3A_16 = arith.constant 1 : i32
      %mul3A_17 = arith.muli %scan3A_15, %mul3A_16 : i32
      %add3A_18 = arith.constant 0 : i32
      %add3A_19 = arith.addi %add3A_18, %mul3A_17 : i32
      %mul3A_20 = arith.constant 640 : i32
      %mul3A_21 = arith.muli %arg1, %mul3A_20 : i32
      %mul3A_22 = arith.constant 64 : i32
      %mul3A_23 = arith.muli %add3A_19, %mul3A_22 : i32
      %add3A_24 = arith.addi %mul3A_21, %mul3A_23 : i32
      "tpu.region"() ({
        %run_scoped3A = tpu.sem_alloc : memref<!tpu.dma_semaphore, #tpu.memory_space<semaphore_mem>>
        %dma_start3A = arith.constant 0 : i32
        %dma_start3A_25 = tpu.memref_slice %arg8[%add3A_24, %dma_start3A] : memref<10240x128xf32, #tpu.memory_space<vmem_shared>> -> memref<64x128xf32, #tpu.memory_space<vmem_shared>>
        %dma_start3A_26 = arith.constant 0 : i32
        %dma_start3A_27 = tpu.memref_slice %arg4[%add3A_24, %dma_start3A_26] : memref<10240x128xf32, #tpu.memory_space<hbm>> -> memref<64x128xf32, #tpu.memory_space<hbm>>
        tpu.enqueue_dma source(%dma_start3A_27 : memref<64x128xf32, #tpu.memory_space<hbm>>) target(%dma_start3A_25 : memref<64x128xf32, #tpu.memory_space<vmem_shared>>) target_semaphore(%run_scoped3A : memref<!tpu.dma_semaphore, #tpu.memory_space<semaphore_mem>>)
        %dma_wait3A = arith.constant 0 : i32
        %dma_wait3A_28 = tpu.memref_slice %arg8[%add3A_24, %dma_wait3A] : memref<10240x128xf32, #tpu.memory_space<vmem_shared>> -> memref<64x128xf32, #tpu.memory_space<vmem_shared>>
        %dma_wait3A_29 = arith.constant 0 : i32
        %dma_wait3A_30 = tpu.memref_slice %arg4[%add3A_24, %dma_wait3A_29] : memref<10240x128xf32, #tpu.memory_space<hbm>> -> memref<64x128xf32, #tpu.memory_space<hbm>>
        tpu.wait_dma2 semaphore(%run_scoped3A : memref<!tpu.dma_semaphore, #tpu.memory_space<semaphore_mem>>) src(%dma_wait3A_30 : memref<64x128xf32, #tpu.memory_space<hbm>>) dst(%dma_wait3A_28 : memref<64x128xf32, #tpu.memory_space<vmem_shared>>)
        tpu.yield
      }) : () -> ()
    }
    %scan3A_4 = arith.constant 10 : i32
    %barrier3A = arith.constant 0 : index
    tpu.barrier barrier_id(%barrier3A)
    %scan3A_5 = arith.constant 0 : i32
    %scan3A_6 = arith.constant 5 : i32
    %scan3A_7 = arith.addi %scan3A_5, %scan3A_6 : i32
    %scan3A_8 = arith.constant 1 : i32
    scf.for %scan3A_15 = %scan3A_5 to %scan3A_7 step %scan3A_8  : i32 {
      %mul3A_16 = arith.constant 1 : i32
      %mul3A_17 = arith.muli %scan3A_15, %mul3A_16 : i32
      %add3A_18 = arith.constant 0 : i32
      %add3A_19 = arith.addi %add3A_18, %mul3A_17 : i32
      %mul3A_20 = arith.constant 320 : i32
      %mul3A_21 = arith.muli %add3A, %mul3A_20 : i32
      %mul3A_22 = arith.constant 64 : i32
      %mul3A_23 = arith.muli %add3A_19, %mul3A_22 : i32
      %add3A_24 = arith.addi %mul3A_21, %mul3A_23 : i32
      "tpu.region"() ({
        %run_scoped3A = tpu.sem_alloc : memref<!tpu.dma_semaphore, #tpu.memory_space<semaphore_mem>>
        %dma_start3A = arith.constant 0 : i32
        %dma_start3A_25 = tpu.memref_slice %arg2[%add3A_24, %dma_start3A] : memref<10240x128xf32, #tpu.memory_space<hbm>> -> memref<64x128xf32, #tpu.memory_space<hbm>>
        %dma_start3A_26 = arith.constant 0 : i32
        %dma_start3A_27 = tpu.memref_slice %arg2[%add3A_24, %dma_start3A_26] : memref<10240x128xf32, #tpu.memory_space<hbm>> -> memref<64x128xf32, #tpu.memory_space<hbm>>
        tpu.enqueue_dma source(%dma_start3A_27 : memref<64x128xf32, #tpu.memory_space<hbm>>) target(%arg7 : memref<64x128xf32, #tpu.memory_space<vmem>>) target_semaphore(%run_scoped3A : memref<!tpu.dma_semaphore, #tpu.memory_space<semaphore_mem>>)
        %dma_wait3A = arith.constant 0 : i32
        %dma_wait3A_28 = tpu.memref_slice %arg2[%add3A_24, %dma_wait3A] : memref<10240x128xf32, #tpu.memory_space<hbm>> -> memref<64x128xf32, #tpu.memory_space<hbm>>
        %dma_wait3A_29 = arith.constant 0 : i32
        %dma_wait3A_30 = tpu.memref_slice %arg2[%add3A_24, %dma_wait3A_29] : memref<10240x128xf32, #tpu.memory_space<hbm>> -> memref<64x128xf32, #tpu.memory_space<hbm>>
        tpu.wait_dma2 semaphore(%run_scoped3A : memref<!tpu.dma_semaphore, #tpu.memory_space<semaphore_mem>>) src(%dma_wait3A_30 : memref<64x128xf32, #tpu.memory_space<hbm>>) dst(%arg7 : memref<64x128xf32, #tpu.memory_space<vmem>>)
        tpu.yield
      }) : () -> ()
      "tpu.region"() ({
        %run_scoped3A = tpu.sem_alloc : memref<!tpu.dma_semaphore, #tpu.memory_space<semaphore_mem>>
        %dma_start3A = tpu.memref_slice %arg3[%add3A_24] : memref<12288xi32, #tpu.memory_space<hbm>> -> memref<64xi32, #tpu.memory_space<hbm>>
        %dma_start3A_25 = tpu.memref_slice %arg3[%add3A_24] : memref<12288xi32, #tpu.memory_space<hbm>> -> memref<64xi32, #tpu.memory_space<hbm>>
        tpu.enqueue_dma source(%dma_start3A_25 : memref<64xi32, #tpu.memory_space<hbm>>) target(%arg6 : memref<64xi32, #tpu.memory_space<vmem>>) target_semaphore(%run_scoped3A : memref<!tpu.dma_semaphore, #tpu.memory_space<semaphore_mem>>)
        %dma_wait3A = tpu.memref_slice %arg3[%add3A_24] : memref<12288xi32, #tpu.memory_space<hbm>> -> memref<64xi32, #tpu.memory_space<hbm>>
        %dma_wait3A_26 = tpu.memref_slice %arg3[%add3A_24] : memref<12288xi32, #tpu.memory_space<hbm>> -> memref<64xi32, #tpu.memory_space<hbm>>
        tpu.wait_dma2 semaphore(%run_scoped3A : memref<!tpu.dma_semaphore, #tpu.memory_space<semaphore_mem>>) src(%dma_wait3A_26 : memref<64xi32, #tpu.memory_space<hbm>>) dst(%arg6 : memref<64xi32, #tpu.memory_space<vmem>>)
        tpu.yield
      }) : () -> ()
      "tpu.region"() ({
        %run_scoped3A = tpu.sem_alloc : memref<!tpu.dma_semaphore, #tpu.memory_space<semaphore_mem>>
        %dma_start3A = arith.constant 0 : i32
        %dma_start3A_25 = arith.constant 0 : i32
        %dma_start3A_26 = tpu.memref_slice %arg8[%dma_start3A, %dma_start3A_25] : memref<10240x128xf32, #tpu.memory_space<vmem_shared>> -> memref<10240x128xf32, #tpu.memory_space<vmem_shared>>
        tpu.enqueue_indirect_dma source(%arg7 : memref<64x128xf32, #tpu.memory_space<vmem>>) target(%dma_start3A_26 : memref<10240x128xf32, #tpu.memory_space<vmem_shared>>) offsets(%arg6 : memref<64xi32, #tpu.memory_space<vmem>>) semaphore(%run_scoped3A : memref<!tpu.dma_semaphore, #tpu.memory_space<semaphore_mem>>) {add = true}
        %dma_wait3A = arith.constant 0 : i32
        %dma_wait3A_27 = arith.constant 0 : i32
        %dma_wait3A_28 = tpu.memref_slice %arg8[%dma_wait3A, %dma_wait3A_27] : memref<10240x128xf32, #tpu.memory_space<vmem_shared>> -> memref<10240x128xf32, #tpu.memory_space<vmem_shared>>
        tpu.wait_indirect_dma semaphore(%run_scoped3A : memref<!tpu.dma_semaphore, #tpu.memory_space<semaphore_mem>>) src(%arg7 : memref<64x128xf32, #tpu.memory_space<vmem>>) dst(%dma_wait3A_28 : memref<10240x128xf32, #tpu.memory_space<vmem_shared>>)
        tpu.yield
      }) : () -> ()
    }
    %scan3A_9 = arith.constant 5 : i32
    %barrier3A_10 = arith.constant 0 : index
    tpu.barrier barrier_id(%barrier3A_10)
    %mul3A_11 = arith.constant 640 : i32
    %mul3A_12 = arith.muli %arg1, %mul3A_11 : i32
    %mul3A_13 = arith.constant 640 : i32
    %mul3A_14 = arith.muli %arg1, %mul3A_13 : i32
    "tpu.region"() ({
      %run_scoped3A = tpu.sem_alloc : memref<!tpu.dma_semaphore, #tpu.memory_space<semaphore_mem>>
      %dma_start3A = arith.constant 0 : i32
      %dma_start3A_15 = tpu.memref_slice %arg5[%arg0, %mul3A_14, %dma_start3A] : memref<2x10240x128xf32, #tpu.memory_space<hbm>> -> memref<1x640x128xf32, #tpu.memory_space<hbm>>
      %dma_start3A_16 = tpu.memref_squeeze %dma_start3A_15 : memref<1x640x128xf32, #tpu.memory_space<hbm>> -> memref<640x128xf32, #tpu.memory_space<hbm>>
      %dma_start3A_17 = arith.constant 0 : i32
      %dma_start3A_18 = tpu.memref_slice %arg8[%mul3A_12, %dma_start3A_17] : memref<10240x128xf32, #tpu.memory_space<vmem_shared>> -> memref<640x128xf32, #tpu.memory_space<vmem_shared>>
      tpu.enqueue_dma source(%dma_start3A_18 : memref<640x128xf32, #tpu.memory_space<vmem_shared>>) target(%dma_start3A_16 : memref<640x128xf32, #tpu.memory_space<hbm>>) target_semaphore(%run_scoped3A : memref<!tpu.dma_semaphore, #tpu.memory_space<semaphore_mem>>)
      %dma_wait3A = arith.constant 0 : i32
      %dma_wait3A_19 = tpu.memref_slice %arg5[%arg0, %mul3A_14, %dma_wait3A] : memref<2x10240x128xf32, #tpu.memory_space<hbm>> -> memref<1x640x128xf32, #tpu.memory_space<hbm>>
      %dma_wait3A_20 = tpu.memref_squeeze %dma_wait3A_19 : memref<1x640x128xf32, #tpu.memory_space<hbm>> -> memref<640x128xf32, #tpu.memory_space<hbm>>
      %dma_wait3A_21 = arith.constant 0 : i32
      %dma_wait3A_22 = tpu.memref_slice %arg8[%mul3A_12, %dma_wait3A_21] : memref<10240x128xf32, #tpu.memory_space<vmem_shared>> -> memref<640x128xf32, #tpu.memory_space<vmem_shared>>
      tpu.wait_dma2 semaphore(%run_scoped3A : memref<!tpu.dma_semaphore, #tpu.memory_space<semaphore_mem>>) src(%dma_wait3A_22 : memref<640x128xf32, #tpu.memory_space<vmem_shared>>) dst(%dma_wait3A_20 : memref<640x128xf32, #tpu.memory_space<hbm>>)
      tpu.yield
    }) : () -> ()
    return
  }
}

module attributes {stable_mosaic.version = 14 : i64} {
  func.func @_b_body(%arg0: i32, %arg1: memref<2048x128xf32, #tpu.memory_space<vmem>>, %arg2: memref<2048x1xf32, #tpu.memory_space<vmem>>, %arg3: memref<2048x1xf32, #tpu.memory_space<vmem>>, %arg4: memref<2048x1xf32, #tpu.memory_space<vmem>>, %arg5: memref<2048x1xf32, #tpu.memory_space<vmem>>, %arg6: memref<2048x64xf32, #tpu.memory_space<vmem>>, %arg7: memref<2048x64xf32, #tpu.memory_space<vmem>>, %arg8: memref<2048x1xf32, #tpu.memory_space<vmem>>, %arg9: memref<2048x1xf32, #tpu.memory_space<vmem>>) attributes {dimension_semantics = [#tpu.dimension_semantics<arbitrary>], iteration_bounds = array<i64: 5>, scalar_prefetch = 0 : i64, scratch_operands = 0 : i64, tpu.core_type = #tpu.core_type<tc>, window_params = [{transform_indices = @transform_0, window_bounds = array<i64: 2048, 128>}, {transform_indices = @transform_1, window_bounds = array<i64: 2048, 1>}, {transform_indices = @transform_2, window_bounds = array<i64: 2048, 1>}, {transform_indices = @transform_3, window_bounds = array<i64: 2048, 1>}, {transform_indices = @transform_4, window_bounds = array<i64: 2048, 1>}, {transform_indices = @transform_5, window_bounds = array<i64: 2048, 64>}, {transform_indices = @transform_6, window_bounds = array<i64: 2048, 64>}, {transform_indices = @transform_7, window_bounds = array<i64: 2048, 1>}, {transform_indices = @transform_8, window_bounds = array<i64: 2048, 1>}]} {
    %get3A = arith.constant 0 : index
    %get3A_0 = arith.constant 0 : index
    %get3A_1 = vector.load %arg2[%get3A, %get3A_0] : memref<2048x1xf32, #tpu.memory_space<vmem>>, vector<2048x1xf32>
    %get3A_2 = arith.constant 0 : index
    %get3A_3 = arith.constant 0 : index
    %get3A_4 = vector.load %arg3[%get3A_2, %get3A_3] : memref<2048x1xf32, #tpu.memory_space<vmem>>, vector<2048x1xf32>
    %add3A = arith.addf %get3A_1, %get3A_4 : vector<2048x1xf32>
    %add3A_5 = arith.constant 1.000000e+00 : f32
    %add3A_6 = vector.broadcast %add3A_5 : f32 to vector<2048x1xf32>
    %add3A_7 = arith.addf %add3A, %add3A_6 : vector<2048x1xf32>
    %rsqrt3A = math.rsqrt %add3A_7 : vector<2048x1xf32>
    %swap3A = arith.constant 0 : index
    %swap3A_8 = arith.constant 0 : index
    %swap3A_9 = vector.load %arg8[%swap3A, %swap3A_8] : memref<2048x1xf32, #tpu.memory_space<vmem>>, vector<2048x1xf32>
    tpu.vector_store %arg8[%swap3A, %swap3A_8], %rsqrt3A {strides = array<i32>} : memref<2048x1xf32, #tpu.memory_space<vmem>>, vector<2048x1xf32>,
    %get3A_10 = arith.constant 0 : index
    %get3A_11 = arith.constant 0 : index
    %get3A_12 = vector.load %arg1[%get3A_10, %get3A_11] : memref<2048x128xf32, #tpu.memory_space<vmem>>, vector<2048x128xf32>
    %mul3A = vector.broadcast %rsqrt3A : vector<2048x1xf32> to vector<2048x128xf32>
    %mul3A_13 = arith.mulf %get3A_12, %mul3A : vector<2048x128xf32>
    %slice3A = vector.extract_strided_slice %mul3A_13 {offsets = [0, 0], sizes = [2048, 64], strides = [1, 1]} : vector<2048x128xf32> to vector<2048x64xf32>
    %swap3A_14 = arith.constant 0 : index
    %swap3A_15 = arith.constant 0 : index
    %swap3A_16 = vector.load %arg6[%swap3A_14, %swap3A_15] : memref<2048x64xf32, #tpu.memory_space<vmem>>, vector<2048x64xf32>
    tpu.vector_store %arg6[%swap3A_14, %swap3A_15], %slice3A {strides = array<i32>} : memref<2048x64xf32, #tpu.memory_space<vmem>>, vector<2048x64xf32>,
    %slice3A_17 = vector.extract_strided_slice %mul3A_13 {offsets = [0, 64], sizes = [2048, 64], strides = [1, 1]} : vector<2048x128xf32> to vector<2048x64xf32>
    %swap3A_18 = arith.constant 0 : index
    %swap3A_19 = arith.constant 0 : index
    %swap3A_20 = vector.load %arg7[%swap3A_18, %swap3A_19] : memref<2048x64xf32, #tpu.memory_space<vmem>>, vector<2048x64xf32>
    tpu.vector_store %arg7[%swap3A_18, %swap3A_19], %slice3A_17 {strides = array<i32>} : memref<2048x64xf32, #tpu.memory_space<vmem>>, vector<2048x64xf32>,
    %get3A_21 = arith.constant 0 : index
    %get3A_22 = arith.constant 0 : index
    %get3A_23 = vector.load %arg4[%get3A_21, %get3A_22] : memref<2048x1xf32, #tpu.memory_space<vmem>>, vector<2048x1xf32>
    %get3A_24 = arith.constant 0 : index
    %get3A_25 = arith.constant 0 : index
    %get3A_26 = vector.load %arg5[%get3A_24, %get3A_25] : memref<2048x1xf32, #tpu.memory_space<vmem>>, vector<2048x1xf32>
    %add3A_27 = arith.addf %get3A_23, %get3A_26 : vector<2048x1xf32>
    %max3A = arith.constant 1.000000e+00 : f32
    %max3A_28 = vector.broadcast %max3A : f32 to vector<2048x1xf32>
    %max3A_29 = arith.maximumf %add3A_27, %max3A_28 : vector<2048x1xf32>
    %div3A = arith.constant 1.000000e+00 : f32
    %div3A_30 = vector.broadcast %div3A : f32 to vector<2048x1xf32>
    %div3A_31 = arith.divf %div3A_30, %max3A_29 : vector<2048x1xf32>
    %swap3A_32 = arith.constant 0 : index
    %swap3A_33 = arith.constant 0 : index
    %swap3A_34 = vector.load %arg9[%swap3A_32, %swap3A_33] : memref<2048x1xf32, #tpu.memory_space<vmem>>, vector<2048x1xf32>
    tpu.vector_store %arg9[%swap3A_32, %swap3A_33], %div3A_31 {strides = array<i32>} : memref<2048x1xf32, #tpu.memory_space<vmem>>, vector<2048x1xf32>,
    return
  }
  func.func @transform_0(%arg0: i32) -> (i32, i32) {
    %c0_i32 = arith.constant 0 : i32
    %c0_i32_0 = arith.constant 0 : i32
    return %arg0, %c0_i32 : i32, i32
  }
  func.func @transform_1(%arg0: i32) -> (i32, i32) {
    %c0_i32 = arith.constant 0 : i32
    %c0_i32_0 = arith.constant 0 : i32
    return %arg0, %c0_i32 : i32, i32
  }
  func.func @transform_2(%arg0: i32) -> (i32, i32) {
    %c0_i32 = arith.constant 0 : i32
    %c0_i32_0 = arith.constant 0 : i32
    return %arg0, %c0_i32 : i32, i32
  }
  func.func @transform_3(%arg0: i32) -> (i32, i32) {
    %c0_i32 = arith.constant 0 : i32
    %c0_i32_0 = arith.constant 0 : i32
    return %arg0, %c0_i32 : i32, i32
  }
  func.func @transform_4(%arg0: i32) -> (i32, i32) {
    %c0_i32 = arith.constant 0 : i32
    %c0_i32_0 = arith.constant 0 : i32
    return %arg0, %c0_i32 : i32, i32
  }
  func.func @transform_5(%arg0: i32) -> (i32, i32) {
    %c0_i32 = arith.constant 0 : i32
    %c0_i32_0 = arith.constant 0 : i32
    return %arg0, %c0_i32 : i32, i32
  }
  func.func @transform_6(%arg0: i32) -> (i32, i32) {
    %c0_i32 = arith.constant 0 : i32
    %c0_i32_0 = arith.constant 0 : i32
    return %arg0, %c0_i32 : i32, i32
  }
  func.func @transform_7(%arg0: i32) -> (i32, i32) {
    %c0_i32 = arith.constant 0 : i32
    %c0_i32_0 = arith.constant 0 : i32
    return %arg0, %c0_i32 : i32, i32
  }
  func.func @transform_8(%arg0: i32) -> (i32, i32) {
    %c0_i32 = arith.constant 0 : i32
    %c0_i32_0 = arith.constant 0 : i32
    return %arg0, %c0_i32 : i32, i32
  }
}

module attributes {stable_mosaic.version = 14 : i64} {
  func.func @_d_body(%arg0: i32, %arg1: memref<2048x64xf32, #tpu.memory_space<vmem>>, %arg2: memref<2048x64xf32, #tpu.memory_space<vmem>>, %arg3: memref<2048x64xf32, #tpu.memory_space<vmem>>, %arg4: memref<2048x64xf32, #tpu.memory_space<vmem>>, %arg5: memref<2048x1xf32, #tpu.memory_space<vmem>>, %arg6: memref<128x128xf32, #tpu.memory_space<vmem>>, %arg7: memref<1x128xf32, #tpu.memory_space<vmem>>, %arg8: memref<2048x64xf32, #tpu.memory_space<vmem>>, %arg9: memref<2048x64xf32, #tpu.memory_space<vmem>>) attributes {dimension_semantics = [#tpu.dimension_semantics<arbitrary>], iteration_bounds = array<i64: 5>, scalar_prefetch = 0 : i64, scratch_operands = 0 : i64, tpu.core_type = #tpu.core_type<tc>, window_params = [{transform_indices = @transform_0, window_bounds = array<i64: 2048, 64>}, {transform_indices = @transform_1, window_bounds = array<i64: 2048, 64>}, {transform_indices = @transform_2, window_bounds = array<i64: 2048, 64>}, {transform_indices = @transform_3, window_bounds = array<i64: 2048, 64>}, {transform_indices = @transform_4, window_bounds = array<i64: 2048, 1>}, {pipeline_mode = #tpu.pipeline_mode<synchronous>, transform_indices = @transform_5, window_bounds = array<i64: 128, 128>}, {pipeline_mode = #tpu.pipeline_mode<synchronous>, transform_indices = @transform_6, window_bounds = array<i64: 1, 128>}, {transform_indices = @transform_7, window_bounds = array<i64: 2048, 64>}, {transform_indices = @transform_8, window_bounds = array<i64: 2048, 64>}]} {
    %get3A = arith.constant 0 : index
    %get3A_0 = arith.constant 0 : index
    %get3A_1 = vector.load %arg5[%get3A, %get3A_0] : memref<2048x1xf32, #tpu.memory_space<vmem>>, vector<2048x1xf32>
    %get3A_2 = arith.constant 0 : index
    %get3A_3 = arith.constant 0 : index
    %get3A_4 = vector.load %arg1[%get3A_2, %get3A_3] : memref<2048x64xf32, #tpu.memory_space<vmem>>, vector<2048x64xf32>
    %get3A_5 = arith.constant 0 : index
    %get3A_6 = arith.constant 0 : index
    %get3A_7 = vector.load %arg3[%get3A_5, %get3A_6] : memref<2048x64xf32, #tpu.memory_space<vmem>>, vector<2048x64xf32>
    %add3A = arith.addf %get3A_4, %get3A_7 : vector<2048x64xf32>
    %get3A_8 = arith.constant 0 : index
    %get3A_9 = arith.constant 0 : index
    %get3A_10 = vector.load %arg2[%get3A_8, %get3A_9] : memref<2048x64xf32, #tpu.memory_space<vmem>>, vector<2048x64xf32>
    %get3A_11 = arith.constant 0 : index
    %get3A_12 = arith.constant 0 : index
    %get3A_13 = vector.load %arg4[%get3A_11, %get3A_12] : memref<2048x64xf32, #tpu.memory_space<vmem>>, vector<2048x64xf32>
    %add3A_14 = arith.addf %get3A_10, %get3A_13 : vector<2048x64xf32>
    %concatenate3A = tpu.concatenate %add3A, %add3A_14 in 1 : vector<2048x64xf32>, vector<2048x64xf32> -> vector<2048x128xf32>
    %mul3A = vector.broadcast %get3A_1 : vector<2048x1xf32> to vector<2048x128xf32>
    %mul3A_15 = arith.mulf %concatenate3A, %mul3A : vector<2048x128xf32>
    %get3A_16 = arith.constant 0 : index
    %get3A_17 = arith.constant 0 : index
    %get3A_18 = vector.load %arg6[%get3A_16, %get3A_17] : memref<128x128xf32, #tpu.memory_space<vmem>>, vector<128x128xf32>
    %dot_general3A = arith.constant dense<0.000000e+00> : vector<2048x128xf32>
    %dot_general3A_19 = tpu.matmul %mul3A_15, %get3A_18, %dot_general3A {dimension_numbers = #tpu.dot_dimension_numbers<[1], [0], [0], [1], [0, 0, 1, 1], [], []>, transpose_lhs_hint = false} : vector<2048x128xf32>, vector<128x128xf32>, vector<2048x128xf32> -> vector<2048x128xf32>
    %get3A_20 = arith.constant 0 : index
    %get3A_21 = arith.constant 0 : index
    %get3A_22 = vector.load %arg7[%get3A_20, %get3A_21] : memref<1x128xf32, #tpu.memory_space<vmem>>, vector<1x128xf32>
    %add3A_23 = vector.broadcast %get3A_22 : vector<1x128xf32> to vector<2048x128xf32>
    %add3A_24 = arith.addf %dot_general3A_19, %add3A_23 : vector<2048x128xf32>
    %max3A = arith.constant 0.000000e+00 : f32
    %max3A_25 = vector.broadcast %max3A : f32 to vector<2048x128xf32>
    %max3A_26 = arith.maximumf %add3A_24, %max3A_25 : vector<2048x128xf32>
    %mul3A_27 = vector.broadcast %get3A_1 : vector<2048x1xf32> to vector<2048x128xf32>
    %mul3A_28 = arith.mulf %max3A_26, %mul3A_27 : vector<2048x128xf32>
    %slice3A = vector.extract_strided_slice %mul3A_28 {offsets = [0, 0], sizes = [2048, 64], strides = [1, 1]} : vector<2048x128xf32> to vector<2048x64xf32>
    %swap3A = arith.constant 0 : index
    %swap3A_29 = arith.constant 0 : index
    %swap3A_30 = vector.load %arg8[%swap3A, %swap3A_29] : memref<2048x64xf32, #tpu.memory_space<vmem>>, vector<2048x64xf32>
    tpu.vector_store %arg8[%swap3A, %swap3A_29], %slice3A {strides = array<i32>} : memref<2048x64xf32, #tpu.memory_space<vmem>>, vector<2048x64xf32>,
    %slice3A_31 = vector.extract_strided_slice %mul3A_28 {offsets = [0, 64], sizes = [2048, 64], strides = [1, 1]} : vector<2048x128xf32> to vector<2048x64xf32>
    %swap3A_32 = arith.constant 0 : index
    %swap3A_33 = arith.constant 0 : index
    %swap3A_34 = vector.load %arg9[%swap3A_32, %swap3A_33] : memref<2048x64xf32, #tpu.memory_space<vmem>>, vector<2048x64xf32>
    tpu.vector_store %arg9[%swap3A_32, %swap3A_33], %slice3A_31 {strides = array<i32>} : memref<2048x64xf32, #tpu.memory_space<vmem>>, vector<2048x64xf32>,
    return
  }
  func.func @transform_0(%arg0: i32) -> (i32, i32) {
    %c0_i32 = arith.constant 0 : i32
    %c0_i32_0 = arith.constant 0 : i32
    return %arg0, %c0_i32 : i32, i32
  }
  func.func @transform_1(%arg0: i32) -> (i32, i32) {
    %c0_i32 = arith.constant 0 : i32
    %c0_i32_0 = arith.constant 0 : i32
    return %arg0, %c0_i32 : i32, i32
  }
  func.func @transform_2(%arg0: i32) -> (i32, i32) {
    %c0_i32 = arith.constant 0 : i32
    %c0_i32_0 = arith.constant 0 : i32
    return %arg0, %c0_i32 : i32, i32
  }
  func.func @transform_3(%arg0: i32) -> (i32, i32) {
    %c0_i32 = arith.constant 0 : i32
    %c0_i32_0 = arith.constant 0 : i32
    return %arg0, %c0_i32 : i32, i32
  }
  func.func @transform_4(%arg0: i32) -> (i32, i32) {
    %c0_i32 = arith.constant 0 : i32
    %c0_i32_0 = arith.constant 0 : i32
    return %arg0, %c0_i32 : i32, i32
  }
  func.func @transform_5(%arg0: i32) -> (i32, i32) {
    %c0_i32 = arith.constant 0 : i32
    %c0_i32_0 = arith.constant 0 : i32
    %c0_i32_1 = arith.constant 0 : i32
    return %c0_i32, %c0_i32_0 : i32, i32
  }
  func.func @transform_6(%arg0: i32) -> (i32, i32) {
    %c0_i32 = arith.constant 0 : i32
    %c0_i32_0 = arith.constant 0 : i32
    %c0_i32_1 = arith.constant 0 : i32
    return %c0_i32, %c0_i32_0 : i32, i32
  }
  func.func @transform_7(%arg0: i32) -> (i32, i32) {
    %c0_i32 = arith.constant 0 : i32
    %c0_i32_0 = arith.constant 0 : i32
    return %arg0, %c0_i32 : i32, i32
  }
  func.func @transform_8(%arg0: i32) -> (i32, i32) {
    %c0_i32 = arith.constant 0 : i32
    %c0_i32_0 = arith.constant 0 : i32
    return %arg0, %c0_i32 : i32, i32
  }
}

module attributes {stable_mosaic.version = 14 : i64} {
  func.func @_d_body(%arg0: i32, %arg1: memref<2048x64xf32, #tpu.memory_space<vmem>>, %arg2: memref<2048x64xf32, #tpu.memory_space<vmem>>, %arg3: memref<2048x64xf32, #tpu.memory_space<vmem>>, %arg4: memref<2048x64xf32, #tpu.memory_space<vmem>>, %arg5: memref<2048x1xf32, #tpu.memory_space<vmem>>, %arg6: memref<128x128xf32, #tpu.memory_space<vmem>>, %arg7: memref<1x128xf32, #tpu.memory_space<vmem>>, %arg8: memref<2048x128xf32, #tpu.memory_space<vmem>>) attributes {dimension_semantics = [#tpu.dimension_semantics<arbitrary>], iteration_bounds = array<i64: 5>, scalar_prefetch = 0 : i64, scratch_operands = 0 : i64, tpu.core_type = #tpu.core_type<tc>, window_params = [{transform_indices = @transform_0, window_bounds = array<i64: 2048, 64>}, {transform_indices = @transform_1, window_bounds = array<i64: 2048, 64>}, {transform_indices = @transform_2, window_bounds = array<i64: 2048, 64>}, {transform_indices = @transform_3, window_bounds = array<i64: 2048, 64>}, {transform_indices = @transform_4, window_bounds = array<i64: 2048, 1>}, {pipeline_mode = #tpu.pipeline_mode<synchronous>, transform_indices = @transform_5, window_bounds = array<i64: 128, 128>}, {pipeline_mode = #tpu.pipeline_mode<synchronous>, transform_indices = @transform_6, window_bounds = array<i64: 1, 128>}, {transform_indices = @transform_7, window_bounds = array<i64: 2048, 128>}]} {
    %get3A = arith.constant 0 : index
    %get3A_0 = arith.constant 0 : index
    %get3A_1 = vector.load %arg5[%get3A, %get3A_0] : memref<2048x1xf32, #tpu.memory_space<vmem>>, vector<2048x1xf32>
    %get3A_2 = arith.constant 0 : index
    %get3A_3 = arith.constant 0 : index
    %get3A_4 = vector.load %arg1[%get3A_2, %get3A_3] : memref<2048x64xf32, #tpu.memory_space<vmem>>, vector<2048x64xf32>
    %get3A_5 = arith.constant 0 : index
    %get3A_6 = arith.constant 0 : index
    %get3A_7 = vector.load %arg3[%get3A_5, %get3A_6] : memref<2048x64xf32, #tpu.memory_space<vmem>>, vector<2048x64xf32>
    %add3A = arith.addf %get3A_4, %get3A_7 : vector<2048x64xf32>
    %get3A_8 = arith.constant 0 : index
    %get3A_9 = arith.constant 0 : index
    %get3A_10 = vector.load %arg2[%get3A_8, %get3A_9] : memref<2048x64xf32, #tpu.memory_space<vmem>>, vector<2048x64xf32>
    %get3A_11 = arith.constant 0 : index
    %get3A_12 = arith.constant 0 : index
    %get3A_13 = vector.load %arg4[%get3A_11, %get3A_12] : memref<2048x64xf32, #tpu.memory_space<vmem>>, vector<2048x64xf32>
    %add3A_14 = arith.addf %get3A_10, %get3A_13 : vector<2048x64xf32>
    %concatenate3A = tpu.concatenate %add3A, %add3A_14 in 1 : vector<2048x64xf32>, vector<2048x64xf32> -> vector<2048x128xf32>
    %mul3A = vector.broadcast %get3A_1 : vector<2048x1xf32> to vector<2048x128xf32>
    %mul3A_15 = arith.mulf %concatenate3A, %mul3A : vector<2048x128xf32>
    %get3A_16 = arith.constant 0 : index
    %get3A_17 = arith.constant 0 : index
    %get3A_18 = vector.load %arg6[%get3A_16, %get3A_17] : memref<128x128xf32, #tpu.memory_space<vmem>>, vector<128x128xf32>
    %dot_general3A = arith.constant dense<0.000000e+00> : vector<2048x128xf32>
    %dot_general3A_19 = tpu.matmul %mul3A_15, %get3A_18, %dot_general3A {dimension_numbers = #tpu.dot_dimension_numbers<[1], [0], [0], [1], [0, 0, 1, 1], [], []>, transpose_lhs_hint = false} : vector<2048x128xf32>, vector<128x128xf32>, vector<2048x128xf32> -> vector<2048x128xf32>
    %get3A_20 = arith.constant 0 : index
    %get3A_21 = arith.constant 0 : index
    %get3A_22 = vector.load %arg7[%get3A_20, %get3A_21] : memref<1x128xf32, #tpu.memory_space<vmem>>, vector<1x128xf32>
    %add3A_23 = vector.broadcast %get3A_22 : vector<1x128xf32> to vector<2048x128xf32>
    %add3A_24 = arith.addf %dot_general3A_19, %add3A_23 : vector<2048x128xf32>
    %swap3A = arith.constant 0 : index
    %swap3A_25 = arith.constant 0 : index
    %swap3A_26 = vector.load %arg8[%swap3A, %swap3A_25] : memref<2048x128xf32, #tpu.memory_space<vmem>>, vector<2048x128xf32>
    tpu.vector_store %arg8[%swap3A, %swap3A_25], %add3A_24 {strides = array<i32>} : memref<2048x128xf32, #tpu.memory_space<vmem>>, vector<2048x128xf32>,
    return
  }
  func.func @transform_0(%arg0: i32) -> (i32, i32) {
    %c0_i32 = arith.constant 0 : i32
    %c0_i32_0 = arith.constant 0 : i32
    return %arg0, %c0_i32 : i32, i32
  }
  func.func @transform_1(%arg0: i32) -> (i32, i32) {
    %c0_i32 = arith.constant 0 : i32
    %c0_i32_0 = arith.constant 0 : i32
    return %arg0, %c0_i32 : i32, i32
  }
  func.func @transform_2(%arg0: i32) -> (i32, i32) {
    %c0_i32 = arith.constant 0 : i32
    %c0_i32_0 = arith.constant 0 : i32
    return %arg0, %c0_i32 : i32, i32
  }
  func.func @transform_3(%arg0: i32) -> (i32, i32) {
    %c0_i32 = arith.constant 0 : i32
    %c0_i32_0 = arith.constant 0 : i32
    return %arg0, %c0_i32 : i32, i32
  }
  func.func @transform_4(%arg0: i32) -> (i32, i32) {
    %c0_i32 = arith.constant 0 : i32
    %c0_i32_0 = arith.constant 0 : i32
    return %arg0, %c0_i32 : i32, i32
  }
  func.func @transform_5(%arg0: i32) -> (i32, i32) {
    %c0_i32 = arith.constant 0 : i32
    %c0_i32_0 = arith.constant 0 : i32
    %c0_i32_1 = arith.constant 0 : i32
    return %c0_i32, %c0_i32_0 : i32, i32
  }
  func.func @transform_6(%arg0: i32) -> (i32, i32) {
    %c0_i32 = arith.constant 0 : i32
    %c0_i32_0 = arith.constant 0 : i32
    %c0_i32_1 = arith.constant 0 : i32
    return %c0_i32, %c0_i32_0 : i32, i32
  }
  func.func @transform_7(%arg0: i32) -> (i32, i32) {
    %c0_i32 = arith.constant 0 : i32
    %c0_i32_0 = arith.constant 0 : i32
    return %arg0, %c0_i32 : i32, i32
  }
}

module attributes {stable_mosaic.version = 14 : i64} {
  func.func @_f_body(%arg0: i32, %arg1: memref<2048x128xf32, #tpu.memory_space<vmem>>, %arg2: memref<2048x128xf32, #tpu.memory_space<vmem>>, %arg3: memref<2048x1xf32, #tpu.memory_space<vmem>>, %arg4: memref<128x128xf32, #tpu.memory_space<vmem>>, %arg5: memref<1x128xf32, #tpu.memory_space<vmem>>, %arg6: memref<2048x128xf32, #tpu.memory_space<vmem>>) attributes {dimension_semantics = [#tpu.dimension_semantics<arbitrary>], iteration_bounds = array<i64: 5>, scalar_prefetch = 0 : i64, scratch_operands = 0 : i64, tpu.core_type = #tpu.core_type<tc>, window_params = [{transform_indices = @transform_0, window_bounds = array<i64: 2048, 128>}, {transform_indices = @transform_1, window_bounds = array<i64: 2048, 128>}, {transform_indices = @transform_2, window_bounds = array<i64: 2048, 1>}, {pipeline_mode = #tpu.pipeline_mode<synchronous>, transform_indices = @transform_3, window_bounds = array<i64: 128, 128>}, {pipeline_mode = #tpu.pipeline_mode<synchronous>, transform_indices = @transform_4, window_bounds = array<i64: 1, 128>}, {transform_indices = @transform_5, window_bounds = array<i64: 2048, 128>}]} {
    %get3A = arith.constant 0 : index
    %get3A_0 = arith.constant 0 : index
    %get3A_1 = vector.load %arg1[%get3A, %get3A_0] : memref<2048x128xf32, #tpu.memory_space<vmem>>, vector<2048x128xf32>
    %get3A_2 = arith.constant 0 : index
    %get3A_3 = arith.constant 0 : index
    %get3A_4 = vector.load %arg2[%get3A_2, %get3A_3] : memref<2048x128xf32, #tpu.memory_space<vmem>>, vector<2048x128xf32>
    %add3A = arith.addf %get3A_1, %get3A_4 : vector<2048x128xf32>
    %get3A_5 = arith.constant 0 : index
    %get3A_6 = arith.constant 0 : index
    %get3A_7 = vector.load %arg3[%get3A_5, %get3A_6] : memref<2048x1xf32, #tpu.memory_space<vmem>>, vector<2048x1xf32>
    %mul3A = vector.broadcast %get3A_7 : vector<2048x1xf32> to vector<2048x128xf32>
    %mul3A_8 = arith.mulf %add3A, %mul3A : vector<2048x128xf32>
    %get3A_9 = arith.constant 0 : index
    %get3A_10 = arith.constant 0 : index
    %get3A_11 = vector.load %arg4[%get3A_9, %get3A_10] : memref<128x128xf32, #tpu.memory_space<vmem>>, vector<128x128xf32>
    %dot_general3A = arith.constant dense<0.000000e+00> : vector<2048x128xf32>
    %dot_general3A_12 = tpu.matmul %mul3A_8, %get3A_11, %dot_general3A {dimension_numbers = #tpu.dot_dimension_numbers<[1], [0], [0], [1], [0, 0, 1, 1], [], []>, transpose_lhs_hint = false} : vector<2048x128xf32>, vector<128x128xf32>, vector<2048x128xf32> -> vector<2048x128xf32>
    %get3A_13 = arith.constant 0 : index
    %get3A_14 = arith.constant 0 : index
    %get3A_15 = vector.load %arg5[%get3A_13, %get3A_14] : memref<1x128xf32, #tpu.memory_space<vmem>>, vector<1x128xf32>
    %add3A_16 = vector.broadcast %get3A_15 : vector<1x128xf32> to vector<2048x128xf32>
    %add3A_17 = arith.addf %dot_general3A_12, %add3A_16 : vector<2048x128xf32>
    %swap3A = arith.constant 0 : index
    %swap3A_18 = arith.constant 0 : index
    %swap3A_19 = vector.load %arg6[%swap3A, %swap3A_18] : memref<2048x128xf32, #tpu.memory_space<vmem>>, vector<2048x128xf32>
    tpu.vector_store %arg6[%swap3A, %swap3A_18], %add3A_17 {strides = array<i32>} : memref<2048x128xf32, #tpu.memory_space<vmem>>, vector<2048x128xf32>,
    return
  }
  func.func @transform_0(%arg0: i32) -> (i32, i32) {
    %c0_i32 = arith.constant 0 : i32
    %c0_i32_0 = arith.constant 0 : i32
    return %arg0, %c0_i32 : i32, i32
  }
  func.func @transform_1(%arg0: i32) -> (i32, i32) {
    %c0_i32 = arith.constant 0 : i32
    %c0_i32_0 = arith.constant 0 : i32
    return %arg0, %c0_i32 : i32, i32
  }
  func.func @transform_2(%arg0: i32) -> (i32, i32) {
    %c0_i32 = arith.constant 0 : i32
    %c0_i32_0 = arith.constant 0 : i32
    return %arg0, %c0_i32 : i32, i32
  }
  func.func @transform_3(%arg0: i32) -> (i32, i32) {
    %c0_i32 = arith.constant 0 : i32
    %c0_i32_0 = arith.constant 0 : i32
    %c0_i32_1 = arith.constant 0 : i32
    return %c0_i32, %c0_i32_0 : i32, i32
  }
  func.func @transform_4(%arg0: i32) -> (i32, i32) {
    %c0_i32 = arith.constant 0 : i32
    %c0_i32_0 = arith.constant 0 : i32
    %c0_i32_1 = arith.constant 0 : i32
    return %c0_i32, %c0_i32_0 : i32, i32
  }
  func.func @transform_5(%arg0: i32) -> (i32, i32) {
    %c0_i32 = arith.constant 0 : i32
    %c0_i32_0 = arith.constant 0 : i32
    return %arg0, %c0_i32 : i32, i32
  }
}

</mosaic_0001>

<sc_bundles>
// kernel: kernel.12.cloned.1.call-start
scs
__scs_entry_jumppad:
0x0: {  	(pc) =	sbr.rel $0x88, $3  }
0x1: {  	(tag) =	ssettag $0x0;
	lr =	simm.s32 $0x1  }
0x2: {  	[smem:$0x3F93] =	sst lr;
	_ =	strace $0xD0000000  }
0x3: {  	_ = 	snop  }
0x4: {  	_ = 	snop  }
0x5: {  	_ = 	snop  }
0x6: {  	_ = 	snop  }
0x7: {  	_ = 	snop  }
__scs_overlays_trampoline_lowered:
0x8: {  	[smem:$0x3FA2] =	sst s0  }
0x9: {  	[smem:$0x3FA3] =	sst s1  }
0xa: {  	[smem:$0x3FA4] =	sst s2  }
0xb: {  	[smem:$0x3FA5] =	sst s3  }
0xc: {  	[smem:$0x3FA6] =	sst s4  }
0xd: {  	[smem:$0x3FA7] =	sst s5  }
0xe: {  	[smem:$0x3FA8] =	sst s6  }
0xf: {  	[smem:$0x3FA9] =	sst s7  }
0x10: {  	[smem:$0x3FAA] =	sst s8  }
0x11: {  	[smem:$0x3FAB] =	sst s9;
	s0 =	simm.s32 @!p0 $0x0  }
0x12: {  	s1 =	sld [smem:$0x3F91];
	s0 =	simm.s32 @p0 $0x1  }
0x13: {  	[smem:$0x3FAC] =	sst s0;
	s0 =	simm.s32 @!p1 $0x0  }
0x14: {  	s2 =	sld [smem:$0x3F90];
	s0 =	simm.s32 @p1 $0x1  }
0x15: {  	[smem:$0x3FAD] =	sst s0;
	s0 =	simm.s32 @!p2 $0x0  }
0x16: {  	s3 =	sld [smem:$0x3FDB];
	s0 =	simm.s32 @p2 $0x1  }
0x17: {  	s4 =	simm.s32 $0x1BF5;
	[smem:$0x3FAF] =	sst s0  }
0x18: {  	s0 =	sld [smem:$0x3F92];
	_ =	swait.ge [sflag:s4], $0x0  }
0x19: {  	s7 =	sld [smem:$0x3F93]  }
0x1a: {  	s8 =	sadd.s32 $0xFFFFE003, lr  }
0x1b: {  	s9 =	sadd.s32 $0xFFFFFEF7, lr;
	s5 =	simm.s32 $0xFFFFFFFF;
	p2 =	slt.u32 s8, $0xFFFFF086  }
0x1c: {  	p1 =	slt.u32 s9, $0xF7A;
	s5 =	simm.s32 @!p2 $0x0  }
0x1d: {  	s5 =	simm.s32 @p1 $0x1;
	p0 =	seq.s32 s7, s2  }
0x1e: {  	s7 =	smul.u32 @!p0 $0xF7A, s2;
	p2 =	seq.s32 @!p0 s5, $0x0  }
0x1f: {  	s9 =	smul.u32 $0xF7A, s1;
	s8 =	simm.s32 @!p0 $0x1BF5;
	p2 =	por !p2, p0  }
0x20: {  	[sflag:s8] =	ssyncset.s32 @!p0 $0xFFFFF086;
	s6 =	sadd.s32 @!p0 s3, s7;
	s7 =	simm.s32 @!p0 $0x108  }
0x21: {  	s3 =	sadd.s32 s3, s9;
	s6 =	sadd.s32 @!p0 $0x88, s6;
	s7 =	simm.s32 @p2 $0x1082  }
0x22: {  	[simem:s7], [sflag:s8] =	dma.local @!p0 [hbm:s6], $0xF7A  }
0x23: {  	s9 =	sor.u32 $0xD0000000, s2;
	s6 =	simm.s32 $0x108;
	_ =	swait.ge @!p0 [sflag:s8], $0x0  }
0x24: {  	s3 =	sadd.s32 $0x88, s3;
	s6 =	simm.s32 @!p1 $0x1082;
	[sflag:s4] =	ssyncset.s32 $0xFFFFF086  }
0x25: {  	[simem:s6], [sflag:s4] =	dma.local [hbm:s3], $0xF7A  }
0x26: {  	[smem:$0x3F93] =	sst s1;
	(tag) =	ssettag s2;
	_ =	strace s9  }
0x27: {  	s1 =	sld [smem:$0x3FA3]  }
0x28: {  	s2 =	sld [smem:$0x3FA4]  }
0x29: {  	s4 =	sld [smem:$0x3FA6]  }
0x2a: {  	p0 =	seq.s32 s5, $0x0;
	s5 =	sld [smem:$0x3FA7]  }
0x2b: {  	s6 =	sld [smem:$0x3FA8]  }
0x2c: {  	s7 =	sld [smem:$0x3FA9]  }
0x2d: {  	s3 =	simm.s32 $0x108;
	s8 =	sld [smem:$0x3FAA]  }
0x2e: {  	s3 =	simm.s32 @!p0 $0x1082;
	s9 =	sld [smem:$0x3FAB]  }
0x2f: {  	lr =	sadd.s32 s0, s3;
	s0 =	sld [smem:$0x3FA2]  }
0x30: {  	s3 =	sld [smem:$0x3FA5]  }
0x31: {  	[smem:$0x3FAE] =	sst s10  }
0x32: {  	s10 =	sld [smem:$0x3FAC];
	_ =	sdelay $0x3  }
0x33: {  	p0 =	seq.s32 s10, $0x1;
	s10 =	sld [smem:$0x3FAE];
	_ =	sdelay $0x3  }
0x34: {  	[smem:$0x3FAE] =	sst s10  }
0x35: {  	s10 =	sld [smem:$0x3FAD];
	_ =	sdelay $0x3  }
0x36: {  	p1 =	seq.s32 s10, $0x1;
	s10 =	sld [smem:$0x3FAE];
	_ =	sdelay $0x3  }
0x37: {  	[smem:$0x3FAE] =	sst s10  }
0x38: {  	s10 =	sld [smem:$0x3FAF]  }
0x39: {  	_ = 	snop;
	(pc) =	sbr.ind lr, $3  }
0x3a: {  	_ = 	snop  }
0x3b: {  	_ = 	snop  }
0x3c: {  	p2 =	seq.s32 s10, $0x1;
	s10 =	sld [smem:$0x3FAE]  }
0x3d: {  	_ =	shalt  }
0x3e: {  	_ =	shalt  }
0x3f: {  	_ =	shalt  }
0x40: {  	_ =	shalt  }
0x41: {  	_ =	shalt  }
0x42: {  	_ =	shalt  }
0x43: {  	_ =	shalt  }
0x44: {  	_ =	shalt  }
0x45: {  	_ =	shalt  }
0x46: {  	_ =	shalt  }
0x47: {  	_ =	shalt  }
0x48: {  	_ =	shalt  }
0x49: {  	_ =	shalt  }
0x4a: {  	_ =	shalt  }
0x4b: {  	_ =	shalt  }
0x4c: {  	_ =	shalt  }
0x4d: {  	_ =	shalt  }
0x4e: {  	_ =	shalt  }
0x4f: {  	_ =	shalt  }
0x50: {  	_ =	shalt  }
0x51: {  	_ =	shalt  }
0x52: {  	_ =	shalt  }
0x53: {  	_ =	shalt  }
0x54: {  	_ =	shalt  }
0x55: {  	_ =	shalt  }
0x56: {  	_ =	shalt  }
0x57: {  	_ =	shalt  }
0x58: {  	_ =	shalt  }
0x59: {  	_ =	shalt  }
0x5a: {  	_ =	shalt  }
0x5b: {  	_ =	shalt  }
0x5c: {  	_ =	shalt  }
0x5d: {  	_ =	shalt  }
0x5e: {  	_ =	shalt  }
0x5f: {  	_ =	shalt  }
0x60: {  	_ =	shalt  }
0x61: {  	_ =	shalt  }
0x62: {  	_ =	shalt  }
0x63: {  	_ =	shalt  }
0x64: {  	_ =	shalt  }
0x65: {  	_ =	shalt  }
0x66: {  	_ =	shalt  }
0x67: {  	_ =	shalt  }
0x68: {  	_ =	shalt  }
0x69: {  	_ =	shalt  }
0x6a: {  	_ =	shalt  }
0x6b: {  	_ =	shalt  }
0x6c: {  	_ =	shalt  }
0x6d: {  	_ =	shalt  }
0x6e: {  	_ =	shalt  }
0x6f: {  	_ =	shalt  }
0x70: {  	_ =	shalt  }
0x71: {  	_ =	shalt  }
0x72: {  	_ =	shalt  }
0x73: {  	_ =	shalt  }
0x74: {  	_ =	shalt  }
0x75: {  	_ =	shalt  }
0x76: {  	_ =	shalt  }
0x77: {  	_ =	shalt  }
0x78: {  	_ =	shalt  }
0x79: {  	_ =	shalt  }
0x7a: {  	_ =	shalt  }
0x7b: {  	_ =	shalt  }
0x7c: {  	_ =	shalt  }
0x7d: {  	_ =	shalt  }
0x7e: {  	_ =	shalt  }
0x7f: {  	_ =	shalt  }
0x80: {  	_ =	shalt  }
0x81: {  	_ =	shalt  }
0x82: {  	_ =	shalt  }
0x83: {  	_ =	shalt  }
0x84: {  	_ =	shalt  }
0x85: {  	_ =	shalt  }
0x86: {  	_ =	shalt  }
0x87: {  	_ =	shalt  }
.Lfunc_end0:
.L_simem_size_0:
called_computation_lowered:
.L_overlay_start_0:
0x88: {  	s2 =	sld [smem:$0x3FD9]  }
0x89: {  	s3 =	sld [smem:$0x3FFE];
	_ =	sdelay $0x1  }
0x8a: {  	s1 =	srdreg.scid  }
0x8b: {  	s0 =	sand.u32 $0x1, s1  }
0x8c: {  	s14 =	sshll.u32 s0, $0xA;
	s2 =	sadd.s32 s3, s2  }
0x8d: {  	s2 =	sadd.s32 s2, s14  }
0x8e: {  	[smem:$0x3FBA] =	sst s2  }
0x8f: {  	_ = 	snop  }
0x90: {  	s2 =	sld [smem:$0x3FC9]  }
0x91: {  	s15 =	sld [smem:$0x3FD0]  }
0x92: {  	s4 =	sld [smem:$0x3FC8]  }
0x93: {  	s5 =	sld [smem:$0x3FC5]  }
0x94: {  	s7 =	simm.s32 $0xA;
	s8 =	simm.s32 $0x10;
	s6 =	sld [smem:$0x3FC4]  }
0x95: {  	[smem:s8], [sflag:s7] =	dma.local [hbm:s15], $0x1  }
0x96: {  	_ =	swait.eq [sflag:s7], $0x1  }
0x97: {  	[sflag:s7] =	ssyncset.done $0x0  }
0x98: {  	s16 =	sld [smem:$0x10];
	[sflag:s7] =	ssyncadd.s32 $0xFFFFFFFF  }
0x99: {  	s17 =	sld [smem:$0x11];
	(tm) =	ssettm $0x1  }
0x9a: {  	s18 =	sld [smem:$0x3FFB];
	_ =	sdelay $0x3  }
0x9b: {  	_ =	strace s18  }
0x9c: {  	s8 =	sld [smem:$0x3FFC];
	_ =	sdelay $0x3  }
0x9d: {  	_ =	strace s8  }
0x9e: {  	s8 =	sld [smem:$0x3FFD];
	_ =	sdelay $0x3  }
0x9f: {  	_ =	strace s8  }
0xa0: {  	_ =	strace $0x8FFFFFFF  }
0xa1: {  	s19 =	sld [smem:$0x3FDB];
	_ =	sdelay $0x1  }
0xa2: {  	s9 =	simm.s32 $_scs_section_size  }
0xa3: {  	s10 =	simm.s32 $_size__tile_overlayer_lowered;
	s11 =	simm.s32 $_tile_overlayer_lowered  }
0xa4: {  	s22 =	simm.s32 $0x1BFF;
	s21 =	sshll.u32 s11, $0x1;
	s8 =	sadd.s32 s9, s19  }
0xa5: {  	s12 =	simm.s32 $0x0;
	s20 =	sshll.u32 s10, $0x1;
	s10 =	sadd.s32 s21, s8  }
0xa6: {  	[timem:s12], [sflag:s22] =	dma.local [hbm:s10], s20  }
0xa7: {  	_ =	swait.ge [sflag:s22], s20  }
0xa8: {  	s9 =	ssub.s32 $0x0, s20;
	[sflag:s22] =	ssyncset.done $0x0  }
0xa9: {  	[sflag:s22] =	ssyncadd.s32 s9;
	_ =	sdelay $0x1  }
0xaa: {  	s23 =	simm.s32 $0x1B8B  }
0xab: {  	_ =	swait.ge [sflag:s23], $0x1  }
0xac: {  	[sflag:s23] =	ssyncset.done $0x0  }
0xad: {  	s25 =	simm.s32 $0x1B8E;
	s24 =	sld [smem:$0x3FFE];
	[sflag:s23] =	ssyncadd.s32 $0xFFFFFFFF  }
0xae: {  	s26 =	simm.s32 $execute0_lowered;
	[smem:$0x3FD2] =	sst s25  }
0xaf: {  	s10 =	sshll.u32 s26, $0x1;
	_ =	strace $0x80000046;
	[dreg:$0x1] =	wrdreg $0xFFFFFFFF  }
0xb0: {  	s28 =	simm.s32 $_size_execute0_lowered;
	s8 =	sadd.s32 s8, s10;
	[dreg:$0x0] =	wrdreg $0x0  }
0xb1: {  	s10 =	sshll.u32 s28, $0x1;
	[dreg:$0x2] =	wrdreg s8  }
0xb2: {  	[dreg:$0x3] =	wrdreg s10  }
0xb3: {  	[dreg:$0x4] =	wrdreg $0xC0  }
0xb4: {  	_ =	task [dreg:s12], $0x5FFFF  }
0xb5: {  	[dreg:$0x1] =	wrdreg $0xFFFFFFFF  }
0xb6: {  	[dreg:$0x0] =	wrdreg $0x60  }
0xb7: {  	[dreg:$0x2] =	wrdreg s2  }
0xb8: {  	[dreg:$0x3] =	wrdreg s4  }
0xb9: {  	[dreg:$0x4] =	wrdreg s5  }
0xba: {  	[dreg:$0x5] =	wrdreg s6  }
0xbb: {  	[dreg:$0x6] =	wrdreg s16  }
0xbc: {  	[dreg:$0x7] =	wrdreg s24  }
0xbd: {  	[dreg:$0x8] =	wrdreg s17  }
0xbe: {  	[dreg:$0x9] =	wrdreg $0x18000  }
0xbf: {  	[dreg:$0xa] =	wrdreg $0x1A800  }
0xc0: {  	[dreg:$0xb] =	wrdreg $0x9  }
0xc1: {  	_ =	task.clear_ibuf [dreg:s12], $0xCFFFF;
	_ =	strace $0x90000046  }
0xc2: {  	s29 =	simm.s32 $0x9;
	_ =	strace $0x80000048  }
0xc3: {  	_ =	swait.ge [sflag:s29], $0x1  }
0xc4: {  	[sflag:s29] =	ssyncadd.s32 $0xFFFFFFFF  }
0xc5: {  	_ =	strace $0x90000048  }
0xc6: {  	_ =	sfence  }
0xc7: {  	s30 =	sld [smem:$0x0];
	_ =	sdelay $0x2  }
0xc8: {  	s31 =	sshll.u32 s1, $0xD;
	s1 =	sshrl.u32 s1, $0x2  }
0xc9: {  	s3 =	sand.u32 $0x4000, s31;
	s1 =	sadd.s32 s1, s30  }
0xca: {  	s0 =	sor.u32 s3, s0;
	s1 =	sshll.u32 s1, $0x11  }
0xcb: {  	s0 =	sor.u32 s1, s0  }
0xcc: {  	s0 =	sadd.s32 $0x8F2B, s0  }
0xcd: {  	[sflag:s0] =	ssyncadd.remote.s32 $0x1  }
0xce: {  	_ =	sfence.sel $0xFFFF  }
0xcf: {  	[dreg:$0x0] =	wrdreg $0xFFFFFFFF;
	(pc) =	sbr.abs _section_cstart, $3  }
0xd0: {  	[dreg:$0x1] =	wrdreg $0xFFFFFFFF  }
0xd1: {  	_ =	task.clear_ibuf [dreg:s12], $0x2FFFF;
	_ =	strace $0x9FFFFFFF  }
0xd2: {  	(tm) =	ssettm $0x7FFFFFFF  }
0xd3: {  	_ =	shalt  }
tec
execute0_lowered:
.L_overlay_start_1:
0x0: {  	(tag) =	ssettag $0x1  }
0x1: {  	s4 =	rddreg [dreg:$0x0]  }
0x2: {  	s0 =	rddreg [dreg:$0x1]  }
0x3: {  	s1 =	rddreg [dreg:$0x2]  }
0x4: {  	s2 =	rddreg [dreg:$0x3]  }
0x5: {  	s7 =	rddreg [dreg:$0x4]  }
0x6: {  	s8 =	rddreg [dreg:$0x5]  }
0x7: {  	s10 =	rddreg [dreg:$0x6]  }
0x8: {  	s3 =	rddreg [dreg:$0x7];
	s6 =	srdreg.scid  }
0x9: {  	s11 =	stileid.u32;
	s5 =	rddreg [dreg:$0x8]  }
0xa: {  	s28 =	simm.s32 $0x1500;
	s29 =	simm.s32 $0x1480;
	s30 =	simm.s32 $0x80  }
0xb: {  	s31 =	simm.s32 $0x0;
	s12 =	sand.u32 $0x1, s6;
	s14 =	smul.u32 $0x280, s11  }
0xc: {  	s9 =	sshll.u32 s11, $0x1;
	s6 =	simm.s32 $0x0;
	s17 =	smul.u32 $0x50, s11  }
0xd: {  	s24 =	sadd.s32 $0x6000, s8;
	s25 =	sadd.s32 $0x5E00, s8;
	s19 =	smul.u32 $0x2800, s11  }
0xe: {  	s21 =	smul.u32 $0x14000, s11;
	s22 =	sshll.u32 s11, $0x4;
	p1 =	sgt.u32 s11, $0x7  }
0xf: {  	p2 =	slt.u32 s11, $0x8;
	p0 =	sne.s32 s11, $0x0;
	s9 =	sor.u32 s12, s9  }
0x10: {  	[smem:$0x7FF] =	sst s6;
	s13 =	ssub.s32 $0x2, s12;
	s15 =	sshll.u32 s12, $0x4  }
0x11: {  	s18 =	smul.u32 $0x28, s12;
	_ =	strace $0x80000047;
	[dreg:$0xa] =	wrdreg s24  }
0x12: {  	s23 =	sshll.u32 s12, $0x3;
	s9 =	smul.u32 $0x30, s9;
	[dreg:$0xb] =	wrdreg s25  }
0x13: {  	s16 =	sshrl.u32 s13, $0x1;
	s26 =	sadd.s32 s14, s3;
	s14 =	sadd.s32 s14, s5  }
0x14: {  	s10 =	sadd.s32 s10, s15;
	s24 =	smul.u32 $0xA000, s12;
	[dreg:$0xc] =	wrdreg s26  }
0x15: {  	s4 =	sadd.s32 s17, s4;
	s25 =	smul.u32 $0xA00, s11;
	[dreg:$0xd] =	wrdreg s14  }
0x16: {  	s16 =	ssub.s32 s13, s16;
	[dreg:$0xe] =	wrdreg s10;
	s4 =	sadd.s32 s18, s4  }
0x17: {  	s18 =	sor.u32 s23, s22;
	s26 =	smul.u32 $0x500, s12;
	s20 =	sadd.s32 s9, s8  }
0x18: {  	s9 =	sadd.s32 $0x6C00, s8;
	s8 =	sadd.s32 s15, s8;
	s15 =	smul.u32 $0x1400, s12  }
0x19: {  	s16 =	smax.u32 s16, $0x1;
	[dreg:$0x11] =	wrdreg s4;
	s4 =	sadd.s32 s24, s21  }
0x1a: {  	s7 =	sadd.s32 s25, s7;
	s21 =	sadd.s32 $0xFFFFFF80, s18;
	s25 =	simm.s32 $0x1580  }
0x1b: {  	s8 =	sadd.s32 $0x6200, s8;
	[dreg:$0x10] =	wrdreg s16;
	s19 =	sadd.s32 s19, s9  }
0x1c: {  	s17 =	sadd.s32 $0x5800, s20;
	s22 =	sadd.s32 s26, s7;
	s23 =	smul.u32 $0x28, s21  }
0x1d: {  	s24 =	sadd.s32 $0xFFFFC400, s4;
	s26 =	simm.s32 $0x1;
	[dreg:$0xf] =	wrdreg s8  }
0x1e: {  	s16 =	sadd.s32 s15, s19;
	s19 =	sadd.s32 $0x5810, s20;
	s20 =	sadd.s32 $0x5820, s20  }
.LBB2_1:
0x1f: {  	s4 =	rddreg [dreg:$0xb]  }
0x20: {  	[tilespmem:s25], [sflag:$0x1] =	stream.linear.gather [hbm4b:s4+s6], $0x280, $0x38;
	[tilespmem:$0x1D00] =	vst v63  }
0x21: {  	_ =	swait.ge [sflag:s26], $0x280  }
0x22: {  	[sflag:s26] =	ssyncset.done $0x0  }
0x23: {  	s13 =	rddreg [dreg:$0xc];
	[sflag:s26] =	ssyncadd.s32 $0xFFFFFD80  }
0x24: {  	[spmem:s13] =	stream.linear.scatter [tilespmem:s25], [sflag:$0x1], $0x280, $0x38;
	[tilespmem:$0x1D00] =	vst v63  }
0x25: {  	_ =	swait.ge [sflag:s26], $0x280  }
0x26: {  	[sflag:s26] =	ssyncset.done $0x0  }
0x27: {  	s14 =	rddreg [dreg:$0xd];
	[sflag:s26] =	ssyncadd.s32 $0xFFFFFD80  }
0x28: {  	[spmem:s14] =	stream.linear.scatter [tilespmem:s25], [sflag:$0x1], $0x280, $0x38;
	[tilespmem:$0x1D00] =	vst v63  }
0x29: {  	_ =	swait.ge [sflag:s26], $0x280  }
0x2a: {  	[sflag:s26] =	ssyncset.done $0x0  }
.Ltmp0:
0x2b: {  	s15 =	rddreg [dreg:$0xa];
	[sflag:s26] =	ssyncadd.s32 $0xFFFFFD80;
	(pc) =	sbr.rel @p1 .LBB2_5-.Ltmp0, $4  }
0x2c: {  	[tilespmem:s28], [sflag:$0x1] =	stream.linear.gather [hbm4b:s15+s6], $0x80, $0x38;
	[tilespmem:$0x1D00] =	vst v63  }
0x2d: {  	_ =	swait.ge [sflag:s26], $0x80  }
0x2e: {  	[sflag:s26] =	ssyncset.done $0x0  }
0x2f: {  	[sflag:s26] =	ssyncadd.s32 $0xFFFFFF80  }
0x30: {  	s4 =	sadd.s32 $0x0, s18  }
0x31: {  	p3 =	sgt.u32 s4, $0x7C  }
0x32: {  	s12 =	rddreg [dreg:$0x11];
	s4 =	simm.s32 @!p3 $0x0;
	s8 =	simm.s32 @!p3 $0x2  }
0x33: {  	[tilespmem:s4], [sflag:$0x2] =	stream.linear.gather @!p3 [hbm4b:s12+s4], $0x28, $0x38;
	[tilespmem:$0x1D00] =	vst v63  }
0x34: {  	_ =	swait.ge @!p3 [sflag:s8], $0x28  }
0x35: {  	[sflag:s8] =	ssyncset.done @!p3 $0x0;
	p3 =	por p3, p3  }
0x36: {  	[sflag:s8] =	ssyncadd.s32 @!p3 $0xFFFFFFD8;
	s7 =	simm.s32 @!p3 $0x28;
	s11 =	simm.s32 @!p3 $0x80  }
0x37: {  	[tilespmem:s11], [sflag:$0x2] =	stream.indirect.gather @!p3 [hbm4b:s1+s7], $0x80, s4, s7, $0xb8;
	[tilespmem:$0x1D00] =	vst v63  }
0x38: {  	_ =	swait.ge @!p3 [sflag:s8], $0x1400  }
0x39: {  	[sflag:s8] =	ssyncset.done @!p3 $0x0  }
0x3a: {  	s15 =	sadd.s32 $0x1, s18;
	s10 =	simm.s32 @!p3 $0x1;
	[sflag:s8] =	ssyncadd.s32 @!p3 $0xFFFFEC00  }
0x3b: {  	[hbm4b:s16+s4] =	stream.linear.scatter @!p3 [tilespmem:s11], [sflag:$0x1], $0x1400, $0x38;
	[tilespmem:$0x1D00] =	vst v63  }
0x3c: {  	p4 =	sgt.u32 s15, $0x7C;
	s7 =	simm.s32 $0x2;
	_ =	swait.ge @!p3 [sflag:s10], $0x1400  }
0x3d: {  	s8 =	sadd.s32 $0x5, s12;
	s4 =	sadd.s32 $0x280, s16;
	[sflag:s10] =	ssyncset.done @!p3 $0x0  }
.LBB2_3:
0x3e: {  	s11 =	simm.s32 @!p4 $0x0;
	s12 =	simm.s32 @!p4 $0x2;
	[sflag:s10] =	ssyncadd.s32 @!p3 $0xFFFFEC00  }
0x3f: {  	[tilespmem:s11], [sflag:$0x2] =	stream.linear.gather @!p4 [hbm4b:s8+s11], $0x28, $0x38;
	[tilespmem:$0x1D00] =	vst v63  }
0x40: {  	s13 =	smov.u32 s7;
	s7 =	sadd.s32 $0x1, s7;
	_ =	swait.ge @!p4 [sflag:s12], $0x28  }
0x41: {  	p3 =	por p4, p4;
	p5 =	sne.s32 s7, $0x8;
	[sflag:s12] =	ssyncset.done @!p4 $0x0  }
0x42: {  	s10 =	simm.s32 @!p3 $0x28;
	s14 =	simm.s32 @!p3 $0x80;
	[sflag:s12] =	ssyncadd.s32 @!p3 $0xFFFFFFD8  }
0x43: {  	[tilespmem:s14], [sflag:$0x2] =	stream.indirect.gather @!p3 [hbm4b:s1+s10], $0x80, s11, s10, $0xb8;
	[tilespmem:$0x1D00] =	vst v63  }
0x44: {  	_ =	swait.ge @!p3 [sflag:s12], $0x1400  }
.Ltmp1:
0x45: {  	[sflag:s12] =	ssyncset.done @!p3 $0x0;
	(pc) =	sbr.rel @p5 .LBB2_3-.Ltmp1, $4  }
0x46: {  	s10 =	simm.s32 @!p3 $0x1;
	[sflag:s12] =	ssyncadd.s32 @!p3 $0xFFFFEC00  }
0x47: {  	[hbm4b:s4+s11] =	stream.linear.scatter @!p3 [tilespmem:s14], [sflag:$0x1], $0x1400, $0x38;
	[tilespmem:$0x1D00] =	vst v63  }
0x48: {  	s11 =	sadd.s32 s13, s18;
	s4 =	sadd.s32 $0x280, s4;
	_ =	swait.ge @!p3 [sflag:s10], $0x1400  }
0x49: {  	s8 =	sadd.s32 $0x5, s8;
	p4 =	sgt.u32 s11, $0x7C;
	[sflag:s10] =	ssyncset.done @!p3 $0x0  }
0x4a: {  	s7 =	simm.s32 @!p4 $0x0;
	s11 =	simm.s32 @!p4 $0x2;
	[sflag:s10] =	ssyncadd.s32 @!p3 $0xFFFFEC00  }
0x4b: {  	[tilespmem:s7], [sflag:$0x2] =	stream.linear.gather @!p4 [hbm4b:s8+s7], $0x28, $0x38;
	[tilespmem:$0x1D00] =	vst v63  }
0x4c: {  	_ =	swait.ge @!p4 [sflag:s11], $0x28  }
0x4d: {  	p3 =	por p4, p4;
	[sflag:s11] =	ssyncset.done @!p4 $0x0  }
0x4e: {  	s8 =	simm.s32 @!p3 $0x28;
	s10 =	simm.s32 @!p3 $0x80;
	[sflag:s11] =	ssyncadd.s32 @!p3 $0xFFFFFFD8  }
0x4f: {  	[tilespmem:s10], [sflag:$0x2] =	stream.indirect.gather @!p3 [hbm4b:s1+s8], $0x80, s7, s8, $0xb8;
	[tilespmem:$0x1D00] =	vst v63  }
0x50: {  	_ =	swait.ge @!p3 [sflag:s11], $0x1400  }
0x51: {  	[sflag:s11] =	ssyncset.done @!p3 $0x0  }
.Ltmp2:
0x52: {  	s8 =	simm.s32 @!p3 $0x1;
	[sflag:s11] =	ssyncadd.s32 @!p3 $0xFFFFEC00;
	(pc) =	sbr.rel @p2 .LBB2_8-.Ltmp2, $4  }
0x53: {  	[hbm4b:s4+s7] =	stream.linear.scatter @!p3 [tilespmem:s10], [sflag:$0x1], $0x1400, $0x38;
	[tilespmem:$0x1D00] =	vst v63  }
0x54: {  	_ =	swait.ge @!p3 [sflag:s8], $0x1400  }
0x55: {  	[sflag:s8] =	ssyncset.done @!p3 $0x0  }
0x56: {  	[sflag:s8] =	ssyncadd.s32 @!p3 $0xFFFFEC00  }
.LBB2_5:
0x57: {  	s4 =	sadd.s32 $0x0, s21  }
0x58: {  	p3 =	sgt.s32 s4, $0x7C  }
0x59: {  	s4 =	sshrl.u32 @!p3 s23, $0x3;
	s8 =	simm.s32 @!p3 $0x0  }
0x5a: {  	s10 =	simm.s32 @!p3 $0x2;
	s4 =	sadd.s32 @!p3 s0, s4;
	p3 =	por p3, p3  }
0x5b: {  	[tilespmem:s8], [sflag:$0x2] =	stream.linear.gather @!p3 [hbm4b:s4+s8], $0x28, $0x38;
	[tilespmem:$0x1D00] =	vst v63  }
0x5c: {  	_ =	swait.ge @!p3 [sflag:s10], $0x28  }
0x5d: {  	[sflag:s10] =	ssyncset.done @!p3 $0x0  }
0x5e: {  	s4 =	simm.s32 @!p3 $0x28;
	s12 =	simm.s32 @!p3 $0x80;
	[sflag:s10] =	ssyncadd.s32 @!p3 $0xFFFFFFD8  }
0x5f: {  	[tilespmem:s12], [sflag:$0x2] =	stream.indirect.gather @!p3 [hbm4b:s2+s4], $0x80, s8, s4, $0xb8;
	[tilespmem:$0x1D00] =	vst v63  }
0x60: {  	s7 =	simm.s32 $0x2;
	s14 =	sadd.s32 $0x1, s21;
	_ =	swait.ge @!p3 [sflag:s10], $0x1400  }
0x61: {  	p5 =	sgt.s32 s14, $0x7C;
	s4 =	sshrl.u32 @!p3 s24, $0x3;
	[sflag:s10] =	ssyncset.done @!p3 $0x0  }
0x62: {  	s11 =	simm.s32 @!p3 $0x1;
	s13 =	sadd.s32 @!p3 s9, s4;
	[sflag:s10] =	ssyncadd.s32 @!p3 $0xFFFFEC00  }
0x63: {  	[hbm4b:s13+s8] =	stream.linear.scatter @!p3 [tilespmem:s12], [sflag:$0x1], $0x1400, $0x38;
	[tilespmem:$0x1D00] =	vst v63  }
0x64: {  	s4 =	sadd.s32 $0x1400, s24;
	s10 =	sadd.s32 $0x28, s23;
	_ =	swait.ge @!p3 [sflag:s11], $0x1400  }
0x65: {  	s12 =	sshrl.u32 @!p5 s10, $0x3;
	s8 =	simm.s32 @!p5 $0x0;
	[sflag:s11] =	ssyncset.done @!p3 $0x0  }
.LBB2_6:
0x66: {  	s12 =	sadd.s32 @!p5 s0, s12;
	s13 =	simm.s32 @!p5 $0x2  }
0x67: {  	[sflag:s11] =	ssyncadd.s32 @!p3 $0xFFFFEC00;
	s11 =	smov.u32 s7;
	p3 =	por p5, p5  }
0x68: {  	[tilespmem:s8], [sflag:$0x2] =	stream.linear.gather @!p3 [hbm4b:s12+s8], $0x28, $0x38;
	[tilespmem:$0x1D00] =	vst v63  }
0x69: {  	s7 =	sadd.s32 $0x1, s7;
	s12 =	sshrl.u32 @!p3 s4, $0x3;
	_ =	swait.ge @!p3 [sflag:s13], $0x28  }
0x6a: {  	p4 =	sne.s32 s7, $0x8;
	s12 =	sadd.s32 @!p3 s9, s12;
	[sflag:s13] =	ssyncset.done @!p3 $0x0  }
0x6b: {  	s14 =	simm.s32 @!p3 $0x28;
	s15 =	simm.s32 @!p3 $0x80;
	[sflag:s13] =	ssyncadd.s32 @!p3 $0xFFFFFFD8  }
0x6c: {  	[tilespmem:s15], [sflag:$0x2] =	stream.indirect.gather @!p3 [hbm4b:s2+s14], $0x80, s8, s14, $0xb8;
	[tilespmem:$0x1D00] =	vst v63  }
0x6d: {  	_ =	swait.ge @!p3 [sflag:s13], $0x1400  }
.Ltmp3:
0x6e: {  	s4 =	sadd.s32 $0x1400, s4;
	[sflag:s13] =	ssyncset.done @!p3 $0x0;
	(pc) =	sbr.rel @p4 .LBB2_6-.Ltmp3, $4  }
0x6f: {  	s14 =	sadd.s32 s11, s21;
	s11 =	simm.s32 @!p3 $0x1;
	[sflag:s13] =	ssyncadd.s32 @!p3 $0xFFFFEC00  }
0x70: {  	[hbm4b:s12+s8] =	stream.linear.scatter @!p3 [tilespmem:s15], [sflag:$0x1], $0x1400, $0x38;
	[tilespmem:$0x1D00] =	vst v63  }
0x71: {  	s10 =	sadd.s32 $0x28, s10;
	p5 =	sgt.s32 s14, $0x7C;
	_ =	swait.ge @!p3 [sflag:s11], $0x1400  }
0x72: {  	s12 =	sshrl.u32 @!p5 s10, $0x3;
	s8 =	simm.s32 @!p5 $0x0;
	[sflag:s11] =	ssyncset.done @!p3 $0x0  }
0x73: {  	s7 =	sadd.s32 @!p5 s0, s12  }
0x74: {  	s10 =	simm.s32 @!p5 $0x2;
	[sflag:s11] =	ssyncadd.s32 @!p3 $0xFFFFEC00;
	p3 =	por p5, p5  }
0x75: {  	[tilespmem:s8], [sflag:$0x2] =	stream.linear.gather @!p3 [hbm4b:s7+s8], $0x28, $0x38;
	[tilespmem:$0x1D00] =	vst v63  }
0x76: {  	_ =	swait.ge @!p3 [sflag:s10], $0x28  }
0x77: {  	[sflag:s10] =	ssyncset.done @!p3 $0x0  }
0x78: {  	s7 =	simm.s32 @!p3 $0x28;
	s11 =	simm.s32 @!p3 $0x80;
	[sflag:s10] =	ssyncadd.s32 @!p3 $0xFFFFFFD8  }
0x79: {  	[tilespmem:s11], [sflag:$0x2] =	stream.indirect.gather @!p3 [hbm4b:s2+s7], $0x80, s8, s7, $0xb8;
	[tilespmem:$0x1D00] =	vst v63  }
0x7a: {  	_ =	swait.ge @!p3 [sflag:s10], $0x1400  }
0x7b: {  	s4 =	sshrl.u32 @!p3 s4, $0x3;
	[sflag:s10] =	ssyncset.done @!p3 $0x0  }
0x7c: {  	s4 =	sadd.s32 @!p3 s9, s4;
	s7 =	simm.s32 @!p3 $0x1;
	[sflag:s10] =	ssyncadd.s32 @!p3 $0xFFFFEC00  }
0x7d: {  	[hbm4b:s4+s8] =	stream.linear.scatter @!p3 [tilespmem:s11], [sflag:$0x1], $0x1400, $0x38;
	[tilespmem:$0x1D00] =	vst v63  }
0x7e: {  	_ =	swait.ge @!p3 [sflag:s7], $0x1400  }
0x7f: {  	[sflag:s7] =	ssyncset.done @!p3 $0x0  }
0x80: {  	[sflag:s7] =	ssyncadd.s32 @!p3 $0xFFFFEC00  }
.LBB2_8:
0x81: {  	[bflag:$0x0] =	sbarrier.arrive $0xFFFF;
	s4 =	sadd.s32 $0x0, s22  }
0x82: {  	[tilespmem:s29], [sflag:$0x1] =	stream.linear.gather [hbm4b:s4+s6], $0x80, $0x38;
	[tilespmem:$0x1D00] =	vst v63  }
0x83: {  	_ =	swait.ge [sflag:s26], $0x80  }
0x84: {  	[sflag:s26] =	ssyncset.done $0x0  }
0x85: {  	[sflag:s26] =	ssyncadd.s32 $0xFFFFFF80  }
0x86: {  	[spmem:s3] =	stream.indirect.scatter.add.f32 [tilespmem:s28], [sflag:$0x1], $0x1, s29, s30, $0xb8;
	[tilespmem:$0x1D00] =	vst v63  }
0x87: {  	_ =	swait.ge [sflag:s26], $0x80  }
0x88: {  	s7 =	simm.s32 $0x20;
	s4 =	simm.s32 $0x10;
	[sflag:s26] =	ssyncset.done $0x0  }
.LBB2_9:
0x89: {  	s8 =	sadd.s32 s4, s22  }
0x8a: {  	[sflag:s26] =	ssyncadd.s32 $0xFFFFFF80;
	s4 =	smov.u32 s7;
	s10 =	sadd.s32 $0x10, s7  }
0x8b: {  	[tilespmem:s29], [sflag:$0x1] =	stream.linear.gather [hbm4b:s8+s6], $0x80, $0x38;
	[tilespmem:$0x1D00] =	vst v63  }
0x8c: {  	p3 =	sne.s32 s7, $0x4F0;
	_ =	swait.ge [sflag:s26], $0x80  }
.Ltmp4:
0x8d: {  	[sflag:s26] =	ssyncset.done $0x0;
	(pc) =	sbr.rel @p3 .LBB2_9-.Ltmp4, $4  }
0x8e: {  	[sflag:s26] =	ssyncadd.s32 $0xFFFFFF80  }
0x8f: {  	[spmem:s3] =	stream.indirect.scatter.add.f32 [tilespmem:s28], [sflag:$0x1], $0x1, s29, s30, $0xb8;
	[tilespmem:$0x1D00] =	vst v63  }
0x90: {  	_ =	swait.ge [sflag:s26], $0x80  }
0x91: {  	s7 =	smov.u32 s10;
	[sflag:s26] =	ssyncset.done $0x0  }
0x92: {  	s4 =	sadd.s32 s4, s22;
	[sflag:s26] =	ssyncadd.s32 $0xFFFFFF80  }
0x93: {  	[tilespmem:s29], [sflag:$0x1] =	stream.linear.gather [hbm4b:s4+s6], $0x80, $0x38;
	[tilespmem:$0x1D00] =	vst v63  }
0x94: {  	_ =	swait.ge [sflag:s26], $0x80  }
0x95: {  	[sflag:s26] =	ssyncset.done $0x0  }
0x96: {  	[sflag:s26] =	ssyncadd.s32 $0xFFFFFF80  }
0x97: {  	[spmem:s3] =	stream.indirect.scatter.add.f32 [tilespmem:s28], [sflag:$0x1], $0x1, s29, s30, $0xb8;
	[tilespmem:$0x1D00] =	vst v63  }
0x98: {  	_ =	swait.ge [sflag:s26], $0x80  }
0x99: {  	[sflag:s26] =	ssyncset.done $0x0  }
0x9a: {  	[sflag:s26] =	ssyncadd.s32 $0xFFFFFF80  }
0x9b: {  	[tilespmem:s29], [sflag:$0x1] =	stream.linear.gather [hbm4b:s17+s6], $0x80, $0x38;
	[tilespmem:$0x1D00] =	vst v63  }
0x9c: {  	_ =	swait.ge [sflag:s26], $0x80  }
0x9d: {  	[sflag:s26] =	ssyncset.done $0x0  }
0x9e: {  	[sflag:s26] =	ssyncadd.s32 $0xFFFFFF80  }
0x9f: {  	[spmem:s5] =	stream.indirect.scatter.add.f32 [tilespmem:s28], [sflag:$0x1], $0x1, s29, s30, $0xb8;
	[tilespmem:$0x1D00] =	vst v63  }
0xa0: {  	_ =	swait.ge [sflag:s26], $0x80  }
0xa1: {  	[sflag:s26] =	ssyncset.done $0x0  }
0xa2: {  	[sflag:s26] =	ssyncadd.s32 $0xFFFFFF80  }
0xa3: {  	[tilespmem:s29], [sflag:$0x1] =	stream.linear.gather [hbm4b:s19+s6], $0x80, $0x38;
	[tilespmem:$0x1D00] =	vst v63  }
0xa4: {  	_ =	swait.ge [sflag:s26], $0x80  }
0xa5: {  	[sflag:s26] =	ssyncset.done $0x0  }
0xa6: {  	[sflag:s26] =	ssyncadd.s32 $0xFFFFFF80  }
0xa7: {  	[spmem:s5] =	stream.indirect.scatter.add.f32 [tilespmem:s28], [sflag:$0x1], $0x1, s29, s30, $0xb8;
	[tilespmem:$0x1D00] =	vst v63  }
0xa8: {  	_ =	swait.ge [sflag:s26], $0x80  }
0xa9: {  	[sflag:s26] =	ssyncset.done $0x0  }
0xaa: {  	[sflag:s26] =	ssyncadd.s32 $0xFFFFFF80  }
0xab: {  	[tilespmem:s29], [sflag:$0x1] =	stream.linear.gather [hbm4b:s20+s6], $0x80, $0x38;
	[tilespmem:$0x1D00] =	vst v63  }
0xac: {  	_ =	swait.ge [sflag:s26], $0x80  }
0xad: {  	[sflag:s26] =	ssyncset.done $0x0  }
0xae: {  	[sflag:s26] =	ssyncadd.s32 $0xFFFFFF80  }
0xaf: {  	[spmem:s5] =	stream.indirect.scatter.add.f32 [tilespmem:s28], [sflag:$0x1], $0x1, s29, s30, $0xb8;
	[tilespmem:$0x1D00] =	vst v63  }
0xb0: {  	_ =	swait.ge [sflag:s26], $0x80  }
0xb1: {  	[sflag:s26] =	ssyncset.done $0x0  }
0xb2: {  	s7 =	simm.s32 @!p0 $0x1;
	[sflag:s26] =	ssyncadd.s32 $0xFFFFFF80  }
0xb3: {  	s8 =	simm.s32 @!p0 $0x20;
	s10 =	simm.s32 @!p0 $0x10;
	[bflag:$0x0] =	sbarrier.arrive $0xFFFF  }
0xb4: {  	s11 =	simm.s32 @!p0 $0x1C01;
	s4 =	sshrl.u32 @!p0 s3, $0x3;
	s12 =	rddreg [dreg:$0xe]  }
0xb5: {  	[hbm:s12@s8], [sflag:s11] =	dma.strided @!p0 [spmem:s4@s10], $0x500, s7, $0x10   }
0xb6: {  	_ =	swait.ge @!p0 [sflag:s7], $0x500  }
0xb7: {  	[sflag:s7] =	ssyncset.done @!p0 $0x0  }
0xb8: {  	s4 =	sshrl.u32 @!p0 s5, $0x3;
	s12 =	rddreg [dreg:$0xf];
	[sflag:s7] =	ssyncadd.s32 @!p0 $0xFFFFFB00  }
0xb9: {  	[hbm:s12@s8], [sflag:s11] =	dma.strided @!p0 [spmem:s4@s10], $0x500, s7, $0x10   }
0xba: {  	_ =	swait.ge @!p0 [sflag:s7], $0x500  }
0xbb: {  	s31 =	sadd.s32 $0x1, s31;
	s15 =	rddreg [dreg:$0x10]  }
0xbc: {  	p3 =	sne.s32 s31, s15  }
.Ltmp5:
0xbd: {  	_ = 	snop;
	(pc) =	sbr.rel @p3 .LBB2_1-.Ltmp5, $3  }
0xbe: {  	_ =	sdelay $0x1  }
0xbf: {  	[sflag:s7] =	ssyncset.done @!p0 $0x0  }
0xc0: {  	[sflag:s7] =	ssyncadd.s32 @!p0 $0xFFFFFB00  }
0xc1: {  	_ =	sfence.sel $0x180000  }
0xc2: {  	[bflag:$0x0] =	sbarrier.arrive $0xFFFF  }
0xc3: {  	_ =	strace $0x90000047  }
0xc4: {  	[bflag:$0x2] =	sbarrier.arrive $0xFFFF  }
0xc5: {  	s0 =	rddreg [dreg:$0x9]  }
0xc6: {  	s0 =	sadd.s32 @!p0 $0x100000, s0  }
0xc7: {  	[sflag:s0] =	ssyncadd.tile.s32 @!p0 $0x1;
	_ =	shalt  }
.Lfunc_end2:
_tile_overlayer_lowered:
.L_overlay_start_2:
0xc8: {  	(tag) =	ssettag $0x2  }
0xc9: {  	s0 =	rddreg [dreg:$0x0];
	s2 =	stileid.u32  }
0xca: {  	s1 =	rddreg [dreg:$0x1];
	p0 =	sne.s32 s2, $0x0  }
0xcb: {  	s3 =	rddreg [dreg:$0x2];
	[bflag:$0x3] =	sbarrier.arrive $0xFFFF;
	s2 =	simm.s32 @!p0 $0x1C01  }
0xcc: {  	[timem:s3], [sflag:s2] =	dma.local @!p0 [hbm:s0], s1  }
0xcd: {  	s0 =	simm.s32 @!p0 $0x1  }
0xce: {  	_ =	swait.ge @!p0 [sflag:s0], s1  }
0xcf: {  	s1 =	ssub.s32 @!p0 $0x0, s1;
	[sflag:s0] =	ssyncset.done @!p0 $0x0  }
0xd0: {  	[sflag:s0] =	ssyncadd.s32 @!p0 s1  }
0xd1: {  	[bflag:$0x3] =	sbarrier.arrive $0xFFFF  }
0xd2: {  	_ =	shalt  }

// kernel: kernel.15.cloned.1.call-start
scs
__scs_entry_jumppad:
0x0: {  	(pc) =	sbr.rel $0x88, $3  }
0x1: {  	(tag) =	ssettag $0x0;
	lr =	simm.s32 $0x1  }
0x2: {  	[smem:$0x3F93] =	sst lr;
	_ =	strace $0xD0000000  }
0x3: {  	_ = 	snop  }
0x4: {  	_ = 	snop  }
0x5: {  	_ = 	snop  }
0x6: {  	_ = 	snop  }
0x7: {  	_ = 	snop  }
__scs_overlays_trampoline_lowered:
0x8: {  	[smem:$0x3FA2] =	sst s0  }
0x9: {  	[smem:$0x3FA3] =	sst s1  }
0xa: {  	[smem:$0x3FA4] =	sst s2  }
0xb: {  	[smem:$0x3FA5] =	sst s3  }
0xc: {  	[smem:$0x3FA6] =	sst s4  }
0xd: {  	[smem:$0x3FA7] =	sst s5  }
0xe: {  	[smem:$0x3FA8] =	sst s6  }
0xf: {  	[smem:$0x3FA9] =	sst s7  }
0x10: {  	[smem:$0x3FAA] =	sst s8  }
0x11: {  	[smem:$0x3FAB] =	sst s9;
	s0 =	simm.s32 @!p0 $0x0  }
0x12: {  	s1 =	sld [smem:$0x3F91];
	s0 =	simm.s32 @p0 $0x1  }
0x13: {  	[smem:$0x3FAC] =	sst s0;
	s0 =	simm.s32 @!p1 $0x0  }
0x14: {  	s2 =	sld [smem:$0x3F90];
	s0 =	simm.s32 @p1 $0x1  }
0x15: {  	[smem:$0x3FAD] =	sst s0;
	s0 =	simm.s32 @!p2 $0x0  }
0x16: {  	s3 =	sld [smem:$0x3FDB];
	s0 =	simm.s32 @p2 $0x1  }
0x17: {  	s4 =	simm.s32 $0x1BF5;
	[smem:$0x3FAF] =	sst s0  }
0x18: {  	s0 =	sld [smem:$0x3F92];
	_ =	swait.ge [sflag:s4], $0x0  }
0x19: {  	s7 =	sld [smem:$0x3F93]  }
0x1a: {  	s8 =	sadd.s32 $0xFFFFE003, lr  }
0x1b: {  	s9 =	sadd.s32 $0xFFFFFEF7, lr;
	s5 =	simm.s32 $0xFFFFFFFF;
	p2 =	slt.u32 s8, $0xFFFFF086  }
0x1c: {  	p1 =	slt.u32 s9, $0xF7A;
	s5 =	simm.s32 @!p2 $0x0  }
0x1d: {  	s5 =	simm.s32 @p1 $0x1;
	p0 =	seq.s32 s7, s2  }
0x1e: {  	s7 =	smul.u32 @!p0 $0xF7A, s2;
	p2 =	seq.s32 @!p0 s5, $0x0  }
0x1f: {  	s9 =	smul.u32 $0xF7A, s1;
	s8 =	simm.s32 @!p0 $0x1BF5;
	p2 =	por !p2, p0  }
0x20: {  	[sflag:s8] =	ssyncset.s32 @!p0 $0xFFFFF086;
	s6 =	sadd.s32 @!p0 s3, s7;
	s7 =	simm.s32 @!p0 $0x108  }
0x21: {  	s3 =	sadd.s32 s3, s9;
	s6 =	sadd.s32 @!p0 $0x88, s6;
	s7 =	simm.s32 @p2 $0x1082  }
0x22: {  	[simem:s7], [sflag:s8] =	dma.local @!p0 [hbm:s6], $0xF7A  }
0x23: {  	s9 =	sor.u32 $0xD0000000, s2;
	s6 =	simm.s32 $0x108;
	_ =	swait.ge @!p0 [sflag:s8], $0x0  }
0x24: {  	s3 =	sadd.s32 $0x88, s3;
	s6 =	simm.s32 @!p1 $0x1082;
	[sflag:s4] =	ssyncset.s32 $0xFFFFF086  }
0x25: {  	[simem:s6], [sflag:s4] =	dma.local [hbm:s3], $0xF7A  }
0x26: {  	[smem:$0x3F93] =	sst s1;
	(tag) =	ssettag s2;
	_ =	strace s9  }
0x27: {  	s1 =	sld [smem:$0x3FA3]  }
0x28: {  	s2 =	sld [smem:$0x3FA4]  }
0x29: {  	s4 =	sld [smem:$0x3FA6]  }
0x2a: {  	p0 =	seq.s32 s5, $0x0;
	s5 =	sld [smem:$0x3FA7]  }
0x2b: {  	s6 =	sld [smem:$0x3FA8]  }
0x2c: {  	s7 =	sld [smem:$0x3FA9]  }
0x2d: {  	s3 =	simm.s32 $0x108;
	s8 =	sld [smem:$0x3FAA]  }
0x2e: {  	s3 =	simm.s32 @!p0 $0x1082;
	s9 =	sld [smem:$0x3FAB]  }
0x2f: {  	lr =	sadd.s32 s0, s3;
	s0 =	sld [smem:$0x3FA2]  }
0x30: {  	s3 =	sld [smem:$0x3FA5]  }
0x31: {  	[smem:$0x3FAE] =	sst s10  }
0x32: {  	s10 =	sld [smem:$0x3FAC];
	_ =	sdelay $0x3  }
0x33: {  	p0 =	seq.s32 s10, $0x1;
	s10 =	sld [smem:$0x3FAE];
	_ =	sdelay $0x3  }
0x34: {  	[smem:$0x3FAE] =	sst s10  }
0x35: {  	s10 =	sld [smem:$0x3FAD];
	_ =	sdelay $0x3  }
0x36: {  	p1 =	seq.s32 s10, $0x1;
	s10 =	sld [smem:$0x3FAE];
	_ =	sdelay $0x3  }
0x37: {  	[smem:$0x3FAE] =	sst s10  }
0x38: {  	s10 =	sld [smem:$0x3FAF]  }
0x39: {  	_ = 	snop;
	(pc) =	sbr.ind lr, $3  }
0x3a: {  	_ = 	snop  }
0x3b: {  	_ = 	snop  }
0x3c: {  	p2 =	seq.s32 s10, $0x1;
	s10 =	sld [smem:$0x3FAE]  }
0x3d: {  	_ =	shalt  }
0x3e: {  	_ =	shalt  }
0x3f: {  	_ =	shalt  }
0x40: {  	_ =	shalt  }
0x41: {  	_ =	shalt  }
0x42: {  	_ =	shalt  }
0x43: {  	_ =	shalt  }
0x44: {  	_ =	shalt  }
0x45: {  	_ =	shalt  }
0x46: {  	_ =	shalt  }
0x47: {  	_ =	shalt  }
0x48: {  	_ =	shalt  }
0x49: {  	_ =	shalt  }
0x4a: {  	_ =	shalt  }
0x4b: {  	_ =	shalt  }
0x4c: {  	_ =	shalt  }
0x4d: {  	_ =	shalt  }
0x4e: {  	_ =	shalt  }
0x4f: {  	_ =	shalt  }
0x50: {  	_ =	shalt  }
0x51: {  	_ =	shalt  }
0x52: {  	_ =	shalt  }
0x53: {  	_ =	shalt  }
0x54: {  	_ =	shalt  }
0x55: {  	_ =	shalt  }
0x56: {  	_ =	shalt  }
0x57: {  	_ =	shalt  }
0x58: {  	_ =	shalt  }
0x59: {  	_ =	shalt  }
0x5a: {  	_ =	shalt  }
0x5b: {  	_ =	shalt  }
0x5c: {  	_ =	shalt  }
0x5d: {  	_ =	shalt  }
0x5e: {  	_ =	shalt  }
0x5f: {  	_ =	shalt  }
0x60: {  	_ =	shalt  }
0x61: {  	_ =	shalt  }
0x62: {  	_ =	shalt  }
0x63: {  	_ =	shalt  }
0x64: {  	_ =	shalt  }
0x65: {  	_ =	shalt  }
0x66: {  	_ =	shalt  }
0x67: {  	_ =	shalt  }
0x68: {  	_ =	shalt  }
0x69: {  	_ =	shalt  }
0x6a: {  	_ =	shalt  }
0x6b: {  	_ =	shalt  }
0x6c: {  	_ =	shalt  }
0x6d: {  	_ =	shalt  }
0x6e: {  	_ =	shalt  }
0x6f: {  	_ =	shalt  }
0x70: {  	_ =	shalt  }
0x71: {  	_ =	shalt  }
0x72: {  	_ =	shalt  }
0x73: {  	_ =	shalt  }
0x74: {  	_ =	shalt  }
0x75: {  	_ =	shalt  }
0x76: {  	_ =	shalt  }
0x77: {  	_ =	shalt  }
0x78: {  	_ =	shalt  }
0x79: {  	_ =	shalt  }
0x7a: {  	_ =	shalt  }
0x7b: {  	_ =	shalt  }
0x7c: {  	_ =	shalt  }
0x7d: {  	_ =	shalt  }
0x7e: {  	_ =	shalt  }
0x7f: {  	_ =	shalt  }
0x80: {  	_ =	shalt  }
0x81: {  	_ =	shalt  }
0x82: {  	_ =	shalt  }
0x83: {  	_ =	shalt  }
0x84: {  	_ =	shalt  }
0x85: {  	_ =	shalt  }
0x86: {  	_ =	shalt  }
0x87: {  	_ =	shalt  }
.Lfunc_end0:
.L_simem_size_0:
called_computation.1_lowered:
.L_overlay_start_0:
0x88: {  	s2 =	sld [smem:$0x3FD9]  }
0x89: {  	s3 =	sld [smem:$0x3FFE];
	_ =	sdelay $0x1  }
0x8a: {  	s1 =	srdreg.scid  }
0x8b: {  	s0 =	sand.u32 $0x1, s1  }
0x8c: {  	s16 =	sshll.u32 s0, $0xA;
	s2 =	sadd.s32 s3, s2  }
0x8d: {  	s2 =	sadd.s32 s2, s16  }
0x8e: {  	[smem:$0x3FBA] =	sst s2  }
0x8f: {  	_ = 	snop  }
0x90: {  	(tm) =	ssettm $0x1  }
0x91: {  	s17 =	sld [smem:$0x3FFB];
	_ =	sdelay $0x3  }
0x92: {  	_ =	strace s17  }
0x93: {  	s2 =	sld [smem:$0x3FFC];
	_ =	sdelay $0x3  }
0x94: {  	_ =	strace s2  }
0x95: {  	s2 =	sld [smem:$0x3FFD];
	_ =	sdelay $0x3  }
0x96: {  	_ =	strace s2  }
0x97: {  	_ =	strace $0x8FFFFFFF  }
0x98: {  	s18 =	sld [smem:$0x3FDB];
	_ =	sdelay $0x1  }
0x99: {  	s19 =	simm.s32 $_scs_section_size  }
0x9a: {  	s4 =	simm.s32 $_size__tile_overlayer_lowered;
	s5 =	simm.s32 $_tile_overlayer_lowered  }
0x9b: {  	s22 =	simm.s32 $0x1BFF;
	s21 =	sshll.u32 s5, $0x1;
	s2 =	sadd.s32 s19, s18  }
0x9c: {  	s6 =	simm.s32 $0x0;
	s20 =	sshll.u32 s4, $0x1;
	s4 =	sadd.s32 s21, s2  }
0x9d: {  	[timem:s6], [sflag:s22] =	dma.local [hbm:s4], s20  }
0x9e: {  	_ =	swait.ge [sflag:s22], s20  }
0x9f: {  	s3 =	ssub.s32 $0x0, s20;
	[sflag:s22] =	ssyncset.done $0x0  }
0xa0: {  	[sflag:s22] =	ssyncadd.s32 s3;
	_ =	sdelay $0x1  }
0xa1: {  	s23 =	simm.s32 $0x1B8B  }
0xa2: {  	_ =	swait.ge [sflag:s23], $0x1  }
0xa3: {  	[sflag:s23] =	ssyncset.done $0x0  }
0xa4: {  	s25 =	simm.s32 $0x1B8E;
	s24 =	sld [smem:$0x3FFE];
	[sflag:s23] =	ssyncadd.s32 $0xFFFFFFFF  }
0xa5: {  	s26 =	simm.s32 $execute0_lowered;
	[smem:$0x3FD2] =	sst s25  }
0xa6: {  	s4 =	sshll.u32 s26, $0x1;
	_ =	strace $0x80000049;
	[dreg:$0x1] =	wrdreg $0xFFFFFFFF  }
0xa7: {  	s28 =	simm.s32 $_size_execute0_lowered;
	s2 =	sadd.s32 s2, s4;
	[dreg:$0x0] =	wrdreg $0x0  }
0xa8: {  	s4 =	sshll.u32 s28, $0x1;
	[dreg:$0x2] =	wrdreg s2  }
0xa9: {  	[dreg:$0x3] =	wrdreg s4  }
0xaa: {  	[dreg:$0x4] =	wrdreg $0xC0  }
0xab: {  	_ =	task [dreg:s6], $0x5FFFF  }
0xac: {  	[dreg:$0x1] =	wrdreg $0xFFFFFFFF  }
0xad: {  	[dreg:$0x0] =	wrdreg $0x60  }
0xae: {  	[dreg:$0x2] =	wrdreg s24  }
0xaf: {  	[dreg:$0x3] =	wrdreg $0x14000  }
0xb0: {  	[dreg:$0x4] =	wrdreg $0xB4000  }
0xb1: {  	[dreg:$0x5] =	wrdreg $0x9  }
0xb2: {  	_ =	task.clear_ibuf [dreg:s6], $0x6FFFF;
	_ =	strace $0x90000049  }
0xb3: {  	s29 =	simm.s32 $0x9;
	_ =	strace $0x8000004B  }
0xb4: {  	_ =	swait.ge [sflag:s29], $0x1  }
0xb5: {  	[sflag:s29] =	ssyncadd.s32 $0xFFFFFFFF  }
0xb6: {  	_ =	strace $0x9000004B  }
0xb7: {  	_ =	sfence  }
0xb8: {  	s30 =	sld [smem:$0x0];
	_ =	sdelay $0x2  }
0xb9: {  	s31 =	sshll.u32 s1, $0xD;
	s1 =	sshrl.u32 s1, $0x2  }
0xba: {  	s3 =	sand.u32 $0x4000, s31;
	s1 =	sadd.s32 s1, s30  }
0xbb: {  	s0 =	sor.u32 s3, s0;
	s1 =	sshll.u32 s1, $0x11  }
0xbc: {  	s0 =	sor.u32 s1, s0  }
0xbd: {  	s0 =	sadd.s32 $0x8F2B, s0  }
0xbe: {  	[sflag:s0] =	ssyncadd.remote.s32 $0x1  }
0xbf: {  	_ =	sfence.sel $0xFFFF  }
0xc0: {  	[dreg:$0x0] =	wrdreg $0xFFFFFFFF;
	(pc) =	sbr.abs _section_cstart, $3  }
0xc1: {  	[dreg:$0x1] =	wrdreg $0xFFFFFFFF  }
0xc2: {  	_ =	task.clear_ibuf [dreg:s6], $0x2FFFF;
	_ =	strace $0x9FFFFFFF  }
0xc3: {  	(tm) =	ssettm $0x7FFFFFFF  }
tec
execute0_lowered:
.L_overlay_start_1:
0x0: {  	(tag) =	ssettag $0x1  }
0x1: {  	s5 =	rddreg [dreg:$0x0]  }
0x2: {  	s19 =	stileid.u32;
	s2 =	rddreg [dreg:$0x1]  }
0x3: {  	s0 =	srdreg.scid;
	s3 =	rddreg [dreg:$0x2]  }
0x4: {  	s4 =	simm.s32 $0x0;
	s23 =	simm.s32 $0x100;
	s24 =	simm.s32 $0x180  }
0x5: {  	s25 =	simm.s32 $0x200;
	s26 =	simm.s32 $0x300;
	[smem:$0x7FF] =	sst s4  }
0x6: {  	s30 =	simm.s32 $0x280;
	_ =	strace $0x8000004A;
	[dreg:$0x5] =	wrdreg s23  }
0x7: {  	s14 =	simm.s32 $0x380;
	s15 =	simm.s32 $0x400;
	[dreg:$0x6] =	wrdreg s24  }
0x8: {  	s16 =	simm.s32 $0x500;
	s17 =	simm.s32 $0x480;
	[dreg:$0x7] =	wrdreg s25  }
0x9: {  	s18 =	simm.s32 $0x580;
	s31 =	simm.s32 $0x5;
	[dreg:$0x8] =	wrdreg s26  }
0xa: {  	s28 =	simm.s32 $0x1380;
	s1 =	smul.u32 $0x1400, s19;
	[dreg:$0x9] =	wrdreg s30  }
0xb: {  	s29 =	simm.s32 $0x0;
	s6 =	smul.u32 $0x14000, s19;
	[dreg:$0xa] =	wrdreg s14  }
0xc: {  	s8 =	sand.u32 $0x1, s0;
	s10 =	smul.u32 $0x280, s19;
	[dreg:$0xb] =	wrdreg s15  }
0xd: {  	s7 =	sadd.s32 $0xBAC00, s5;
	s9 =	smul.u32 $0x2800, s19;
	[dreg:$0xc] =	wrdreg s16  }
0xe: {  	s0 =	smul.u32 $0x140000, s8;
	s20 =	ssub.s32 $0x2, s8;
	[dreg:$0xd] =	wrdreg s17  }
0xf: {  	p0 =	seq.s32 s8, $0x1;
	[dreg:$0xe] =	wrdreg s18;
	s23 =	simm.s32 $0x780  }
0x10: {  	s24 =	simm.s32 $0x800;
	s25 =	simm.s32 $0x900;
	[dreg:$0x12] =	wrdreg s23  }
0x11: {  	s26 =	simm.s32 $0x880;
	s17 =	simm.s32 $0x5E00;
	[dreg:$0x13] =	wrdreg s24  }
0x12: {  	s30 =	simm.s32 $0x980;
	s18 =	simm.s32 $0xA00;
	[dreg:$0x14] =	wrdreg s25  }
0x13: {  	s11 =	sadd.s32 s1, s5;
	s21 =	sshrl.u32 s20, $0x1;
	[dreg:$0x15] =	wrdreg s26  }
0x14: {  	s1 =	sor.u32 $0x40, s10;
	s17 =	simm.s32 @!p0 $0x42C00;
	[dreg:$0x16] =	wrdreg s30  }
0x15: {  	[dreg:$0x17] =	wrdreg s18;
	s24 =	smul.u32 $0x50000, s19;
	s25 =	simm.s32 $0xA80  }
0x16: {  	s30 =	sshll.u32 s19, $0x6;
	s0 =	sadd.s32 s6, s0;
	s22 =	sshll.u32 s1, $0x4  }
0x17: {  	s11 =	sadd.s32 $0x2EC00, s11;
	[dreg:$0x19] =	wrdreg s25;
	s19 =	sor.u32 $0x1C05, s30  }
0x18: {  	s0 =	sshrl.u32 s0, $0x3;
	s8 =	sadd.s32 s7, s22;
	[dreg:$0x4] =	wrdreg s11  }
0x19: {  	s11 =	sadd.s32 $0xC0, s10;
	s22 =	simm.s32 $0x680;
	s26 =	sshrl.u32 s24, $0x2  }
0x1a: {  	[smem:$0x7FD] =	sst s19;
	s6 =	sadd.s32 s0, s5;
	s0 =	ssub.s32 s20, s21  }
0x1b: {  	[dreg:$0x1a] =	wrdreg s8;
	s8 =	sadd.s32 $0x80, s10;
	s13 =	sshll.u32 s11, $0x4  }
0x1c: {  	s20 =	simm.s32 $0x600;
	s21 =	simm.s32 $0x700;
	[dreg:$0x11] =	wrdreg s22  }
0x1d: {  	s5 =	sadd.s32 s17, s5;
	s22 =	sadd.s32 $0x200, s10;
	[dreg:$0xf] =	wrdreg s20  }
0x1e: {  	s11 =	sshll.u32 s11, $0x7;
	s13 =	sadd.s32 s7, s13;
	[dreg:$0x10] =	wrdreg s21  }
0x1f: {  	s12 =	sshll.u32 s8, $0x4;
	s20 =	simm.s32 $0xB00;
	[dreg:$0x1c] =	wrdreg s13  }
0x20: {  	s23 =	sshll.u32 s22, $0x4;
	s5 =	sadd.s32 s5, s9;
	[dreg:$0x18] =	wrdreg s20  }
0x21: {  	s6 =	sadd.s32 $0xE2C00, s6;
	s0 =	smax.u32 s0, $0x1;
	[smem:$0x7EF] =	sst s5  }
0x22: {  	s12 =	sadd.s32 s7, s12;
	[smem:$0x7F0] =	sst s6;
	s6 =	sadd.s32 s26, s2  }
0x23: {  	s5 =	sadd.s32 s26, s3;
	[dreg:$0x1b] =	wrdreg s12;
	s12 =	sadd.s32 $0x100, s10  }
0x24: {  	[smem:$0x7F2] =	sst s0;
	s13 =	simm.s32 $0xC80;
	s14 =	sshll.u32 s12, $0x4  }
0x25: {  	[smem:$0x7F1] =	sst s5;
	s5 =	sadd.s32 s11, s3;
	s14 =	sadd.s32 s7, s14  }
0x26: {  	s30 =	sshrl.u32 s6, $0x3;
	[dreg:$0x1d] =	wrdreg s14;
	s14 =	sadd.s32 $0x140, s10  }
0x27: {  	s6 =	simm.s32 $0x1;
	s12 =	sshll.u32 s12, $0x7;
	s15 =	sshll.u32 s14, $0x4  }
0x28: {  	s20 =	sshrl.u32 s5, $0x3;
	[smem:$0x7FC] =	sst s30;
	s15 =	sadd.s32 s7, s15  }
0x29: {  	s5 =	simm.s32 $0x19400;
	[dreg:$0x1e] =	wrdreg s15;
	s15 =	sadd.s32 $0x180, s10  }
0x2a: {  	[smem:$0x7F5] =	sst s20;
	s20 =	simm.s32 $0x1000;
	s16 =	sshll.u32 s15, $0x4  }
0x2b: {  	s14 =	sshll.u32 s14, $0x7;
	s15 =	sshll.u32 s15, $0x7;
	s16 =	sadd.s32 s7, s16  }
0x2c: {  	[dreg:$0x1f] =	wrdreg s16;
	s16 =	sadd.s32 $0x1C0, s10;
	s10 =	sadd.s32 $0x240, s10  }
0x2d: {  	s21 =	sshll.u32 s16, $0x4;
	s18 =	sshll.u32 s10, $0x4;
	s16 =	sshll.u32 s16, $0x7  }
0x2e: {  	s10 =	sshll.u32 s10, $0x7;
	s17 =	sadd.s32 s7, s21;
	s18 =	sadd.s32 s7, s18  }
0x2f: {  	s11 =	sadd.s32 s16, s3;
	s10 =	sadd.s32 s10, s3;
	[smem:$0x7EB] =	sst s17  }
0x30: {  	s16 =	simm.s32 $0xF00;
	s17 =	sadd.s32 s7, s23;
	[smem:$0x7ED] =	sst s18  }
0x31: {  	s7 =	sadd.s32 s7, s9;
	s9 =	sshll.u32 s8, $0x7;
	s8 =	sadd.s32 s14, s3  }
0x32: {  	s24 =	sshrl.u32 s11, $0x3;
	s26 =	sshrl.u32 s10, $0x3;
	[smem:$0x7EC] =	sst s17  }
0x33: {  	s11 =	simm.s32 $0xC00;
	s14 =	simm.s32 $0xD80;
	[smem:$0x7EE] =	sst s7  }
0x34: {  	s7 =	sshll.u32 s1, $0x7;
	s1 =	sadd.s32 s9, s3;
	s9 =	sadd.s32 s15, s3  }
0x35: {  	s17 =	sshll.u32 s22, $0x7;
	s22 =	sshrl.u32 s8, $0x3;
	[smem:$0x7F9] =	sst s24  }
0x36: {  	[smem:$0x7FB] =	sst s26;
	s8 =	simm.s32 $0x3;
	s15 =	simm.s32 $0xE00  }
0x37: {  	s24 =	simm.s32 $0x1200;
	s26 =	simm.s32 $0x1280;
	s0 =	sadd.s32 s7, s3  }
0x38: {  	s7 =	sadd.s32 s12, s3;
	s12 =	sadd.s32 s17, s3;
	s18 =	sshrl.u32 s1, $0x3  }
0x39: {  	[smem:$0x7F7] =	sst s22;
	s23 =	sshrl.u32 s9, $0x3;
	s1 =	simm.s32 $0x80  }
0x3a: {  	s9 =	simm.s32 $0x4;
	s17 =	simm.s32 $0xE80;
	[smem:$0x7F4] =	sst s18  }
0x3b: {  	s22 =	simm.s32 $0x1080;
	s0 =	sshrl.u32 s0, $0x3;
	[smem:$0x7F8] =	sst s23  }
0x3c: {  	s21 =	sshrl.u32 s7, $0x3;
	s25 =	sshrl.u32 s12, $0x3;
	[smem:$0x7F3] =	sst s0  }
0x3d: {  	s7 =	simm.s32 $0x2;
	s12 =	simm.s32 $0xD00;
	[smem:$0x7F6] =	sst s21  }
0x3e: {  	s18 =	simm.s32 $0xF80;
	s23 =	simm.s32 $0x1180;
	[smem:$0x7FA] =	sst s25  }
0x3f: {  	s0 =	simm.s32 $0x15400;
	s21 =	simm.s32 $0x1100;
	s25 =	simm.s32 $0x1300  }
.LBB2_1:
0x40: {  	s10 =	sld [smem:$0x7F1];
	_ =	sdelay $0x1  }
0x41: {  	[smem:$0x7E9] =	sst s29  }
0x42: {  	s29 =	sshrl.u32 s10, $0x3;
	s10 =	sld [smem:$0x7EE];
	_ =	sdelay $0x1  }
0x43: {  	[smem:$0x7EA] =	sst s29  }
0x44: {  	[spmem:s29], [sflag:s19] =	dma.local [hbm:s10], $0x400  }
0x45: {  	_ =	swait.ge [sflag:s31], $0x400  }
0x46: {  	s29 =	sld [smem:$0x7F3]  }
0x47: {  	[sflag:s31] =	ssyncset.done $0x0  }
0x48: {  	s10 =	rddreg [dreg:$0x1a];
	[sflag:s31] =	ssyncadd.s32 $0xFFFFFC00  }
0x49: {  	[spmem:s29], [sflag:s19] =	dma.local [hbm:s10], $0x400  }
0x4a: {  	_ =	swait.ge [sflag:s31], $0x400  }
0x4b: {  	s29 =	sld [smem:$0x7F4]  }
0x4c: {  	[sflag:s31] =	ssyncset.done $0x0  }
0x4d: {  	s10 =	rddreg [dreg:$0x1b];
	[sflag:s31] =	ssyncadd.s32 $0xFFFFFC00  }
0x4e: {  	[spmem:s29], [sflag:s19] =	dma.local [hbm:s10], $0x400  }
0x4f: {  	_ =	swait.ge [sflag:s31], $0x400  }
0x50: {  	s29 =	sld [smem:$0x7F5]  }
0x51: {  	[sflag:s31] =	ssyncset.done $0x0  }
0x52: {  	s10 =	rddreg [dreg:$0x1c];
	[sflag:s31] =	ssyncadd.s32 $0xFFFFFC00  }
0x53: {  	[spmem:s29], [sflag:s19] =	dma.local [hbm:s10], $0x400  }
0x54: {  	_ =	swait.ge [sflag:s31], $0x400  }
0x55: {  	s29 =	sld [smem:$0x7F6]  }
0x56: {  	[sflag:s31] =	ssyncset.done $0x0  }
0x57: {  	s10 =	rddreg [dreg:$0x1d];
	[sflag:s31] =	ssyncadd.s32 $0xFFFFFC00  }
0x58: {  	[spmem:s29], [sflag:s19] =	dma.local [hbm:s10], $0x400  }
0x59: {  	_ =	swait.ge [sflag:s31], $0x400  }
0x5a: {  	s29 =	sld [smem:$0x7F7]  }
0x5b: {  	[sflag:s31] =	ssyncset.done $0x0  }
0x5c: {  	s10 =	rddreg [dreg:$0x1e];
	[sflag:s31] =	ssyncadd.s32 $0xFFFFFC00  }
0x5d: {  	[spmem:s29], [sflag:s19] =	dma.local [hbm:s10], $0x400  }
0x5e: {  	_ =	swait.ge [sflag:s31], $0x400  }
0x5f: {  	s29 =	sld [smem:$0x7F8]  }
0x60: {  	[sflag:s31] =	ssyncset.done $0x0  }
0x61: {  	s10 =	rddreg [dreg:$0x1f];
	[sflag:s31] =	ssyncadd.s32 $0xFFFFFC00  }
0x62: {  	[spmem:s29], [sflag:s19] =	dma.local [hbm:s10], $0x400  }
0x63: {  	_ =	swait.ge [sflag:s31], $0x400  }
0x64: {  	s10 =	sld [smem:$0x7EB]  }
0x65: {  	s29 =	sld [smem:$0x7F9]  }
0x66: {  	[sflag:s31] =	ssyncset.done $0x0  }
0x67: {  	[sflag:s31] =	ssyncadd.s32 $0xFFFFFC00  }
0x68: {  	[spmem:s29], [sflag:s19] =	dma.local [hbm:s10], $0x400  }
0x69: {  	_ =	swait.ge [sflag:s31], $0x400  }
0x6a: {  	s10 =	sld [smem:$0x7EC]  }
0x6b: {  	s29 =	sld [smem:$0x7FA]  }
0x6c: {  	[sflag:s31] =	ssyncset.done $0x0  }
0x6d: {  	[sflag:s31] =	ssyncadd.s32 $0xFFFFFC00  }
0x6e: {  	[spmem:s29], [sflag:s19] =	dma.local [hbm:s10], $0x400  }
0x6f: {  	_ =	swait.ge [sflag:s31], $0x400  }
0x70: {  	s10 =	sld [smem:$0x7ED]  }
0x71: {  	s29 =	sld [smem:$0x7FB]  }
0x72: {  	[sflag:s31] =	ssyncset.done $0x0  }
0x73: {  	[sflag:s31] =	ssyncadd.s32 $0xFFFFFC00  }
0x74: {  	[spmem:s29], [sflag:s19] =	dma.local [hbm:s10], $0x400  }
0x75: {  	_ =	swait.ge [sflag:s31], $0x400  }
0x76: {  	s10 =	sld [smem:$0x7EF]  }
0x77: {  	s29 =	sld [smem:$0x7FC]  }
0x78: {  	[sflag:s31] =	ssyncset.done $0x0  }
0x79: {  	[sflag:s31] =	ssyncadd.s32 $0xFFFFFC00  }
0x7a: {  	[spmem:s29], [sflag:s19] =	dma.local [hbm:s10], $0x2800  }
0x7b: {  	_ =	swait.ge [sflag:s31], $0x2800  }
0x7c: {  	[sflag:s31] =	ssyncset.done $0x0  }
0x7d: {  	[sflag:s31] =	ssyncadd.s32 $0xFFFFD800  }
0x7e: {  	[bflag:$0x0] =	sbarrier.arrive $0xFFFF  }
0x7f: {  	s10 =	rddreg [dreg:$0x4]  }
0x80: {  	s19 =	sadd.s32 $0x0, s10  }
0x81: {  	[tilespmem:s4], [sflag:$0x5] =	stream.linear.gather [hbm4b:s19+s4], $0x1400, $0x38;
	[tilespmem:$0x1D400] =	vst v63  }
0x82: {  	_ =	swait.ge [sflag:s31], $0x1400  }
0x83: {  	[sflag:s31] =	ssyncset.done $0x0  }
0x84: {  	[sflag:s31] =	ssyncadd.s32 $0xFFFFEC00  }
0x85: {  	[tilespmem:s0], [sflag:$0x1] =	stream.indirect.gather [spmem:s2], $0x40, s4, s1, $0xb8;
	[tilespmem:$0x1D400] =	vst v63  }
0x86: {  	s10 =	rddreg [dreg:$0x5]  }
0x87: {  	[tilespmem:s5], [sflag:$0x2] =	stream.indirect.gather [spmem:s2], $0x40, s10, s1, $0xb8;
	[tilespmem:$0x1D400] =	vst v63  }
0x88: {  	_ =	swait.ge [sflag:s6], $0x2000  }
0x89: {  	[sflag:s6] =	ssyncset.done $0x0  }
0x8a: {  	[sflag:s6] =	ssyncadd.s32 $0xFFFFE000  }
0x8b: {  	[spmem:s3] =	stream.indirect.scatter.add.f32 [tilespmem:s0], [sflag:$0x3], $0x40, s1, s1, $0xb8;
	[tilespmem:$0x1D400] =	vst v63  }
0x8c: {  	_ =	swait.ge [sflag:s7], $0x2000  }
0x8d: {  	[sflag:s7] =	ssyncset.done $0x0  }
0x8e: {  	s10 =	rddreg [dreg:$0x6];
	[sflag:s7] =	ssyncadd.s32 $0xFFFFE000  }
0x8f: {  	[spmem:s3] =	stream.indirect.scatter.add.f32 [tilespmem:s5], [sflag:$0x4], $0x40, s10, s1, $0xb8;
	[tilespmem:$0x1D400] =	vst v63  }
0x90: {  	_ =	swait.ge [sflag:s8], $0x2000  }
0x91: {  	[sflag:s8] =	ssyncset.done $0x0  }
0x92: {  	s10 =	rddreg [dreg:$0x7];
	[sflag:s8] =	ssyncadd.s32 $0xFFFFE000  }
0x93: {  	[tilespmem:s0], [sflag:$0x1] =	stream.indirect.gather [spmem:s2], $0x40, s10, s1, $0xb8;
	[tilespmem:$0x1D400] =	vst v63  }
0x94: {  	_ =	swait.ge [sflag:s9], $0x2000  }
0x95: {  	[sflag:s9] =	ssyncset.done $0x0  }
0x96: {  	s10 =	rddreg [dreg:$0x8];
	[sflag:s9] =	ssyncadd.s32 $0xFFFFE000  }
0x97: {  	[tilespmem:s5], [sflag:$0x2] =	stream.indirect.gather [spmem:s2], $0x40, s10, s1, $0xb8;
	[tilespmem:$0x1D400] =	vst v63  }
0x98: {  	_ =	swait.ge [sflag:s6], $0x2000  }
0x99: {  	[sflag:s6] =	ssyncset.done $0x0  }
0x9a: {  	s10 =	rddreg [dreg:$0x9];
	[sflag:s6] =	ssyncadd.s32 $0xFFFFE000  }
0x9b: {  	[spmem:s3] =	stream.indirect.scatter.add.f32 [tilespmem:s0], [sflag:$0x3], $0x40, s10, s1, $0xb8;
	[tilespmem:$0x1D400] =	vst v63  }
0x9c: {  	_ =	swait.ge [sflag:s7], $0x2000  }
0x9d: {  	[sflag:s7] =	ssyncset.done $0x0  }
0x9e: {  	s10 =	rddreg [dreg:$0xa];
	[sflag:s7] =	ssyncadd.s32 $0xFFFFE000  }
0x9f: {  	[spmem:s3] =	stream.indirect.scatter.add.f32 [tilespmem:s5], [sflag:$0x4], $0x40, s10, s1, $0xb8;
	[tilespmem:$0x1D400] =	vst v63  }
0xa0: {  	_ =	swait.ge [sflag:s8], $0x2000  }
0xa1: {  	[sflag:s8] =	ssyncset.done $0x0  }
0xa2: {  	s10 =	rddreg [dreg:$0xb];
	[sflag:s8] =	ssyncadd.s32 $0xFFFFE000  }
0xa3: {  	[tilespmem:s0], [sflag:$0x1] =	stream.indirect.gather [spmem:s2], $0x40, s10, s1, $0xb8;
	[tilespmem:$0x1D400] =	vst v63  }
0xa4: {  	_ =	swait.ge [sflag:s9], $0x2000  }
0xa5: {  	[sflag:s9] =	ssyncset.done $0x0  }
0xa6: {  	s10 =	rddreg [dreg:$0xc];
	[sflag:s9] =	ssyncadd.s32 $0xFFFFE000  }
0xa7: {  	[tilespmem:s5], [sflag:$0x2] =	stream.indirect.gather [spmem:s2], $0x40, s10, s1, $0xb8;
	[tilespmem:$0x1D400] =	vst v63  }
0xa8: {  	_ =	swait.ge [sflag:s6], $0x2000  }
0xa9: {  	[sflag:s6] =	ssyncset.done $0x0  }
0xaa: {  	s10 =	rddreg [dreg:$0xd];
	[sflag:s6] =	ssyncadd.s32 $0xFFFFE000  }
0xab: {  	[spmem:s3] =	stream.indirect.scatter.add.f32 [tilespmem:s0], [sflag:$0x3], $0x40, s10, s1, $0xb8;
	[tilespmem:$0x1D400] =	vst v63  }
0xac: {  	_ =	swait.ge [sflag:s7], $0x2000  }
0xad: {  	[sflag:s7] =	ssyncset.done $0x0  }
0xae: {  	s10 =	rddreg [dreg:$0xe];
	[sflag:s7] =	ssyncadd.s32 $0xFFFFE000  }
0xaf: {  	[spmem:s3] =	stream.indirect.scatter.add.f32 [tilespmem:s5], [sflag:$0x4], $0x40, s10, s1, $0xb8;
	[tilespmem:$0x1D400] =	vst v63  }
0xb0: {  	_ =	swait.ge [sflag:s8], $0x2000  }
0xb1: {  	[sflag:s8] =	ssyncset.done $0x0  }
0xb2: {  	s10 =	rddreg [dreg:$0xf];
	[sflag:s8] =	ssyncadd.s32 $0xFFFFE000  }
0xb3: {  	[tilespmem:s0], [sflag:$0x1] =	stream.indirect.gather [spmem:s2], $0x40, s10, s1, $0xb8;
	[tilespmem:$0x1D400] =	vst v63  }
0xb4: {  	_ =	swait.ge [sflag:s9], $0x2000  }
0xb5: {  	[sflag:s9] =	ssyncset.done $0x0  }
0xb6: {  	s10 =	rddreg [dreg:$0x10];
	[sflag:s9] =	ssyncadd.s32 $0xFFFFE000  }
0xb7: {  	[tilespmem:s5], [sflag:$0x2] =	stream.indirect.gather [spmem:s2], $0x40, s10, s1, $0xb8;
	[tilespmem:$0x1D400] =	vst v63  }
0xb8: {  	_ =	swait.ge [sflag:s6], $0x2000  }
0xb9: {  	[sflag:s6] =	ssyncset.done $0x0  }
0xba: {  	s10 =	rddreg [dreg:$0x11];
	[sflag:s6] =	ssyncadd.s32 $0xFFFFE000  }
0xbb: {  	[spmem:s3] =	stream.indirect.scatter.add.f32 [tilespmem:s0], [sflag:$0x3], $0x40, s10, s1, $0xb8;
	[tilespmem:$0x1D400] =	vst v63  }
0xbc: {  	_ =	swait.ge [sflag:s7], $0x2000  }
0xbd: {  	[sflag:s7] =	ssyncset.done $0x0  }
0xbe: {  	s10 =	rddreg [dreg:$0x12];
	[sflag:s7] =	ssyncadd.s32 $0xFFFFE000  }
0xbf: {  	[spmem:s3] =	stream.indirect.scatter.add.f32 [tilespmem:s5], [sflag:$0x4], $0x40, s10, s1, $0xb8;
	[tilespmem:$0x1D400] =	vst v63  }
0xc0: {  	_ =	swait.ge [sflag:s8], $0x2000  }
0xc1: {  	[sflag:s8] =	ssyncset.done $0x0  }
0xc2: {  	s10 =	rddreg [dreg:$0x13];
	[sflag:s8] =	ssyncadd.s32 $0xFFFFE000  }
0xc3: {  	[tilespmem:s0], [sflag:$0x1] =	stream.indirect.gather [spmem:s2], $0x40, s10, s1, $0xb8;
	[tilespmem:$0x1D400] =	vst v63  }
0xc4: {  	_ =	swait.ge [sflag:s9], $0x2000  }
0xc5: {  	[sflag:s9] =	ssyncset.done $0x0  }
0xc6: {  	s10 =	rddreg [dreg:$0x14];
	[sflag:s9] =	ssyncadd.s32 $0xFFFFE000  }
0xc7: {  	[tilespmem:s5], [sflag:$0x2] =	stream.indirect.gather [spmem:s2], $0x40, s10, s1, $0xb8;
	[tilespmem:$0x1D400] =	vst v63  }
0xc8: {  	_ =	swait.ge [sflag:s6], $0x2000  }
0xc9: {  	[sflag:s6] =	ssyncset.done $0x0  }
0xca: {  	s10 =	rddreg [dreg:$0x15];
	[sflag:s6] =	ssyncadd.s32 $0xFFFFE000  }
0xcb: {  	[spmem:s3] =	stream.indirect.scatter.add.f32 [tilespmem:s0], [sflag:$0x3], $0x40, s10, s1, $0xb8;
	[tilespmem:$0x1D400] =	vst v63  }
0xcc: {  	_ =	swait.ge [sflag:s7], $0x2000  }
0xcd: {  	[sflag:s7] =	ssyncset.done $0x0  }
0xce: {  	s10 =	rddreg [dreg:$0x16];
	[sflag:s7] =	ssyncadd.s32 $0xFFFFE000  }
0xcf: {  	[spmem:s3] =	stream.indirect.scatter.add.f32 [tilespmem:s5], [sflag:$0x4], $0x40, s10, s1, $0xb8;
	[tilespmem:$0x1D400] =	vst v63  }
0xd0: {  	_ =	swait.ge [sflag:s8], $0x2000  }
0xd1: {  	[sflag:s8] =	ssyncset.done $0x0  }
0xd2: {  	s10 =	rddreg [dreg:$0x17];
	[sflag:s8] =	ssyncadd.s32 $0xFFFFE000  }
0xd3: {  	[tilespmem:s0], [sflag:$0x1] =	stream.indirect.gather [spmem:s2], $0x40, s10, s1, $0xb8;
	[tilespmem:$0x1D400] =	vst v63  }
0xd4: {  	_ =	swait.ge [sflag:s9], $0x2000  }
0xd5: {  	[sflag:s9] =	ssyncset.done $0x0  }
0xd6: {  	s10 =	rddreg [dreg:$0x18];
	[sflag:s9] =	ssyncadd.s32 $0xFFFFE000  }
0xd7: {  	[tilespmem:s5], [sflag:$0x2] =	stream.indirect.gather [spmem:s2], $0x40, s10, s1, $0xb8;
	[tilespmem:$0x1D400] =	vst v63  }
0xd8: {  	_ =	swait.ge [sflag:s6], $0x2000  }
0xd9: {  	[sflag:s6] =	ssyncset.done $0x0  }
0xda: {  	s10 =	rddreg [dreg:$0x19];
	[sflag:s6] =	ssyncadd.s32 $0xFFFFE000  }
0xdb: {  	[spmem:s3] =	stream.indirect.scatter.add.f32 [tilespmem:s0], [sflag:$0x3], $0x40, s10, s1, $0xb8;
	[tilespmem:$0x1D400] =	vst v63  }
0xdc: {  	_ =	swait.ge [sflag:s7], $0x2000  }
0xdd: {  	[sflag:s7] =	ssyncset.done $0x0  }
0xde: {  	s19 =	simm.s32 $0xB80;
	[sflag:s7] =	ssyncadd.s32 $0xFFFFE000  }
0xdf: {  	[spmem:s3] =	stream.indirect.scatter.add.f32 [tilespmem:s5], [sflag:$0x4], $0x40, s19, s1, $0xb8;
	[tilespmem:$0x1D400] =	vst v63  }
0xe0: {  	_ =	swait.ge [sflag:s8], $0x2000  }
0xe1: {  	[sflag:s8] =	ssyncset.done $0x0  }
0xe2: {  	[sflag:s8] =	ssyncadd.s32 $0xFFFFE000  }
0xe3: {  	[tilespmem:s0], [sflag:$0x1] =	stream.indirect.gather [spmem:s2], $0x40, s11, s1, $0xb8;
	[tilespmem:$0x1D400] =	vst v63  }
0xe4: {  	_ =	swait.ge [sflag:s9], $0x2000  }
0xe5: {  	[sflag:s9] =	ssyncset.done $0x0  }
0xe6: {  	[sflag:s9] =	ssyncadd.s32 $0xFFFFE000  }
0xe7: {  	[tilespmem:s5], [sflag:$0x2] =	stream.indirect.gather [spmem:s2], $0x40, s12, s1, $0xb8;
	[tilespmem:$0x1D400] =	vst v63  }
0xe8: {  	_ =	swait.ge [sflag:s6], $0x2000  }
0xe9: {  	[sflag:s6] =	ssyncset.done $0x0  }
0xea: {  	[sflag:s6] =	ssyncadd.s32 $0xFFFFE000  }
0xeb: {  	[spmem:s3] =	stream.indirect.scatter.add.f32 [tilespmem:s0], [sflag:$0x3], $0x40, s13, s1, $0xb8;
	[tilespmem:$0x1D400] =	vst v63  }
0xec: {  	_ =	swait.ge [sflag:s7], $0x2000  }
0xed: {  	[sflag:s7] =	ssyncset.done $0x0  }
0xee: {  	[sflag:s7] =	ssyncadd.s32 $0xFFFFE000  }
0xef: {  	[spmem:s3] =	stream.indirect.scatter.add.f32 [tilespmem:s5], [sflag:$0x4], $0x40, s14, s1, $0xb8;
	[tilespmem:$0x1D400] =	vst v63  }
0xf0: {  	_ =	swait.ge [sflag:s8], $0x2000  }
0xf1: {  	[sflag:s8] =	ssyncset.done $0x0  }
0xf2: {  	[sflag:s8] =	ssyncadd.s32 $0xFFFFE000  }
0xf3: {  	[tilespmem:s0], [sflag:$0x1] =	stream.indirect.gather [spmem:s2], $0x40, s15, s1, $0xb8;
	[tilespmem:$0x1D400] =	vst v63  }
0xf4: {  	_ =	swait.ge [sflag:s9], $0x2000  }
0xf5: {  	[sflag:s9] =	ssyncset.done $0x0  }
0xf6: {  	[sflag:s9] =	ssyncadd.s32 $0xFFFFE000  }
0xf7: {  	[tilespmem:s5], [sflag:$0x2] =	stream.indirect.gather [spmem:s2], $0x40, s16, s1, $0xb8;
	[tilespmem:$0x1D400] =	vst v63  }
0xf8: {  	_ =	swait.ge [sflag:s6], $0x2000  }
0xf9: {  	[sflag:s6] =	ssyncset.done $0x0  }
0xfa: {  	[sflag:s6] =	ssyncadd.s32 $0xFFFFE000  }
0xfb: {  	[spmem:s3] =	stream.indirect.scatter.add.f32 [tilespmem:s0], [sflag:$0x3], $0x40, s17, s1, $0xb8;
	[tilespmem:$0x1D400] =	vst v63  }
0xfc: {  	_ =	swait.ge [sflag:s7], $0x2000  }
0xfd: {  	[sflag:s7] =	ssyncset.done $0x0  }
0xfe: {  	[sflag:s7] =	ssyncadd.s32 $0xFFFFE000  }
0xff: {  	[spmem:s3] =	stream.indirect.scatter.add.f32 [tilespmem:s5], [sflag:$0x4], $0x40, s18, s1, $0xb8;
	[tilespmem:$0x1D400] =	vst v63  }
0x100: {  	_ =	swait.ge [sflag:s8], $0x2000  }
0x101: {  	[sflag:s8] =	ssyncset.done $0x0  }
0x102: {  	[sflag:s8] =	ssyncadd.s32 $0xFFFFE000  }
0x103: {  	[tilespmem:s0], [sflag:$0x1] =	stream.indirect.gather [spmem:s2], $0x40, s20, s1, $0xb8;
	[tilespmem:$0x1D400] =	vst v63  }
0x104: {  	_ =	swait.ge [sflag:s9], $0x2000  }
0x105: {  	[sflag:s9] =	ssyncset.done $0x0  }
0x106: {  	[sflag:s9] =	ssyncadd.s32 $0xFFFFE000  }
0x107: {  	[tilespmem:s5], [sflag:$0x2] =	stream.indirect.gather [spmem:s2], $0x40, s21, s1, $0xb8;
	[tilespmem:$0x1D400] =	vst v63  }
0x108: {  	_ =	swait.ge [sflag:s6], $0x2000  }
0x109: {  	[sflag:s6] =	ssyncset.done $0x0  }
0x10a: {  	[sflag:s6] =	ssyncadd.s32 $0xFFFFE000  }
0x10b: {  	[spmem:s3] =	stream.indirect.scatter.add.f32 [tilespmem:s0], [sflag:$0x3], $0x40, s22, s1, $0xb8;
	[tilespmem:$0x1D400] =	vst v63  }
0x10c: {  	_ =	swait.ge [sflag:s7], $0x2000  }
0x10d: {  	[sflag:s7] =	ssyncset.done $0x0  }
0x10e: {  	[sflag:s7] =	ssyncadd.s32 $0xFFFFE000  }
0x10f: {  	[spmem:s3] =	stream.indirect.scatter.add.f32 [tilespmem:s5], [sflag:$0x4], $0x40, s23, s1, $0xb8;
	[tilespmem:$0x1D400] =	vst v63  }
0x110: {  	_ =	swait.ge [sflag:s8], $0x2000  }
0x111: {  	[sflag:s8] =	ssyncset.done $0x0  }
0x112: {  	[sflag:s8] =	ssyncadd.s32 $0xFFFFE000  }
0x113: {  	[tilespmem:s0], [sflag:$0x1] =	stream.indirect.gather [spmem:s2], $0x40, s24, s1, $0xb8;
	[tilespmem:$0x1D400] =	vst v63  }
0x114: {  	_ =	swait.ge [sflag:s9], $0x2000  }
0x115: {  	[sflag:s9] =	ssyncset.done $0x0  }
0x116: {  	[sflag:s9] =	ssyncadd.s32 $0xFFFFE000  }
0x117: {  	[tilespmem:s5], [sflag:$0x2] =	stream.indirect.gather [spmem:s2], $0x40, s25, s1, $0xb8;
	[tilespmem:$0x1D400] =	vst v63  }
0x118: {  	_ =	swait.ge [sflag:s6], $0x2000  }
0x119: {  	[sflag:s6] =	ssyncset.done $0x0  }
0x11a: {  	[sflag:s6] =	ssyncadd.s32 $0xFFFFE000  }
0x11b: {  	[spmem:s3] =	stream.indirect.scatter.add.f32 [tilespmem:s0], [sflag:$0x3], $0x40, s26, s1, $0xb8;
	[tilespmem:$0x1D400] =	vst v63  }
0x11c: {  	_ =	swait.ge [sflag:s7], $0x2000  }
0x11d: {  	[sflag:s7] =	ssyncset.done $0x0  }
0x11e: {  	[sflag:s7] =	ssyncadd.s32 $0xFFFFE000  }
0x11f: {  	[spmem:s3] =	stream.indirect.scatter.add.f32 [tilespmem:s5], [sflag:$0x4], $0x40, s28, s1, $0xb8;
	[tilespmem:$0x1D400] =	vst v63  }
0x120: {  	_ =	swait.ge [sflag:s8], $0x2000  }
0x121: {  	[sflag:s8] =	ssyncset.done $0x0  }
0x122: {  	[sflag:s8] =	ssyncadd.s32 $0xFFFFE000  }
0x123: {  	s30 =	simm.s32 $0x280;
	_ =	swait.ge [sflag:s9], $0x2000  }
0x124: {  	s29 =	simm.s32 $0x500;
	s19 =	rddreg [dreg:$0x4];
	[sflag:s9] =	ssyncset.done $0x0  }
.LBB2_2:
0x125: {  	[sflag:s9] =	ssyncadd.s32 $0xFFFFE000;
	s19 =	sadd.s32 s30, s19  }
0x126: {  	[tilespmem:s4], [sflag:$0x5] =	stream.linear.gather [hbm4b:s19+s4], $0x1400, $0x38;
	[tilespmem:$0x1D400] =	vst v63  }
0x127: {  	_ =	swait.ge [sflag:s31], $0x1400  }
0x128: {  	[sflag:s31] =	ssyncset.done $0x0  }
0x129: {  	[sflag:s31] =	ssyncadd.s32 $0xFFFFEC00  }
0x12a: {  	[tilespmem:s0], [sflag:$0x1] =	stream.indirect.gather [spmem:s2], $0x40, s4, s1, $0xb8;
	[tilespmem:$0x1D400] =	vst v63  }
0x12b: {  	s19 =	rddreg [dreg:$0x5]  }
0x12c: {  	[tilespmem:s5], [sflag:$0x2] =	stream.indirect.gather [spmem:s2], $0x40, s19, s1, $0xb8;
	[tilespmem:$0x1D400] =	vst v63  }
0x12d: {  	_ =	swait.ge [sflag:s6], $0x2000  }
0x12e: {  	[sflag:s6] =	ssyncset.done $0x0  }
0x12f: {  	[sflag:s6] =	ssyncadd.s32 $0xFFFFE000  }
0x130: {  	[spmem:s3] =	stream.indirect.scatter.add.f32 [tilespmem:s0], [sflag:$0x3], $0x40, s1, s1, $0xb8;
	[tilespmem:$0x1D400] =	vst v63  }
0x131: {  	_ =	swait.ge [sflag:s7], $0x2000  }
0x132: {  	[sflag:s7] =	ssyncset.done $0x0  }
0x133: {  	s19 =	rddreg [dreg:$0x6];
	[sflag:s7] =	ssyncadd.s32 $0xFFFFE000  }
0x134: {  	[spmem:s3] =	stream.indirect.scatter.add.f32 [tilespmem:s5], [sflag:$0x4], $0x40, s19, s1, $0xb8;
	[tilespmem:$0x1D400] =	vst v63  }
0x135: {  	_ =	swait.ge [sflag:s8], $0x2000  }
0x136: {  	[sflag:s8] =	ssyncset.done $0x0  }
0x137: {  	s19 =	rddreg [dreg:$0x7];
	[sflag:s8] =	ssyncadd.s32 $0xFFFFE000  }
0x138: {  	[tilespmem:s0], [sflag:$0x1] =	stream.indirect.gather [spmem:s2], $0x40, s19, s1, $0xb8;
	[tilespmem:$0x1D400] =	vst v63  }
0x139: {  	_ =	swait.ge [sflag:s9], $0x2000  }
0x13a: {  	[sflag:s9] =	ssyncset.done $0x0  }
0x13b: {  	s19 =	rddreg [dreg:$0x8];
	[sflag:s9] =	ssyncadd.s32 $0xFFFFE000  }
0x13c: {  	[tilespmem:s5], [sflag:$0x2] =	stream.indirect.gather [spmem:s2], $0x40, s19, s1, $0xb8;
	[tilespmem:$0x1D400] =	vst v63  }
0x13d: {  	_ =	swait.ge [sflag:s6], $0x2000  }
0x13e: {  	[sflag:s6] =	ssyncset.done $0x0  }
0x13f: {  	s19 =	rddreg [dreg:$0x9];
	[sflag:s6] =	ssyncadd.s32 $0xFFFFE000  }
0x140: {  	[spmem:s3] =	stream.indirect.scatter.add.f32 [tilespmem:s0], [sflag:$0x3], $0x40, s19, s1, $0xb8;
	[tilespmem:$0x1D400] =	vst v63  }
0x141: {  	_ =	swait.ge [sflag:s7], $0x2000  }
0x142: {  	[sflag:s7] =	ssyncset.done $0x0  }
0x143: {  	s19 =	rddreg [dreg:$0xa];
	[sflag:s7] =	ssyncadd.s32 $0xFFFFE000  }
0x144: {  	[spmem:s3] =	stream.indirect.scatter.add.f32 [tilespmem:s5], [sflag:$0x4], $0x40, s19, s1, $0xb8;
	[tilespmem:$0x1D400] =	vst v63  }
0x145: {  	_ =	swait.ge [sflag:s8], $0x2000  }
0x146: {  	[sflag:s8] =	ssyncset.done $0x0  }
0x147: {  	s19 =	rddreg [dreg:$0xb];
	[sflag:s8] =	ssyncadd.s32 $0xFFFFE000  }
0x148: {  	[tilespmem:s0], [sflag:$0x1] =	stream.indirect.gather [spmem:s2], $0x40, s19, s1, $0xb8;
	[tilespmem:$0x1D400] =	vst v63  }
0x149: {  	_ =	swait.ge [sflag:s9], $0x2000  }
0x14a: {  	[sflag:s9] =	ssyncset.done $0x0  }
0x14b: {  	s19 =	rddreg [dreg:$0xc];
	[sflag:s9] =	ssyncadd.s32 $0xFFFFE000  }
0x14c: {  	[tilespmem:s5], [sflag:$0x2] =	stream.indirect.gather [spmem:s2], $0x40, s19, s1, $0xb8;
	[tilespmem:$0x1D400] =	vst v63  }
0x14d: {  	_ =	swait.ge [sflag:s6], $0x2000  }
0x14e: {  	[sflag:s6] =	ssyncset.done $0x0  }
0x14f: {  	s19 =	rddreg [dreg:$0xd];
	[sflag:s6] =	ssyncadd.s32 $0xFFFFE000  }
0x150: {  	[spmem:s3] =	stream.indirect.scatter.add.f32 [tilespmem:s0], [sflag:$0x3], $0x40, s19, s1, $0xb8;
	[tilespmem:$0x1D400] =	vst v63  }
0x151: {  	_ =	swait.ge [sflag:s7], $0x2000  }
0x152: {  	[sflag:s7] =	ssyncset.done $0x0  }
0x153: {  	s19 =	rddreg [dreg:$0xe];
	[sflag:s7] =	ssyncadd.s32 $0xFFFFE000  }
0x154: {  	[spmem:s3] =	stream.indirect.scatter.add.f32 [tilespmem:s5], [sflag:$0x4], $0x40, s19, s1, $0xb8;
	[tilespmem:$0x1D400] =	vst v63  }
0x155: {  	_ =	swait.ge [sflag:s8], $0x2000  }
0x156: {  	[sflag:s8] =	ssyncset.done $0x0  }
0x157: {  	s19 =	rddreg [dreg:$0xf];
	[sflag:s8] =	ssyncadd.s32 $0xFFFFE000  }
0x158: {  	[tilespmem:s0], [sflag:$0x1] =	stream.indirect.gather [spmem:s2], $0x40, s19, s1, $0xb8;
	[tilespmem:$0x1D400] =	vst v63  }
0x159: {  	_ =	swait.ge [sflag:s9], $0x2000  }
0x15a: {  	[sflag:s9] =	ssyncset.done $0x0  }
0x15b: {  	s19 =	rddreg [dreg:$0x10];
	[sflag:s9] =	ssyncadd.s32 $0xFFFFE000  }
0x15c: {  	[tilespmem:s5], [sflag:$0x2] =	stream.indirect.gather [spmem:s2], $0x40, s19, s1, $0xb8;
	[tilespmem:$0x1D400] =	vst v63  }
0x15d: {  	_ =	swait.ge [sflag:s6], $0x2000  }
0x15e: {  	[sflag:s6] =	ssyncset.done $0x0  }
0x15f: {  	s19 =	rddreg [dreg:$0x11];
	[sflag:s6] =	ssyncadd.s32 $0xFFFFE000  }
0x160: {  	[spmem:s3] =	stream.indirect.scatter.add.f32 [tilespmem:s0], [sflag:$0x3], $0x40, s19, s1, $0xb8;
	[tilespmem:$0x1D400] =	vst v63  }
0x161: {  	_ =	swait.ge [sflag:s7], $0x2000  }
0x162: {  	[sflag:s7] =	ssyncset.done $0x0  }
0x163: {  	s19 =	rddreg [dreg:$0x12];
	[sflag:s7] =	ssyncadd.s32 $0xFFFFE000  }
0x164: {  	[spmem:s3] =	stream.indirect.scatter.add.f32 [tilespmem:s5], [sflag:$0x4], $0x40, s19, s1, $0xb8;
	[tilespmem:$0x1D400] =	vst v63  }
0x165: {  	_ =	swait.ge [sflag:s8], $0x2000  }
0x166: {  	[sflag:s8] =	ssyncset.done $0x0  }
0x167: {  	s19 =	rddreg [dreg:$0x13];
	[sflag:s8] =	ssyncadd.s32 $0xFFFFE000  }
0x168: {  	[tilespmem:s0], [sflag:$0x1] =	stream.indirect.gather [spmem:s2], $0x40, s19, s1, $0xb8;
	[tilespmem:$0x1D400] =	vst v63  }
0x169: {  	_ =	swait.ge [sflag:s9], $0x2000  }
0x16a: {  	[sflag:s9] =	ssyncset.done $0x0  }
0x16b: {  	s19 =	rddreg [dreg:$0x14];
	[sflag:s9] =	ssyncadd.s32 $0xFFFFE000  }
0x16c: {  	[tilespmem:s5], [sflag:$0x2] =	stream.indirect.gather [spmem:s2], $0x40, s19, s1, $0xb8;
	[tilespmem:$0x1D400] =	vst v63  }
0x16d: {  	_ =	swait.ge [sflag:s6], $0x2000  }
0x16e: {  	[sflag:s6] =	ssyncset.done $0x0  }
0x16f: {  	s19 =	rddreg [dreg:$0x15];
	[sflag:s6] =	ssyncadd.s32 $0xFFFFE000  }
0x170: {  	[spmem:s3] =	stream.indirect.scatter.add.f32 [tilespmem:s0], [sflag:$0x3], $0x40, s19, s1, $0xb8;
	[tilespmem:$0x1D400] =	vst v63  }
0x171: {  	_ =	swait.ge [sflag:s7], $0x2000  }
0x172: {  	[sflag:s7] =	ssyncset.done $0x0  }
0x173: {  	s19 =	rddreg [dreg:$0x16];
	[sflag:s7] =	ssyncadd.s32 $0xFFFFE000  }
0x174: {  	[spmem:s3] =	stream.indirect.scatter.add.f32 [tilespmem:s5], [sflag:$0x4], $0x40, s19, s1, $0xb8;
	[tilespmem:$0x1D400] =	vst v63  }
0x175: {  	_ =	swait.ge [sflag:s8], $0x2000  }
0x176: {  	[sflag:s8] =	ssyncset.done $0x0  }
0x177: {  	s19 =	rddreg [dreg:$0x17];
	[sflag:s8] =	ssyncadd.s32 $0xFFFFE000  }
0x178: {  	[tilespmem:s0], [sflag:$0x1] =	stream.indirect.gather [spmem:s2], $0x40, s19, s1, $0xb8;
	[tilespmem:$0x1D400] =	vst v63  }
0x179: {  	_ =	swait.ge [sflag:s9], $0x2000  }
0x17a: {  	[sflag:s9] =	ssyncset.done $0x0  }
0x17b: {  	s19 =	rddreg [dreg:$0x18];
	[sflag:s9] =	ssyncadd.s32 $0xFFFFE000  }
0x17c: {  	[tilespmem:s5], [sflag:$0x2] =	stream.indirect.gather [spmem:s2], $0x40, s19, s1, $0xb8;
	[tilespmem:$0x1D400] =	vst v63  }
0x17d: {  	_ =	swait.ge [sflag:s6], $0x2000  }
0x17e: {  	[sflag:s6] =	ssyncset.done $0x0  }
0x17f: {  	s19 =	rddreg [dreg:$0x19];
	[sflag:s6] =	ssyncadd.s32 $0xFFFFE000  }
0x180: {  	[spmem:s3] =	stream.indirect.scatter.add.f32 [tilespmem:s0], [sflag:$0x3], $0x40, s19, s1, $0xb8;
	[tilespmem:$0x1D400] =	vst v63  }
0x181: {  	_ =	swait.ge [sflag:s7], $0x2000  }
0x182: {  	[sflag:s7] =	ssyncset.done $0x0  }
0x183: {  	s19 =	simm.s32 $0xB80;
	[sflag:s7] =	ssyncadd.s32 $0xFFFFE000  }
0x184: {  	[spmem:s3] =	stream.indirect.scatter.add.f32 [tilespmem:s5], [sflag:$0x4], $0x40, s19, s1, $0xb8;
	[tilespmem:$0x1D400] =	vst v63  }
0x185: {  	_ =	swait.ge [sflag:s8], $0x2000  }
0x186: {  	[sflag:s8] =	ssyncset.done $0x0  }
0x187: {  	[sflag:s8] =	ssyncadd.s32 $0xFFFFE000  }
0x188: {  	[tilespmem:s0], [sflag:$0x1] =	stream.indirect.gather [spmem:s2], $0x40, s11, s1, $0xb8;
	[tilespmem:$0x1D400] =	vst v63  }
0x189: {  	_ =	swait.ge [sflag:s9], $0x2000  }
0x18a: {  	[sflag:s9] =	ssyncset.done $0x0  }
0x18b: {  	[sflag:s9] =	ssyncadd.s32 $0xFFFFE000  }
0x18c: {  	[tilespmem:s5], [sflag:$0x2] =	stream.indirect.gather [spmem:s2], $0x40, s12, s1, $0xb8;
	[tilespmem:$0x1D400] =	vst v63  }
0x18d: {  	_ =	swait.ge [sflag:s6], $0x2000  }
0x18e: {  	[sflag:s6] =	ssyncset.done $0x0  }
0x18f: {  	[sflag:s6] =	ssyncadd.s32 $0xFFFFE000  }
0x190: {  	[spmem:s3] =	stream.indirect.scatter.add.f32 [tilespmem:s0], [sflag:$0x3], $0x40, s13, s1, $0xb8;
	[tilespmem:$0x1D400] =	vst v63  }
0x191: {  	_ =	swait.ge [sflag:s7], $0x2000  }
0x192: {  	[sflag:s7] =	ssyncset.done $0x0  }
0x193: {  	[sflag:s7] =	ssyncadd.s32 $0xFFFFE000  }
0x194: {  	[spmem:s3] =	stream.indirect.scatter.add.f32 [tilespmem:s5], [sflag:$0x4], $0x40, s14, s1, $0xb8;
	[tilespmem:$0x1D400] =	vst v63  }
0x195: {  	_ =	swait.ge [sflag:s8], $0x2000  }
0x196: {  	[sflag:s8] =	ssyncset.done $0x0  }
0x197: {  	[sflag:s8] =	ssyncadd.s32 $0xFFFFE000  }
0x198: {  	[tilespmem:s0], [sflag:$0x1] =	stream.indirect.gather [spmem:s2], $0x40, s15, s1, $0xb8;
	[tilespmem:$0x1D400] =	vst v63  }
0x199: {  	_ =	swait.ge [sflag:s9], $0x2000  }
0x19a: {  	[sflag:s9] =	ssyncset.done $0x0  }
0x19b: {  	[sflag:s9] =	ssyncadd.s32 $0xFFFFE000  }
0x19c: {  	[tilespmem:s5], [sflag:$0x2] =	stream.indirect.gather [spmem:s2], $0x40, s16, s1, $0xb8;
	[tilespmem:$0x1D400] =	vst v63  }
0x19d: {  	_ =	swait.ge [sflag:s6], $0x2000  }
0x19e: {  	[sflag:s6] =	ssyncset.done $0x0  }
0x19f: {  	[sflag:s6] =	ssyncadd.s32 $0xFFFFE000  }
0x1a0: {  	[spmem:s3] =	stream.indirect.scatter.add.f32 [tilespmem:s0], [sflag:$0x3], $0x40, s17, s1, $0xb8;
	[tilespmem:$0x1D400] =	vst v63  }
0x1a1: {  	_ =	swait.ge [sflag:s7], $0x2000  }
0x1a2: {  	[sflag:s7] =	ssyncset.done $0x0  }
0x1a3: {  	[sflag:s7] =	ssyncadd.s32 $0xFFFFE000  }
0x1a4: {  	[spmem:s3] =	stream.indirect.scatter.add.f32 [tilespmem:s5], [sflag:$0x4], $0x40, s18, s1, $0xb8;
	[tilespmem:$0x1D400] =	vst v63  }
0x1a5: {  	_ =	swait.ge [sflag:s8], $0x2000  }
0x1a6: {  	[sflag:s8] =	ssyncset.done $0x0  }
0x1a7: {  	[sflag:s8] =	ssyncadd.s32 $0xFFFFE000  }
0x1a8: {  	[tilespmem:s0], [sflag:$0x1] =	stream.indirect.gather [spmem:s2], $0x40, s20, s1, $0xb8;
	[tilespmem:$0x1D400] =	vst v63  }
0x1a9: {  	_ =	swait.ge [sflag:s9], $0x2000  }
0x1aa: {  	[sflag:s9] =	ssyncset.done $0x0  }
0x1ab: {  	[sflag:s9] =	ssyncadd.s32 $0xFFFFE000  }
0x1ac: {  	[tilespmem:s5], [sflag:$0x2] =	stream.indirect.gather [spmem:s2], $0x40, s21, s1, $0xb8;
	[tilespmem:$0x1D400] =	vst v63  }
0x1ad: {  	_ =	swait.ge [sflag:s6], $0x2000  }
0x1ae: {  	[sflag:s6] =	ssyncset.done $0x0  }
0x1af: {  	[sflag:s6] =	ssyncadd.s32 $0xFFFFE000  }
0x1b0: {  	[spmem:s3] =	stream.indirect.scatter.add.f32 [tilespmem:s0], [sflag:$0x3], $0x40, s22, s1, $0xb8;
	[tilespmem:$0x1D400] =	vst v63  }
0x1b1: {  	_ =	swait.ge [sflag:s7], $0x2000  }
0x1b2: {  	[sflag:s7] =	ssyncset.done $0x0  }
0x1b3: {  	[sflag:s7] =	ssyncadd.s32 $0xFFFFE000  }
0x1b4: {  	[spmem:s3] =	stream.indirect.scatter.add.f32 [tilespmem:s5], [sflag:$0x4], $0x40, s23, s1, $0xb8;
	[tilespmem:$0x1D400] =	vst v63  }
0x1b5: {  	_ =	swait.ge [sflag:s8], $0x2000  }
0x1b6: {  	[sflag:s8] =	ssyncset.done $0x0  }
0x1b7: {  	[sflag:s8] =	ssyncadd.s32 $0xFFFFE000  }
0x1b8: {  	[tilespmem:s0], [sflag:$0x1] =	stream.indirect.gather [spmem:s2], $0x40, s24, s1, $0xb8;
	[tilespmem:$0x1D400] =	vst v63  }
0x1b9: {  	_ =	swait.ge [sflag:s9], $0x2000  }
0x1ba: {  	[sflag:s9] =	ssyncset.done $0x0  }
0x1bb: {  	[sflag:s9] =	ssyncadd.s32 $0xFFFFE000  }
0x1bc: {  	[tilespmem:s5], [sflag:$0x2] =	stream.indirect.gather [spmem:s2], $0x40, s25, s1, $0xb8;
	[tilespmem:$0x1D400] =	vst v63  }
0x1bd: {  	_ =	swait.ge [sflag:s6], $0x2000  }
0x1be: {  	[sflag:s6] =	ssyncset.done $0x0  }
0x1bf: {  	[sflag:s6] =	ssyncadd.s32 $0xFFFFE000  }
0x1c0: {  	[spmem:s3] =	stream.indirect.scatter.add.f32 [tilespmem:s0], [sflag:$0x3], $0x40, s26, s1, $0xb8;
	[tilespmem:$0x1D400] =	vst v63  }
0x1c1: {  	_ =	swait.ge [sflag:s7], $0x2000  }
0x1c2: {  	[sflag:s7] =	ssyncset.done $0x0  }
0x1c3: {  	p0 =	sne.s32 s29, $0x1180;
	[sflag:s7] =	ssyncadd.s32 $0xFFFFE000  }
0x1c4: {  	[spmem:s3] =	stream.indirect.scatter.add.f32 [tilespmem:s5], [sflag:$0x4], $0x40, s28, s1, $0xb8;
	[tilespmem:$0x1D400] =	vst v63  }
.Ltmp0:
0x1c5: {  	_ =	swait.ge [sflag:s8], $0x2000;
	(pc) =	sbr.rel @p0 .LBB2_2-.Ltmp0, $4  }
0x1c6: {  	[sflag:s8] =	ssyncset.done $0x0  }
0x1c7: {  	[sflag:s8] =	ssyncadd.s32 $0xFFFFE000  }
0x1c8: {  	s10 =	smov.u32 s29;
	s29 =	sadd.s32 $0x280, s29;
	_ =	swait.ge [sflag:s9], $0x2000  }
0x1c9: {  	s30 =	smov.u32 s10;
	s19 =	rddreg [dreg:$0x4];
	[sflag:s9] =	ssyncset.done $0x0  }
0x1ca: {  	s10 =	sadd.s32 s30, s19;
	[sflag:s9] =	ssyncadd.s32 $0xFFFFE000  }
0x1cb: {  	[tilespmem:s4], [sflag:$0x5] =	stream.linear.gather [hbm4b:s10+s4], $0x1400, $0x38;
	[tilespmem:$0x1D400] =	vst v63  }
0x1cc: {  	_ =	swait.ge [sflag:s31], $0x1400  }
0x1cd: {  	[sflag:s31] =	ssyncset.done $0x0  }
0x1ce: {  	[sflag:s31] =	ssyncadd.s32 $0xFFFFEC00  }
0x1cf: {  	[tilespmem:s0], [sflag:$0x1] =	stream.indirect.gather [spmem:s2], $0x40, s4, s1, $0xb8;
	[tilespmem:$0x1D400] =	vst v63  }
0x1d0: {  	s30 =	rddreg [dreg:$0x5]  }
0x1d1: {  	[tilespmem:s5], [sflag:$0x2] =	stream.indirect.gather [spmem:s2], $0x40, s30, s1, $0xb8;
	[tilespmem:$0x1D400] =	vst v63  }
0x1d2: {  	_ =	swait.ge [sflag:s6], $0x2000  }
0x1d3: {  	[sflag:s6] =	ssyncset.done $0x0  }
0x1d4: {  	[sflag:s6] =	ssyncadd.s32 $0xFFFFE000  }
0x1d5: {  	[spmem:s3] =	stream.indirect.scatter.add.f32 [tilespmem:s0], [sflag:$0x3], $0x40, s1, s1, $0xb8;
	[tilespmem:$0x1D400] =	vst v63  }
0x1d6: {  	_ =	swait.ge [sflag:s7], $0x2000  }
0x1d7: {  	[sflag:s7] =	ssyncset.done $0x0  }
0x1d8: {  	s19 =	rddreg [dreg:$0x6];
	[sflag:s7] =	ssyncadd.s32 $0xFFFFE000  }
0x1d9: {  	[spmem:s3] =	stream.indirect.scatter.add.f32 [tilespmem:s5], [sflag:$0x4], $0x40, s19, s1, $0xb8;
	[tilespmem:$0x1D400] =	vst v63  }
0x1da: {  	_ =	swait.ge [sflag:s8], $0x2000  }
0x1db: {  	[sflag:s8] =	ssyncset.done $0x0  }
0x1dc: {  	s30 =	rddreg [dreg:$0x7];
	[sflag:s8] =	ssyncadd.s32 $0xFFFFE000  }
0x1dd: {  	[tilespmem:s0], [sflag:$0x1] =	stream.indirect.gather [spmem:s2], $0x40, s30, s1, $0xb8;
	[tilespmem:$0x1D400] =	vst v63  }
0x1de: {  	_ =	swait.ge [sflag:s9], $0x2000  }
0x1df: {  	[sflag:s9] =	ssyncset.done $0x0  }
0x1e0: {  	s19 =	rddreg [dreg:$0x8];
	[sflag:s9] =	ssyncadd.s32 $0xFFFFE000  }
0x1e1: {  	[tilespmem:s5], [sflag:$0x2] =	stream.indirect.gather [spmem:s2], $0x40, s19, s1, $0xb8;
	[tilespmem:$0x1D400] =	vst v63  }
0x1e2: {  	_ =	swait.ge [sflag:s6], $0x2000  }
0x1e3: {  	[sflag:s6] =	ssyncset.done $0x0  }
0x1e4: {  	s30 =	rddreg [dreg:$0x9];
	[sflag:s6] =	ssyncadd.s32 $0xFFFFE000  }
0x1e5: {  	[spmem:s3] =	stream.indirect.scatter.add.f32 [tilespmem:s0], [sflag:$0x3], $0x40, s30, s1, $0xb8;
	[tilespmem:$0x1D400] =	vst v63  }
0x1e6: {  	_ =	swait.ge [sflag:s7], $0x2000  }
0x1e7: {  	[sflag:s7] =	ssyncset.done $0x0  }
0x1e8: {  	s19 =	rddreg [dreg:$0xa];
	[sflag:s7] =	ssyncadd.s32 $0xFFFFE000  }
0x1e9: {  	[spmem:s3] =	stream.indirect.scatter.add.f32 [tilespmem:s5], [sflag:$0x4], $0x40, s19, s1, $0xb8;
	[tilespmem:$0x1D400] =	vst v63  }
0x1ea: {  	_ =	swait.ge [sflag:s8], $0x2000  }
0x1eb: {  	[sflag:s8] =	ssyncset.done $0x0  }
0x1ec: {  	s30 =	rddreg [dreg:$0xb];
	[sflag:s8] =	ssyncadd.s32 $0xFFFFE000  }
0x1ed: {  	[tilespmem:s0], [sflag:$0x1] =	stream.indirect.gather [spmem:s2], $0x40, s30, s1, $0xb8;
	[tilespmem:$0x1D400] =	vst v63  }
0x1ee: {  	_ =	swait.ge [sflag:s9], $0x2000  }
0x1ef: {  	[sflag:s9] =	ssyncset.done $0x0  }
0x1f0: {  	s19 =	rddreg [dreg:$0xc];
	[sflag:s9] =	ssyncadd.s32 $0xFFFFE000  }
0x1f1: {  	[tilespmem:s5], [sflag:$0x2] =	stream.indirect.gather [spmem:s2], $0x40, s19, s1, $0xb8;
	[tilespmem:$0x1D400] =	vst v63  }
0x1f2: {  	_ =	swait.ge [sflag:s6], $0x2000  }
0x1f3: {  	[sflag:s6] =	ssyncset.done $0x0  }
0x1f4: {  	s30 =	rddreg [dreg:$0xd];
	[sflag:s6] =	ssyncadd.s32 $0xFFFFE000  }
0x1f5: {  	[spmem:s3] =	stream.indirect.scatter.add.f32 [tilespmem:s0], [sflag:$0x3], $0x40, s30, s1, $0xb8;
	[tilespmem:$0x1D400] =	vst v63  }
0x1f6: {  	_ =	swait.ge [sflag:s7], $0x2000  }
0x1f7: {  	[sflag:s7] =	ssyncset.done $0x0  }
0x1f8: {  	s19 =	rddreg [dreg:$0xe];
	[sflag:s7] =	ssyncadd.s32 $0xFFFFE000  }
0x1f9: {  	[spmem:s3] =	stream.indirect.scatter.add.f32 [tilespmem:s5], [sflag:$0x4], $0x40, s19, s1, $0xb8;
	[tilespmem:$0x1D400] =	vst v63  }
0x1fa: {  	_ =	swait.ge [sflag:s8], $0x2000  }
0x1fb: {  	[sflag:s8] =	ssyncset.done $0x0  }
0x1fc: {  	s30 =	rddreg [dreg:$0xf];
	[sflag:s8] =	ssyncadd.s32 $0xFFFFE000  }
0x1fd: {  	[tilespmem:s0], [sflag:$0x1] =	stream.indirect.gather [spmem:s2], $0x40, s30, s1, $0xb8;
	[tilespmem:$0x1D400] =	vst v63  }
0x1fe: {  	_ =	swait.ge [sflag:s9], $0x2000  }
0x1ff: {  	[sflag:s9] =	ssyncset.done $0x0  }
0x200: {  	s19 =	rddreg [dreg:$0x10];
	[sflag:s9] =	ssyncadd.s32 $0xFFFFE000  }
0x201: {  	[tilespmem:s5], [sflag:$0x2] =	stream.indirect.gather [spmem:s2], $0x40, s19, s1, $0xb8;
	[tilespmem:$0x1D400] =	vst v63  }
0x202: {  	_ =	swait.ge [sflag:s6], $0x2000  }
0x203: {  	[sflag:s6] =	ssyncset.done $0x0  }
0x204: {  	s30 =	rddreg [dreg:$0x11];
	[sflag:s6] =	ssyncadd.s32 $0xFFFFE000  }
0x205: {  	[spmem:s3] =	stream.indirect.scatter.add.f32 [tilespmem:s0], [sflag:$0x3], $0x40, s30, s1, $0xb8;
	[tilespmem:$0x1D400] =	vst v63  }
0x206: {  	_ =	swait.ge [sflag:s7], $0x2000  }
0x207: {  	[sflag:s7] =	ssyncset.done $0x0  }
0x208: {  	s19 =	rddreg [dreg:$0x12];
	[sflag:s7] =	ssyncadd.s32 $0xFFFFE000  }
0x209: {  	[spmem:s3] =	stream.indirect.scatter.add.f32 [tilespmem:s5], [sflag:$0x4], $0x40, s19, s1, $0xb8;
	[tilespmem:$0x1D400] =	vst v63  }
0x20a: {  	_ =	swait.ge [sflag:s8], $0x2000  }
0x20b: {  	[sflag:s8] =	ssyncset.done $0x0  }
0x20c: {  	s30 =	rddreg [dreg:$0x13];
	[sflag:s8] =	ssyncadd.s32 $0xFFFFE000  }
0x20d: {  	[tilespmem:s0], [sflag:$0x1] =	stream.indirect.gather [spmem:s2], $0x40, s30, s1, $0xb8;
	[tilespmem:$0x1D400] =	vst v63  }
0x20e: {  	_ =	swait.ge [sflag:s9], $0x2000  }
0x20f: {  	[sflag:s9] =	ssyncset.done $0x0  }
0x210: {  	s19 =	rddreg [dreg:$0x14];
	[sflag:s9] =	ssyncadd.s32 $0xFFFFE000  }
0x211: {  	[tilespmem:s5], [sflag:$0x2] =	stream.indirect.gather [spmem:s2], $0x40, s19, s1, $0xb8;
	[tilespmem:$0x1D400] =	vst v63  }
0x212: {  	_ =	swait.ge [sflag:s6], $0x2000  }
0x213: {  	[sflag:s6] =	ssyncset.done $0x0  }
0x214: {  	s30 =	rddreg [dreg:$0x15];
	[sflag:s6] =	ssyncadd.s32 $0xFFFFE000  }
0x215: {  	[spmem:s3] =	stream.indirect.scatter.add.f32 [tilespmem:s0], [sflag:$0x3], $0x40, s30, s1, $0xb8;
	[tilespmem:$0x1D400] =	vst v63  }
0x216: {  	_ =	swait.ge [sflag:s7], $0x2000  }
0x217: {  	[sflag:s7] =	ssyncset.done $0x0  }
0x218: {  	s19 =	rddreg [dreg:$0x16];
	[sflag:s7] =	ssyncadd.s32 $0xFFFFE000  }
0x219: {  	[spmem:s3] =	stream.indirect.scatter.add.f32 [tilespmem:s5], [sflag:$0x4], $0x40, s19, s1, $0xb8;
	[tilespmem:$0x1D400] =	vst v63  }
0x21a: {  	_ =	swait.ge [sflag:s8], $0x2000  }
0x21b: {  	[sflag:s8] =	ssyncset.done $0x0  }
0x21c: {  	s30 =	rddreg [dreg:$0x17];
	[sflag:s8] =	ssyncadd.s32 $0xFFFFE000  }
0x21d: {  	[tilespmem:s0], [sflag:$0x1] =	stream.indirect.gather [spmem:s2], $0x40, s30, s1, $0xb8;
	[tilespmem:$0x1D400] =	vst v63  }
0x21e: {  	_ =	swait.ge [sflag:s9], $0x2000  }
0x21f: {  	[sflag:s9] =	ssyncset.done $0x0  }
0x220: {  	s19 =	rddreg [dreg:$0x18];
	[sflag:s9] =	ssyncadd.s32 $0xFFFFE000  }
0x221: {  	[tilespmem:s5], [sflag:$0x2] =	stream.indirect.gather [spmem:s2], $0x40, s19, s1, $0xb8;
	[tilespmem:$0x1D400] =	vst v63  }
0x222: {  	_ =	swait.ge [sflag:s6], $0x2000  }
0x223: {  	[sflag:s6] =	ssyncset.done $0x0  }
0x224: {  	s30 =	rddreg [dreg:$0x19];
	[sflag:s6] =	ssyncadd.s32 $0xFFFFE000  }
0x225: {  	[spmem:s3] =	stream.indirect.scatter.add.f32 [tilespmem:s0], [sflag:$0x3], $0x40, s30, s1, $0xb8;
	[tilespmem:$0x1D400] =	vst v63  }
0x226: {  	_ =	swait.ge [sflag:s7], $0x2000  }
0x227: {  	[sflag:s7] =	ssyncset.done $0x0  }
0x228: {  	s19 =	simm.s32 $0xB80;
	[sflag:s7] =	ssyncadd.s32 $0xFFFFE000  }
0x229: {  	[spmem:s3] =	stream.indirect.scatter.add.f32 [tilespmem:s5], [sflag:$0x4], $0x40, s19, s1, $0xb8;
	[tilespmem:$0x1D400] =	vst v63  }
0x22a: {  	_ =	swait.ge [sflag:s8], $0x2000  }
0x22b: {  	[sflag:s8] =	ssyncset.done $0x0  }
0x22c: {  	[sflag:s8] =	ssyncadd.s32 $0xFFFFE000  }
0x22d: {  	[tilespmem:s0], [sflag:$0x1] =	stream.indirect.gather [spmem:s2], $0x40, s11, s1, $0xb8;
	[tilespmem:$0x1D400] =	vst v63  }
0x22e: {  	_ =	swait.ge [sflag:s9], $0x2000  }
0x22f: {  	[sflag:s9] =	ssyncset.done $0x0  }
0x230: {  	[sflag:s9] =	ssyncadd.s32 $0xFFFFE000  }
0x231: {  	[tilespmem:s5], [sflag:$0x2] =	stream.indirect.gather [spmem:s2], $0x40, s12, s1, $0xb8;
	[tilespmem:$0x1D400] =	vst v63  }
0x232: {  	_ =	swait.ge [sflag:s6], $0x2000  }
0x233: {  	[sflag:s6] =	ssyncset.done $0x0  }
0x234: {  	[sflag:s6] =	ssyncadd.s32 $0xFFFFE000  }
0x235: {  	[spmem:s3] =	stream.indirect.scatter.add.f32 [tilespmem:s0], [sflag:$0x3], $0x40, s13, s1, $0xb8;
	[tilespmem:$0x1D400] =	vst v63  }
0x236: {  	_ =	swait.ge [sflag:s7], $0x2000  }
0x237: {  	[sflag:s7] =	ssyncset.done $0x0  }
0x238: {  	[sflag:s7] =	ssyncadd.s32 $0xFFFFE000  }
0x239: {  	[spmem:s3] =	stream.indirect.scatter.add.f32 [tilespmem:s5], [sflag:$0x4], $0x40, s14, s1, $0xb8;
	[tilespmem:$0x1D400] =	vst v63  }
0x23a: {  	_ =	swait.ge [sflag:s8], $0x2000  }
0x23b: {  	[sflag:s8] =	ssyncset.done $0x0  }
0x23c: {  	[sflag:s8] =	ssyncadd.s32 $0xFFFFE000  }
0x23d: {  	[tilespmem:s0], [sflag:$0x1] =	stream.indirect.gather [spmem:s2], $0x40, s15, s1, $0xb8;
	[tilespmem:$0x1D400] =	vst v63  }
0x23e: {  	_ =	swait.ge [sflag:s9], $0x2000  }
0x23f: {  	[sflag:s9] =	ssyncset.done $0x0  }
0x240: {  	[sflag:s9] =	ssyncadd.s32 $0xFFFFE000  }
0x241: {  	[tilespmem:s5], [sflag:$0x2] =	stream.indirect.gather [spmem:s2], $0x40, s16, s1, $0xb8;
	[tilespmem:$0x1D400] =	vst v63  }
0x242: {  	_ =	swait.ge [sflag:s6], $0x2000  }
0x243: {  	[sflag:s6] =	ssyncset.done $0x0  }
0x244: {  	[sflag:s6] =	ssyncadd.s32 $0xFFFFE000  }
0x245: {  	[spmem:s3] =	stream.indirect.scatter.add.f32 [tilespmem:s0], [sflag:$0x3], $0x40, s17, s1, $0xb8;
	[tilespmem:$0x1D400] =	vst v63  }
0x246: {  	_ =	swait.ge [sflag:s7], $0x2000  }
0x247: {  	[sflag:s7] =	ssyncset.done $0x0  }
0x248: {  	[sflag:s7] =	ssyncadd.s32 $0xFFFFE000  }
0x249: {  	[spmem:s3] =	stream.indirect.scatter.add.f32 [tilespmem:s5], [sflag:$0x4], $0x40, s18, s1, $0xb8;
	[tilespmem:$0x1D400] =	vst v63  }
0x24a: {  	_ =	swait.ge [sflag:s8], $0x2000  }
0x24b: {  	[sflag:s8] =	ssyncset.done $0x0  }
0x24c: {  	[sflag:s8] =	ssyncadd.s32 $0xFFFFE000  }
0x24d: {  	[tilespmem:s0], [sflag:$0x1] =	stream.indirect.gather [spmem:s2], $0x40, s20, s1, $0xb8;
	[tilespmem:$0x1D400] =	vst v63  }
0x24e: {  	_ =	swait.ge [sflag:s9], $0x2000  }
0x24f: {  	[sflag:s9] =	ssyncset.done $0x0  }
0x250: {  	[sflag:s9] =	ssyncadd.s32 $0xFFFFE000  }
0x251: {  	[tilespmem:s5], [sflag:$0x2] =	stream.indirect.gather [spmem:s2], $0x40, s21, s1, $0xb8;
	[tilespmem:$0x1D400] =	vst v63  }
0x252: {  	_ =	swait.ge [sflag:s6], $0x2000  }
0x253: {  	[sflag:s6] =	ssyncset.done $0x0  }
0x254: {  	[sflag:s6] =	ssyncadd.s32 $0xFFFFE000  }
0x255: {  	[spmem:s3] =	stream.indirect.scatter.add.f32 [tilespmem:s0], [sflag:$0x3], $0x40, s22, s1, $0xb8;
	[tilespmem:$0x1D400] =	vst v63  }
0x256: {  	_ =	swait.ge [sflag:s7], $0x2000  }
0x257: {  	[sflag:s7] =	ssyncset.done $0x0  }
0x258: {  	[sflag:s7] =	ssyncadd.s32 $0xFFFFE000  }
0x259: {  	[spmem:s3] =	stream.indirect.scatter.add.f32 [tilespmem:s5], [sflag:$0x4], $0x40, s23, s1, $0xb8;
	[tilespmem:$0x1D400] =	vst v63  }
0x25a: {  	_ =	swait.ge [sflag:s8], $0x2000  }
0x25b: {  	[sflag:s8] =	ssyncset.done $0x0  }
0x25c: {  	[sflag:s8] =	ssyncadd.s32 $0xFFFFE000  }
0x25d: {  	[tilespmem:s0], [sflag:$0x1] =	stream.indirect.gather [spmem:s2], $0x40, s24, s1, $0xb8;
	[tilespmem:$0x1D400] =	vst v63  }
0x25e: {  	_ =	swait.ge [sflag:s9], $0x2000  }
0x25f: {  	[sflag:s9] =	ssyncset.done $0x0  }
0x260: {  	[sflag:s9] =	ssyncadd.s32 $0xFFFFE000  }
0x261: {  	[tilespmem:s5], [sflag:$0x2] =	stream.indirect.gather [spmem:s2], $0x40, s25, s1, $0xb8;
	[tilespmem:$0x1D400] =	vst v63  }
0x262: {  	_ =	swait.ge [sflag:s6], $0x2000  }
0x263: {  	[sflag:s6] =	ssyncset.done $0x0  }
0x264: {  	[sflag:s6] =	ssyncadd.s32 $0xFFFFE000  }
0x265: {  	[spmem:s3] =	stream.indirect.scatter.add.f32 [tilespmem:s0], [sflag:$0x3], $0x40, s26, s1, $0xb8;
	[tilespmem:$0x1D400] =	vst v63  }
0x266: {  	_ =	swait.ge [sflag:s7], $0x2000  }
0x267: {  	[sflag:s7] =	ssyncset.done $0x0  }
0x268: {  	[sflag:s7] =	ssyncadd.s32 $0xFFFFE000  }
0x269: {  	[spmem:s3] =	stream.indirect.scatter.add.f32 [tilespmem:s5], [sflag:$0x4], $0x40, s28, s1, $0xb8;
	[tilespmem:$0x1D400] =	vst v63  }
0x26a: {  	_ =	swait.ge [sflag:s8], $0x2000  }
0x26b: {  	[sflag:s8] =	ssyncset.done $0x0  }
0x26c: {  	[sflag:s8] =	ssyncadd.s32 $0xFFFFE000  }
0x26d: {  	_ =	swait.ge [sflag:s9], $0x2000  }
0x26e: {  	[sflag:s9] =	ssyncset.done $0x0  }
0x26f: {  	[sflag:s9] =	ssyncadd.s32 $0xFFFFE000  }
0x270: {  	[bflag:$0x0] =	sbarrier.arrive $0xFFFF  }
0x271: {  	s30 =	sld [smem:$0x7F0]  }
0x272: {  	s19 =	sld [smem:$0x7FD]  }
0x273: {  	s29 =	sld [smem:$0x7EA];
	_ =	sdelay $0x2  }
0x274: {  	[hbm:s30], [sflag:s19] =	dma.local [spmem:s29], $0x2800  }
0x275: {  	_ =	swait.ge [sflag:s31], $0x2800  }
0x276: {  	s29 =	sld [smem:$0x7E9]  }
0x277: {  	s30 =	sld [smem:$0x7F2];
	_ =	sdelay $0x1  }
0x278: {  	s29 =	sadd.s32 $0x1, s29  }
0x279: {  	p0 =	sne.s32 s29, s30  }
.Ltmp1:
0x27a: {  	_ = 	snop;
	(pc) =	sbr.rel @p0 .LBB2_1-.Ltmp1, $3  }
0x27b: {  	_ =	sdelay $0x1  }
0x27c: {  	[sflag:s31] =	ssyncset.done $0x0  }
0x27d: {  	[sflag:s31] =	ssyncadd.s32 $0xFFFFD800  }
0x27e: {  	_ =	sfence.sel $0x180000  }
0x27f: {  	[bflag:$0x0] =	sbarrier.arrive $0xFFFF  }
0x280: {  	_ =	strace $0x9000004A  }
0x281: {  	s0 =	stileid.u32;
	[bflag:$0x2] =	sbarrier.arrive $0xFFFF  }
0x282: {  	p0 =	sne.s32 s0, $0x0;
	s0 =	rddreg [dreg:$0x3]  }
0x283: {  	s0 =	sadd.s32 @!p0 $0x100000, s0  }
0x284: {  	[sflag:s0] =	ssyncadd.tile.s32 @!p0 $0x1;
	_ =	shalt  }
.Lfunc_end2:
_tile_overlayer_lowered:
.L_overlay_start_2:
0x285: {  	(tag) =	ssettag $0x2  }
0x286: {  	s0 =	rddreg [dreg:$0x0];
	s2 =	stileid.u32  }
0x287: {  	s1 =	rddreg [dreg:$0x1];
	p0 =	sne.s32 s2, $0x0  }
0x288: {  	s3 =	rddreg [dreg:$0x2];
	[bflag:$0x3] =	sbarrier.arrive $0xFFFF;
	s2 =	simm.s32 @!p0 $0x1C05  }
0x289: {  	[timem:s3], [sflag:s2] =	dma.local @!p0 [hbm:s0], s1  }
0x28a: {  	s0 =	simm.s32 @!p0 $0x5  }
0x28b: {  	_ =	swait.ge @!p0 [sflag:s0], s1  }
0x28c: {  	s1 =	ssub.s32 @!p0 $0x0, s1;
	[sflag:s0] =	ssyncset.done @!p0 $0x0  }
0x28d: {  	[sflag:s0] =	ssyncadd.s32 @!p0 s1  }
0x28e: {  	[bflag:$0x3] =	sbarrier.arrive $0xFFFF  }
0x28f: {  	_ =	shalt  }

// kernel: kernel.18.cloned.1.call-start
scs
__scs_entry_jumppad:
0x0: {  	(pc) =	sbr.rel $0x88, $3  }
0x1: {  	(tag) =	ssettag $0x0;
	lr =	simm.s32 $0x1  }
0x2: {  	[smem:$0x3F93] =	sst lr;
	_ =	strace $0xD0000000  }
0x3: {  	_ = 	snop  }
0x4: {  	_ = 	snop  }
0x5: {  	_ = 	snop  }
0x6: {  	_ = 	snop  }
0x7: {  	_ = 	snop  }
__scs_overlays_trampoline_lowered:
0x8: {  	[smem:$0x3FA2] =	sst s0  }
0x9: {  	[smem:$0x3FA3] =	sst s1  }
0xa: {  	[smem:$0x3FA4] =	sst s2  }
0xb: {  	[smem:$0x3FA5] =	sst s3  }
0xc: {  	[smem:$0x3FA6] =	sst s4  }
0xd: {  	[smem:$0x3FA7] =	sst s5  }
0xe: {  	[smem:$0x3FA8] =	sst s6  }
0xf: {  	[smem:$0x3FA9] =	sst s7  }
0x10: {  	[smem:$0x3FAA] =	sst s8  }
0x11: {  	[smem:$0x3FAB] =	sst s9;
	s0 =	simm.s32 @!p0 $0x0  }
0x12: {  	s1 =	sld [smem:$0x3F91];
	s0 =	simm.s32 @p0 $0x1  }
0x13: {  	[smem:$0x3FAC] =	sst s0;
	s0 =	simm.s32 @!p1 $0x0  }
0x14: {  	s2 =	sld [smem:$0x3F90];
	s0 =	simm.s32 @p1 $0x1  }
0x15: {  	[smem:$0x3FAD] =	sst s0;
	s0 =	simm.s32 @!p2 $0x0  }
0x16: {  	s3 =	sld [smem:$0x3FDB];
	s0 =	simm.s32 @p2 $0x1  }
0x17: {  	s4 =	simm.s32 $0x1BF5;
	[smem:$0x3FAF] =	sst s0  }
0x18: {  	s0 =	sld [smem:$0x3F92];
	_ =	swait.ge [sflag:s4], $0x0  }
0x19: {  	s7 =	sld [smem:$0x3F93]  }
0x1a: {  	s8 =	sadd.s32 $0xFFFFE003, lr  }
0x1b: {  	s9 =	sadd.s32 $0xFFFFFEF7, lr;
	s5 =	simm.s32 $0xFFFFFFFF;
	p2 =	slt.u32 s8, $0xFFFFF086  }
0x1c: {  	p1 =	slt.u32 s9, $0xF7A;
	s5 =	simm.s32 @!p2 $0x0  }
0x1d: {  	s5 =	simm.s32 @p1 $0x1;
	p0 =	seq.s32 s7, s2  }
0x1e: {  	s7 =	smul.u32 @!p0 $0xF7A, s2;
	p2 =	seq.s32 @!p0 s5, $0x0  }
0x1f: {  	s9 =	smul.u32 $0xF7A, s1;
	s8 =	simm.s32 @!p0 $0x1BF5;
	p2 =	por !p2, p0  }
0x20: {  	[sflag:s8] =	ssyncset.s32 @!p0 $0xFFFFF086;
	s6 =	sadd.s32 @!p0 s3, s7;
	s7 =	simm.s32 @!p0 $0x108  }
0x21: {  	s3 =	sadd.s32 s3, s9;
	s6 =	sadd.s32 @!p0 $0x88, s6;
	s7 =	simm.s32 @p2 $0x1082  }
0x22: {  	[simem:s7], [sflag:s8] =	dma.local @!p0 [hbm:s6], $0xF7A  }
0x23: {  	s9 =	sor.u32 $0xD0000000, s2;
	s6 =	simm.s32 $0x108;
	_ =	swait.ge @!p0 [sflag:s8], $0x0  }
0x24: {  	s3 =	sadd.s32 $0x88, s3;
	s6 =	simm.s32 @!p1 $0x1082;
	[sflag:s4] =	ssyncset.s32 $0xFFFFF086  }
0x25: {  	[simem:s6], [sflag:s4] =	dma.local [hbm:s3], $0xF7A  }
0x26: {  	[smem:$0x3F93] =	sst s1;
	(tag) =	ssettag s2;
	_ =	strace s9  }
0x27: {  	s1 =	sld [smem:$0x3FA3]  }
0x28: {  	s2 =	sld [smem:$0x3FA4]  }
0x29: {  	s4 =	sld [smem:$0x3FA6]  }
0x2a: {  	p0 =	seq.s32 s5, $0x0;
	s5 =	sld [smem:$0x3FA7]  }
0x2b: {  	s6 =	sld [smem:$0x3FA8]  }
0x2c: {  	s7 =	sld [smem:$0x3FA9]  }
0x2d: {  	s3 =	simm.s32 $0x108;
	s8 =	sld [smem:$0x3FAA]  }
0x2e: {  	s3 =	simm.s32 @!p0 $0x1082;
	s9 =	sld [smem:$0x3FAB]  }
0x2f: {  	lr =	sadd.s32 s0, s3;
	s0 =	sld [smem:$0x3FA2]  }
0x30: {  	s3 =	sld [smem:$0x3FA5]  }
0x31: {  	[smem:$0x3FAE] =	sst s10  }
0x32: {  	s10 =	sld [smem:$0x3FAC];
	_ =	sdelay $0x3  }
0x33: {  	p0 =	seq.s32 s10, $0x1;
	s10 =	sld [smem:$0x3FAE];
	_ =	sdelay $0x3  }
0x34: {  	[smem:$0x3FAE] =	sst s10  }
0x35: {  	s10 =	sld [smem:$0x3FAD];
	_ =	sdelay $0x3  }
0x36: {  	p1 =	seq.s32 s10, $0x1;
	s10 =	sld [smem:$0x3FAE];
	_ =	sdelay $0x3  }
0x37: {  	[smem:$0x3FAE] =	sst s10  }
0x38: {  	s10 =	sld [smem:$0x3FAF]  }
0x39: {  	_ = 	snop;
	(pc) =	sbr.ind lr, $3  }
0x3a: {  	_ = 	snop  }
0x3b: {  	_ = 	snop  }
0x3c: {  	p2 =	seq.s32 s10, $0x1;
	s10 =	sld [smem:$0x3FAE]  }
0x3d: {  	_ =	shalt  }
0x3e: {  	_ =	shalt  }
0x3f: {  	_ =	shalt  }
0x40: {  	_ =	shalt  }
0x41: {  	_ =	shalt  }
0x42: {  	_ =	shalt  }
0x43: {  	_ =	shalt  }
0x44: {  	_ =	shalt  }
0x45: {  	_ =	shalt  }
0x46: {  	_ =	shalt  }
0x47: {  	_ =	shalt  }
0x48: {  	_ =	shalt  }
0x49: {  	_ =	shalt  }
0x4a: {  	_ =	shalt  }
0x4b: {  	_ =	shalt  }
0x4c: {  	_ =	shalt  }
0x4d: {  	_ =	shalt  }
0x4e: {  	_ =	shalt  }
0x4f: {  	_ =	shalt  }
0x50: {  	_ =	shalt  }
0x51: {  	_ =	shalt  }
0x52: {  	_ =	shalt  }
0x53: {  	_ =	shalt  }
0x54: {  	_ =	shalt  }
0x55: {  	_ =	shalt  }
0x56: {  	_ =	shalt  }
0x57: {  	_ =	shalt  }
0x58: {  	_ =	shalt  }
0x59: {  	_ =	shalt  }
0x5a: {  	_ =	shalt  }
0x5b: {  	_ =	shalt  }
0x5c: {  	_ =	shalt  }
0x5d: {  	_ =	shalt  }
0x5e: {  	_ =	shalt  }
0x5f: {  	_ =	shalt  }
0x60: {  	_ =	shalt  }
0x61: {  	_ =	shalt  }
0x62: {  	_ =	shalt  }
0x63: {  	_ =	shalt  }
0x64: {  	_ =	shalt  }
0x65: {  	_ =	shalt  }
0x66: {  	_ =	shalt  }
0x67: {  	_ =	shalt  }
0x68: {  	_ =	shalt  }
0x69: {  	_ =	shalt  }
0x6a: {  	_ =	shalt  }
0x6b: {  	_ =	shalt  }
0x6c: {  	_ =	shalt  }
0x6d: {  	_ =	shalt  }
0x6e: {  	_ =	shalt  }
0x6f: {  	_ =	shalt  }
0x70: {  	_ =	shalt  }
0x71: {  	_ =	shalt  }
0x72: {  	_ =	shalt  }
0x73: {  	_ =	shalt  }
0x74: {  	_ =	shalt  }
0x75: {  	_ =	shalt  }
0x76: {  	_ =	shalt  }
0x77: {  	_ =	shalt  }
0x78: {  	_ =	shalt  }
0x79: {  	_ =	shalt  }
0x7a: {  	_ =	shalt  }
0x7b: {  	_ =	shalt  }
0x7c: {  	_ =	shalt  }
0x7d: {  	_ =	shalt  }
0x7e: {  	_ =	shalt  }
0x7f: {  	_ =	shalt  }
0x80: {  	_ =	shalt  }
0x81: {  	_ =	shalt  }
0x82: {  	_ =	shalt  }
0x83: {  	_ =	shalt  }
0x84: {  	_ =	shalt  }
0x85: {  	_ =	shalt  }
0x86: {  	_ =	shalt  }
0x87: {  	_ =	shalt  }
.Lfunc_end0:
.L_simem_size_0:
called_computation.2_lowered:
.L_overlay_start_0:
0x88: {  	s2 =	sld [smem:$0x3FD9]  }
0x89: {  	s3 =	sld [smem:$0x3FFE];
	_ =	sdelay $0x1  }
0x8a: {  	s1 =	srdreg.scid  }
0x8b: {  	s0 =	sand.u32 $0x1, s1  }
0x8c: {  	s16 =	sshll.u32 s0, $0xA;
	s2 =	sadd.s32 s3, s2  }
0x8d: {  	s2 =	sadd.s32 s2, s16  }
0x8e: {  	[smem:$0x3FBA] =	sst s2  }
0x8f: {  	_ = 	snop  }
0x90: {  	(tm) =	ssettm $0x1  }
0x91: {  	s17 =	sld [smem:$0x3FFB];
	_ =	sdelay $0x3  }
0x92: {  	_ =	strace s17  }
0x93: {  	s2 =	sld [smem:$0x3FFC];
	_ =	sdelay $0x3  }
0x94: {  	_ =	strace s2  }
0x95: {  	s2 =	sld [smem:$0x3FFD];
	_ =	sdelay $0x3  }
0x96: {  	_ =	strace s2  }
0x97: {  	_ =	strace $0x8FFFFFFF  }
0x98: {  	s18 =	sld [smem:$0x3FDB];
	_ =	sdelay $0x1  }
0x99: {  	s19 =	simm.s32 $_scs_section_size  }
0x9a: {  	s4 =	simm.s32 $_size__tile_overlayer_lowered;
	s5 =	simm.s32 $_tile_overlayer_lowered  }
0x9b: {  	s22 =	simm.s32 $0x1BFF;
	s21 =	sshll.u32 s5, $0x1;
	s2 =	sadd.s32 s19, s18  }
0x9c: {  	s6 =	simm.s32 $0x0;
	s20 =	sshll.u32 s4, $0x1;
	s4 =	sadd.s32 s21, s2  }
0x9d: {  	[timem:s6], [sflag:s22] =	dma.local [hbm:s4], s20  }
0x9e: {  	_ =	swait.ge [sflag:s22], s20  }
0x9f: {  	s3 =	ssub.s32 $0x0, s20;
	[sflag:s22] =	ssyncset.done $0x0  }
0xa0: {  	[sflag:s22] =	ssyncadd.s32 s3;
	_ =	sdelay $0x1  }
0xa1: {  	s23 =	simm.s32 $0x1B8B  }
0xa2: {  	_ =	swait.ge [sflag:s23], $0x1  }
0xa3: {  	[sflag:s23] =	ssyncset.done $0x0  }
0xa4: {  	s25 =	simm.s32 $0x1B8E;
	s24 =	sld [smem:$0x3FFE];
	[sflag:s23] =	ssyncadd.s32 $0xFFFFFFFF  }
0xa5: {  	s26 =	simm.s32 $execute0_lowered;
	[smem:$0x3FD2] =	sst s25  }
0xa6: {  	s4 =	sshll.u32 s26, $0x1;
	_ =	strace $0x8000004C;
	[dreg:$0x1] =	wrdreg $0xFFFFFFFF  }
0xa7: {  	s28 =	simm.s32 $_size_execute0_lowered;
	s2 =	sadd.s32 s2, s4;
	[dreg:$0x0] =	wrdreg $0x0  }
0xa8: {  	s4 =	sshll.u32 s28, $0x1;
	[dreg:$0x2] =	wrdreg s2  }
0xa9: {  	[dreg:$0x3] =	wrdreg s4  }
0xaa: {  	[dreg:$0x4] =	wrdreg $0xC0  }
0xab: {  	_ =	task [dreg:s6], $0x5FFFF  }
0xac: {  	[dreg:$0x1] =	wrdreg $0xFFFFFFFF  }
0xad: {  	[dreg:$0x0] =	wrdreg $0x60  }
0xae: {  	[dreg:$0x2] =	wrdreg s24  }
0xaf: {  	[dreg:$0x3] =	wrdreg $0x14000  }
0xb0: {  	[dreg:$0x4] =	wrdreg $0xB4000  }
0xb1: {  	[dreg:$0x5] =	wrdreg $0x9  }
0xb2: {  	_ =	task.clear_ibuf [dreg:s6], $0x6FFFF;
	_ =	strace $0x9000004C  }
0xb3: {  	s29 =	simm.s32 $0x9;
	_ =	strace $0x8000004E  }
0xb4: {  	_ =	swait.ge [sflag:s29], $0x1  }
0xb5: {  	[sflag:s29] =	ssyncadd.s32 $0xFFFFFFFF  }
0xb6: {  	_ =	strace $0x9000004E  }
0xb7: {  	_ =	sfence  }
0xb8: {  	s30 =	sld [smem:$0x0];
	_ =	sdelay $0x2  }
0xb9: {  	s31 =	sshll.u32 s1, $0xD;
	s1 =	sshrl.u32 s1, $0x2  }
0xba: {  	s3 =	sand.u32 $0x4000, s31;
	s1 =	sadd.s32 s1, s30  }
0xbb: {  	s0 =	sor.u32 s3, s0;
	s1 =	sshll.u32 s1, $0x11  }
0xbc: {  	s0 =	sor.u32 s1, s0  }
0xbd: {  	s0 =	sadd.s32 $0x8F2B, s0  }
0xbe: {  	[sflag:s0] =	ssyncadd.remote.s32 $0x1  }
0xbf: {  	_ =	sfence.sel $0xFFFF  }
0xc0: {  	[dreg:$0x0] =	wrdreg $0xFFFFFFFF;
	(pc) =	sbr.abs _section_cstart, $3  }
0xc1: {  	[dreg:$0x1] =	wrdreg $0xFFFFFFFF  }
0xc2: {  	_ =	task.clear_ibuf [dreg:s6], $0x2FFFF;
	_ =	strace $0x9FFFFFFF  }
0xc3: {  	(tm) =	ssettm $0x7FFFFFFF  }
tec
execute0_lowered:
.L_overlay_start_1:
0x0: {  	(tag) =	ssettag $0x1  }
0x1: {  	s5 =	rddreg [dreg:$0x0]  }
0x2: {  	s19 =	stileid.u32;
	s2 =	rddreg [dreg:$0x1]  }
0x3: {  	s0 =	srdreg.scid;
	s3 =	rddreg [dreg:$0x2]  }
0x4: {  	s4 =	simm.s32 $0x0;
	s23 =	simm.s32 $0x100;
	s24 =	simm.s32 $0x180  }
0x5: {  	s25 =	simm.s32 $0x200;
	s26 =	simm.s32 $0x300;
	[smem:$0x7FF] =	sst s4  }
0x6: {  	s30 =	simm.s32 $0x280;
	_ =	strace $0x8000004D;
	[dreg:$0x5] =	wrdreg s23  }
0x7: {  	s14 =	simm.s32 $0x380;
	s15 =	simm.s32 $0x400;
	[dreg:$0x6] =	wrdreg s24  }
0x8: {  	s16 =	simm.s32 $0x500;
	s17 =	simm.s32 $0x480;
	[dreg:$0x7] =	wrdreg s25  }
0x9: {  	s18 =	simm.s32 $0x580;
	s31 =	simm.s32 $0x5;
	[dreg:$0x8] =	wrdreg s26  }
0xa: {  	s28 =	simm.s32 $0x1380;
	s1 =	smul.u32 $0x1400, s19;
	[dreg:$0x9] =	wrdreg s30  }
0xb: {  	s29 =	simm.s32 $0x0;
	s6 =	smul.u32 $0x14000, s19;
	[dreg:$0xa] =	wrdreg s14  }
0xc: {  	s8 =	sand.u32 $0x1, s0;
	s10 =	smul.u32 $0x280, s19;
	[dreg:$0xb] =	wrdreg s15  }
0xd: {  	s7 =	sadd.s32 $0xBAC00, s5;
	s9 =	smul.u32 $0x2800, s19;
	[dreg:$0xc] =	wrdreg s16  }
0xe: {  	s0 =	smul.u32 $0x140000, s8;
	s20 =	ssub.s32 $0x2, s8;
	[dreg:$0xd] =	wrdreg s17  }
0xf: {  	p0 =	seq.s32 s8, $0x1;
	[dreg:$0xe] =	wrdreg s18;
	s23 =	simm.s32 $0x780  }
0x10: {  	s24 =	simm.s32 $0x800;
	s25 =	simm.s32 $0x900;
	[dreg:$0x12] =	wrdreg s23  }
0x11: {  	s26 =	simm.s32 $0x880;
	s17 =	simm.s32 $0x5E00;
	[dreg:$0x13] =	wrdreg s24  }
0x12: {  	s30 =	simm.s32 $0x980;
	s18 =	simm.s32 $0xA00;
	[dreg:$0x14] =	wrdreg s25  }
0x13: {  	s11 =	sadd.s32 s1, s5;
	s21 =	sshrl.u32 s20, $0x1;
	[dreg:$0x15] =	wrdreg s26  }
0x14: {  	s1 =	sor.u32 $0x40, s10;
	s17 =	simm.s32 @!p0 $0x42C00;
	[dreg:$0x16] =	wrdreg s30  }
0x15: {  	[dreg:$0x17] =	wrdreg s18;
	s24 =	smul.u32 $0x50000, s19;
	s25 =	simm.s32 $0xA80  }
0x16: {  	s30 =	sshll.u32 s19, $0x6;
	s0 =	sadd.s32 s6, s0;
	s22 =	sshll.u32 s1, $0x4  }
0x17: {  	s11 =	sadd.s32 $0x2EC00, s11;
	[dreg:$0x19] =	wrdreg s25;
	s19 =	sor.u32 $0x1C05, s30  }
0x18: {  	s0 =	sshrl.u32 s0, $0x3;
	s8 =	sadd.s32 s7, s22;
	[dreg:$0x4] =	wrdreg s11  }
0x19: {  	s11 =	sadd.s32 $0xC0, s10;
	s22 =	simm.s32 $0x680;
	s26 =	sshrl.u32 s24, $0x2  }
0x1a: {  	[smem:$0x7FD] =	sst s19;
	s6 =	sadd.s32 s0, s5;
	s0 =	ssub.s32 s20, s21  }
0x1b: {  	[dreg:$0x1a] =	wrdreg s8;
	s8 =	sadd.s32 $0x80, s10;
	s13 =	sshll.u32 s11, $0x4  }
0x1c: {  	s20 =	simm.s32 $0x600;
	s21 =	simm.s32 $0x700;
	[dreg:$0x11] =	wrdreg s22  }
0x1d: {  	s5 =	sadd.s32 s17, s5;
	s22 =	sadd.s32 $0x200, s10;
	[dreg:$0xf] =	wrdreg s20  }
0x1e: {  	s11 =	sshll.u32 s11, $0x7;
	s13 =	sadd.s32 s7, s13;
	[dreg:$0x10] =	wrdreg s21  }
0x1f: {  	s12 =	sshll.u32 s8, $0x4;
	s20 =	simm.s32 $0xB00;
	[dreg:$0x1c] =	wrdreg s13  }
0x20: {  	s23 =	sshll.u32 s22, $0x4;
	s5 =	sadd.s32 s5, s9;
	[dreg:$0x18] =	wrdreg s20  }
0x21: {  	s6 =	sadd.s32 $0xE2C00, s6;
	s0 =	smax.u32 s0, $0x1;
	[smem:$0x7EF] =	sst s5  }
0x22: {  	s12 =	sadd.s32 s7, s12;
	[smem:$0x7F0] =	sst s6;
	s6 =	sadd.s32 s26, s2  }
0x23: {  	s5 =	sadd.s32 s26, s3;
	[dreg:$0x1b] =	wrdreg s12;
	s12 =	sadd.s32 $0x100, s10  }
0x24: {  	[smem:$0x7F2] =	sst s0;
	s13 =	simm.s32 $0xC80;
	s14 =	sshll.u32 s12, $0x4  }
0x25: {  	[smem:$0x7F1] =	sst s5;
	s5 =	sadd.s32 s11, s3;
	s14 =	sadd.s32 s7, s14  }
0x26: {  	s30 =	sshrl.u32 s6, $0x3;
	[dreg:$0x1d] =	wrdreg s14;
	s14 =	sadd.s32 $0x140, s10  }
0x27: {  	s6 =	simm.s32 $0x1;
	s12 =	sshll.u32 s12, $0x7;
	s15 =	sshll.u32 s14, $0x4  }
0x28: {  	s20 =	sshrl.u32 s5, $0x3;
	[smem:$0x7FC] =	sst s30;
	s15 =	sadd.s32 s7, s15  }
0x29: {  	s5 =	simm.s32 $0x19400;
	[dreg:$0x1e] =	wrdreg s15;
	s15 =	sadd.s32 $0x180, s10  }
0x2a: {  	[smem:$0x7F5] =	sst s20;
	s20 =	simm.s32 $0x1000;
	s16 =	sshll.u32 s15, $0x4  }
0x2b: {  	s14 =	sshll.u32 s14, $0x7;
	s15 =	sshll.u32 s15, $0x7;
	s16 =	sadd.s32 s7, s16  }
0x2c: {  	[dreg:$0x1f] =	wrdreg s16;
	s16 =	sadd.s32 $0x1C0, s10;
	s10 =	sadd.s32 $0x240, s10  }
0x2d: {  	s21 =	sshll.u32 s16, $0x4;
	s18 =	sshll.u32 s10, $0x4;
	s16 =	sshll.u32 s16, $0x7  }
0x2e: {  	s10 =	sshll.u32 s10, $0x7;
	s17 =	sadd.s32 s7, s21;
	s18 =	sadd.s32 s7, s18  }
0x2f: {  	s11 =	sadd.s32 s16, s3;
	s10 =	sadd.s32 s10, s3;
	[smem:$0x7EB] =	sst s17  }
0x30: {  	s16 =	simm.s32 $0xF00;
	s17 =	sadd.s32 s7, s23;
	[smem:$0x7ED] =	sst s18  }
0x31: {  	s7 =	sadd.s32 s7, s9;
	s9 =	sshll.u32 s8, $0x7;
	s8 =	sadd.s32 s14, s3  }
0x32: {  	s24 =	sshrl.u32 s11, $0x3;
	s26 =	sshrl.u32 s10, $0x3;
	[smem:$0x7EC] =	sst s17  }
0x33: {  	s11 =	simm.s32 $0xC00;
	s14 =	simm.s32 $0xD80;
	[smem:$0x7EE] =	sst s7  }
0x34: {  	s7 =	sshll.u32 s1, $0x7;
	s1 =	sadd.s32 s9, s3;
	s9 =	sadd.s32 s15, s3  }
0x35: {  	s17 =	sshll.u32 s22, $0x7;
	s22 =	sshrl.u32 s8, $0x3;
	[smem:$0x7F9] =	sst s24  }
0x36: {  	[smem:$0x7FB] =	sst s26;
	s8 =	simm.s32 $0x3;
	s15 =	simm.s32 $0xE00  }
0x37: {  	s24 =	simm.s32 $0x1200;
	s26 =	simm.s32 $0x1280;
	s0 =	sadd.s32 s7, s3  }
0x38: {  	s7 =	sadd.s32 s12, s3;
	s12 =	sadd.s32 s17, s3;
	s18 =	sshrl.u32 s1, $0x3  }
0x39: {  	[smem:$0x7F7] =	sst s22;
	s23 =	sshrl.u32 s9, $0x3;
	s1 =	simm.s32 $0x80  }
0x3a: {  	s9 =	simm.s32 $0x4;
	s17 =	simm.s32 $0xE80;
	[smem:$0x7F4] =	sst s18  }
0x3b: {  	s22 =	simm.s32 $0x1080;
	s0 =	sshrl.u32 s0, $0x3;
	[smem:$0x7F8] =	sst s23  }
0x3c: {  	s21 =	sshrl.u32 s7, $0x3;
	s25 =	sshrl.u32 s12, $0x3;
	[smem:$0x7F3] =	sst s0  }
0x3d: {  	s7 =	simm.s32 $0x2;
	s12 =	simm.s32 $0xD00;
	[smem:$0x7F6] =	sst s21  }
0x3e: {  	s18 =	simm.s32 $0xF80;
	s23 =	simm.s32 $0x1180;
	[smem:$0x7FA] =	sst s25  }
0x3f: {  	s0 =	simm.s32 $0x15400;
	s21 =	simm.s32 $0x1100;
	s25 =	simm.s32 $0x1300  }
.LBB2_1:
0x40: {  	s10 =	sld [smem:$0x7F1];
	_ =	sdelay $0x1  }
0x41: {  	[smem:$0x7E9] =	sst s29  }
0x42: {  	s29 =	sshrl.u32 s10, $0x3;
	s10 =	sld [smem:$0x7EE];
	_ =	sdelay $0x1  }
0x43: {  	[smem:$0x7EA] =	sst s29  }
0x44: {  	[spmem:s29], [sflag:s19] =	dma.local [hbm:s10], $0x400  }
0x45: {  	_ =	swait.ge [sflag:s31], $0x400  }
0x46: {  	s29 =	sld [smem:$0x7F3]  }
0x47: {  	[sflag:s31] =	ssyncset.done $0x0  }
0x48: {  	s10 =	rddreg [dreg:$0x1a];
	[sflag:s31] =	ssyncadd.s32 $0xFFFFFC00  }
0x49: {  	[spmem:s29], [sflag:s19] =	dma.local [hbm:s10], $0x400  }
0x4a: {  	_ =	swait.ge [sflag:s31], $0x400  }
0x4b: {  	s29 =	sld [smem:$0x7F4]  }
0x4c: {  	[sflag:s31] =	ssyncset.done $0x0  }
0x4d: {  	s10 =	rddreg [dreg:$0x1b];
	[sflag:s31] =	ssyncadd.s32 $0xFFFFFC00  }
0x4e: {  	[spmem:s29], [sflag:s19] =	dma.local [hbm:s10], $0x400  }
0x4f: {  	_ =	swait.ge [sflag:s31], $0x400  }
0x50: {  	s29 =	sld [smem:$0x7F5]  }
0x51: {  	[sflag:s31] =	ssyncset.done $0x0  }
0x52: {  	s10 =	rddreg [dreg:$0x1c];
	[sflag:s31] =	ssyncadd.s32 $0xFFFFFC00  }
0x53: {  	[spmem:s29], [sflag:s19] =	dma.local [hbm:s10], $0x400  }
0x54: {  	_ =	swait.ge [sflag:s31], $0x400  }
0x55: {  	s29 =	sld [smem:$0x7F6]  }
0x56: {  	[sflag:s31] =	ssyncset.done $0x0  }
0x57: {  	s10 =	rddreg [dreg:$0x1d];
	[sflag:s31] =	ssyncadd.s32 $0xFFFFFC00  }
0x58: {  	[spmem:s29], [sflag:s19] =	dma.local [hbm:s10], $0x400  }
0x59: {  	_ =	swait.ge [sflag:s31], $0x400  }
0x5a: {  	s29 =	sld [smem:$0x7F7]  }
0x5b: {  	[sflag:s31] =	ssyncset.done $0x0  }
0x5c: {  	s10 =	rddreg [dreg:$0x1e];
	[sflag:s31] =	ssyncadd.s32 $0xFFFFFC00  }
0x5d: {  	[spmem:s29], [sflag:s19] =	dma.local [hbm:s10], $0x400  }
0x5e: {  	_ =	swait.ge [sflag:s31], $0x400  }
0x5f: {  	s29 =	sld [smem:$0x7F8]  }
0x60: {  	[sflag:s31] =	ssyncset.done $0x0  }
0x61: {  	s10 =	rddreg [dreg:$0x1f];
	[sflag:s31] =	ssyncadd.s32 $0xFFFFFC00  }
0x62: {  	[spmem:s29], [sflag:s19] =	dma.local [hbm:s10], $0x400  }
0x63: {  	_ =	swait.ge [sflag:s31], $0x400  }
0x64: {  	s10 =	sld [smem:$0x7EB]  }
0x65: {  	s29 =	sld [smem:$0x7F9]  }
0x66: {  	[sflag:s31] =	ssyncset.done $0x0  }
0x67: {  	[sflag:s31] =	ssyncadd.s32 $0xFFFFFC00  }
0x68: {  	[spmem:s29], [sflag:s19] =	dma.local [hbm:s10], $0x400  }
0x69: {  	_ =	swait.ge [sflag:s31], $0x400  }
0x6a: {  	s10 =	sld [smem:$0x7EC]  }
0x6b: {  	s29 =	sld [smem:$0x7FA]  }
0x6c: {  	[sflag:s31] =	ssyncset.done $0x0  }
0x6d: {  	[sflag:s31] =	ssyncadd.s32 $0xFFFFFC00  }
0x6e: {  	[spmem:s29], [sflag:s19] =	dma.local [hbm:s10], $0x400  }
0x6f: {  	_ =	swait.ge [sflag:s31], $0x400  }
0x70: {  	s10 =	sld [smem:$0x7ED]  }
0x71: {  	s29 =	sld [smem:$0x7FB]  }
0x72: {  	[sflag:s31] =	ssyncset.done $0x0  }
0x73: {  	[sflag:s31] =	ssyncadd.s32 $0xFFFFFC00  }
0x74: {  	[spmem:s29], [sflag:s19] =	dma.local [hbm:s10], $0x400  }
0x75: {  	_ =	swait.ge [sflag:s31], $0x400  }
0x76: {  	s10 =	sld [smem:$0x7EF]  }
0x77: {  	s29 =	sld [smem:$0x7FC]  }
0x78: {  	[sflag:s31] =	ssyncset.done $0x0  }
0x79: {  	[sflag:s31] =	ssyncadd.s32 $0xFFFFFC00  }
0x7a: {  	[spmem:s29], [sflag:s19] =	dma.local [hbm:s10], $0x2800  }
0x7b: {  	_ =	swait.ge [sflag:s31], $0x2800  }
0x7c: {  	[sflag:s31] =	ssyncset.done $0x0  }
0x7d: {  	[sflag:s31] =	ssyncadd.s32 $0xFFFFD800  }
0x7e: {  	[bflag:$0x0] =	sbarrier.arrive $0xFFFF  }
0x7f: {  	s10 =	rddreg [dreg:$0x4]  }
0x80: {  	s19 =	sadd.s32 $0x0, s10  }
0x81: {  	[tilespmem:s4], [sflag:$0x5] =	stream.linear.gather [hbm4b:s19+s4], $0x1400, $0x38;
	[tilespmem:$0x1D400] =	vst v63  }
0x82: {  	_ =	swait.ge [sflag:s31], $0x1400  }
0x83: {  	[sflag:s31] =	ssyncset.done $0x0  }
0x84: {  	[sflag:s31] =	ssyncadd.s32 $0xFFFFEC00  }
0x85: {  	[tilespmem:s0], [sflag:$0x1] =	stream.indirect.gather [spmem:s2], $0x40, s4, s1, $0xb8;
	[tilespmem:$0x1D400] =	vst v63  }
0x86: {  	s10 =	rddreg [dreg:$0x5]  }
0x87: {  	[tilespmem:s5], [sflag:$0x2] =	stream.indirect.gather [spmem:s2], $0x40, s10, s1, $0xb8;
	[tilespmem:$0x1D400] =	vst v63  }
0x88: {  	_ =	swait.ge [sflag:s6], $0x2000  }
0x89: {  	[sflag:s6] =	ssyncset.done $0x0  }
0x8a: {  	[sflag:s6] =	ssyncadd.s32 $0xFFFFE000  }
0x8b: {  	[spmem:s3] =	stream.indirect.scatter.add.f32 [tilespmem:s0], [sflag:$0x3], $0x40, s1, s1, $0xb8;
	[tilespmem:$0x1D400] =	vst v63  }
0x8c: {  	_ =	swait.ge [sflag:s7], $0x2000  }
0x8d: {  	[sflag:s7] =	ssyncset.done $0x0  }
0x8e: {  	s10 =	rddreg [dreg:$0x6];
	[sflag:s7] =	ssyncadd.s32 $0xFFFFE000  }
0x8f: {  	[spmem:s3] =	stream.indirect.scatter.add.f32 [tilespmem:s5], [sflag:$0x4], $0x40, s10, s1, $0xb8;
	[tilespmem:$0x1D400] =	vst v63  }
0x90: {  	_ =	swait.ge [sflag:s8], $0x2000  }
0x91: {  	[sflag:s8] =	ssyncset.done $0x0  }
0x92: {  	s10 =	rddreg [dreg:$0x7];
	[sflag:s8] =	ssyncadd.s32 $0xFFFFE000  }
0x93: {  	[tilespmem:s0], [sflag:$0x1] =	stream.indirect.gather [spmem:s2], $0x40, s10, s1, $0xb8;
	[tilespmem:$0x1D400] =	vst v63  }
0x94: {  	_ =	swait.ge [sflag:s9], $0x2000  }
0x95: {  	[sflag:s9] =	ssyncset.done $0x0  }
0x96: {  	s10 =	rddreg [dreg:$0x8];
	[sflag:s9] =	ssyncadd.s32 $0xFFFFE000  }
0x97: {  	[tilespmem:s5], [sflag:$0x2] =	stream.indirect.gather [spmem:s2], $0x40, s10, s1, $0xb8;
	[tilespmem:$0x1D400] =	vst v63  }
0x98: {  	_ =	swait.ge [sflag:s6], $0x2000  }
0x99: {  	[sflag:s6] =	ssyncset.done $0x0  }
0x9a: {  	s10 =	rddreg [dreg:$0x9];
	[sflag:s6] =	ssyncadd.s32 $0xFFFFE000  }
0x9b: {  	[spmem:s3] =	stream.indirect.scatter.add.f32 [tilespmem:s0], [sflag:$0x3], $0x40, s10, s1, $0xb8;
	[tilespmem:$0x1D400] =	vst v63  }
0x9c: {  	_ =	swait.ge [sflag:s7], $0x2000  }
0x9d: {  	[sflag:s7] =	ssyncset.done $0x0  }
0x9e: {  	s10 =	rddreg [dreg:$0xa];
	[sflag:s7] =	ssyncadd.s32 $0xFFFFE000  }
0x9f: {  	[spmem:s3] =	stream.indirect.scatter.add.f32 [tilespmem:s5], [sflag:$0x4], $0x40, s10, s1, $0xb8;
	[tilespmem:$0x1D400] =	vst v63  }
0xa0: {  	_ =	swait.ge [sflag:s8], $0x2000  }
0xa1: {  	[sflag:s8] =	ssyncset.done $0x0  }
0xa2: {  	s10 =	rddreg [dreg:$0xb];
	[sflag:s8] =	ssyncadd.s32 $0xFFFFE000  }
0xa3: {  	[tilespmem:s0], [sflag:$0x1] =	stream.indirect.gather [spmem:s2], $0x40, s10, s1, $0xb8;
	[tilespmem:$0x1D400] =	vst v63  }
0xa4: {  	_ =	swait.ge [sflag:s9], $0x2000  }
0xa5: {  	[sflag:s9] =	ssyncset.done $0x0  }
0xa6: {  	s10 =	rddreg [dreg:$0xc];
	[sflag:s9] =	ssyncadd.s32 $0xFFFFE000  }
0xa7: {  	[tilespmem:s5], [sflag:$0x2] =	stream.indirect.gather [spmem:s2], $0x40, s10, s1, $0xb8;
	[tilespmem:$0x1D400] =	vst v63  }
0xa8: {  	_ =	swait.ge [sflag:s6], $0x2000  }
0xa9: {  	[sflag:s6] =	ssyncset.done $0x0  }
0xaa: {  	s10 =	rddreg [dreg:$0xd];
	[sflag:s6] =	ssyncadd.s32 $0xFFFFE000  }
0xab: {  	[spmem:s3] =	stream.indirect.scatter.add.f32 [tilespmem:s0], [sflag:$0x3], $0x40, s10, s1, $0xb8;
	[tilespmem:$0x1D400] =	vst v63  }
0xac: {  	_ =	swait.ge [sflag:s7], $0x2000  }
0xad: {  	[sflag:s7] =	ssyncset.done $0x0  }
0xae: {  	s10 =	rddreg [dreg:$0xe];
	[sflag:s7] =	ssyncadd.s32 $0xFFFFE000  }
0xaf: {  	[spmem:s3] =	stream.indirect.scatter.add.f32 [tilespmem:s5], [sflag:$0x4], $0x40, s10, s1, $0xb8;
	[tilespmem:$0x1D400] =	vst v63  }
0xb0: {  	_ =	swait.ge [sflag:s8], $0x2000  }
0xb1: {  	[sflag:s8] =	ssyncset.done $0x0  }
0xb2: {  	s10 =	rddreg [dreg:$0xf];
	[sflag:s8] =	ssyncadd.s32 $0xFFFFE000  }
0xb3: {  	[tilespmem:s0], [sflag:$0x1] =	stream.indirect.gather [spmem:s2], $0x40, s10, s1, $0xb8;
	[tilespmem:$0x1D400] =	vst v63  }
0xb4: {  	_ =	swait.ge [sflag:s9], $0x2000  }
0xb5: {  	[sflag:s9] =	ssyncset.done $0x0  }
0xb6: {  	s10 =	rddreg [dreg:$0x10];
	[sflag:s9] =	ssyncadd.s32 $0xFFFFE000  }
0xb7: {  	[tilespmem:s5], [sflag:$0x2] =	stream.indirect.gather [spmem:s2], $0x40, s10, s1, $0xb8;
	[tilespmem:$0x1D400] =	vst v63  }
0xb8: {  	_ =	swait.ge [sflag:s6], $0x2000  }
0xb9: {  	[sflag:s6] =	ssyncset.done $0x0  }
0xba: {  	s10 =	rddreg [dreg:$0x11];
	[sflag:s6] =	ssyncadd.s32 $0xFFFFE000  }
0xbb: {  	[spmem:s3] =	stream.indirect.scatter.add.f32 [tilespmem:s0], [sflag:$0x3], $0x40, s10, s1, $0xb8;
	[tilespmem:$0x1D400] =	vst v63  }
0xbc: {  	_ =	swait.ge [sflag:s7], $0x2000  }
0xbd: {  	[sflag:s7] =	ssyncset.done $0x0  }
0xbe: {  	s10 =	rddreg [dreg:$0x12];
	[sflag:s7] =	ssyncadd.s32 $0xFFFFE000  }
0xbf: {  	[spmem:s3] =	stream.indirect.scatter.add.f32 [tilespmem:s5], [sflag:$0x4], $0x40, s10, s1, $0xb8;
	[tilespmem:$0x1D400] =	vst v63  }
0xc0: {  	_ =	swait.ge [sflag:s8], $0x2000  }
0xc1: {  	[sflag:s8] =	ssyncset.done $0x0  }
0xc2: {  	s10 =	rddreg [dreg:$0x13];
	[sflag:s8] =	ssyncadd.s32 $0xFFFFE000  }
0xc3: {  	[tilespmem:s0], [sflag:$0x1] =	stream.indirect.gather [spmem:s2], $0x40, s10, s1, $0xb8;
	[tilespmem:$0x1D400] =	vst v63  }
0xc4: {  	_ =	swait.ge [sflag:s9], $0x2000  }
0xc5: {  	[sflag:s9] =	ssyncset.done $0x0  }
0xc6: {  	s10 =	rddreg [dreg:$0x14];
	[sflag:s9] =	ssyncadd.s32 $0xFFFFE000  }
0xc7: {  	[tilespmem:s5], [sflag:$0x2] =	stream.indirect.gather [spmem:s2], $0x40, s10, s1, $0xb8;
	[tilespmem:$0x1D400] =	vst v63  }
0xc8: {  	_ =	swait.ge [sflag:s6], $0x2000  }
0xc9: {  	[sflag:s6] =	ssyncset.done $0x0  }
0xca: {  	s10 =	rddreg [dreg:$0x15];
	[sflag:s6] =	ssyncadd.s32 $0xFFFFE000  }
0xcb: {  	[spmem:s3] =	stream.indirect.scatter.add.f32 [tilespmem:s0], [sflag:$0x3], $0x40, s10, s1, $0xb8;
	[tilespmem:$0x1D400] =	vst v63  }
0xcc: {  	_ =	swait.ge [sflag:s7], $0x2000  }
0xcd: {  	[sflag:s7] =	ssyncset.done $0x0  }
0xce: {  	s10 =	rddreg [dreg:$0x16];
	[sflag:s7] =	ssyncadd.s32 $0xFFFFE000  }
0xcf: {  	[spmem:s3] =	stream.indirect.scatter.add.f32 [tilespmem:s5], [sflag:$0x4], $0x40, s10, s1, $0xb8;
	[tilespmem:$0x1D400] =	vst v63  }
0xd0: {  	_ =	swait.ge [sflag:s8], $0x2000  }
0xd1: {  	[sflag:s8] =	ssyncset.done $0x0  }
0xd2: {  	s10 =	rddreg [dreg:$0x17];
	[sflag:s8] =	ssyncadd.s32 $0xFFFFE000  }
0xd3: {  	[tilespmem:s0], [sflag:$0x1] =	stream.indirect.gather [spmem:s2], $0x40, s10, s1, $0xb8;
	[tilespmem:$0x1D400] =	vst v63  }
0xd4: {  	_ =	swait.ge [sflag:s9], $0x2000  }
0xd5: {  	[sflag:s9] =	ssyncset.done $0x0  }
0xd6: {  	s10 =	rddreg [dreg:$0x18];
	[sflag:s9] =	ssyncadd.s32 $0xFFFFE000  }
0xd7: {  	[tilespmem:s5], [sflag:$0x2] =	stream.indirect.gather [spmem:s2], $0x40, s10, s1, $0xb8;
	[tilespmem:$0x1D400] =	vst v63  }
0xd8: {  	_ =	swait.ge [sflag:s6], $0x2000  }
0xd9: {  	[sflag:s6] =	ssyncset.done $0x0  }
0xda: {  	s10 =	rddreg [dreg:$0x19];
	[sflag:s6] =	ssyncadd.s32 $0xFFFFE000  }
0xdb: {  	[spmem:s3] =	stream.indirect.scatter.add.f32 [tilespmem:s0], [sflag:$0x3], $0x40, s10, s1, $0xb8;
	[tilespmem:$0x1D400] =	vst v63  }
0xdc: {  	_ =	swait.ge [sflag:s7], $0x2000  }
0xdd: {  	[sflag:s7] =	ssyncset.done $0x0  }
0xde: {  	s19 =	simm.s32 $0xB80;
	[sflag:s7] =	ssyncadd.s32 $0xFFFFE000  }
0xdf: {  	[spmem:s3] =	stream.indirect.scatter.add.f32 [tilespmem:s5], [sflag:$0x4], $0x40, s19, s1, $0xb8;
	[tilespmem:$0x1D400] =	vst v63  }
0xe0: {  	_ =	swait.ge [sflag:s8], $0x2000  }
0xe1: {  	[sflag:s8] =	ssyncset.done $0x0  }
0xe2: {  	[sflag:s8] =	ssyncadd.s32 $0xFFFFE000  }
0xe3: {  	[tilespmem:s0], [sflag:$0x1] =	stream.indirect.gather [spmem:s2], $0x40, s11, s1, $0xb8;
	[tilespmem:$0x1D400] =	vst v63  }
0xe4: {  	_ =	swait.ge [sflag:s9], $0x2000  }
0xe5: {  	[sflag:s9] =	ssyncset.done $0x0  }
0xe6: {  	[sflag:s9] =	ssyncadd.s32 $0xFFFFE000  }
0xe7: {  	[tilespmem:s5], [sflag:$0x2] =	stream.indirect.gather [spmem:s2], $0x40, s12, s1, $0xb8;
	[tilespmem:$0x1D400] =	vst v63  }
0xe8: {  	_ =	swait.ge [sflag:s6], $0x2000  }
0xe9: {  	[sflag:s6] =	ssyncset.done $0x0  }
0xea: {  	[sflag:s6] =	ssyncadd.s32 $0xFFFFE000  }
0xeb: {  	[spmem:s3] =	stream.indirect.scatter.add.f32 [tilespmem:s0], [sflag:$0x3], $0x40, s13, s1, $0xb8;
	[tilespmem:$0x1D400] =	vst v63  }
0xec: {  	_ =	swait.ge [sflag:s7], $0x2000  }
0xed: {  	[sflag:s7] =	ssyncset.done $0x0  }
0xee: {  	[sflag:s7] =	ssyncadd.s32 $0xFFFFE000  }
0xef: {  	[spmem:s3] =	stream.indirect.scatter.add.f32 [tilespmem:s5], [sflag:$0x4], $0x40, s14, s1, $0xb8;
	[tilespmem:$0x1D400] =	vst v63  }
0xf0: {  	_ =	swait.ge [sflag:s8], $0x2000  }
0xf1: {  	[sflag:s8] =	ssyncset.done $0x0  }
0xf2: {  	[sflag:s8] =	ssyncadd.s32 $0xFFFFE000  }
0xf3: {  	[tilespmem:s0], [sflag:$0x1] =	stream.indirect.gather [spmem:s2], $0x40, s15, s1, $0xb8;
	[tilespmem:$0x1D400] =	vst v63  }
0xf4: {  	_ =	swait.ge [sflag:s9], $0x2000  }
0xf5: {  	[sflag:s9] =	ssyncset.done $0x0  }
0xf6: {  	[sflag:s9] =	ssyncadd.s32 $0xFFFFE000  }
0xf7: {  	[tilespmem:s5], [sflag:$0x2] =	stream.indirect.gather [spmem:s2], $0x40, s16, s1, $0xb8;
	[tilespmem:$0x1D400] =	vst v63  }
0xf8: {  	_ =	swait.ge [sflag:s6], $0x2000  }
0xf9: {  	[sflag:s6] =	ssyncset.done $0x0  }
0xfa: {  	[sflag:s6] =	ssyncadd.s32 $0xFFFFE000  }
0xfb: {  	[spmem:s3] =	stream.indirect.scatter.add.f32 [tilespmem:s0], [sflag:$0x3], $0x40, s17, s1, $0xb8;
	[tilespmem:$0x1D400] =	vst v63  }
0xfc: {  	_ =	swait.ge [sflag:s7], $0x2000  }
0xfd: {  	[sflag:s7] =	ssyncset.done $0x0  }
0xfe: {  	[sflag:s7] =	ssyncadd.s32 $0xFFFFE000  }
0xff: {  	[spmem:s3] =	stream.indirect.scatter.add.f32 [tilespmem:s5], [sflag:$0x4], $0x40, s18, s1, $0xb8;
	[tilespmem:$0x1D400] =	vst v63  }
0x100: {  	_ =	swait.ge [sflag:s8], $0x2000  }
0x101: {  	[sflag:s8] =	ssyncset.done $0x0  }
0x102: {  	[sflag:s8] =	ssyncadd.s32 $0xFFFFE000  }
0x103: {  	[tilespmem:s0], [sflag:$0x1] =	stream.indirect.gather [spmem:s2], $0x40, s20, s1, $0xb8;
	[tilespmem:$0x1D400] =	vst v63  }
0x104: {  	_ =	swait.ge [sflag:s9], $0x2000  }
0x105: {  	[sflag:s9] =	ssyncset.done $0x0  }
0x106: {  	[sflag:s9] =	ssyncadd.s32 $0xFFFFE000  }
0x107: {  	[tilespmem:s5], [sflag:$0x2] =	stream.indirect.gather [spmem:s2], $0x40, s21, s1, $0xb8;
	[tilespmem:$0x1D400] =	vst v63  }
0x108: {  	_ =	swait.ge [sflag:s6], $0x2000  }
0x109: {  	[sflag:s6] =	ssyncset.done $0x0  }
0x10a: {  	[sflag:s6] =	ssyncadd.s32 $0xFFFFE000  }
0x10b: {  	[spmem:s3] =	stream.indirect.scatter.add.f32 [tilespmem:s0], [sflag:$0x3], $0x40, s22, s1, $0xb8;
	[tilespmem:$0x1D400] =	vst v63  }
0x10c: {  	_ =	swait.ge [sflag:s7], $0x2000  }
0x10d: {  	[sflag:s7] =	ssyncset.done $0x0  }
0x10e: {  	[sflag:s7] =	ssyncadd.s32 $0xFFFFE000  }
0x10f: {  	[spmem:s3] =	stream.indirect.scatter.add.f32 [tilespmem:s5], [sflag:$0x4], $0x40, s23, s1, $0xb8;
	[tilespmem:$0x1D400] =	vst v63  }
0x110: {  	_ =	swait.ge [sflag:s8], $0x2000  }
0x111: {  	[sflag:s8] =	ssyncset.done $0x0  }
0x112: {  	[sflag:s8] =	ssyncadd.s32 $0xFFFFE000  }
0x113: {  	[tilespmem:s0], [sflag:$0x1] =	stream.indirect.gather [spmem:s2], $0x40, s24, s1, $0xb8;
	[tilespmem:$0x1D400] =	vst v63  }
0x114: {  	_ =	swait.ge [sflag:s9], $0x2000  }
0x115: {  	[sflag:s9] =	ssyncset.done $0x0  }
0x116: {  	[sflag:s9] =	ssyncadd.s32 $0xFFFFE000  }
0x117: {  	[tilespmem:s5], [sflag:$0x2] =	stream.indirect.gather [spmem:s2], $0x40, s25, s1, $0xb8;
	[tilespmem:$0x1D400] =	vst v63  }
0x118: {  	_ =	swait.ge [sflag:s6], $0x2000  }
0x119: {  	[sflag:s6] =	ssyncset.done $0x0  }
0x11a: {  	[sflag:s6] =	ssyncadd.s32 $0xFFFFE000  }
0x11b: {  	[spmem:s3] =	stream.indirect.scatter.add.f32 [tilespmem:s0], [sflag:$0x3], $0x40, s26, s1, $0xb8;
	[tilespmem:$0x1D400] =	vst v63  }
0x11c: {  	_ =	swait.ge [sflag:s7], $0x2000  }
0x11d: {  	[sflag:s7] =	ssyncset.done $0x0  }
0x11e: {  	[sflag:s7] =	ssyncadd.s32 $0xFFFFE000  }
0x11f: {  	[spmem:s3] =	stream.indirect.scatter.add.f32 [tilespmem:s5], [sflag:$0x4], $0x40, s28, s1, $0xb8;
	[tilespmem:$0x1D400] =	vst v63  }
0x120: {  	_ =	swait.ge [sflag:s8], $0x2000  }
0x121: {  	[sflag:s8] =	ssyncset.done $0x0  }
0x122: {  	[sflag:s8] =	ssyncadd.s32 $0xFFFFE000  }
0x123: {  	s30 =	simm.s32 $0x280;
	_ =	swait.ge [sflag:s9], $0x2000  }
0x124: {  	s29 =	simm.s32 $0x500;
	s19 =	rddreg [dreg:$0x4];
	[sflag:s9] =	ssyncset.done $0x0  }
.LBB2_2:
0x125: {  	[sflag:s9] =	ssyncadd.s32 $0xFFFFE000;
	s19 =	sadd.s32 s30, s19  }
0x126: {  	[tilespmem:s4], [sflag:$0x5] =	stream.linear.gather [hbm4b:s19+s4], $0x1400, $0x38;
	[tilespmem:$0x1D400] =	vst v63  }
0x127: {  	_ =	swait.ge [sflag:s31], $0x1400  }
0x128: {  	[sflag:s31] =	ssyncset.done $0x0  }
0x129: {  	[sflag:s31] =	ssyncadd.s32 $0xFFFFEC00  }
0x12a: {  	[tilespmem:s0], [sflag:$0x1] =	stream.indirect.gather [spmem:s2], $0x40, s4, s1, $0xb8;
	[tilespmem:$0x1D400] =	vst v63  }
0x12b: {  	s19 =	rddreg [dreg:$0x5]  }
0x12c: {  	[tilespmem:s5], [sflag:$0x2] =	stream.indirect.gather [spmem:s2], $0x40, s19, s1, $0xb8;
	[tilespmem:$0x1D400] =	vst v63  }
0x12d: {  	_ =	swait.ge [sflag:s6], $0x2000  }
0x12e: {  	[sflag:s6] =	ssyncset.done $0x0  }
0x12f: {  	[sflag:s6] =	ssyncadd.s32 $0xFFFFE000  }
0x130: {  	[spmem:s3] =	stream.indirect.scatter.add.f32 [tilespmem:s0], [sflag:$0x3], $0x40, s1, s1, $0xb8;
	[tilespmem:$0x1D400] =	vst v63  }
0x131: {  	_ =	swait.ge [sflag:s7], $0x2000  }
0x132: {  	[sflag:s7] =	ssyncset.done $0x0  }
0x133: {  	s19 =	rddreg [dreg:$0x6];
	[sflag:s7] =	ssyncadd.s32 $0xFFFFE000  }
0x134: {  	[spmem:s3] =	stream.indirect.scatter.add.f32 [tilespmem:s5], [sflag:$0x4], $0x40, s19, s1, $0xb8;
	[tilespmem:$0x1D400] =	vst v63  }
0x135: {  	_ =	swait.ge [sflag:s8], $0x2000  }
0x136: {  	[sflag:s8] =	ssyncset.done $0x0  }
0x137: {  	s19 =	rddreg [dreg:$0x7];
	[sflag:s8] =	ssyncadd.s32 $0xFFFFE000  }
0x138: {  	[tilespmem:s0], [sflag:$0x1] =	stream.indirect.gather [spmem:s2], $0x40, s19, s1, $0xb8;
	[tilespmem:$0x1D400] =	vst v63  }
0x139: {  	_ =	swait.ge [sflag:s9], $0x2000  }
0x13a: {  	[sflag:s9] =	ssyncset.done $0x0  }
0x13b: {  	s19 =	rddreg [dreg:$0x8];
	[sflag:s9] =	ssyncadd.s32 $0xFFFFE000  }
0x13c: {  	[tilespmem:s5], [sflag:$0x2] =	stream.indirect.gather [spmem:s2], $0x40, s19, s1, $0xb8;
	[tilespmem:$0x1D400] =	vst v63  }
0x13d: {  	_ =	swait.ge [sflag:s6], $0x2000  }
0x13e: {  	[sflag:s6] =	ssyncset.done $0x0  }
0x13f: {  	s19 =	rddreg [dreg:$0x9];
	[sflag:s6] =	ssyncadd.s32 $0xFFFFE000  }
0x140: {  	[spmem:s3] =	stream.indirect.scatter.add.f32 [tilespmem:s0], [sflag:$0x3], $0x40, s19, s1, $0xb8;
	[tilespmem:$0x1D400] =	vst v63  }
0x141: {  	_ =	swait.ge [sflag:s7], $0x2000  }
0x142: {  	[sflag:s7] =	ssyncset.done $0x0  }
0x143: {  	s19 =	rddreg [dreg:$0xa];
	[sflag:s7] =	ssyncadd.s32 $0xFFFFE000  }
0x144: {  	[spmem:s3] =	stream.indirect.scatter.add.f32 [tilespmem:s5], [sflag:$0x4], $0x40, s19, s1, $0xb8;
	[tilespmem:$0x1D400] =	vst v63  }
0x145: {  	_ =	swait.ge [sflag:s8], $0x2000  }
0x146: {  	[sflag:s8] =	ssyncset.done $0x0  }
0x147: {  	s19 =	rddreg [dreg:$0xb];
	[sflag:s8] =	ssyncadd.s32 $0xFFFFE000  }
0x148: {  	[tilespmem:s0], [sflag:$0x1] =	stream.indirect.gather [spmem:s2], $0x40, s19, s1, $0xb8;
	[tilespmem:$0x1D400] =	vst v63  }
0x149: {  	_ =	swait.ge [sflag:s9], $0x2000  }
0x14a: {  	[sflag:s9] =	ssyncset.done $0x0  }
0x14b: {  	s19 =	rddreg [dreg:$0xc];
	[sflag:s9] =	ssyncadd.s32 $0xFFFFE000  }
0x14c: {  	[tilespmem:s5], [sflag:$0x2] =	stream.indirect.gather [spmem:s2], $0x40, s19, s1, $0xb8;
	[tilespmem:$0x1D400] =	vst v63  }
0x14d: {  	_ =	swait.ge [sflag:s6], $0x2000  }
0x14e: {  	[sflag:s6] =	ssyncset.done $0x0  }
0x14f: {  	s19 =	rddreg [dreg:$0xd];
	[sflag:s6] =	ssyncadd.s32 $0xFFFFE000  }
0x150: {  	[spmem:s3] =	stream.indirect.scatter.add.f32 [tilespmem:s0], [sflag:$0x3], $0x40, s19, s1, $0xb8;
	[tilespmem:$0x1D400] =	vst v63  }
0x151: {  	_ =	swait.ge [sflag:s7], $0x2000  }
0x152: {  	[sflag:s7] =	ssyncset.done $0x0  }
0x153: {  	s19 =	rddreg [dreg:$0xe];
	[sflag:s7] =	ssyncadd.s32 $0xFFFFE000  }
0x154: {  	[spmem:s3] =	stream.indirect.scatter.add.f32 [tilespmem:s5], [sflag:$0x4], $0x40, s19, s1, $0xb8;
	[tilespmem:$0x1D400] =	vst v63  }
0x155: {  	_ =	swait.ge [sflag:s8], $0x2000  }
0x156: {  	[sflag:s8] =	ssyncset.done $0x0  }
0x157: {  	s19 =	rddreg [dreg:$0xf];
	[sflag:s8] =	ssyncadd.s32 $0xFFFFE000  }
0x158: {  	[tilespmem:s0], [sflag:$0x1] =	stream.indirect.gather [spmem:s2], $0x40, s19, s1, $0xb8;
	[tilespmem:$0x1D400] =	vst v63  }
0x159: {  	_ =	swait.ge [sflag:s9], $0x2000  }
0x15a: {  	[sflag:s9] =	ssyncset.done $0x0  }
0x15b: {  	s19 =	rddreg [dreg:$0x10];
	[sflag:s9] =	ssyncadd.s32 $0xFFFFE000  }
0x15c: {  	[tilespmem:s5], [sflag:$0x2] =	stream.indirect.gather [spmem:s2], $0x40, s19, s1, $0xb8;
	[tilespmem:$0x1D400] =	vst v63  }
0x15d: {  	_ =	swait.ge [sflag:s6], $0x2000  }
0x15e: {  	[sflag:s6] =	ssyncset.done $0x0  }
0x15f: {  	s19 =	rddreg [dreg:$0x11];
	[sflag:s6] =	ssyncadd.s32 $0xFFFFE000  }
0x160: {  	[spmem:s3] =	stream.indirect.scatter.add.f32 [tilespmem:s0], [sflag:$0x3], $0x40, s19, s1, $0xb8;
	[tilespmem:$0x1D400] =	vst v63  }
0x161: {  	_ =	swait.ge [sflag:s7], $0x2000  }
0x162: {  	[sflag:s7] =	ssyncset.done $0x0  }
0x163: {  	s19 =	rddreg [dreg:$0x12];
	[sflag:s7] =	ssyncadd.s32 $0xFFFFE000  }
0x164: {  	[spmem:s3] =	stream.indirect.scatter.add.f32 [tilespmem:s5], [sflag:$0x4], $0x40, s19, s1, $0xb8;
	[tilespmem:$0x1D400] =	vst v63  }
0x165: {  	_ =	swait.ge [sflag:s8], $0x2000  }
0x166: {  	[sflag:s8] =	ssyncset.done $0x0  }
0x167: {  	s19 =	rddreg [dreg:$0x13];
	[sflag:s8] =	ssyncadd.s32 $0xFFFFE000  }
0x168: {  	[tilespmem:s0], [sflag:$0x1] =	stream.indirect.gather [spmem:s2], $0x40, s19, s1, $0xb8;
	[tilespmem:$0x1D400] =	vst v63  }
0x169: {  	_ =	swait.ge [sflag:s9], $0x2000  }
0x16a: {  	[sflag:s9] =	ssyncset.done $0x0  }
0x16b: {  	s19 =	rddreg [dreg:$0x14];
	[sflag:s9] =	ssyncadd.s32 $0xFFFFE000  }
0x16c: {  	[tilespmem:s5], [sflag:$0x2] =	stream.indirect.gather [spmem:s2], $0x40, s19, s1, $0xb8;
	[tilespmem:$0x1D400] =	vst v63  }
0x16d: {  	_ =	swait.ge [sflag:s6], $0x2000  }
0x16e: {  	[sflag:s6] =	ssyncset.done $0x0  }
0x16f: {  	s19 =	rddreg [dreg:$0x15];
	[sflag:s6] =	ssyncadd.s32 $0xFFFFE000  }
0x170: {  	[spmem:s3] =	stream.indirect.scatter.add.f32 [tilespmem:s0], [sflag:$0x3], $0x40, s19, s1, $0xb8;
	[tilespmem:$0x1D400] =	vst v63  }
0x171: {  	_ =	swait.ge [sflag:s7], $0x2000  }
0x172: {  	[sflag:s7] =	ssyncset.done $0x0  }
0x173: {  	s19 =	rddreg [dreg:$0x16];
	[sflag:s7] =	ssyncadd.s32 $0xFFFFE000  }
0x174: {  	[spmem:s3] =	stream.indirect.scatter.add.f32 [tilespmem:s5], [sflag:$0x4], $0x40, s19, s1, $0xb8;
	[tilespmem:$0x1D400] =	vst v63  }
0x175: {  	_ =	swait.ge [sflag:s8], $0x2000  }
0x176: {  	[sflag:s8] =	ssyncset.done $0x0  }
0x177: {  	s19 =	rddreg [dreg:$0x17];
	[sflag:s8] =	ssyncadd.s32 $0xFFFFE000  }
0x178: {  	[tilespmem:s0], [sflag:$0x1] =	stream.indirect.gather [spmem:s2], $0x40, s19, s1, $0xb8;
	[tilespmem:$0x1D400] =	vst v63  }
0x179: {  	_ =	swait.ge [sflag:s9], $0x2000  }
0x17a: {  	[sflag:s9] =	ssyncset.done $0x0  }
0x17b: {  	s19 =	rddreg [dreg:$0x18];
	[sflag:s9] =	ssyncadd.s32 $0xFFFFE000  }
0x17c: {  	[tilespmem:s5], [sflag:$0x2] =	stream.indirect.gather [spmem:s2], $0x40, s19, s1, $0xb8;
	[tilespmem:$0x1D400] =	vst v63  }
0x17d: {  	_ =	swait.ge [sflag:s6], $0x2000  }
0x17e: {  	[sflag:s6] =	ssyncset.done $0x0  }
0x17f: {  	s19 =	rddreg [dreg:$0x19];
	[sflag:s6] =	ssyncadd.s32 $0xFFFFE000  }
0x180: {  	[spmem:s3] =	stream.indirect.scatter.add.f32 [tilespmem:s0], [sflag:$0x3], $0x40, s19, s1, $0xb8;
	[tilespmem:$0x1D400] =	vst v63  }
0x181: {  	_ =	swait.ge [sflag:s7], $0x2000  }
0x182: {  	[sflag:s7] =	ssyncset.done $0x0  }
0x183: {  	s19 =	simm.s32 $0xB80;
	[sflag:s7] =	ssyncadd.s32 $0xFFFFE000  }
0x184: {  	[spmem:s3] =	stream.indirect.scatter.add.f32 [tilespmem:s5], [sflag:$0x4], $0x40, s19, s1, $0xb8;
	[tilespmem:$0x1D400] =	vst v63  }
0x185: {  	_ =	swait.ge [sflag:s8], $0x2000  }
0x186: {  	[sflag:s8] =	ssyncset.done $0x0  }
0x187: {  	[sflag:s8] =	ssyncadd.s32 $0xFFFFE000  }
0x188: {  	[tilespmem:s0], [sflag:$0x1] =	stream.indirect.gather [spmem:s2], $0x40, s11, s1, $0xb8;
	[tilespmem:$0x1D400] =	vst v63  }
0x189: {  	_ =	swait.ge [sflag:s9], $0x2000  }
0x18a: {  	[sflag:s9] =	ssyncset.done $0x0  }
0x18b: {  	[sflag:s9] =	ssyncadd.s32 $0xFFFFE000  }
0x18c: {  	[tilespmem:s5], [sflag:$0x2] =	stream.indirect.gather [spmem:s2], $0x40, s12, s1, $0xb8;
	[tilespmem:$0x1D400] =	vst v63  }
0x18d: {  	_ =	swait.ge [sflag:s6], $0x2000  }
0x18e: {  	[sflag:s6] =	ssyncset.done $0x0  }
0x18f: {  	[sflag:s6] =	ssyncadd.s32 $0xFFFFE000  }
0x190: {  	[spmem:s3] =	stream.indirect.scatter.add.f32 [tilespmem:s0], [sflag:$0x3], $0x40, s13, s1, $0xb8;
	[tilespmem:$0x1D400] =	vst v63  }
0x191: {  	_ =	swait.ge [sflag:s7], $0x2000  }
0x192: {  	[sflag:s7] =	ssyncset.done $0x0  }
0x193: {  	[sflag:s7] =	ssyncadd.s32 $0xFFFFE000  }
0x194: {  	[spmem:s3] =	stream.indirect.scatter.add.f32 [tilespmem:s5], [sflag:$0x4], $0x40, s14, s1, $0xb8;
	[tilespmem:$0x1D400] =	vst v63  }
0x195: {  	_ =	swait.ge [sflag:s8], $0x2000  }
0x196: {  	[sflag:s8] =	ssyncset.done $0x0  }
0x197: {  	[sflag:s8] =	ssyncadd.s32 $0xFFFFE000  }
0x198: {  	[tilespmem:s0], [sflag:$0x1] =	stream.indirect.gather [spmem:s2], $0x40, s15, s1, $0xb8;
	[tilespmem:$0x1D400] =	vst v63  }
0x199: {  	_ =	swait.ge [sflag:s9], $0x2000  }
0x19a: {  	[sflag:s9] =	ssyncset.done $0x0  }
0x19b: {  	[sflag:s9] =	ssyncadd.s32 $0xFFFFE000  }
0x19c: {  	[tilespmem:s5], [sflag:$0x2] =	stream.indirect.gather [spmem:s2], $0x40, s16, s1, $0xb8;
	[tilespmem:$0x1D400] =	vst v63  }
0x19d: {  	_ =	swait.ge [sflag:s6], $0x2000  }
0x19e: {  	[sflag:s6] =	ssyncset.done $0x0  }
0x19f: {  	[sflag:s6] =	ssyncadd.s32 $0xFFFFE000  }
0x1a0: {  	[spmem:s3] =	stream.indirect.scatter.add.f32 [tilespmem:s0], [sflag:$0x3], $0x40, s17, s1, $0xb8;
	[tilespmem:$0x1D400] =	vst v63  }
0x1a1: {  	_ =	swait.ge [sflag:s7], $0x2000  }
0x1a2: {  	[sflag:s7] =	ssyncset.done $0x0  }
0x1a3: {  	[sflag:s7] =	ssyncadd.s32 $0xFFFFE000  }
0x1a4: {  	[spmem:s3] =	stream.indirect.scatter.add.f32 [tilespmem:s5], [sflag:$0x4], $0x40, s18, s1, $0xb8;
	[tilespmem:$0x1D400] =	vst v63  }
0x1a5: {  	_ =	swait.ge [sflag:s8], $0x2000  }
0x1a6: {  	[sflag:s8] =	ssyncset.done $0x0  }
0x1a7: {  	[sflag:s8] =	ssyncadd.s32 $0xFFFFE000  }
0x1a8: {  	[tilespmem:s0], [sflag:$0x1] =	stream.indirect.gather [spmem:s2], $0x40, s20, s1, $0xb8;
	[tilespmem:$0x1D400] =	vst v63  }
0x1a9: {  	_ =	swait.ge [sflag:s9], $0x2000  }
0x1aa: {  	[sflag:s9] =	ssyncset.done $0x0  }
0x1ab: {  	[sflag:s9] =	ssyncadd.s32 $0xFFFFE000  }
0x1ac: {  	[tilespmem:s5], [sflag:$0x2] =	stream.indirect.gather [spmem:s2], $0x40, s21, s1, $0xb8;
	[tilespmem:$0x1D400] =	vst v63  }
0x1ad: {  	_ =	swait.ge [sflag:s6], $0x2000  }
0x1ae: {  	[sflag:s6] =	ssyncset.done $0x0  }
0x1af: {  	[sflag:s6] =	ssyncadd.s32 $0xFFFFE000  }
0x1b0: {  	[spmem:s3] =	stream.indirect.scatter.add.f32 [tilespmem:s0], [sflag:$0x3], $0x40, s22, s1, $0xb8;
	[tilespmem:$0x1D400] =	vst v63  }
0x1b1: {  	_ =	swait.ge [sflag:s7], $0x2000  }
0x1b2: {  	[sflag:s7] =	ssyncset.done $0x0  }
0x1b3: {  	[sflag:s7] =	ssyncadd.s32 $0xFFFFE000  }
0x1b4: {  	[spmem:s3] =	stream.indirect.scatter.add.f32 [tilespmem:s5], [sflag:$0x4], $0x40, s23, s1, $0xb8;
	[tilespmem:$0x1D400] =	vst v63  }
0x1b5: {  	_ =	swait.ge [sflag:s8], $0x2000  }
0x1b6: {  	[sflag:s8] =	ssyncset.done $0x0  }
0x1b7: {  	[sflag:s8] =	ssyncadd.s32 $0xFFFFE000  }
0x1b8: {  	[tilespmem:s0], [sflag:$0x1] =	stream.indirect.gather [spmem:s2], $0x40, s24, s1, $0xb8;
	[tilespmem:$0x1D400] =	vst v63  }
0x1b9: {  	_ =	swait.ge [sflag:s9], $0x2000  }
0x1ba: {  	[sflag:s9] =	ssyncset.done $0x0  }
0x1bb: {  	[sflag:s9] =	ssyncadd.s32 $0xFFFFE000  }
0x1bc: {  	[tilespmem:s5], [sflag:$0x2] =	stream.indirect.gather [spmem:s2], $0x40, s25, s1, $0xb8;
	[tilespmem:$0x1D400] =	vst v63  }
0x1bd: {  	_ =	swait.ge [sflag:s6], $0x2000  }
0x1be: {  	[sflag:s6] =	ssyncset.done $0x0  }
0x1bf: {  	[sflag:s6] =	ssyncadd.s32 $0xFFFFE000  }
0x1c0: {  	[spmem:s3] =	stream.indirect.scatter.add.f32 [tilespmem:s0], [sflag:$0x3], $0x40, s26, s1, $0xb8;
	[tilespmem:$0x1D400] =	vst v63  }
0x1c1: {  	_ =	swait.ge [sflag:s7], $0x2000  }
0x1c2: {  	[sflag:s7] =	ssyncset.done $0x0  }
0x1c3: {  	p0 =	sne.s32 s29, $0x1180;
	[sflag:s7] =	ssyncadd.s32 $0xFFFFE000  }
0x1c4: {  	[spmem:s3] =	stream.indirect.scatter.add.f32 [tilespmem:s5], [sflag:$0x4], $0x40, s28, s1, $0xb8;
	[tilespmem:$0x1D400] =	vst v63  }
.Ltmp0:
0x1c5: {  	_ =	swait.ge [sflag:s8], $0x2000;
	(pc) =	sbr.rel @p0 .LBB2_2-.Ltmp0, $4  }
0x1c6: {  	[sflag:s8] =	ssyncset.done $0x0  }
0x1c7: {  	[sflag:s8] =	ssyncadd.s32 $0xFFFFE000  }
0x1c8: {  	s10 =	smov.u32 s29;
	s29 =	sadd.s32 $0x280, s29;
	_ =	swait.ge [sflag:s9], $0x2000  }
0x1c9: {  	s30 =	smov.u32 s10;
	s19 =	rddreg [dreg:$0x4];
	[sflag:s9] =	ssyncset.done $0x0  }
0x1ca: {  	s10 =	sadd.s32 s30, s19;
	[sflag:s9] =	ssyncadd.s32 $0xFFFFE000  }
0x1cb: {  	[tilespmem:s4], [sflag:$0x5] =	stream.linear.gather [hbm4b:s10+s4], $0x1400, $0x38;
	[tilespmem:$0x1D400] =	vst v63  }
0x1cc: {  	_ =	swait.ge [sflag:s31], $0x1400  }
0x1cd: {  	[sflag:s31] =	ssyncset.done $0x0  }
0x1ce: {  	[sflag:s31] =	ssyncadd.s32 $0xFFFFEC00  }
0x1cf: {  	[tilespmem:s0], [sflag:$0x1] =	stream.indirect.gather [spmem:s2], $0x40, s4, s1, $0xb8;
	[tilespmem:$0x1D400] =	vst v63  }
0x1d0: {  	s30 =	rddreg [dreg:$0x5]  }
0x1d1: {  	[tilespmem:s5], [sflag:$0x2] =	stream.indirect.gather [spmem:s2], $0x40, s30, s1, $0xb8;
	[tilespmem:$0x1D400] =	vst v63  }
0x1d2: {  	_ =	swait.ge [sflag:s6], $0x2000  }
0x1d3: {  	[sflag:s6] =	ssyncset.done $0x0  }
0x1d4: {  	[sflag:s6] =	ssyncadd.s32 $0xFFFFE000  }
0x1d5: {  	[spmem:s3] =	stream.indirect.scatter.add.f32 [tilespmem:s0], [sflag:$0x3], $0x40, s1, s1, $0xb8;
	[tilespmem:$0x1D400] =	vst v63  }
0x1d6: {  	_ =	swait.ge [sflag:s7], $0x2000  }
0x1d7: {  	[sflag:s7] =	ssyncset.done $0x0  }
0x1d8: {  	s19 =	rddreg [dreg:$0x6];
	[sflag:s7] =	ssyncadd.s32 $0xFFFFE000  }
0x1d9: {  	[spmem:s3] =	stream.indirect.scatter.add.f32 [tilespmem:s5], [sflag:$0x4], $0x40, s19, s1, $0xb8;
	[tilespmem:$0x1D400] =	vst v63  }
0x1da: {  	_ =	swait.ge [sflag:s8], $0x2000  }
0x1db: {  	[sflag:s8] =	ssyncset.done $0x0  }
0x1dc: {  	s30 =	rddreg [dreg:$0x7];
	[sflag:s8] =	ssyncadd.s32 $0xFFFFE000  }
0x1dd: {  	[tilespmem:s0], [sflag:$0x1] =	stream.indirect.gather [spmem:s2], $0x40, s30, s1, $0xb8;
	[tilespmem:$0x1D400] =	vst v63  }
0x1de: {  	_ =	swait.ge [sflag:s9], $0x2000  }
0x1df: {  	[sflag:s9] =	ssyncset.done $0x0  }
0x1e0: {  	s19 =	rddreg [dreg:$0x8];
	[sflag:s9] =	ssyncadd.s32 $0xFFFFE000  }
0x1e1: {  	[tilespmem:s5], [sflag:$0x2] =	stream.indirect.gather [spmem:s2], $0x40, s19, s1, $0xb8;
	[tilespmem:$0x1D400] =	vst v63  }
0x1e2: {  	_ =	swait.ge [sflag:s6], $0x2000  }
0x1e3: {  	[sflag:s6] =	ssyncset.done $0x0  }
0x1e4: {  	s30 =	rddreg [dreg:$0x9];
	[sflag:s6] =	ssyncadd.s32 $0xFFFFE000  }
0x1e5: {  	[spmem:s3] =	stream.indirect.scatter.add.f32 [tilespmem:s0], [sflag:$0x3], $0x40, s30, s1, $0xb8;
	[tilespmem:$0x1D400] =	vst v63  }
0x1e6: {  	_ =	swait.ge [sflag:s7], $0x2000  }
0x1e7: {  	[sflag:s7] =	ssyncset.done $0x0  }
0x1e8: {  	s19 =	rddreg [dreg:$0xa];
	[sflag:s7] =	ssyncadd.s32 $0xFFFFE000  }
0x1e9: {  	[spmem:s3] =	stream.indirect.scatter.add.f32 [tilespmem:s5], [sflag:$0x4], $0x40, s19, s1, $0xb8;
	[tilespmem:$0x1D400] =	vst v63  }
0x1ea: {  	_ =	swait.ge [sflag:s8], $0x2000  }
0x1eb: {  	[sflag:s8] =	ssyncset.done $0x0  }
0x1ec: {  	s30 =	rddreg [dreg:$0xb];
	[sflag:s8] =	ssyncadd.s32 $0xFFFFE000  }
0x1ed: {  	[tilespmem:s0], [sflag:$0x1] =	stream.indirect.gather [spmem:s2], $0x40, s30, s1, $0xb8;
	[tilespmem:$0x1D400] =	vst v63  }
0x1ee: {  	_ =	swait.ge [sflag:s9], $0x2000  }
0x1ef: {  	[sflag:s9] =	ssyncset.done $0x0  }
0x1f0: {  	s19 =	rddreg [dreg:$0xc];
	[sflag:s9] =	ssyncadd.s32 $0xFFFFE000  }
0x1f1: {  	[tilespmem:s5], [sflag:$0x2] =	stream.indirect.gather [spmem:s2], $0x40, s19, s1, $0xb8;
	[tilespmem:$0x1D400] =	vst v63  }
0x1f2: {  	_ =	swait.ge [sflag:s6], $0x2000  }
0x1f3: {  	[sflag:s6] =	ssyncset.done $0x0  }
0x1f4: {  	s30 =	rddreg [dreg:$0xd];
	[sflag:s6] =	ssyncadd.s32 $0xFFFFE000  }
0x1f5: {  	[spmem:s3] =	stream.indirect.scatter.add.f32 [tilespmem:s0], [sflag:$0x3], $0x40, s30, s1, $0xb8;
	[tilespmem:$0x1D400] =	vst v63  }
0x1f6: {  	_ =	swait.ge [sflag:s7], $0x2000  }
0x1f7: {  	[sflag:s7] =	ssyncset.done $0x0  }
0x1f8: {  	s19 =	rddreg [dreg:$0xe];
	[sflag:s7] =	ssyncadd.s32 $0xFFFFE000  }
0x1f9: {  	[spmem:s3] =	stream.indirect.scatter.add.f32 [tilespmem:s5], [sflag:$0x4], $0x40, s19, s1, $0xb8;
	[tilespmem:$0x1D400] =	vst v63  }
0x1fa: {  	_ =	swait.ge [sflag:s8], $0x2000  }
0x1fb: {  	[sflag:s8] =	ssyncset.done $0x0  }
0x1fc: {  	s30 =	rddreg [dreg:$0xf];
	[sflag:s8] =	ssyncadd.s32 $0xFFFFE000  }
0x1fd: {  	[tilespmem:s0], [sflag:$0x1] =	stream.indirect.gather [spmem:s2], $0x40, s30, s1, $0xb8;
	[tilespmem:$0x1D400] =	vst v63  }
0x1fe: {  	_ =	swait.ge [sflag:s9], $0x2000  }
0x1ff: {  	[sflag:s9] =	ssyncset.done $0x0  }
0x200: {  	s19 =	rddreg [dreg:$0x10];
	[sflag:s9] =	ssyncadd.s32 $0xFFFFE000  }
0x201: {  	[tilespmem:s5], [sflag:$0x2] =	stream.indirect.gather [spmem:s2], $0x40, s19, s1, $0xb8;
	[tilespmem:$0x1D400] =	vst v63  }
0x202: {  	_ =	swait.ge [sflag:s6], $0x2000  }
0x203: {  	[sflag:s6] =	ssyncset.done $0x0  }
0x204: {  	s30 =	rddreg [dreg:$0x11];
	[sflag:s6] =	ssyncadd.s32 $0xFFFFE000  }
0x205: {  	[spmem:s3] =	stream.indirect.scatter.add.f32 [tilespmem:s0], [sflag:$0x3], $0x40, s30, s1, $0xb8;
	[tilespmem:$0x1D400] =	vst v63  }
0x206: {  	_ =	swait.ge [sflag:s7], $0x2000  }
0x207: {  	[sflag:s7] =	ssyncset.done $0x0  }
0x208: {  	s19 =	rddreg [dreg:$0x12];
	[sflag:s7] =	ssyncadd.s32 $0xFFFFE000  }
0x209: {  	[spmem:s3] =	stream.indirect.scatter.add.f32 [tilespmem:s5], [sflag:$0x4], $0x40, s19, s1, $0xb8;
	[tilespmem:$0x1D400] =	vst v63  }
0x20a: {  	_ =	swait.ge [sflag:s8], $0x2000  }
0x20b: {  	[sflag:s8] =	ssyncset.done $0x0  }
0x20c: {  	s30 =	rddreg [dreg:$0x13];
	[sflag:s8] =	ssyncadd.s32 $0xFFFFE000  }
0x20d: {  	[tilespmem:s0], [sflag:$0x1] =	stream.indirect.gather [spmem:s2], $0x40, s30, s1, $0xb8;
	[tilespmem:$0x1D400] =	vst v63  }
0x20e: {  	_ =	swait.ge [sflag:s9], $0x2000  }
0x20f: {  	[sflag:s9] =	ssyncset.done $0x0  }
0x210: {  	s19 =	rddreg [dreg:$0x14];
	[sflag:s9] =	ssyncadd.s32 $0xFFFFE000  }
0x211: {  	[tilespmem:s5], [sflag:$0x2] =	stream.indirect.gather [spmem:s2], $0x40, s19, s1, $0xb8;
	[tilespmem:$0x1D400] =	vst v63  }
0x212: {  	_ =	swait.ge [sflag:s6], $0x2000  }
0x213: {  	[sflag:s6] =	ssyncset.done $0x0  }
0x214: {  	s30 =	rddreg [dreg:$0x15];
	[sflag:s6] =	ssyncadd.s32 $0xFFFFE000  }
0x215: {  	[spmem:s3] =	stream.indirect.scatter.add.f32 [tilespmem:s0], [sflag:$0x3], $0x40, s30, s1, $0xb8;
	[tilespmem:$0x1D400] =	vst v63  }
0x216: {  	_ =	swait.ge [sflag:s7], $0x2000  }
0x217: {  	[sflag:s7] =	ssyncset.done $0x0  }
0x218: {  	s19 =	rddreg [dreg:$0x16];
	[sflag:s7] =	ssyncadd.s32 $0xFFFFE000  }
0x219: {  	[spmem:s3] =	stream.indirect.scatter.add.f32 [tilespmem:s5], [sflag:$0x4], $0x40, s19, s1, $0xb8;
	[tilespmem:$0x1D400] =	vst v63  }
0x21a: {  	_ =	swait.ge [sflag:s8], $0x2000  }
0x21b: {  	[sflag:s8] =	ssyncset.done $0x0  }
0x21c: {  	s30 =	rddreg [dreg:$0x17];
	[sflag:s8] =	ssyncadd.s32 $0xFFFFE000  }
0x21d: {  	[tilespmem:s0], [sflag:$0x1] =	stream.indirect.gather [spmem:s2], $0x40, s30, s1, $0xb8;
	[tilespmem:$0x1D400] =	vst v63  }
0x21e: {  	_ =	swait.ge [sflag:s9], $0x2000  }
0x21f: {  	[sflag:s9] =	ssyncset.done $0x0  }
0x220: {  	s19 =	rddreg [dreg:$0x18];
	[sflag:s9] =	ssyncadd.s32 $0xFFFFE000  }
0x221: {  	[tilespmem:s5], [sflag:$0x2] =	stream.indirect.gather [spmem:s2], $0x40, s19, s1, $0xb8;
	[tilespmem:$0x1D400] =	vst v63  }
0x222: {  	_ =	swait.ge [sflag:s6], $0x2000  }
0x223: {  	[sflag:s6] =	ssyncset.done $0x0  }
0x224: {  	s30 =	rddreg [dreg:$0x19];
	[sflag:s6] =	ssyncadd.s32 $0xFFFFE000  }
0x225: {  	[spmem:s3] =	stream.indirect.scatter.add.f32 [tilespmem:s0], [sflag:$0x3], $0x40, s30, s1, $0xb8;
	[tilespmem:$0x1D400] =	vst v63  }
0x226: {  	_ =	swait.ge [sflag:s7], $0x2000  }
0x227: {  	[sflag:s7] =	ssyncset.done $0x0  }
0x228: {  	s19 =	simm.s32 $0xB80;
	[sflag:s7] =	ssyncadd.s32 $0xFFFFE000  }
0x229: {  	[spmem:s3] =	stream.indirect.scatter.add.f32 [tilespmem:s5], [sflag:$0x4], $0x40, s19, s1, $0xb8;
	[tilespmem:$0x1D400] =	vst v63  }
0x22a: {  	_ =	swait.ge [sflag:s8], $0x2000  }
0x22b: {  	[sflag:s8] =	ssyncset.done $0x0  }
0x22c: {  	[sflag:s8] =	ssyncadd.s32 $0xFFFFE000  }
0x22d: {  	[tilespmem:s0], [sflag:$0x1] =	stream.indirect.gather [spmem:s2], $0x40, s11, s1, $0xb8;
	[tilespmem:$0x1D400] =	vst v63  }
0x22e: {  	_ =	swait.ge [sflag:s9], $0x2000  }
0x22f: {  	[sflag:s9] =	ssyncset.done $0x0  }
0x230: {  	[sflag:s9] =	ssyncadd.s32 $0xFFFFE000  }
0x231: {  	[tilespmem:s5], [sflag:$0x2] =	stream.indirect.gather [spmem:s2], $0x40, s12, s1, $0xb8;
	[tilespmem:$0x1D400] =	vst v63  }
0x232: {  	_ =	swait.ge [sflag:s6], $0x2000  }
0x233: {  	[sflag:s6] =	ssyncset.done $0x0  }
0x234: {  	[sflag:s6] =	ssyncadd.s32 $0xFFFFE000  }
0x235: {  	[spmem:s3] =	stream.indirect.scatter.add.f32 [tilespmem:s0], [sflag:$0x3], $0x40, s13, s1, $0xb8;
	[tilespmem:$0x1D400] =	vst v63  }
0x236: {  	_ =	swait.ge [sflag:s7], $0x2000  }
0x237: {  	[sflag:s7] =	ssyncset.done $0x0  }
0x238: {  	[sflag:s7] =	ssyncadd.s32 $0xFFFFE000  }
0x239: {  	[spmem:s3] =	stream.indirect.scatter.add.f32 [tilespmem:s5], [sflag:$0x4], $0x40, s14, s1, $0xb8;
	[tilespmem:$0x1D400] =	vst v63  }
0x23a: {  	_ =	swait.ge [sflag:s8], $0x2000  }
0x23b: {  	[sflag:s8] =	ssyncset.done $0x0  }
0x23c: {  	[sflag:s8] =	ssyncadd.s32 $0xFFFFE000  }
0x23d: {  	[tilespmem:s0], [sflag:$0x1] =	stream.indirect.gather [spmem:s2], $0x40, s15, s1, $0xb8;
	[tilespmem:$0x1D400] =	vst v63  }
0x23e: {  	_ =	swait.ge [sflag:s9], $0x2000  }
0x23f: {  	[sflag:s9] =	ssyncset.done $0x0  }
0x240: {  	[sflag:s9] =	ssyncadd.s32 $0xFFFFE000  }
0x241: {  	[tilespmem:s5], [sflag:$0x2] =	stream.indirect.gather [spmem:s2], $0x40, s16, s1, $0xb8;
	[tilespmem:$0x1D400] =	vst v63  }
0x242: {  	_ =	swait.ge [sflag:s6], $0x2000  }
0x243: {  	[sflag:s6] =	ssyncset.done $0x0  }
0x244: {  	[sflag:s6] =	ssyncadd.s32 $0xFFFFE000  }
0x245: {  	[spmem:s3] =	stream.indirect.scatter.add.f32 [tilespmem:s0], [sflag:$0x3], $0x40, s17, s1, $0xb8;
	[tilespmem:$0x1D400] =	vst v63  }
0x246: {  	_ =	swait.ge [sflag:s7], $0x2000  }
0x247: {  	[sflag:s7] =	ssyncset.done $0x0  }
0x248: {  	[sflag:s7] =	ssyncadd.s32 $0xFFFFE000  }
0x249: {  	[spmem:s3] =	stream.indirect.scatter.add.f32 [tilespmem:s5], [sflag:$0x4], $0x40, s18, s1, $0xb8;
	[tilespmem:$0x1D400] =	vst v63  }
0x24a: {  	_ =	swait.ge [sflag:s8], $0x2000  }
0x24b: {  	[sflag:s8] =	ssyncset.done $0x0  }
0x24c: {  	[sflag:s8] =	ssyncadd.s32 $0xFFFFE000  }
0x24d: {  	[tilespmem:s0], [sflag:$0x1] =	stream.indirect.gather [spmem:s2], $0x40, s20, s1, $0xb8;
	[tilespmem:$0x1D400] =	vst v63  }
0x24e: {  	_ =	swait.ge [sflag:s9], $0x2000  }
0x24f: {  	[sflag:s9] =	ssyncset.done $0x0  }
0x250: {  	[sflag:s9] =	ssyncadd.s32 $0xFFFFE000  }
0x251: {  	[tilespmem:s5], [sflag:$0x2] =	stream.indirect.gather [spmem:s2], $0x40, s21, s1, $0xb8;
	[tilespmem:$0x1D400] =	vst v63  }
0x252: {  	_ =	swait.ge [sflag:s6], $0x2000  }
0x253: {  	[sflag:s6] =	ssyncset.done $0x0  }
0x254: {  	[sflag:s6] =	ssyncadd.s32 $0xFFFFE000  }
0x255: {  	[spmem:s3] =	stream.indirect.scatter.add.f32 [tilespmem:s0], [sflag:$0x3], $0x40, s22, s1, $0xb8;
	[tilespmem:$0x1D400] =	vst v63  }
0x256: {  	_ =	swait.ge [sflag:s7], $0x2000  }
0x257: {  	[sflag:s7] =	ssyncset.done $0x0  }
0x258: {  	[sflag:s7] =	ssyncadd.s32 $0xFFFFE000  }
0x259: {  	[spmem:s3] =	stream.indirect.scatter.add.f32 [tilespmem:s5], [sflag:$0x4], $0x40, s23, s1, $0xb8;
	[tilespmem:$0x1D400] =	vst v63  }
0x25a: {  	_ =	swait.ge [sflag:s8], $0x2000  }
0x25b: {  	[sflag:s8] =	ssyncset.done $0x0  }
0x25c: {  	[sflag:s8] =	ssyncadd.s32 $0xFFFFE000  }
0x25d: {  	[tilespmem:s0], [sflag:$0x1] =	stream.indirect.gather [spmem:s2], $0x40, s24, s1, $0xb8;
	[tilespmem:$0x1D400] =	vst v63  }
0x25e: {  	_ =	swait.ge [sflag:s9], $0x2000  }
0x25f: {  	[sflag:s9] =	ssyncset.done $0x0  }
0x260: {  	[sflag:s9] =	ssyncadd.s32 $0xFFFFE000  }
0x261: {  	[tilespmem:s5], [sflag:$0x2] =	stream.indirect.gather [spmem:s2], $0x40, s25, s1, $0xb8;
	[tilespmem:$0x1D400] =	vst v63  }
0x262: {  	_ =	swait.ge [sflag:s6], $0x2000  }
0x263: {  	[sflag:s6] =	ssyncset.done $0x0  }
0x264: {  	[sflag:s6] =	ssyncadd.s32 $0xFFFFE000  }
0x265: {  	[spmem:s3] =	stream.indirect.scatter.add.f32 [tilespmem:s0], [sflag:$0x3], $0x40, s26, s1, $0xb8;
	[tilespmem:$0x1D400] =	vst v63  }
0x266: {  	_ =	swait.ge [sflag:s7], $0x2000  }
0x267: {  	[sflag:s7] =	ssyncset.done $0x0  }
0x268: {  	[sflag:s7] =	ssyncadd.s32 $0xFFFFE000  }
0x269: {  	[spmem:s3] =	stream.indirect.scatter.add.f32 [tilespmem:s5], [sflag:$0x4], $0x40, s28, s1, $0xb8;
	[tilespmem:$0x1D400] =	vst v63  }
0x26a: {  	_ =	swait.ge [sflag:s8], $0x2000  }
0x26b: {  	[sflag:s8] =	ssyncset.done $0x0  }
0x26c: {  	[sflag:s8] =	ssyncadd.s32 $0xFFFFE000  }
0x26d: {  	_ =	swait.ge [sflag:s9], $0x2000  }
0x26e: {  	[sflag:s9] =	ssyncset.done $0x0  }
0x26f: {  	[sflag:s9] =	ssyncadd.s32 $0xFFFFE000  }
0x270: {  	[bflag:$0x0] =	sbarrier.arrive $0xFFFF  }
0x271: {  	s30 =	sld [smem:$0x7F0]  }
0x272: {  	s19 =	sld [smem:$0x7FD]  }
0x273: {  	s29 =	sld [smem:$0x7EA];
	_ =	sdelay $0x2  }
0x274: {  	[hbm:s30], [sflag:s19] =	dma.local [spmem:s29], $0x2800  }
0x275: {  	_ =	swait.ge [sflag:s31], $0x2800  }
0x276: {  	s29 =	sld [smem:$0x7E9]  }
0x277: {  	s30 =	sld [smem:$0x7F2];
	_ =	sdelay $0x1  }
0x278: {  	s29 =	sadd.s32 $0x1, s29  }
0x279: {  	p0 =	sne.s32 s29, s30  }
.Ltmp1:
0x27a: {  	_ = 	snop;
	(pc) =	sbr.rel @p0 .LBB2_1-.Ltmp1, $3  }
0x27b: {  	_ =	sdelay $0x1  }
0x27c: {  	[sflag:s31] =	ssyncset.done $0x0  }
0x27d: {  	[sflag:s31] =	ssyncadd.s32 $0xFFFFD800  }
0x27e: {  	_ =	sfence.sel $0x180000  }
0x27f: {  	[bflag:$0x0] =	sbarrier.arrive $0xFFFF  }
0x280: {  	_ =	strace $0x9000004D  }
0x281: {  	s0 =	stileid.u32;
	[bflag:$0x2] =	sbarrier.arrive $0xFFFF  }
0x282: {  	p0 =	sne.s32 s0, $0x0;
	s0 =	rddreg [dreg:$0x3]  }
0x283: {  	s0 =	sadd.s32 @!p0 $0x100000, s0  }
0x284: {  	[sflag:s0] =	ssyncadd.tile.s32 @!p0 $0x1;
	_ =	shalt  }
.Lfunc_end2:
_tile_overlayer_lowered:
.L_overlay_start_2:
0x285: {  	(tag) =	ssettag $0x2  }
0x286: {  	s0 =	rddreg [dreg:$0x0];
	s2 =	stileid.u32  }
0x287: {  	s1 =	rddreg [dreg:$0x1];
	p0 =	sne.s32 s2, $0x0  }
0x288: {  	s3 =	rddreg [dreg:$0x2];
	[bflag:$0x3] =	sbarrier.arrive $0xFFFF;
	s2 =	simm.s32 @!p0 $0x1C05  }
0x289: {  	[timem:s3], [sflag:s2] =	dma.local @!p0 [hbm:s0], s1  }
0x28a: {  	s0 =	simm.s32 @!p0 $0x5  }
0x28b: {  	_ =	swait.ge @!p0 [sflag:s0], s1  }
0x28c: {  	s1 =	ssub.s32 @!p0 $0x0, s1;
	[sflag:s0] =	ssyncset.done @!p0 $0x0  }
0x28d: {  	[sflag:s0] =	ssyncadd.s32 @!p0 s1  }
0x28e: {  	[bflag:$0x3] =	sbarrier.arrive $0xFFFF  }
0x28f: {  	_ =	shalt  }

// kernel: kernel.21.cloned.1.call-start
scs
__scs_entry_jumppad:
0x0: {  	(pc) =	sbr.rel $0x88, $3  }
0x1: {  	(tag) =	ssettag $0x0;
	lr =	simm.s32 $0x1  }
0x2: {  	[smem:$0x3F93] =	sst lr;
	_ =	strace $0xD0000000  }
0x3: {  	_ = 	snop  }
0x4: {  	_ = 	snop  }
0x5: {  	_ = 	snop  }
0x6: {  	_ = 	snop  }
0x7: {  	_ = 	snop  }
__scs_overlays_trampoline_lowered:
0x8: {  	[smem:$0x3FA2] =	sst s0  }
0x9: {  	[smem:$0x3FA3] =	sst s1  }
0xa: {  	[smem:$0x3FA4] =	sst s2  }
0xb: {  	[smem:$0x3FA5] =	sst s3  }
0xc: {  	[smem:$0x3FA6] =	sst s4  }
0xd: {  	[smem:$0x3FA7] =	sst s5  }
0xe: {  	[smem:$0x3FA8] =	sst s6  }
0xf: {  	[smem:$0x3FA9] =	sst s7  }
0x10: {  	[smem:$0x3FAA] =	sst s8  }
0x11: {  	[smem:$0x3FAB] =	sst s9;
	s0 =	simm.s32 @!p0 $0x0  }
0x12: {  	s1 =	sld [smem:$0x3F91];
	s0 =	simm.s32 @p0 $0x1  }
0x13: {  	[smem:$0x3FAC] =	sst s0;
	s0 =	simm.s32 @!p1 $0x0  }
0x14: {  	s2 =	sld [smem:$0x3F90];
	s0 =	simm.s32 @p1 $0x1  }
0x15: {  	[smem:$0x3FAD] =	sst s0;
	s0 =	simm.s32 @!p2 $0x0  }
0x16: {  	s3 =	sld [smem:$0x3FDB];
	s0 =	simm.s32 @p2 $0x1  }
0x17: {  	s4 =	simm.s32 $0x1BF5;
	[smem:$0x3FAF] =	sst s0  }
0x18: {  	s0 =	sld [smem:$0x3F92];
	_ =	swait.ge [sflag:s4], $0x0  }
0x19: {  	s7 =	sld [smem:$0x3F93]  }
0x1a: {  	s8 =	sadd.s32 $0xFFFFE003, lr  }
0x1b: {  	s9 =	sadd.s32 $0xFFFFFEF7, lr;
	s5 =	simm.s32 $0xFFFFFFFF;
	p2 =	slt.u32 s8, $0xFFFFF086  }
0x1c: {  	p1 =	slt.u32 s9, $0xF7A;
	s5 =	simm.s32 @!p2 $0x0  }
0x1d: {  	s5 =	simm.s32 @p1 $0x1;
	p0 =	seq.s32 s7, s2  }
0x1e: {  	s7 =	smul.u32 @!p0 $0xF7A, s2;
	p2 =	seq.s32 @!p0 s5, $0x0  }
0x1f: {  	s9 =	smul.u32 $0xF7A, s1;
	s8 =	simm.s32 @!p0 $0x1BF5;
	p2 =	por !p2, p0  }
0x20: {  	[sflag:s8] =	ssyncset.s32 @!p0 $0xFFFFF086;
	s6 =	sadd.s32 @!p0 s3, s7;
	s7 =	simm.s32 @!p0 $0x108  }
0x21: {  	s3 =	sadd.s32 s3, s9;
	s6 =	sadd.s32 @!p0 $0x88, s6;
	s7 =	simm.s32 @p2 $0x1082  }
0x22: {  	[simem:s7], [sflag:s8] =	dma.local @!p0 [hbm:s6], $0xF7A  }
0x23: {  	s9 =	sor.u32 $0xD0000000, s2;
	s6 =	simm.s32 $0x108;
	_ =	swait.ge @!p0 [sflag:s8], $0x0  }
0x24: {  	s3 =	sadd.s32 $0x88, s3;
	s6 =	simm.s32 @!p1 $0x1082;
	[sflag:s4] =	ssyncset.s32 $0xFFFFF086  }
0x25: {  	[simem:s6], [sflag:s4] =	dma.local [hbm:s3], $0xF7A  }
0x26: {  	[smem:$0x3F93] =	sst s1;
	(tag) =	ssettag s2;
	_ =	strace s9  }
0x27: {  	s1 =	sld [smem:$0x3FA3]  }
0x28: {  	s2 =	sld [smem:$0x3FA4]  }
0x29: {  	s4 =	sld [smem:$0x3FA6]  }
0x2a: {  	p0 =	seq.s32 s5, $0x0;
	s5 =	sld [smem:$0x3FA7]  }
0x2b: {  	s6 =	sld [smem:$0x3FA8]  }
0x2c: {  	s7 =	sld [smem:$0x3FA9]  }
0x2d: {  	s3 =	simm.s32 $0x108;
	s8 =	sld [smem:$0x3FAA]  }
0x2e: {  	s3 =	simm.s32 @!p0 $0x1082;
	s9 =	sld [smem:$0x3FAB]  }
0x2f: {  	lr =	sadd.s32 s0, s3;
	s0 =	sld [smem:$0x3FA2]  }
0x30: {  	s3 =	sld [smem:$0x3FA5]  }
0x31: {  	[smem:$0x3FAE] =	sst s10  }
0x32: {  	s10 =	sld [smem:$0x3FAC];
	_ =	sdelay $0x3  }
0x33: {  	p0 =	seq.s32 s10, $0x1;
	s10 =	sld [smem:$0x3FAE];
	_ =	sdelay $0x3  }
0x34: {  	[smem:$0x3FAE] =	sst s10  }
0x35: {  	s10 =	sld [smem:$0x3FAD];
	_ =	sdelay $0x3  }
0x36: {  	p1 =	seq.s32 s10, $0x1;
	s10 =	sld [smem:$0x3FAE];
	_ =	sdelay $0x3  }
0x37: {  	[smem:$0x3FAE] =	sst s10  }
0x38: {  	s10 =	sld [smem:$0x3FAF]  }
0x39: {  	_ = 	snop;
	(pc) =	sbr.ind lr, $3  }
0x3a: {  	_ = 	snop  }
0x3b: {  	_ = 	snop  }
0x3c: {  	p2 =	seq.s32 s10, $0x1;
	s10 =	sld [smem:$0x3FAE]  }
0x3d: {  	_ =	shalt  }
0x3e: {  	_ =	shalt  }
0x3f: {  	_ =	shalt  }
0x40: {  	_ =	shalt  }
0x41: {  	_ =	shalt  }
0x42: {  	_ =	shalt  }
0x43: {  	_ =	shalt  }
0x44: {  	_ =	shalt  }
0x45: {  	_ =	shalt  }
0x46: {  	_ =	shalt  }
0x47: {  	_ =	shalt  }
0x48: {  	_ =	shalt  }
0x49: {  	_ =	shalt  }
0x4a: {  	_ =	shalt  }
0x4b: {  	_ =	shalt  }
0x4c: {  	_ =	shalt  }
0x4d: {  	_ =	shalt  }
0x4e: {  	_ =	shalt  }
0x4f: {  	_ =	shalt  }
0x50: {  	_ =	shalt  }
0x51: {  	_ =	shalt  }
0x52: {  	_ =	shalt  }
0x53: {  	_ =	shalt  }
0x54: {  	_ =	shalt  }
0x55: {  	_ =	shalt  }
0x56: {  	_ =	shalt  }
0x57: {  	_ =	shalt  }
0x58: {  	_ =	shalt  }
0x59: {  	_ =	shalt  }
0x5a: {  	_ =	shalt  }
0x5b: {  	_ =	shalt  }
0x5c: {  	_ =	shalt  }
0x5d: {  	_ =	shalt  }
0x5e: {  	_ =	shalt  }
0x5f: {  	_ =	shalt  }
0x60: {  	_ =	shalt  }
0x61: {  	_ =	shalt  }
0x62: {  	_ =	shalt  }
0x63: {  	_ =	shalt  }
0x64: {  	_ =	shalt  }
0x65: {  	_ =	shalt  }
0x66: {  	_ =	shalt  }
0x67: {  	_ =	shalt  }
0x68: {  	_ =	shalt  }
0x69: {  	_ =	shalt  }
0x6a: {  	_ =	shalt  }
0x6b: {  	_ =	shalt  }
0x6c: {  	_ =	shalt  }
0x6d: {  	_ =	shalt  }
0x6e: {  	_ =	shalt  }
0x6f: {  	_ =	shalt  }
0x70: {  	_ =	shalt  }
0x71: {  	_ =	shalt  }
0x72: {  	_ =	shalt  }
0x73: {  	_ =	shalt  }
0x74: {  	_ =	shalt  }
0x75: {  	_ =	shalt  }
0x76: {  	_ =	shalt  }
0x77: {  	_ =	shalt  }
0x78: {  	_ =	shalt  }
0x79: {  	_ =	shalt  }
0x7a: {  	_ =	shalt  }
0x7b: {  	_ =	shalt  }
0x7c: {  	_ =	shalt  }
0x7d: {  	_ =	shalt  }
0x7e: {  	_ =	shalt  }
0x7f: {  	_ =	shalt  }
0x80: {  	_ =	shalt  }
0x81: {  	_ =	shalt  }
0x82: {  	_ =	shalt  }
0x83: {  	_ =	shalt  }
0x84: {  	_ =	shalt  }
0x85: {  	_ =	shalt  }
0x86: {  	_ =	shalt  }
0x87: {  	_ =	shalt  }
.Lfunc_end0:
.L_simem_size_0:
called_computation.3_lowered:
.L_overlay_start_0:
0x88: {  	s2 =	sld [smem:$0x3FD9]  }
0x89: {  	s3 =	sld [smem:$0x3FFE];
	_ =	sdelay $0x1  }
0x8a: {  	s1 =	srdreg.scid  }
0x8b: {  	s0 =	sand.u32 $0x1, s1  }
0x8c: {  	s16 =	sshll.u32 s0, $0xA;
	s2 =	sadd.s32 s3, s2  }
0x8d: {  	s2 =	sadd.s32 s2, s16  }
0x8e: {  	[smem:$0x3FBA] =	sst s2  }
0x8f: {  	_ = 	snop  }
0x90: {  	(tm) =	ssettm $0x1  }
0x91: {  	s17 =	sld [smem:$0x3FFB];
	_ =	sdelay $0x3  }
0x92: {  	_ =	strace s17  }
0x93: {  	s2 =	sld [smem:$0x3FFC];
	_ =	sdelay $0x3  }
0x94: {  	_ =	strace s2  }
0x95: {  	s2 =	sld [smem:$0x3FFD];
	_ =	sdelay $0x3  }
0x96: {  	_ =	strace s2  }
0x97: {  	_ =	strace $0x8FFFFFFF  }
0x98: {  	s18 =	sld [smem:$0x3FDB];
	_ =	sdelay $0x1  }
0x99: {  	s19 =	simm.s32 $_scs_section_size  }
0x9a: {  	s4 =	simm.s32 $_size__tile_overlayer_lowered;
	s5 =	simm.s32 $_tile_overlayer_lowered  }
0x9b: {  	s22 =	simm.s32 $0x1BFF;
	s21 =	sshll.u32 s5, $0x1;
	s2 =	sadd.s32 s19, s18  }
0x9c: {  	s6 =	simm.s32 $0x0;
	s20 =	sshll.u32 s4, $0x1;
	s4 =	sadd.s32 s21, s2  }
0x9d: {  	[timem:s6], [sflag:s22] =	dma.local [hbm:s4], s20  }
0x9e: {  	_ =	swait.ge [sflag:s22], s20  }
0x9f: {  	s3 =	ssub.s32 $0x0, s20;
	[sflag:s22] =	ssyncset.done $0x0  }
0xa0: {  	[sflag:s22] =	ssyncadd.s32 s3;
	_ =	sdelay $0x1  }
0xa1: {  	s23 =	simm.s32 $0x1B8B  }
0xa2: {  	_ =	swait.ge [sflag:s23], $0x1  }
0xa3: {  	[sflag:s23] =	ssyncset.done $0x0  }
0xa4: {  	s25 =	simm.s32 $0x1B8E;
	s24 =	sld [smem:$0x3FFE];
	[sflag:s23] =	ssyncadd.s32 $0xFFFFFFFF  }
0xa5: {  	s26 =	simm.s32 $execute0_lowered;
	[smem:$0x3FD2] =	sst s25  }
0xa6: {  	s4 =	sshll.u32 s26, $0x1;
	_ =	strace $0x8000004F;
	[dreg:$0x1] =	wrdreg $0xFFFFFFFF  }
0xa7: {  	s28 =	simm.s32 $_size_execute0_lowered;
	s2 =	sadd.s32 s2, s4;
	[dreg:$0x0] =	wrdreg $0x0  }
0xa8: {  	s4 =	sshll.u32 s28, $0x1;
	[dreg:$0x2] =	wrdreg s2  }
0xa9: {  	[dreg:$0x3] =	wrdreg s4  }
0xaa: {  	[dreg:$0x4] =	wrdreg $0xC0  }
0xab: {  	_ =	task [dreg:s6], $0x5FFFF  }
0xac: {  	[dreg:$0x1] =	wrdreg $0xFFFFFFFF  }
0xad: {  	[dreg:$0x0] =	wrdreg $0x60  }
0xae: {  	[dreg:$0x2] =	wrdreg s24  }
0xaf: {  	[dreg:$0x3] =	wrdreg $0x14000  }
0xb0: {  	[dreg:$0x4] =	wrdreg $0xB4000  }
0xb1: {  	[dreg:$0x5] =	wrdreg $0x9  }
0xb2: {  	_ =	task.clear_ibuf [dreg:s6], $0x6FFFF;
	_ =	strace $0x9000004F  }
0xb3: {  	s29 =	simm.s32 $0x9;
	_ =	strace $0x80000051  }
0xb4: {  	_ =	swait.ge [sflag:s29], $0x1  }
0xb5: {  	[sflag:s29] =	ssyncadd.s32 $0xFFFFFFFF  }
0xb6: {  	_ =	strace $0x90000051  }
0xb7: {  	_ =	sfence  }
0xb8: {  	s30 =	sld [smem:$0x0];
	_ =	sdelay $0x2  }
0xb9: {  	s31 =	sshll.u32 s1, $0xD;
	s1 =	sshrl.u32 s1, $0x2  }
0xba: {  	s3 =	sand.u32 $0x4000, s31;
	s1 =	sadd.s32 s1, s30  }
0xbb: {  	s0 =	sor.u32 s3, s0;
	s1 =	sshll.u32 s1, $0x11  }
0xbc: {  	s0 =	sor.u32 s1, s0  }
0xbd: {  	s0 =	sadd.s32 $0x8F2B, s0  }
0xbe: {  	[sflag:s0] =	ssyncadd.remote.s32 $0x1  }
0xbf: {  	_ =	sfence.sel $0xFFFF  }
0xc0: {  	[dreg:$0x0] =	wrdreg $0xFFFFFFFF;
	(pc) =	sbr.abs _section_cstart, $3  }
0xc1: {  	[dreg:$0x1] =	wrdreg $0xFFFFFFFF  }
0xc2: {  	_ =	task.clear_ibuf [dreg:s6], $0x2FFFF;
	_ =	strace $0x9FFFFFFF  }
0xc3: {  	(tm) =	ssettm $0x7FFFFFFF  }
tec
execute0_lowered:
.L_overlay_start_1:
0x0: {  	(tag) =	ssettag $0x1  }
0x1: {  	s5 =	rddreg [dreg:$0x0]  }
0x2: {  	s19 =	stileid.u32;
	s2 =	rddreg [dreg:$0x1]  }
0x3: {  	s0 =	srdreg.scid;
	s3 =	rddreg [dreg:$0x2]  }
0x4: {  	s4 =	simm.s32 $0x0;
	s23 =	simm.s32 $0x100;
	s24 =	simm.s32 $0x180  }
0x5: {  	s25 =	simm.s32 $0x200;
	s26 =	simm.s32 $0x300;
	[smem:$0x7FF] =	sst s4  }
0x6: {  	s30 =	simm.s32 $0x280;
	_ =	strace $0x80000050;
	[dreg:$0x5] =	wrdreg s23  }
0x7: {  	s14 =	simm.s32 $0x380;
	s15 =	simm.s32 $0x400;
	[dreg:$0x6] =	wrdreg s24  }
0x8: {  	s16 =	simm.s32 $0x500;
	s17 =	simm.s32 $0x480;
	[dreg:$0x7] =	wrdreg s25  }
0x9: {  	s18 =	simm.s32 $0x580;
	s31 =	simm.s32 $0x5;
	[dreg:$0x8] =	wrdreg s26  }
0xa: {  	s28 =	simm.s32 $0x1380;
	s1 =	smul.u32 $0x1400, s19;
	[dreg:$0x9] =	wrdreg s30  }
0xb: {  	s29 =	simm.s32 $0x0;
	s6 =	smul.u32 $0x14000, s19;
	[dreg:$0xa] =	wrdreg s14  }
0xc: {  	s8 =	sand.u32 $0x1, s0;
	s10 =	smul.u32 $0x280, s19;
	[dreg:$0xb] =	wrdreg s15  }
0xd: {  	s7 =	sadd.s32 $0xBAC00, s5;
	s9 =	smul.u32 $0x2800, s19;
	[dreg:$0xc] =	wrdreg s16  }
0xe: {  	s0 =	smul.u32 $0x140000, s8;
	s20 =	ssub.s32 $0x2, s8;
	[dreg:$0xd] =	wrdreg s17  }
0xf: {  	p0 =	seq.s32 s8, $0x1;
	[dreg:$0xe] =	wrdreg s18;
	s23 =	simm.s32 $0x780  }
0x10: {  	s24 =	simm.s32 $0x800;
	s25 =	simm.s32 $0x900;
	[dreg:$0x12] =	wrdreg s23  }
0x11: {  	s26 =	simm.s32 $0x880;
	s17 =	simm.s32 $0x5E00;
	[dreg:$0x13] =	wrdreg s24  }
0x12: {  	s30 =	simm.s32 $0x980;
	s18 =	simm.s32 $0xA00;
	[dreg:$0x14] =	wrdreg s25  }
0x13: {  	s11 =	sadd.s32 s1, s5;
	s21 =	sshrl.u32 s20, $0x1;
	[dreg:$0x15] =	wrdreg s26  }
0x14: {  	s1 =	sor.u32 $0x40, s10;
	s17 =	simm.s32 @!p0 $0x42C00;
	[dreg:$0x16] =	wrdreg s30  }
0x15: {  	[dreg:$0x17] =	wrdreg s18;
	s24 =	smul.u32 $0x50000, s19;
	s25 =	simm.s32 $0xA80  }
0x16: {  	s30 =	sshll.u32 s19, $0x6;
	s0 =	sadd.s32 s6, s0;
	s22 =	sshll.u32 s1, $0x4  }
0x17: {  	s11 =	sadd.s32 $0x2EC00, s11;
	[dreg:$0x19] =	wrdreg s25;
	s19 =	sor.u32 $0x1C05, s30  }
0x18: {  	s0 =	sshrl.u32 s0, $0x3;
	s8 =	sadd.s32 s7, s22;
	[dreg:$0x4] =	wrdreg s11  }
0x19: {  	s11 =	sadd.s32 $0xC0, s10;
	s22 =	simm.s32 $0x680;
	s26 =	sshrl.u32 s24, $0x2  }
0x1a: {  	[smem:$0x7FD] =	sst s19;
	s6 =	sadd.s32 s0, s5;
	s0 =	ssub.s32 s20, s21  }
0x1b: {  	[dreg:$0x1a] =	wrdreg s8;
	s8 =	sadd.s32 $0x80, s10;
	s13 =	sshll.u32 s11, $0x4  }
0x1c: {  	s20 =	simm.s32 $0x600;
	s21 =	simm.s32 $0x700;
	[dreg:$0x11] =	wrdreg s22  }
0x1d: {  	s5 =	sadd.s32 s17, s5;
	s22 =	sadd.s32 $0x200, s10;
	[dreg:$0xf] =	wrdreg s20  }
0x1e: {  	s11 =	sshll.u32 s11, $0x7;
	s13 =	sadd.s32 s7, s13;
	[dreg:$0x10] =	wrdreg s21  }
0x1f: {  	s12 =	sshll.u32 s8, $0x4;
	s20 =	simm.s32 $0xB00;
	[dreg:$0x1c] =	wrdreg s13  }
0x20: {  	s23 =	sshll.u32 s22, $0x4;
	s5 =	sadd.s32 s5, s9;
	[dreg:$0x18] =	wrdreg s20  }
0x21: {  	s6 =	sadd.s32 $0xE2C00, s6;
	s0 =	smax.u32 s0, $0x1;
	[smem:$0x7EF] =	sst s5  }
0x22: {  	s12 =	sadd.s32 s7, s12;
	[smem:$0x7F0] =	sst s6;
	s6 =	sadd.s32 s26, s2  }
0x23: {  	s5 =	sadd.s32 s26, s3;
	[dreg:$0x1b] =	wrdreg s12;
	s12 =	sadd.s32 $0x100, s10  }
0x24: {  	[smem:$0x7F2] =	sst s0;
	s13 =	simm.s32 $0xC80;
	s14 =	sshll.u32 s12, $0x4  }
0x25: {  	[smem:$0x7F1] =	sst s5;
	s5 =	sadd.s32 s11, s3;
	s14 =	sadd.s32 s7, s14  }
0x26: {  	s30 =	sshrl.u32 s6, $0x3;
	[dreg:$0x1d] =	wrdreg s14;
	s14 =	sadd.s32 $0x140, s10  }
0x27: {  	s6 =	simm.s32 $0x1;
	s12 =	sshll.u32 s12, $0x7;
	s15 =	sshll.u32 s14, $0x4  }
0x28: {  	s20 =	sshrl.u32 s5, $0x3;
	[smem:$0x7FC] =	sst s30;
	s15 =	sadd.s32 s7, s15  }
0x29: {  	s5 =	simm.s32 $0x19400;
	[dreg:$0x1e] =	wrdreg s15;
	s15 =	sadd.s32 $0x180, s10  }
0x2a: {  	[smem:$0x7F5] =	sst s20;
	s20 =	simm.s32 $0x1000;
	s16 =	sshll.u32 s15, $0x4  }
0x2b: {  	s14 =	sshll.u32 s14, $0x7;
	s15 =	sshll.u32 s15, $0x7;
	s16 =	sadd.s32 s7, s16  }
0x2c: {  	[dreg:$0x1f] =	wrdreg s16;
	s16 =	sadd.s32 $0x1C0, s10;
	s10 =	sadd.s32 $0x240, s10  }
0x2d: {  	s21 =	sshll.u32 s16, $0x4;
	s18 =	sshll.u32 s10, $0x4;
	s16 =	sshll.u32 s16, $0x7  }
0x2e: {  	s10 =	sshll.u32 s10, $0x7;
	s17 =	sadd.s32 s7, s21;
	s18 =	sadd.s32 s7, s18  }
0x2f: {  	s11 =	sadd.s32 s16, s3;
	s10 =	sadd.s32 s10, s3;
	[smem:$0x7EB] =	sst s17  }
0x30: {  	s16 =	simm.s32 $0xF00;
	s17 =	sadd.s32 s7, s23;
	[smem:$0x7ED] =	sst s18  }
0x31: {  	s7 =	sadd.s32 s7, s9;
	s9 =	sshll.u32 s8, $0x7;
	s8 =	sadd.s32 s14, s3  }
0x32: {  	s24 =	sshrl.u32 s11, $0x3;
	s26 =	sshrl.u32 s10, $0x3;
	[smem:$0x7EC] =	sst s17  }
0x33: {  	s11 =	simm.s32 $0xC00;
	s14 =	simm.s32 $0xD80;
	[smem:$0x7EE] =	sst s7  }
0x34: {  	s7 =	sshll.u32 s1, $0x7;
	s1 =	sadd.s32 s9, s3;
	s9 =	sadd.s32 s15, s3  }
0x35: {  	s17 =	sshll.u32 s22, $0x7;
	s22 =	sshrl.u32 s8, $0x3;
	[smem:$0x7F9] =	sst s24  }
0x36: {  	[smem:$0x7FB] =	sst s26;
	s8 =	simm.s32 $0x3;
	s15 =	simm.s32 $0xE00  }
0x37: {  	s24 =	simm.s32 $0x1200;
	s26 =	simm.s32 $0x1280;
	s0 =	sadd.s32 s7, s3  }
0x38: {  	s7 =	sadd.s32 s12, s3;
	s12 =	sadd.s32 s17, s3;
	s18 =	sshrl.u32 s1, $0x3  }
0x39: {  	[smem:$0x7F7] =	sst s22;
	s23 =	sshrl.u32 s9, $0x3;
	s1 =	simm.s32 $0x80  }
0x3a: {  	s9 =	simm.s32 $0x4;
	s17 =	simm.s32 $0xE80;
	[smem:$0x7F4] =	sst s18  }
0x3b: {  	s22 =	simm.s32 $0x1080;
	s0 =	sshrl.u32 s0, $0x3;
	[smem:$0x7F8] =	sst s23  }
0x3c: {  	s21 =	sshrl.u32 s7, $0x3;
	s25 =	sshrl.u32 s12, $0x3;
	[smem:$0x7F3] =	sst s0  }
0x3d: {  	s7 =	simm.s32 $0x2;
	s12 =	simm.s32 $0xD00;
	[smem:$0x7F6] =	sst s21  }
0x3e: {  	s18 =	simm.s32 $0xF80;
	s23 =	simm.s32 $0x1180;
	[smem:$0x7FA] =	sst s25  }
0x3f: {  	s0 =	simm.s32 $0x15400;
	s21 =	simm.s32 $0x1100;
	s25 =	simm.s32 $0x1300  }
.LBB2_1:
0x40: {  	s10 =	sld [smem:$0x7F1];
	_ =	sdelay $0x1  }
0x41: {  	[smem:$0x7E9] =	sst s29  }
0x42: {  	s29 =	sshrl.u32 s10, $0x3;
	s10 =	sld [smem:$0x7EE];
	_ =	sdelay $0x1  }
0x43: {  	[smem:$0x7EA] =	sst s29  }
0x44: {  	[spmem:s29], [sflag:s19] =	dma.local [hbm:s10], $0x400  }
0x45: {  	_ =	swait.ge [sflag:s31], $0x400  }
0x46: {  	s29 =	sld [smem:$0x7F3]  }
0x47: {  	[sflag:s31] =	ssyncset.done $0x0  }
0x48: {  	s10 =	rddreg [dreg:$0x1a];
	[sflag:s31] =	ssyncadd.s32 $0xFFFFFC00  }
0x49: {  	[spmem:s29], [sflag:s19] =	dma.local [hbm:s10], $0x400  }
0x4a: {  	_ =	swait.ge [sflag:s31], $0x400  }
0x4b: {  	s29 =	sld [smem:$0x7F4]  }
0x4c: {  	[sflag:s31] =	ssyncset.done $0x0  }
0x4d: {  	s10 =	rddreg [dreg:$0x1b];
	[sflag:s31] =	ssyncadd.s32 $0xFFFFFC00  }
0x4e: {  	[spmem:s29], [sflag:s19] =	dma.local [hbm:s10], $0x400  }
0x4f: {  	_ =	swait.ge [sflag:s31], $0x400  }
0x50: {  	s29 =	sld [smem:$0x7F5]  }
0x51: {  	[sflag:s31] =	ssyncset.done $0x0  }
0x52: {  	s10 =	rddreg [dreg:$0x1c];
	[sflag:s31] =	ssyncadd.s32 $0xFFFFFC00  }
0x53: {  	[spmem:s29], [sflag:s19] =	dma.local [hbm:s10], $0x400  }
0x54: {  	_ =	swait.ge [sflag:s31], $0x400  }
0x55: {  	s29 =	sld [smem:$0x7F6]  }
0x56: {  	[sflag:s31] =	ssyncset.done $0x0  }
0x57: {  	s10 =	rddreg [dreg:$0x1d];
	[sflag:s31] =	ssyncadd.s32 $0xFFFFFC00  }
0x58: {  	[spmem:s29], [sflag:s19] =	dma.local [hbm:s10], $0x400  }
0x59: {  	_ =	swait.ge [sflag:s31], $0x400  }
0x5a: {  	s29 =	sld [smem:$0x7F7]  }
0x5b: {  	[sflag:s31] =	ssyncset.done $0x0  }
0x5c: {  	s10 =	rddreg [dreg:$0x1e];
	[sflag:s31] =	ssyncadd.s32 $0xFFFFFC00  }
0x5d: {  	[spmem:s29], [sflag:s19] =	dma.local [hbm:s10], $0x400  }
0x5e: {  	_ =	swait.ge [sflag:s31], $0x400  }
0x5f: {  	s29 =	sld [smem:$0x7F8]  }
0x60: {  	[sflag:s31] =	ssyncset.done $0x0  }
0x61: {  	s10 =	rddreg [dreg:$0x1f];
	[sflag:s31] =	ssyncadd.s32 $0xFFFFFC00  }
0x62: {  	[spmem:s29], [sflag:s19] =	dma.local [hbm:s10], $0x400  }
0x63: {  	_ =	swait.ge [sflag:s31], $0x400  }
0x64: {  	s10 =	sld [smem:$0x7EB]  }
0x65: {  	s29 =	sld [smem:$0x7F9]  }
0x66: {  	[sflag:s31] =	ssyncset.done $0x0  }
0x67: {  	[sflag:s31] =	ssyncadd.s32 $0xFFFFFC00  }
0x68: {  	[spmem:s29], [sflag:s19] =	dma.local [hbm:s10], $0x400  }
0x69: {  	_ =	swait.ge [sflag:s31], $0x400  }
0x6a: {  	s10 =	sld [smem:$0x7EC]  }
0x6b: {  	s29 =	sld [smem:$0x7FA]  }
0x6c: {  	[sflag:s31] =	ssyncset.done $0x0  }
0x6d: {  	[sflag:s31] =	ssyncadd.s32 $0xFFFFFC00  }
0x6e: {  	[spmem:s29], [sflag:s19] =	dma.local [hbm:s10], $0x400  }
0x6f: {  	_ =	swait.ge [sflag:s31], $0x400  }
0x70: {  	s10 =	sld [smem:$0x7ED]  }
0x71: {  	s29 =	sld [smem:$0x7FB]  }
0x72: {  	[sflag:s31] =	ssyncset.done $0x0  }
0x73: {  	[sflag:s31] =	ssyncadd.s32 $0xFFFFFC00  }
0x74: {  	[spmem:s29], [sflag:s19] =	dma.local [hbm:s10], $0x400  }
0x75: {  	_ =	swait.ge [sflag:s31], $0x400  }
0x76: {  	s10 =	sld [smem:$0x7EF]  }
0x77: {  	s29 =	sld [smem:$0x7FC]  }
0x78: {  	[sflag:s31] =	ssyncset.done $0x0  }
0x79: {  	[sflag:s31] =	ssyncadd.s32 $0xFFFFFC00  }
0x7a: {  	[spmem:s29], [sflag:s19] =	dma.local [hbm:s10], $0x2800  }
0x7b: {  	_ =	swait.ge [sflag:s31], $0x2800  }
0x7c: {  	[sflag:s31] =	ssyncset.done $0x0  }
0x7d: {  	[sflag:s31] =	ssyncadd.s32 $0xFFFFD800  }
0x7e: {  	[bflag:$0x0] =	sbarrier.arrive $0xFFFF  }
0x7f: {  	s10 =	rddreg [dreg:$0x4]  }
0x80: {  	s19 =	sadd.s32 $0x0, s10  }
0x81: {  	[tilespmem:s4], [sflag:$0x5] =	stream.linear.gather [hbm4b:s19+s4], $0x1400, $0x38;
	[tilespmem:$0x1D400] =	vst v63  }
0x82: {  	_ =	swait.ge [sflag:s31], $0x1400  }
0x83: {  	[sflag:s31] =	ssyncset.done $0x0  }
0x84: {  	[sflag:s31] =	ssyncadd.s32 $0xFFFFEC00  }
0x85: {  	[tilespmem:s0], [sflag:$0x1] =	stream.indirect.gather [spmem:s2], $0x40, s4, s1, $0xb8;
	[tilespmem:$0x1D400] =	vst v63  }
0x86: {  	s10 =	rddreg [dreg:$0x5]  }
0x87: {  	[tilespmem:s5], [sflag:$0x2] =	stream.indirect.gather [spmem:s2], $0x40, s10, s1, $0xb8;
	[tilespmem:$0x1D400] =	vst v63  }
0x88: {  	_ =	swait.ge [sflag:s6], $0x2000  }
0x89: {  	[sflag:s6] =	ssyncset.done $0x0  }
0x8a: {  	[sflag:s6] =	ssyncadd.s32 $0xFFFFE000  }
0x8b: {  	[spmem:s3] =	stream.indirect.scatter.add.f32 [tilespmem:s0], [sflag:$0x3], $0x40, s1, s1, $0xb8;
	[tilespmem:$0x1D400] =	vst v63  }
0x8c: {  	_ =	swait.ge [sflag:s7], $0x2000  }
0x8d: {  	[sflag:s7] =	ssyncset.done $0x0  }
0x8e: {  	s10 =	rddreg [dreg:$0x6];
	[sflag:s7] =	ssyncadd.s32 $0xFFFFE000  }
0x8f: {  	[spmem:s3] =	stream.indirect.scatter.add.f32 [tilespmem:s5], [sflag:$0x4], $0x40, s10, s1, $0xb8;
	[tilespmem:$0x1D400] =	vst v63  }
0x90: {  	_ =	swait.ge [sflag:s8], $0x2000  }
0x91: {  	[sflag:s8] =	ssyncset.done $0x0  }
0x92: {  	s10 =	rddreg [dreg:$0x7];
	[sflag:s8] =	ssyncadd.s32 $0xFFFFE000  }
0x93: {  	[tilespmem:s0], [sflag:$0x1] =	stream.indirect.gather [spmem:s2], $0x40, s10, s1, $0xb8;
	[tilespmem:$0x1D400] =	vst v63  }
0x94: {  	_ =	swait.ge [sflag:s9], $0x2000  }
0x95: {  	[sflag:s9] =	ssyncset.done $0x0  }
0x96: {  	s10 =	rddreg [dreg:$0x8];
	[sflag:s9] =	ssyncadd.s32 $0xFFFFE000  }
0x97: {  	[tilespmem:s5], [sflag:$0x2] =	stream.indirect.gather [spmem:s2], $0x40, s10, s1, $0xb8;
	[tilespmem:$0x1D400] =	vst v63  }
0x98: {  	_ =	swait.ge [sflag:s6], $0x2000  }
0x99: {  	[sflag:s6] =	ssyncset.done $0x0  }
0x9a: {  	s10 =	rddreg [dreg:$0x9];
	[sflag:s6] =	ssyncadd.s32 $0xFFFFE000  }
0x9b: {  	[spmem:s3] =	stream.indirect.scatter.add.f32 [tilespmem:s0], [sflag:$0x3], $0x40, s10, s1, $0xb8;
	[tilespmem:$0x1D400] =	vst v63  }
0x9c: {  	_ =	swait.ge [sflag:s7], $0x2000  }
0x9d: {  	[sflag:s7] =	ssyncset.done $0x0  }
0x9e: {  	s10 =	rddreg [dreg:$0xa];
	[sflag:s7] =	ssyncadd.s32 $0xFFFFE000  }
0x9f: {  	[spmem:s3] =	stream.indirect.scatter.add.f32 [tilespmem:s5], [sflag:$0x4], $0x40, s10, s1, $0xb8;
	[tilespmem:$0x1D400] =	vst v63  }
0xa0: {  	_ =	swait.ge [sflag:s8], $0x2000  }
0xa1: {  	[sflag:s8] =	ssyncset.done $0x0  }
0xa2: {  	s10 =	rddreg [dreg:$0xb];
	[sflag:s8] =	ssyncadd.s32 $0xFFFFE000  }
0xa3: {  	[tilespmem:s0], [sflag:$0x1] =	stream.indirect.gather [spmem:s2], $0x40, s10, s1, $0xb8;
	[tilespmem:$0x1D400] =	vst v63  }
0xa4: {  	_ =	swait.ge [sflag:s9], $0x2000  }
0xa5: {  	[sflag:s9] =	ssyncset.done $0x0  }
0xa6: {  	s10 =	rddreg [dreg:$0xc];
	[sflag:s9] =	ssyncadd.s32 $0xFFFFE000  }
0xa7: {  	[tilespmem:s5], [sflag:$0x2] =	stream.indirect.gather [spmem:s2], $0x40, s10, s1, $0xb8;
	[tilespmem:$0x1D400] =	vst v63  }
0xa8: {  	_ =	swait.ge [sflag:s6], $0x2000  }
0xa9: {  	[sflag:s6] =	ssyncset.done $0x0  }
0xaa: {  	s10 =	rddreg [dreg:$0xd];
	[sflag:s6] =	ssyncadd.s32 $0xFFFFE000  }
0xab: {  	[spmem:s3] =	stream.indirect.scatter.add.f32 [tilespmem:s0], [sflag:$0x3], $0x40, s10, s1, $0xb8;
	[tilespmem:$0x1D400] =	vst v63  }
0xac: {  	_ =	swait.ge [sflag:s7], $0x2000  }
0xad: {  	[sflag:s7] =	ssyncset.done $0x0  }
0xae: {  	s10 =	rddreg [dreg:$0xe];
	[sflag:s7] =	ssyncadd.s32 $0xFFFFE000  }
0xaf: {  	[spmem:s3] =	stream.indirect.scatter.add.f32 [tilespmem:s5], [sflag:$0x4], $0x40, s10, s1, $0xb8;
	[tilespmem:$0x1D400] =	vst v63  }
0xb0: {  	_ =	swait.ge [sflag:s8], $0x2000  }
0xb1: {  	[sflag:s8] =	ssyncset.done $0x0  }
0xb2: {  	s10 =	rddreg [dreg:$0xf];
	[sflag:s8] =	ssyncadd.s32 $0xFFFFE000  }
0xb3: {  	[tilespmem:s0], [sflag:$0x1] =	stream.indirect.gather [spmem:s2], $0x40, s10, s1, $0xb8;
	[tilespmem:$0x1D400] =	vst v63  }
0xb4: {  	_ =	swait.ge [sflag:s9], $0x2000  }
0xb5: {  	[sflag:s9] =	ssyncset.done $0x0  }
0xb6: {  	s10 =	rddreg [dreg:$0x10];
	[sflag:s9] =	ssyncadd.s32 $0xFFFFE000  }
0xb7: {  	[tilespmem:s5], [sflag:$0x2] =	stream.indirect.gather [spmem:s2], $0x40, s10, s1, $0xb8;
	[tilespmem:$0x1D400] =	vst v63  }
0xb8: {  	_ =	swait.ge [sflag:s6], $0x2000  }
0xb9: {  	[sflag:s6] =	ssyncset.done $0x0  }
0xba: {  	s10 =	rddreg [dreg:$0x11];
	[sflag:s6] =	ssyncadd.s32 $0xFFFFE000  }
0xbb: {  	[spmem:s3] =	stream.indirect.scatter.add.f32 [tilespmem:s0], [sflag:$0x3], $0x40, s10, s1, $0xb8;
	[tilespmem:$0x1D400] =	vst v63  }
0xbc: {  	_ =	swait.ge [sflag:s7], $0x2000  }
0xbd: {  	[sflag:s7] =	ssyncset.done $0x0  }
0xbe: {  	s10 =	rddreg [dreg:$0x12];
	[sflag:s7] =	ssyncadd.s32 $0xFFFFE000  }
0xbf: {  	[spmem:s3] =	stream.indirect.scatter.add.f32 [tilespmem:s5], [sflag:$0x4], $0x40, s10, s1, $0xb8;
	[tilespmem:$0x1D400] =	vst v63  }
0xc0: {  	_ =	swait.ge [sflag:s8], $0x2000  }
0xc1: {  	[sflag:s8] =	ssyncset.done $0x0  }
0xc2: {  	s10 =	rddreg [dreg:$0x13];
	[sflag:s8] =	ssyncadd.s32 $0xFFFFE000  }
0xc3: {  	[tilespmem:s0], [sflag:$0x1] =	stream.indirect.gather [spmem:s2], $0x40, s10, s1, $0xb8;
	[tilespmem:$0x1D400] =	vst v63  }
0xc4: {  	_ =	swait.ge [sflag:s9], $0x2000  }
0xc5: {  	[sflag:s9] =	ssyncset.done $0x0  }
0xc6: {  	s10 =	rddreg [dreg:$0x14];
	[sflag:s9] =	ssyncadd.s32 $0xFFFFE000  }
0xc7: {  	[tilespmem:s5], [sflag:$0x2] =	stream.indirect.gather [spmem:s2], $0x40, s10, s1, $0xb8;
	[tilespmem:$0x1D400] =	vst v63  }
0xc8: {  	_ =	swait.ge [sflag:s6], $0x2000  }
0xc9: {  	[sflag:s6] =	ssyncset.done $0x0  }
0xca: {  	s10 =	rddreg [dreg:$0x15];
	[sflag:s6] =	ssyncadd.s32 $0xFFFFE000  }
0xcb: {  	[spmem:s3] =	stream.indirect.scatter.add.f32 [tilespmem:s0], [sflag:$0x3], $0x40, s10, s1, $0xb8;
	[tilespmem:$0x1D400] =	vst v63  }
0xcc: {  	_ =	swait.ge [sflag:s7], $0x2000  }
0xcd: {  	[sflag:s7] =	ssyncset.done $0x0  }
0xce: {  	s10 =	rddreg [dreg:$0x16];
	[sflag:s7] =	ssyncadd.s32 $0xFFFFE000  }
0xcf: {  	[spmem:s3] =	stream.indirect.scatter.add.f32 [tilespmem:s5], [sflag:$0x4], $0x40, s10, s1, $0xb8;
	[tilespmem:$0x1D400] =	vst v63  }
0xd0: {  	_ =	swait.ge [sflag:s8], $0x2000  }
0xd1: {  	[sflag:s8] =	ssyncset.done $0x0  }
0xd2: {  	s10 =	rddreg [dreg:$0x17];
	[sflag:s8] =	ssyncadd.s32 $0xFFFFE000  }
0xd3: {  	[tilespmem:s0], [sflag:$0x1] =	stream.indirect.gather [spmem:s2], $0x40, s10, s1, $0xb8;
	[tilespmem:$0x1D400] =	vst v63  }
0xd4: {  	_ =	swait.ge [sflag:s9], $0x2000  }
0xd5: {  	[sflag:s9] =	ssyncset.done $0x0  }
0xd6: {  	s10 =	rddreg [dreg:$0x18];
	[sflag:s9] =	ssyncadd.s32 $0xFFFFE000  }
0xd7: {  	[tilespmem:s5], [sflag:$0x2] =	stream.indirect.gather [spmem:s2], $0x40, s10, s1, $0xb8;
	[tilespmem:$0x1D400] =	vst v63  }
0xd8: {  	_ =	swait.ge [sflag:s6], $0x2000  }
0xd9: {  	[sflag:s6] =	ssyncset.done $0x0  }
0xda: {  	s10 =	rddreg [dreg:$0x19];
	[sflag:s6] =	ssyncadd.s32 $0xFFFFE000  }
0xdb: {  	[spmem:s3] =	stream.indirect.scatter.add.f32 [tilespmem:s0], [sflag:$0x3], $0x40, s10, s1, $0xb8;
	[tilespmem:$0x1D400] =	vst v63  }
0xdc: {  	_ =	swait.ge [sflag:s7], $0x2000  }
0xdd: {  	[sflag:s7] =	ssyncset.done $0x0  }
0xde: {  	s19 =	simm.s32 $0xB80;
	[sflag:s7] =	ssyncadd.s32 $0xFFFFE000  }
0xdf: {  	[spmem:s3] =	stream.indirect.scatter.add.f32 [tilespmem:s5], [sflag:$0x4], $0x40, s19, s1, $0xb8;
	[tilespmem:$0x1D400] =	vst v63  }
0xe0: {  	_ =	swait.ge [sflag:s8], $0x2000  }
0xe1: {  	[sflag:s8] =	ssyncset.done $0x0  }
0xe2: {  	[sflag:s8] =	ssyncadd.s32 $0xFFFFE000  }
0xe3: {  	[tilespmem:s0], [sflag:$0x1] =	stream.indirect.gather [spmem:s2], $0x40, s11, s1, $0xb8;
	[tilespmem:$0x1D400] =	vst v63  }
0xe4: {  	_ =	swait.ge [sflag:s9], $0x2000  }
0xe5: {  	[sflag:s9] =	ssyncset.done $0x0  }
0xe6: {  	[sflag:s9] =	ssyncadd.s32 $0xFFFFE000  }
0xe7: {  	[tilespmem:s5], [sflag:$0x2] =	stream.indirect.gather [spmem:s2], $0x40, s12, s1, $0xb8;
	[tilespmem:$0x1D400] =	vst v63  }
0xe8: {  	_ =	swait.ge [sflag:s6], $0x2000  }
0xe9: {  	[sflag:s6] =	ssyncset.done $0x0  }
0xea: {  	[sflag:s6] =	ssyncadd.s32 $0xFFFFE000  }
0xeb: {  	[spmem:s3] =	stream.indirect.scatter.add.f32 [tilespmem:s0], [sflag:$0x3], $0x40, s13, s1, $0xb8;
	[tilespmem:$0x1D400] =	vst v63  }
0xec: {  	_ =	swait.ge [sflag:s7], $0x2000  }
0xed: {  	[sflag:s7] =	ssyncset.done $0x0  }
0xee: {  	[sflag:s7] =	ssyncadd.s32 $0xFFFFE000  }
0xef: {  	[spmem:s3] =	stream.indirect.scatter.add.f32 [tilespmem:s5], [sflag:$0x4], $0x40, s14, s1, $0xb8;
	[tilespmem:$0x1D400] =	vst v63  }
0xf0: {  	_ =	swait.ge [sflag:s8], $0x2000  }
0xf1: {  	[sflag:s8] =	ssyncset.done $0x0  }
0xf2: {  	[sflag:s8] =	ssyncadd.s32 $0xFFFFE000  }
0xf3: {  	[tilespmem:s0], [sflag:$0x1] =	stream.indirect.gather [spmem:s2], $0x40, s15, s1, $0xb8;
	[tilespmem:$0x1D400] =	vst v63  }
0xf4: {  	_ =	swait.ge [sflag:s9], $0x2000  }
0xf5: {  	[sflag:s9] =	ssyncset.done $0x0  }
0xf6: {  	[sflag:s9] =	ssyncadd.s32 $0xFFFFE000  }
0xf7: {  	[tilespmem:s5], [sflag:$0x2] =	stream.indirect.gather [spmem:s2], $0x40, s16, s1, $0xb8;
	[tilespmem:$0x1D400] =	vst v63  }
0xf8: {  	_ =	swait.ge [sflag:s6], $0x2000  }
0xf9: {  	[sflag:s6] =	ssyncset.done $0x0  }
0xfa: {  	[sflag:s6] =	ssyncadd.s32 $0xFFFFE000  }
0xfb: {  	[spmem:s3] =	stream.indirect.scatter.add.f32 [tilespmem:s0], [sflag:$0x3], $0x40, s17, s1, $0xb8;
	[tilespmem:$0x1D400] =	vst v63  }
0xfc: {  	_ =	swait.ge [sflag:s7], $0x2000  }
0xfd: {  	[sflag:s7] =	ssyncset.done $0x0  }
0xfe: {  	[sflag:s7] =	ssyncadd.s32 $0xFFFFE000  }
0xff: {  	[spmem:s3] =	stream.indirect.scatter.add.f32 [tilespmem:s5], [sflag:$0x4], $0x40, s18, s1, $0xb8;
	[tilespmem:$0x1D400] =	vst v63  }
0x100: {  	_ =	swait.ge [sflag:s8], $0x2000  }
0x101: {  	[sflag:s8] =	ssyncset.done $0x0  }
0x102: {  	[sflag:s8] =	ssyncadd.s32 $0xFFFFE000  }
0x103: {  	[tilespmem:s0], [sflag:$0x1] =	stream.indirect.gather [spmem:s2], $0x40, s20, s1, $0xb8;
	[tilespmem:$0x1D400] =	vst v63  }
0x104: {  	_ =	swait.ge [sflag:s9], $0x2000  }
0x105: {  	[sflag:s9] =	ssyncset.done $0x0  }
0x106: {  	[sflag:s9] =	ssyncadd.s32 $0xFFFFE000  }
0x107: {  	[tilespmem:s5], [sflag:$0x2] =	stream.indirect.gather [spmem:s2], $0x40, s21, s1, $0xb8;
	[tilespmem:$0x1D400] =	vst v63  }
0x108: {  	_ =	swait.ge [sflag:s6], $0x2000  }
0x109: {  	[sflag:s6] =	ssyncset.done $0x0  }
0x10a: {  	[sflag:s6] =	ssyncadd.s32 $0xFFFFE000  }
0x10b: {  	[spmem:s3] =	stream.indirect.scatter.add.f32 [tilespmem:s0], [sflag:$0x3], $0x40, s22, s1, $0xb8;
	[tilespmem:$0x1D400] =	vst v63  }
0x10c: {  	_ =	swait.ge [sflag:s7], $0x2000  }
0x10d: {  	[sflag:s7] =	ssyncset.done $0x0  }
0x10e: {  	[sflag:s7] =	ssyncadd.s32 $0xFFFFE000  }
0x10f: {  	[spmem:s3] =	stream.indirect.scatter.add.f32 [tilespmem:s5], [sflag:$0x4], $0x40, s23, s1, $0xb8;
	[tilespmem:$0x1D400] =	vst v63  }
0x110: {  	_ =	swait.ge [sflag:s8], $0x2000  }
0x111: {  	[sflag:s8] =	ssyncset.done $0x0  }
0x112: {  	[sflag:s8] =	ssyncadd.s32 $0xFFFFE000  }
0x113: {  	[tilespmem:s0], [sflag:$0x1] =	stream.indirect.gather [spmem:s2], $0x40, s24, s1, $0xb8;
	[tilespmem:$0x1D400] =	vst v63  }
0x114: {  	_ =	swait.ge [sflag:s9], $0x2000  }
0x115: {  	[sflag:s9] =	ssyncset.done $0x0  }
0x116: {  	[sflag:s9] =	ssyncadd.s32 $0xFFFFE000  }
0x117: {  	[tilespmem:s5], [sflag:$0x2] =	stream.indirect.gather [spmem:s2], $0x40, s25, s1, $0xb8;
	[tilespmem:$0x1D400] =	vst v63  }
0x118: {  	_ =	swait.ge [sflag:s6], $0x2000  }
0x119: {  	[sflag:s6] =	ssyncset.done $0x0  }
0x11a: {  	[sflag:s6] =	ssyncadd.s32 $0xFFFFE000  }
0x11b: {  	[spmem:s3] =	stream.indirect.scatter.add.f32 [tilespmem:s0], [sflag:$0x3], $0x40, s26, s1, $0xb8;
	[tilespmem:$0x1D400] =	vst v63  }
0x11c: {  	_ =	swait.ge [sflag:s7], $0x2000  }
0x11d: {  	[sflag:s7] =	ssyncset.done $0x0  }
0x11e: {  	[sflag:s7] =	ssyncadd.s32 $0xFFFFE000  }
0x11f: {  	[spmem:s3] =	stream.indirect.scatter.add.f32 [tilespmem:s5], [sflag:$0x4], $0x40, s28, s1, $0xb8;
	[tilespmem:$0x1D400] =	vst v63  }
0x120: {  	_ =	swait.ge [sflag:s8], $0x2000  }
0x121: {  	[sflag:s8] =	ssyncset.done $0x0  }
0x122: {  	[sflag:s8] =	ssyncadd.s32 $0xFFFFE000  }
0x123: {  	s30 =	simm.s32 $0x280;
	_ =	swait.ge [sflag:s9], $0x2000  }
0x124: {  	s29 =	simm.s32 $0x500;
	s19 =	rddreg [dreg:$0x4];
	[sflag:s9] =	ssyncset.done $0x0  }
.LBB2_2:
0x125: {  	[sflag:s9] =	ssyncadd.s32 $0xFFFFE000;
	s19 =	sadd.s32 s30, s19  }
0x126: {  	[tilespmem:s4], [sflag:$0x5] =	stream.linear.gather [hbm4b:s19+s4], $0x1400, $0x38;
	[tilespmem:$0x1D400] =	vst v63  }
0x127: {  	_ =	swait.ge [sflag:s31], $0x1400  }
0x128: {  	[sflag:s31] =	ssyncset.done $0x0  }
0x129: {  	[sflag:s31] =	ssyncadd.s32 $0xFFFFEC00  }
0x12a: {  	[tilespmem:s0], [sflag:$0x1] =	stream.indirect.gather [spmem:s2], $0x40, s4, s1, $0xb8;
	[tilespmem:$0x1D400] =	vst v63  }
0x12b: {  	s19 =	rddreg [dreg:$0x5]  }
0x12c: {  	[tilespmem:s5], [sflag:$0x2] =	stream.indirect.gather [spmem:s2], $0x40, s19, s1, $0xb8;
	[tilespmem:$0x1D400] =	vst v63  }
0x12d: {  	_ =	swait.ge [sflag:s6], $0x2000  }
0x12e: {  	[sflag:s6] =	ssyncset.done $0x0  }
0x12f: {  	[sflag:s6] =	ssyncadd.s32 $0xFFFFE000  }
0x130: {  	[spmem:s3] =	stream.indirect.scatter.add.f32 [tilespmem:s0], [sflag:$0x3], $0x40, s1, s1, $0xb8;
	[tilespmem:$0x1D400] =	vst v63  }
0x131: {  	_ =	swait.ge [sflag:s7], $0x2000  }
0x132: {  	[sflag:s7] =	ssyncset.done $0x0  }
0x133: {  	s19 =	rddreg [dreg:$0x6];
	[sflag:s7] =	ssyncadd.s32 $0xFFFFE000  }
0x134: {  	[spmem:s3] =	stream.indirect.scatter.add.f32 [tilespmem:s5], [sflag:$0x4], $0x40, s19, s1, $0xb8;
	[tilespmem:$0x1D400] =	vst v63  }
0x135: {  	_ =	swait.ge [sflag:s8], $0x2000  }
0x136: {  	[sflag:s8] =	ssyncset.done $0x0  }
0x137: {  	s19 =	rddreg [dreg:$0x7];
	[sflag:s8] =	ssyncadd.s32 $0xFFFFE000  }
0x138: {  	[tilespmem:s0], [sflag:$0x1] =	stream.indirect.gather [spmem:s2], $0x40, s19, s1, $0xb8;
	[tilespmem:$0x1D400] =	vst v63  }
0x139: {  	_ =	swait.ge [sflag:s9], $0x2000  }
0x13a: {  	[sflag:s9] =	ssyncset.done $0x0  }
0x13b: {  	s19 =	rddreg [dreg:$0x8];
	[sflag:s9] =	ssyncadd.s32 $0xFFFFE000  }
0x13c: {  	[tilespmem:s5], [sflag:$0x2] =	stream.indirect.gather [spmem:s2], $0x40, s19, s1, $0xb8;
	[tilespmem:$0x1D400] =	vst v63  }
0x13d: {  	_ =	swait.ge [sflag:s6], $0x2000  }
0x13e: {  	[sflag:s6] =	ssyncset.done $0x0  }
0x13f: {  	s19 =	rddreg [dreg:$0x9];
	[sflag:s6] =	ssyncadd.s32 $0xFFFFE000  }
0x140: {  	[spmem:s3] =	stream.indirect.scatter.add.f32 [tilespmem:s0], [sflag:$0x3], $0x40, s19, s1, $0xb8;
	[tilespmem:$0x1D400] =	vst v63  }
0x141: {  	_ =	swait.ge [sflag:s7], $0x2000  }
0x142: {  	[sflag:s7] =	ssyncset.done $0x0  }
0x143: {  	s19 =	rddreg [dreg:$0xa];
	[sflag:s7] =	ssyncadd.s32 $0xFFFFE000  }
0x144: {  	[spmem:s3] =	stream.indirect.scatter.add.f32 [tilespmem:s5], [sflag:$0x4], $0x40, s19, s1, $0xb8;
	[tilespmem:$0x1D400] =	vst v63  }
0x145: {  	_ =	swait.ge [sflag:s8], $0x2000  }
0x146: {  	[sflag:s8] =	ssyncset.done $0x0  }
0x147: {  	s19 =	rddreg [dreg:$0xb];
	[sflag:s8] =	ssyncadd.s32 $0xFFFFE000  }
0x148: {  	[tilespmem:s0], [sflag:$0x1] =	stream.indirect.gather [spmem:s2], $0x40, s19, s1, $0xb8;
	[tilespmem:$0x1D400] =	vst v63  }
0x149: {  	_ =	swait.ge [sflag:s9], $0x2000  }
0x14a: {  	[sflag:s9] =	ssyncset.done $0x0  }
0x14b: {  	s19 =	rddreg [dreg:$0xc];
	[sflag:s9] =	ssyncadd.s32 $0xFFFFE000  }
0x14c: {  	[tilespmem:s5], [sflag:$0x2] =	stream.indirect.gather [spmem:s2], $0x40, s19, s1, $0xb8;
	[tilespmem:$0x1D400] =	vst v63  }
0x14d: {  	_ =	swait.ge [sflag:s6], $0x2000  }
0x14e: {  	[sflag:s6] =	ssyncset.done $0x0  }
0x14f: {  	s19 =	rddreg [dreg:$0xd];
	[sflag:s6] =	ssyncadd.s32 $0xFFFFE000  }
0x150: {  	[spmem:s3] =	stream.indirect.scatter.add.f32 [tilespmem:s0], [sflag:$0x3], $0x40, s19, s1, $0xb8;
	[tilespmem:$0x1D400] =	vst v63  }
0x151: {  	_ =	swait.ge [sflag:s7], $0x2000  }
0x152: {  	[sflag:s7] =	ssyncset.done $0x0  }
0x153: {  	s19 =	rddreg [dreg:$0xe];
	[sflag:s7] =	ssyncadd.s32 $0xFFFFE000  }
0x154: {  	[spmem:s3] =	stream.indirect.scatter.add.f32 [tilespmem:s5], [sflag:$0x4], $0x40, s19, s1, $0xb8;
	[tilespmem:$0x1D400] =	vst v63  }
0x155: {  	_ =	swait.ge [sflag:s8], $0x2000  }
0x156: {  	[sflag:s8] =	ssyncset.done $0x0  }
0x157: {  	s19 =	rddreg [dreg:$0xf];
	[sflag:s8] =	ssyncadd.s32 $0xFFFFE000  }
0x158: {  	[tilespmem:s0], [sflag:$0x1] =	stream.indirect.gather [spmem:s2], $0x40, s19, s1, $0xb8;
	[tilespmem:$0x1D400] =	vst v63  }
0x159: {  	_ =	swait.ge [sflag:s9], $0x2000  }
0x15a: {  	[sflag:s9] =	ssyncset.done $0x0  }
0x15b: {  	s19 =	rddreg [dreg:$0x10];
	[sflag:s9] =	ssyncadd.s32 $0xFFFFE000  }
0x15c: {  	[tilespmem:s5], [sflag:$0x2] =	stream.indirect.gather [spmem:s2], $0x40, s19, s1, $0xb8;
	[tilespmem:$0x1D400] =	vst v63  }
0x15d: {  	_ =	swait.ge [sflag:s6], $0x2000  }
0x15e: {  	[sflag:s6] =	ssyncset.done $0x0  }
0x15f: {  	s19 =	rddreg [dreg:$0x11];
	[sflag:s6] =	ssyncadd.s32 $0xFFFFE000  }
0x160: {  	[spmem:s3] =	stream.indirect.scatter.add.f32 [tilespmem:s0], [sflag:$0x3], $0x40, s19, s1, $0xb8;
	[tilespmem:$0x1D400] =	vst v63  }
0x161: {  	_ =	swait.ge [sflag:s7], $0x2000  }
0x162: {  	[sflag:s7] =	ssyncset.done $0x0  }
0x163: {  	s19 =	rddreg [dreg:$0x12];
	[sflag:s7] =	ssyncadd.s32 $0xFFFFE000  }
0x164: {  	[spmem:s3] =	stream.indirect.scatter.add.f32 [tilespmem:s5], [sflag:$0x4], $0x40, s19, s1, $0xb8;
	[tilespmem:$0x1D400] =	vst v63  }
0x165: {  	_ =	swait.ge [sflag:s8], $0x2000  }
0x166: {  	[sflag:s8] =	ssyncset.done $0x0  }
0x167: {  	s19 =	rddreg [dreg:$0x13];
	[sflag:s8] =	ssyncadd.s32 $0xFFFFE000  }
0x168: {  	[tilespmem:s0], [sflag:$0x1] =	stream.indirect.gather [spmem:s2], $0x40, s19, s1, $0xb8;
	[tilespmem:$0x1D400] =	vst v63  }
0x169: {  	_ =	swait.ge [sflag:s9], $0x2000  }
0x16a: {  	[sflag:s9] =	ssyncset.done $0x0  }
0x16b: {  	s19 =	rddreg [dreg:$0x14];
	[sflag:s9] =	ssyncadd.s32 $0xFFFFE000  }
0x16c: {  	[tilespmem:s5], [sflag:$0x2] =	stream.indirect.gather [spmem:s2], $0x40, s19, s1, $0xb8;
	[tilespmem:$0x1D400] =	vst v63  }
0x16d: {  	_ =	swait.ge [sflag:s6], $0x2000  }
0x16e: {  	[sflag:s6] =	ssyncset.done $0x0  }
0x16f: {  	s19 =	rddreg [dreg:$0x15];
	[sflag:s6] =	ssyncadd.s32 $0xFFFFE000  }
0x170: {  	[spmem:s3] =	stream.indirect.scatter.add.f32 [tilespmem:s0], [sflag:$0x3], $0x40, s19, s1, $0xb8;
	[tilespmem:$0x1D400] =	vst v63  }
0x171: {  	_ =	swait.ge [sflag:s7], $0x2000  }
0x172: {  	[sflag:s7] =	ssyncset.done $0x0  }
0x173: {  	s19 =	rddreg [dreg:$0x16];
	[sflag:s7] =	ssyncadd.s32 $0xFFFFE000  }
0x174: {  	[spmem:s3] =	stream.indirect.scatter.add.f32 [tilespmem:s5], [sflag:$0x4], $0x40, s19, s1, $0xb8;
	[tilespmem:$0x1D400] =	vst v63  }
0x175: {  	_ =	swait.ge [sflag:s8], $0x2000  }
0x176: {  	[sflag:s8] =	ssyncset.done $0x0  }
0x177: {  	s19 =	rddreg [dreg:$0x17];
	[sflag:s8] =	ssyncadd.s32 $0xFFFFE000  }
0x178: {  	[tilespmem:s0], [sflag:$0x1] =	stream.indirect.gather [spmem:s2], $0x40, s19, s1, $0xb8;
	[tilespmem:$0x1D400] =	vst v63  }
0x179: {  	_ =	swait.ge [sflag:s9], $0x2000  }
0x17a: {  	[sflag:s9] =	ssyncset.done $0x0  }
0x17b: {  	s19 =	rddreg [dreg:$0x18];
	[sflag:s9] =	ssyncadd.s32 $0xFFFFE000  }
0x17c: {  	[tilespmem:s5], [sflag:$0x2] =	stream.indirect.gather [spmem:s2], $0x40, s19, s1, $0xb8;
	[tilespmem:$0x1D400] =	vst v63  }
0x17d: {  	_ =	swait.ge [sflag:s6], $0x2000  }
0x17e: {  	[sflag:s6] =	ssyncset.done $0x0  }
0x17f: {  	s19 =	rddreg [dreg:$0x19];
	[sflag:s6] =	ssyncadd.s32 $0xFFFFE000  }
0x180: {  	[spmem:s3] =	stream.indirect.scatter.add.f32 [tilespmem:s0], [sflag:$0x3], $0x40, s19, s1, $0xb8;
	[tilespmem:$0x1D400] =	vst v63  }
0x181: {  	_ =	swait.ge [sflag:s7], $0x2000  }
0x182: {  	[sflag:s7] =	ssyncset.done $0x0  }
0x183: {  	s19 =	simm.s32 $0xB80;
	[sflag:s7] =	ssyncadd.s32 $0xFFFFE000  }
0x184: {  	[spmem:s3] =	stream.indirect.scatter.add.f32 [tilespmem:s5], [sflag:$0x4], $0x40, s19, s1, $0xb8;
	[tilespmem:$0x1D400] =	vst v63  }
0x185: {  	_ =	swait.ge [sflag:s8], $0x2000  }
0x186: {  	[sflag:s8] =	ssyncset.done $0x0  }
0x187: {  	[sflag:s8] =	ssyncadd.s32 $0xFFFFE000  }
0x188: {  	[tilespmem:s0], [sflag:$0x1] =	stream.indirect.gather [spmem:s2], $0x40, s11, s1, $0xb8;
	[tilespmem:$0x1D400] =	vst v63  }
0x189: {  	_ =	swait.ge [sflag:s9], $0x2000  }
0x18a: {  	[sflag:s9] =	ssyncset.done $0x0  }
0x18b: {  	[sflag:s9] =	ssyncadd.s32 $0xFFFFE000  }
0x18c: {  	[tilespmem:s5], [sflag:$0x2] =	stream.indirect.gather [spmem:s2], $0x40, s12, s1, $0xb8;
	[tilespmem:$0x1D400] =	vst v63  }
0x18d: {  	_ =	swait.ge [sflag:s6], $0x2000  }
0x18e: {  	[sflag:s6] =	ssyncset.done $0x0  }
0x18f: {  	[sflag:s6] =	ssyncadd.s32 $0xFFFFE000  }
0x190: {  	[spmem:s3] =	stream.indirect.scatter.add.f32 [tilespmem:s0], [sflag:$0x3], $0x40, s13, s1, $0xb8;
	[tilespmem:$0x1D400] =	vst v63  }
0x191: {  	_ =	swait.ge [sflag:s7], $0x2000  }
0x192: {  	[sflag:s7] =	ssyncset.done $0x0  }
0x193: {  	[sflag:s7] =	ssyncadd.s32 $0xFFFFE000  }
0x194: {  	[spmem:s3] =	stream.indirect.scatter.add.f32 [tilespmem:s5], [sflag:$0x4], $0x40, s14, s1, $0xb8;
	[tilespmem:$0x1D400] =	vst v63  }
0x195: {  	_ =	swait.ge [sflag:s8], $0x2000  }
0x196: {  	[sflag:s8] =	ssyncset.done $0x0  }
0x197: {  	[sflag:s8] =	ssyncadd.s32 $0xFFFFE000  }
0x198: {  	[tilespmem:s0], [sflag:$0x1] =	stream.indirect.gather [spmem:s2], $0x40, s15, s1, $0xb8;
	[tilespmem:$0x1D400] =	vst v63  }
0x199: {  	_ =	swait.ge [sflag:s9], $0x2000  }
0x19a: {  	[sflag:s9] =	ssyncset.done $0x0  }
0x19b: {  	[sflag:s9] =	ssyncadd.s32 $0xFFFFE000  }
0x19c: {  	[tilespmem:s5], [sflag:$0x2] =	stream.indirect.gather [spmem:s2], $0x40, s16, s1, $0xb8;
	[tilespmem:$0x1D400] =	vst v63  }
0x19d: {  	_ =	swait.ge [sflag:s6], $0x2000  }
0x19e: {  	[sflag:s6] =	ssyncset.done $0x0  }
0x19f: {  	[sflag:s6] =	ssyncadd.s32 $0xFFFFE000  }
0x1a0: {  	[spmem:s3] =	stream.indirect.scatter.add.f32 [tilespmem:s0], [sflag:$0x3], $0x40, s17, s1, $0xb8;
	[tilespmem:$0x1D400] =	vst v63  }
0x1a1: {  	_ =	swait.ge [sflag:s7], $0x2000  }
0x1a2: {  	[sflag:s7] =	ssyncset.done $0x0  }
0x1a3: {  	[sflag:s7] =	ssyncadd.s32 $0xFFFFE000  }
0x1a4: {  	[spmem:s3] =	stream.indirect.scatter.add.f32 [tilespmem:s5], [sflag:$0x4], $0x40, s18, s1, $0xb8;
	[tilespmem:$0x1D400] =	vst v63  }
0x1a5: {  	_ =	swait.ge [sflag:s8], $0x2000  }
0x1a6: {  	[sflag:s8] =	ssyncset.done $0x0  }
0x1a7: {  	[sflag:s8] =	ssyncadd.s32 $0xFFFFE000  }
0x1a8: {  	[tilespmem:s0], [sflag:$0x1] =	stream.indirect.gather [spmem:s2], $0x40, s20, s1, $0xb8;
	[tilespmem:$0x1D400] =	vst v63  }
0x1a9: {  	_ =	swait.ge [sflag:s9], $0x2000  }
0x1aa: {  	[sflag:s9] =	ssyncset.done $0x0  }
0x1ab: {  	[sflag:s9] =	ssyncadd.s32 $0xFFFFE000  }
0x1ac: {  	[tilespmem:s5], [sflag:$0x2] =	stream.indirect.gather [spmem:s2], $0x40, s21, s1, $0xb8;
	[tilespmem:$0x1D400] =	vst v63  }
0x1ad: {  	_ =	swait.ge [sflag:s6], $0x2000  }
0x1ae: {  	[sflag:s6] =	ssyncset.done $0x0  }
0x1af: {  	[sflag:s6] =	ssyncadd.s32 $0xFFFFE000  }
0x1b0: {  	[spmem:s3] =	stream.indirect.scatter.add.f32 [tilespmem:s0], [sflag:$0x3], $0x40, s22, s1, $0xb8;
	[tilespmem:$0x1D400] =	vst v63  }
0x1b1: {  	_ =	swait.ge [sflag:s7], $0x2000  }
0x1b2: {  	[sflag:s7] =	ssyncset.done $0x0  }
0x1b3: {  	[sflag:s7] =	ssyncadd.s32 $0xFFFFE000  }
0x1b4: {  	[spmem:s3] =	stream.indirect.scatter.add.f32 [tilespmem:s5], [sflag:$0x4], $0x40, s23, s1, $0xb8;
	[tilespmem:$0x1D400] =	vst v63  }
0x1b5: {  	_ =	swait.ge [sflag:s8], $0x2000  }
0x1b6: {  	[sflag:s8] =	ssyncset.done $0x0  }
0x1b7: {  	[sflag:s8] =	ssyncadd.s32 $0xFFFFE000  }
0x1b8: {  	[tilespmem:s0], [sflag:$0x1] =	stream.indirect.gather [spmem:s2], $0x40, s24, s1, $0xb8;
	[tilespmem:$0x1D400] =	vst v63  }
0x1b9: {  	_ =	swait.ge [sflag:s9], $0x2000  }
0x1ba: {  	[sflag:s9] =	ssyncset.done $0x0  }
0x1bb: {  	[sflag:s9] =	ssyncadd.s32 $0xFFFFE000  }
0x1bc: {  	[tilespmem:s5], [sflag:$0x2] =	stream.indirect.gather [spmem:s2], $0x40, s25, s1, $0xb8;
	[tilespmem:$0x1D400] =	vst v63  }
0x1bd: {  	_ =	swait.ge [sflag:s6], $0x2000  }
0x1be: {  	[sflag:s6] =	ssyncset.done $0x0  }
0x1bf: {  	[sflag:s6] =	ssyncadd.s32 $0xFFFFE000  }
0x1c0: {  	[spmem:s3] =	stream.indirect.scatter.add.f32 [tilespmem:s0], [sflag:$0x3], $0x40, s26, s1, $0xb8;
	[tilespmem:$0x1D400] =	vst v63  }
0x1c1: {  	_ =	swait.ge [sflag:s7], $0x2000  }
0x1c2: {  	[sflag:s7] =	ssyncset.done $0x0  }
0x1c3: {  	p0 =	sne.s32 s29, $0x1180;
	[sflag:s7] =	ssyncadd.s32 $0xFFFFE000  }
0x1c4: {  	[spmem:s3] =	stream.indirect.scatter.add.f32 [tilespmem:s5], [sflag:$0x4], $0x40, s28, s1, $0xb8;
	[tilespmem:$0x1D400] =	vst v63  }
.Ltmp0:
0x1c5: {  	_ =	swait.ge [sflag:s8], $0x2000;
	(pc) =	sbr.rel @p0 .LBB2_2-.Ltmp0, $4  }
0x1c6: {  	[sflag:s8] =	ssyncset.done $0x0  }
0x1c7: {  	[sflag:s8] =	ssyncadd.s32 $0xFFFFE000  }
0x1c8: {  	s10 =	smov.u32 s29;
	s29 =	sadd.s32 $0x280, s29;
	_ =	swait.ge [sflag:s9], $0x2000  }
0x1c9: {  	s30 =	smov.u32 s10;
	s19 =	rddreg [dreg:$0x4];
	[sflag:s9] =	ssyncset.done $0x0  }
0x1ca: {  	s10 =	sadd.s32 s30, s19;
	[sflag:s9] =	ssyncadd.s32 $0xFFFFE000  }
0x1cb: {  	[tilespmem:s4], [sflag:$0x5] =	stream.linear.gather [hbm4b:s10+s4], $0x1400, $0x38;
	[tilespmem:$0x1D400] =	vst v63  }
0x1cc: {  	_ =	swait.ge [sflag:s31], $0x1400  }
0x1cd: {  	[sflag:s31] =	ssyncset.done $0x0  }
0x1ce: {  	[sflag:s31] =	ssyncadd.s32 $0xFFFFEC00  }
0x1cf: {  	[tilespmem:s0], [sflag:$0x1] =	stream.indirect.gather [spmem:s2], $0x40, s4, s1, $0xb8;
	[tilespmem:$0x1D400] =	vst v63  }
0x1d0: {  	s30 =	rddreg [dreg:$0x5]  }
0x1d1: {  	[tilespmem:s5], [sflag:$0x2] =	stream.indirect.gather [spmem:s2], $0x40, s30, s1, $0xb8;
	[tilespmem:$0x1D400] =	vst v63  }
0x1d2: {  	_ =	swait.ge [sflag:s6], $0x2000  }
0x1d3: {  	[sflag:s6] =	ssyncset.done $0x0  }
0x1d4: {  	[sflag:s6] =	ssyncadd.s32 $0xFFFFE000  }
0x1d5: {  	[spmem:s3] =	stream.indirect.scatter.add.f32 [tilespmem:s0], [sflag:$0x3], $0x40, s1, s1, $0xb8;
	[tilespmem:$0x1D400] =	vst v63  }
0x1d6: {  	_ =	swait.ge [sflag:s7], $0x2000  }
0x1d7: {  	[sflag:s7] =	ssyncset.done $0x0  }
0x1d8: {  	s19 =	rddreg [dreg:$0x6];
	[sflag:s7] =	ssyncadd.s32 $0xFFFFE000  }
0x1d9: {  	[spmem:s3] =	stream.indirect.scatter.add.f32 [tilespmem:s5], [sflag:$0x4], $0x40, s19, s1, $0xb8;
	[tilespmem:$0x1D400] =	vst v63  }
0x1da: {  	_ =	swait.ge [sflag:s8], $0x2000  }
0x1db: {  	[sflag:s8] =	ssyncset.done $0x0  }
0x1dc: {  	s30 =	rddreg [dreg:$0x7];
	[sflag:s8] =	ssyncadd.s32 $0xFFFFE000  }
0x1dd: {  	[tilespmem:s0], [sflag:$0x1] =	stream.indirect.gather [spmem:s2], $0x40, s30, s1, $0xb8;
	[tilespmem:$0x1D400] =	vst v63  }
0x1de: {  	_ =	swait.ge [sflag:s9], $0x2000  }
0x1df: {  	[sflag:s9] =	ssyncset.done $0x0  }
0x1e0: {  	s19 =	rddreg [dreg:$0x8];
	[sflag:s9] =	ssyncadd.s32 $0xFFFFE000  }
0x1e1: {  	[tilespmem:s5], [sflag:$0x2] =	stream.indirect.gather [spmem:s2], $0x40, s19, s1, $0xb8;
	[tilespmem:$0x1D400] =	vst v63  }
0x1e2: {  	_ =	swait.ge [sflag:s6], $0x2000  }
0x1e3: {  	[sflag:s6] =	ssyncset.done $0x0  }
0x1e4: {  	s30 =	rddreg [dreg:$0x9];
	[sflag:s6] =	ssyncadd.s32 $0xFFFFE000  }
0x1e5: {  	[spmem:s3] =	stream.indirect.scatter.add.f32 [tilespmem:s0], [sflag:$0x3], $0x40, s30, s1, $0xb8;
	[tilespmem:$0x1D400] =	vst v63  }
0x1e6: {  	_ =	swait.ge [sflag:s7], $0x2000  }
0x1e7: {  	[sflag:s7] =	ssyncset.done $0x0  }
0x1e8: {  	s19 =	rddreg [dreg:$0xa];
	[sflag:s7] =	ssyncadd.s32 $0xFFFFE000  }
0x1e9: {  	[spmem:s3] =	stream.indirect.scatter.add.f32 [tilespmem:s5], [sflag:$0x4], $0x40, s19, s1, $0xb8;
	[tilespmem:$0x1D400] =	vst v63  }
0x1ea: {  	_ =	swait.ge [sflag:s8], $0x2000  }
0x1eb: {  	[sflag:s8] =	ssyncset.done $0x0  }
0x1ec: {  	s30 =	rddreg [dreg:$0xb];
	[sflag:s8] =	ssyncadd.s32 $0xFFFFE000  }
0x1ed: {  	[tilespmem:s0], [sflag:$0x1] =	stream.indirect.gather [spmem:s2], $0x40, s30, s1, $0xb8;
	[tilespmem:$0x1D400] =	vst v63  }
0x1ee: {  	_ =	swait.ge [sflag:s9], $0x2000  }
0x1ef: {  	[sflag:s9] =	ssyncset.done $0x0  }
0x1f0: {  	s19 =	rddreg [dreg:$0xc];
	[sflag:s9] =	ssyncadd.s32 $0xFFFFE000  }
0x1f1: {  	[tilespmem:s5], [sflag:$0x2] =	stream.indirect.gather [spmem:s2], $0x40, s19, s1, $0xb8;
	[tilespmem:$0x1D400] =	vst v63  }
0x1f2: {  	_ =	swait.ge [sflag:s6], $0x2000  }
0x1f3: {  	[sflag:s6] =	ssyncset.done $0x0  }
0x1f4: {  	s30 =	rddreg [dreg:$0xd];
	[sflag:s6] =	ssyncadd.s32 $0xFFFFE000  }
0x1f5: {  	[spmem:s3] =	stream.indirect.scatter.add.f32 [tilespmem:s0], [sflag:$0x3], $0x40, s30, s1, $0xb8;
	[tilespmem:$0x1D400] =	vst v63  }
0x1f6: {  	_ =	swait.ge [sflag:s7], $0x2000  }
0x1f7: {  	[sflag:s7] =	ssyncset.done $0x0  }
0x1f8: {  	s19 =	rddreg [dreg:$0xe];
	[sflag:s7] =	ssyncadd.s32 $0xFFFFE000  }
0x1f9: {  	[spmem:s3] =	stream.indirect.scatter.add.f32 [tilespmem:s5], [sflag:$0x4], $0x40, s19, s1, $0xb8;
	[tilespmem:$0x1D400] =	vst v63  }
0x1fa: {  	_ =	swait.ge [sflag:s8], $0x2000  }
0x1fb: {  	[sflag:s8] =	ssyncset.done $0x0  }
0x1fc: {  	s30 =	rddreg [dreg:$0xf];
	[sflag:s8] =	ssyncadd.s32 $0xFFFFE000  }
0x1fd: {  	[tilespmem:s0], [sflag:$0x1] =	stream.indirect.gather [spmem:s2], $0x40, s30, s1, $0xb8;
	[tilespmem:$0x1D400] =	vst v63  }
0x1fe: {  	_ =	swait.ge [sflag:s9], $0x2000  }
0x1ff: {  	[sflag:s9] =	ssyncset.done $0x0  }
0x200: {  	s19 =	rddreg [dreg:$0x10];
	[sflag:s9] =	ssyncadd.s32 $0xFFFFE000  }
0x201: {  	[tilespmem:s5], [sflag:$0x2] =	stream.indirect.gather [spmem:s2], $0x40, s19, s1, $0xb8;
	[tilespmem:$0x1D400] =	vst v63  }
0x202: {  	_ =	swait.ge [sflag:s6], $0x2000  }
0x203: {  	[sflag:s6] =	ssyncset.done $0x0  }
0x204: {  	s30 =	rddreg [dreg:$0x11];
	[sflag:s6] =	ssyncadd.s32 $0xFFFFE000  }
0x205: {  	[spmem:s3] =	stream.indirect.scatter.add.f32 [tilespmem:s0], [sflag:$0x3], $0x40, s30, s1, $0xb8;
	[tilespmem:$0x1D400] =	vst v63  }
0x206: {  	_ =	swait.ge [sflag:s7], $0x2000  }
0x207: {  	[sflag:s7] =	ssyncset.done $0x0  }
0x208: {  	s19 =	rddreg [dreg:$0x12];
	[sflag:s7] =	ssyncadd.s32 $0xFFFFE000  }
0x209: {  	[spmem:s3] =	stream.indirect.scatter.add.f32 [tilespmem:s5], [sflag:$0x4], $0x40, s19, s1, $0xb8;
	[tilespmem:$0x1D400] =	vst v63  }
0x20a: {  	_ =	swait.ge [sflag:s8], $0x2000  }
0x20b: {  	[sflag:s8] =	ssyncset.done $0x0  }
0x20c: {  	s30 =	rddreg [dreg:$0x13];
	[sflag:s8] =	ssyncadd.s32 $0xFFFFE000  }
0x20d: {  	[tilespmem:s0], [sflag:$0x1] =	stream.indirect.gather [spmem:s2], $0x40, s30, s1, $0xb8;
	[tilespmem:$0x1D400] =	vst v63  }
0x20e: {  	_ =	swait.ge [sflag:s9], $0x2000  }
0x20f: {  	[sflag:s9] =	ssyncset.done $0x0  }
0x210: {  	s19 =	rddreg [dreg:$0x14];
	[sflag:s9] =	ssyncadd.s32 $0xFFFFE000  }
0x211: {  	[tilespmem:s5], [sflag:$0x2] =	stream.indirect.gather [spmem:s2], $0x40, s19, s1, $0xb8;
	[tilespmem:$0x1D400] =	vst v63  }
0x212: {  	_ =	swait.ge [sflag:s6], $0x2000  }
0x213: {  	[sflag:s6] =	ssyncset.done $0x0  }
0x214: {  	s30 =	rddreg [dreg:$0x15];
	[sflag:s6] =	ssyncadd.s32 $0xFFFFE000  }
0x215: {  	[spmem:s3] =	stream.indirect.scatter.add.f32 [tilespmem:s0], [sflag:$0x3], $0x40, s30, s1, $0xb8;
	[tilespmem:$0x1D400] =	vst v63  }
0x216: {  	_ =	swait.ge [sflag:s7], $0x2000  }
0x217: {  	[sflag:s7] =	ssyncset.done $0x0  }
0x218: {  	s19 =	rddreg [dreg:$0x16];
	[sflag:s7] =	ssyncadd.s32 $0xFFFFE000  }
0x219: {  	[spmem:s3] =	stream.indirect.scatter.add.f32 [tilespmem:s5], [sflag:$0x4], $0x40, s19, s1, $0xb8;
	[tilespmem:$0x1D400] =	vst v63  }
0x21a: {  	_ =	swait.ge [sflag:s8], $0x2000  }
0x21b: {  	[sflag:s8] =	ssyncset.done $0x0  }
0x21c: {  	s30 =	rddreg [dreg:$0x17];
	[sflag:s8] =	ssyncadd.s32 $0xFFFFE000  }
0x21d: {  	[tilespmem:s0], [sflag:$0x1] =	stream.indirect.gather [spmem:s2], $0x40, s30, s1, $0xb8;
	[tilespmem:$0x1D400] =	vst v63  }
0x21e: {  	_ =	swait.ge [sflag:s9], $0x2000  }
0x21f: {  	[sflag:s9] =	ssyncset.done $0x0  }
0x220: {  	s19 =	rddreg [dreg:$0x18];
	[sflag:s9] =	ssyncadd.s32 $0xFFFFE000  }
0x221: {  	[tilespmem:s5], [sflag:$0x2] =	stream.indirect.gather [spmem:s2], $0x40, s19, s1, $0xb8;
	[tilespmem:$0x1D400] =	vst v63  }
0x222: {  	_ =	swait.ge [sflag:s6], $0x2000  }
0x223: {  	[sflag:s6] =	ssyncset.done $0x0  }
0x224: {  	s30 =	rddreg [dreg:$0x19];
	[sflag:s6] =	ssyncadd.s32 $0xFFFFE000  }
0x225: {  	[spmem:s3] =	stream.indirect.scatter.add.f32 [tilespmem:s0], [sflag:$0x3], $0x40, s30, s1, $0xb8;
	[tilespmem:$0x1D400] =	vst v63  }
0x226: {  	_ =	swait.ge [sflag:s7], $0x2000  }
0x227: {  	[sflag:s7] =	ssyncset.done $0x0  }
0x228: {  	s19 =	simm.s32 $0xB80;
	[sflag:s7] =	ssyncadd.s32 $0xFFFFE000  }
0x229: {  	[spmem:s3] =	stream.indirect.scatter.add.f32 [tilespmem:s5], [sflag:$0x4], $0x40, s19, s1, $0xb8;
	[tilespmem:$0x1D400] =	vst v63  }
0x22a: {  	_ =	swait.ge [sflag:s8], $0x2000  }
0x22b: {  	[sflag:s8] =	ssyncset.done $0x0  }
0x22c: {  	[sflag:s8] =	ssyncadd.s32 $0xFFFFE000  }
0x22d: {  	[tilespmem:s0], [sflag:$0x1] =	stream.indirect.gather [spmem:s2], $0x40, s11, s1, $0xb8;
	[tilespmem:$0x1D400] =	vst v63  }
0x22e: {  	_ =	swait.ge [sflag:s9], $0x2000  }
0x22f: {  	[sflag:s9] =	ssyncset.done $0x0  }
0x230: {  	[sflag:s9] =	ssyncadd.s32 $0xFFFFE000  }
0x231: {  	[tilespmem:s5], [sflag:$0x2] =	stream.indirect.gather [spmem:s2], $0x40, s12, s1, $0xb8;
	[tilespmem:$0x1D400] =	vst v63  }
0x232: {  	_ =	swait.ge [sflag:s6], $0x2000  }
0x233: {  	[sflag:s6] =	ssyncset.done $0x0  }
0x234: {  	[sflag:s6] =	ssyncadd.s32 $0xFFFFE000  }
0x235: {  	[spmem:s3] =	stream.indirect.scatter.add.f32 [tilespmem:s0], [sflag:$0x3], $0x40, s13, s1, $0xb8;
	[tilespmem:$0x1D400] =	vst v63  }
0x236: {  	_ =	swait.ge [sflag:s7], $0x2000  }
0x237: {  	[sflag:s7] =	ssyncset.done $0x0  }
0x238: {  	[sflag:s7] =	ssyncadd.s32 $0xFFFFE000  }
0x239: {  	[spmem:s3] =	stream.indirect.scatter.add.f32 [tilespmem:s5], [sflag:$0x4], $0x40, s14, s1, $0xb8;
	[tilespmem:$0x1D400] =	vst v63  }
0x23a: {  	_ =	swait.ge [sflag:s8], $0x2000  }
0x23b: {  	[sflag:s8] =	ssyncset.done $0x0  }
0x23c: {  	[sflag:s8] =	ssyncadd.s32 $0xFFFFE000  }
0x23d: {  	[tilespmem:s0], [sflag:$0x1] =	stream.indirect.gather [spmem:s2], $0x40, s15, s1, $0xb8;
	[tilespmem:$0x1D400] =	vst v63  }
0x23e: {  	_ =	swait.ge [sflag:s9], $0x2000  }
0x23f: {  	[sflag:s9] =	ssyncset.done $0x0  }
0x240: {  	[sflag:s9] =	ssyncadd.s32 $0xFFFFE000  }
0x241: {  	[tilespmem:s5], [sflag:$0x2] =	stream.indirect.gather [spmem:s2], $0x40, s16, s1, $0xb8;
	[tilespmem:$0x1D400] =	vst v63  }
0x242: {  	_ =	swait.ge [sflag:s6], $0x2000  }
0x243: {  	[sflag:s6] =	ssyncset.done $0x0  }
0x244: {  	[sflag:s6] =	ssyncadd.s32 $0xFFFFE000  }
0x245: {  	[spmem:s3] =	stream.indirect.scatter.add.f32 [tilespmem:s0], [sflag:$0x3], $0x40, s17, s1, $0xb8;
	[tilespmem:$0x1D400] =	vst v63  }
0x246: {  	_ =	swait.ge [sflag:s7], $0x2000  }
0x247: {  	[sflag:s7] =	ssyncset.done $0x0  }
0x248: {  	[sflag:s7] =	ssyncadd.s32 $0xFFFFE000  }
0x249: {  	[spmem:s3] =	stream.indirect.scatter.add.f32 [tilespmem:s5], [sflag:$0x4], $0x40, s18, s1, $0xb8;
	[tilespmem:$0x1D400] =	vst v63  }
0x24a: {  	_ =	swait.ge [sflag:s8], $0x2000  }
0x24b: {  	[sflag:s8] =	ssyncset.done $0x0  }
0x24c: {  	[sflag:s8] =	ssyncadd.s32 $0xFFFFE000  }
0x24d: {  	[tilespmem:s0], [sflag:$0x1] =	stream.indirect.gather [spmem:s2], $0x40, s20, s1, $0xb8;
	[tilespmem:$0x1D400] =	vst v63  }
0x24e: {  	_ =	swait.ge [sflag:s9], $0x2000  }
0x24f: {  	[sflag:s9] =	ssyncset.done $0x0  }
0x250: {  	[sflag:s9] =	ssyncadd.s32 $0xFFFFE000  }
0x251: {  	[tilespmem:s5], [sflag:$0x2] =	stream.indirect.gather [spmem:s2], $0x40, s21, s1, $0xb8;
	[tilespmem:$0x1D400] =	vst v63  }
0x252: {  	_ =	swait.ge [sflag:s6], $0x2000  }
0x253: {  	[sflag:s6] =	ssyncset.done $0x0  }
0x254: {  	[sflag:s6] =	ssyncadd.s32 $0xFFFFE000  }
0x255: {  	[spmem:s3] =	stream.indirect.scatter.add.f32 [tilespmem:s0], [sflag:$0x3], $0x40, s22, s1, $0xb8;
	[tilespmem:$0x1D400] =	vst v63  }
0x256: {  	_ =	swait.ge [sflag:s7], $0x2000  }
0x257: {  	[sflag:s7] =	ssyncset.done $0x0  }
0x258: {  	[sflag:s7] =	ssyncadd.s32 $0xFFFFE000  }
0x259: {  	[spmem:s3] =	stream.indirect.scatter.add.f32 [tilespmem:s5], [sflag:$0x4], $0x40, s23, s1, $0xb8;
	[tilespmem:$0x1D400] =	vst v63  }
0x25a: {  	_ =	swait.ge [sflag:s8], $0x2000  }
0x25b: {  	[sflag:s8] =	ssyncset.done $0x0  }
0x25c: {  	[sflag:s8] =	ssyncadd.s32 $0xFFFFE000  }
0x25d: {  	[tilespmem:s0], [sflag:$0x1] =	stream.indirect.gather [spmem:s2], $0x40, s24, s1, $0xb8;
	[tilespmem:$0x1D400] =	vst v63  }
0x25e: {  	_ =	swait.ge [sflag:s9], $0x2000  }
0x25f: {  	[sflag:s9] =	ssyncset.done $0x0  }
0x260: {  	[sflag:s9] =	ssyncadd.s32 $0xFFFFE000  }
0x261: {  	[tilespmem:s5], [sflag:$0x2] =	stream.indirect.gather [spmem:s2], $0x40, s25, s1, $0xb8;
	[tilespmem:$0x1D400] =	vst v63  }
0x262: {  	_ =	swait.ge [sflag:s6], $0x2000  }
0x263: {  	[sflag:s6] =	ssyncset.done $0x0  }
0x264: {  	[sflag:s6] =	ssyncadd.s32 $0xFFFFE000  }
0x265: {  	[spmem:s3] =	stream.indirect.scatter.add.f32 [tilespmem:s0], [sflag:$0x3], $0x40, s26, s1, $0xb8;
	[tilespmem:$0x1D400] =	vst v63  }
0x266: {  	_ =	swait.ge [sflag:s7], $0x2000  }
0x267: {  	[sflag:s7] =	ssyncset.done $0x0  }
0x268: {  	[sflag:s7] =	ssyncadd.s32 $0xFFFFE000  }
0x269: {  	[spmem:s3] =	stream.indirect.scatter.add.f32 [tilespmem:s5], [sflag:$0x4], $0x40, s28, s1, $0xb8;
	[tilespmem:$0x1D400] =	vst v63  }
0x26a: {  	_ =	swait.ge [sflag:s8], $0x2000  }
0x26b: {  	[sflag:s8] =	ssyncset.done $0x0  }
0x26c: {  	[sflag:s8] =	ssyncadd.s32 $0xFFFFE000  }
0x26d: {  	_ =	swait.ge [sflag:s9], $0x2000  }
0x26e: {  	[sflag:s9] =	ssyncset.done $0x0  }
0x26f: {  	[sflag:s9] =	ssyncadd.s32 $0xFFFFE000  }
0x270: {  	[bflag:$0x0] =	sbarrier.arrive $0xFFFF  }
0x271: {  	s30 =	sld [smem:$0x7F0]  }
0x272: {  	s19 =	sld [smem:$0x7FD]  }
0x273: {  	s29 =	sld [smem:$0x7EA];
	_ =	sdelay $0x2  }
0x274: {  	[hbm:s30], [sflag:s19] =	dma.local [spmem:s29], $0x2800  }
0x275: {  	_ =	swait.ge [sflag:s31], $0x2800  }
0x276: {  	s29 =	sld [smem:$0x7E9]  }
0x277: {  	s30 =	sld [smem:$0x7F2];
	_ =	sdelay $0x1  }
0x278: {  	s29 =	sadd.s32 $0x1, s29  }
0x279: {  	p0 =	sne.s32 s29, s30  }
.Ltmp1:
0x27a: {  	_ = 	snop;
	(pc) =	sbr.rel @p0 .LBB2_1-.Ltmp1, $3  }
0x27b: {  	_ =	sdelay $0x1  }
0x27c: {  	[sflag:s31] =	ssyncset.done $0x0  }
0x27d: {  	[sflag:s31] =	ssyncadd.s32 $0xFFFFD800  }
0x27e: {  	_ =	sfence.sel $0x180000  }
0x27f: {  	[bflag:$0x0] =	sbarrier.arrive $0xFFFF  }
0x280: {  	_ =	strace $0x90000050  }
0x281: {  	s0 =	stileid.u32;
	[bflag:$0x2] =	sbarrier.arrive $0xFFFF  }
0x282: {  	p0 =	sne.s32 s0, $0x0;
	s0 =	rddreg [dreg:$0x3]  }
0x283: {  	s0 =	sadd.s32 @!p0 $0x100000, s0  }
0x284: {  	[sflag:s0] =	ssyncadd.tile.s32 @!p0 $0x1;
	_ =	shalt  }
.Lfunc_end2:
_tile_overlayer_lowered:
.L_overlay_start_2:
0x285: {  	(tag) =	ssettag $0x2  }
0x286: {  	s0 =	rddreg [dreg:$0x0];
	s2 =	stileid.u32  }
0x287: {  	s1 =	rddreg [dreg:$0x1];
	p0 =	sne.s32 s2, $0x0  }
0x288: {  	s3 =	rddreg [dreg:$0x2];
	[bflag:$0x3] =	sbarrier.arrive $0xFFFF;
	s2 =	simm.s32 @!p0 $0x1C05  }
0x289: {  	[timem:s3], [sflag:s2] =	dma.local @!p0 [hbm:s0], s1  }
0x28a: {  	s0 =	simm.s32 @!p0 $0x5  }
0x28b: {  	_ =	swait.ge @!p0 [sflag:s0], s1  }
0x28c: {  	s1 =	ssub.s32 @!p0 $0x0, s1;
	[sflag:s0] =	ssyncset.done @!p0 $0x0  }
0x28d: {  	[sflag:s0] =	ssyncadd.s32 @!p0 s1  }
0x28e: {  	[bflag:$0x3] =	sbarrier.arrive $0xFFFF  }
0x28f: {  	_ =	shalt  }

// kernel: kernel.24.cloned.1.call-start
scs
__scs_entry_jumppad:
0x0: {  	(pc) =	sbr.rel $0x88, $3  }
0x1: {  	(tag) =	ssettag $0x0;
	lr =	simm.s32 $0x1  }
0x2: {  	[smem:$0x3F93] =	sst lr;
	_ =	strace $0xD0000000  }
0x3: {  	_ = 	snop  }
0x4: {  	_ = 	snop  }
0x5: {  	_ = 	snop  }
0x6: {  	_ = 	snop  }
0x7: {  	_ = 	snop  }
__scs_overlays_trampoline_lowered:
0x8: {  	[smem:$0x3FA2] =	sst s0  }
0x9: {  	[smem:$0x3FA3] =	sst s1  }
0xa: {  	[smem:$0x3FA4] =	sst s2  }
0xb: {  	[smem:$0x3FA5] =	sst s3  }
0xc: {  	[smem:$0x3FA6] =	sst s4  }
0xd: {  	[smem:$0x3FA7] =	sst s5  }
0xe: {  	[smem:$0x3FA8] =	sst s6  }
0xf: {  	[smem:$0x3FA9] =	sst s7  }
0x10: {  	[smem:$0x3FAA] =	sst s8  }
0x11: {  	[smem:$0x3FAB] =	sst s9;
	s0 =	simm.s32 @!p0 $0x0  }
0x12: {  	s1 =	sld [smem:$0x3F91];
	s0 =	simm.s32 @p0 $0x1  }
0x13: {  	[smem:$0x3FAC] =	sst s0;
	s0 =	simm.s32 @!p1 $0x0  }
0x14: {  	s2 =	sld [smem:$0x3F90];
	s0 =	simm.s32 @p1 $0x1  }
0x15: {  	[smem:$0x3FAD] =	sst s0;
	s0 =	simm.s32 @!p2 $0x0  }
0x16: {  	s3 =	sld [smem:$0x3FDB];
	s0 =	simm.s32 @p2 $0x1  }
0x17: {  	s4 =	simm.s32 $0x1BF5;
	[smem:$0x3FAF] =	sst s0  }
0x18: {  	s0 =	sld [smem:$0x3F92];
	_ =	swait.ge [sflag:s4], $0x0  }
0x19: {  	s7 =	sld [smem:$0x3F93]  }
0x1a: {  	s8 =	sadd.s32 $0xFFFFE003, lr  }
0x1b: {  	s9 =	sadd.s32 $0xFFFFFEF7, lr;
	s5 =	simm.s32 $0xFFFFFFFF;
	p2 =	slt.u32 s8, $0xFFFFF086  }
0x1c: {  	p1 =	slt.u32 s9, $0xF7A;
	s5 =	simm.s32 @!p2 $0x0  }
0x1d: {  	s5 =	simm.s32 @p1 $0x1;
	p0 =	seq.s32 s7, s2  }
0x1e: {  	s7 =	smul.u32 @!p0 $0xF7A, s2;
	p2 =	seq.s32 @!p0 s5, $0x0  }
0x1f: {  	s9 =	smul.u32 $0xF7A, s1;
	s8 =	simm.s32 @!p0 $0x1BF5;
	p2 =	por !p2, p0  }
0x20: {  	[sflag:s8] =	ssyncset.s32 @!p0 $0xFFFFF086;
	s6 =	sadd.s32 @!p0 s3, s7;
	s7 =	simm.s32 @!p0 $0x108  }
0x21: {  	s3 =	sadd.s32 s3, s9;
	s6 =	sadd.s32 @!p0 $0x88, s6;
	s7 =	simm.s32 @p2 $0x1082  }
0x22: {  	[simem:s7], [sflag:s8] =	dma.local @!p0 [hbm:s6], $0xF7A  }
0x23: {  	s9 =	sor.u32 $0xD0000000, s2;
	s6 =	simm.s32 $0x108;
	_ =	swait.ge @!p0 [sflag:s8], $0x0  }
0x24: {  	s3 =	sadd.s32 $0x88, s3;
	s6 =	simm.s32 @!p1 $0x1082;
	[sflag:s4] =	ssyncset.s32 $0xFFFFF086  }
0x25: {  	[simem:s6], [sflag:s4] =	dma.local [hbm:s3], $0xF7A  }
0x26: {  	[smem:$0x3F93] =	sst s1;
	(tag) =	ssettag s2;
	_ =	strace s9  }
0x27: {  	s1 =	sld [smem:$0x3FA3]  }
0x28: {  	s2 =	sld [smem:$0x3FA4]  }
0x29: {  	s4 =	sld [smem:$0x3FA6]  }
0x2a: {  	p0 =	seq.s32 s5, $0x0;
	s5 =	sld [smem:$0x3FA7]  }
0x2b: {  	s6 =	sld [smem:$0x3FA8]  }
0x2c: {  	s7 =	sld [smem:$0x3FA9]  }
0x2d: {  	s3 =	simm.s32 $0x108;
	s8 =	sld [smem:$0x3FAA]  }
0x2e: {  	s3 =	simm.s32 @!p0 $0x1082;
	s9 =	sld [smem:$0x3FAB]  }
0x2f: {  	lr =	sadd.s32 s0, s3;
	s0 =	sld [smem:$0x3FA2]  }
0x30: {  	s3 =	sld [smem:$0x3FA5]  }
0x31: {  	[smem:$0x3FAE] =	sst s10  }
0x32: {  	s10 =	sld [smem:$0x3FAC];
	_ =	sdelay $0x3  }
0x33: {  	p0 =	seq.s32 s10, $0x1;
	s10 =	sld [smem:$0x3FAE];
	_ =	sdelay $0x3  }
0x34: {  	[smem:$0x3FAE] =	sst s10  }
0x35: {  	s10 =	sld [smem:$0x3FAD];
	_ =	sdelay $0x3  }
0x36: {  	p1 =	seq.s32 s10, $0x1;
	s10 =	sld [smem:$0x3FAE];
	_ =	sdelay $0x3  }
0x37: {  	[smem:$0x3FAE] =	sst s10  }
0x38: {  	s10 =	sld [smem:$0x3FAF]  }
0x39: {  	_ = 	snop;
	(pc) =	sbr.ind lr, $3  }
0x3a: {  	_ = 	snop  }
0x3b: {  	_ = 	snop  }
0x3c: {  	p2 =	seq.s32 s10, $0x1;
	s10 =	sld [smem:$0x3FAE]  }
0x3d: {  	_ =	shalt  }
0x3e: {  	_ =	shalt  }
0x3f: {  	_ =	shalt  }
0x40: {  	_ =	shalt  }
0x41: {  	_ =	shalt  }
0x42: {  	_ =	shalt  }
0x43: {  	_ =	shalt  }
0x44: {  	_ =	shalt  }
0x45: {  	_ =	shalt  }
0x46: {  	_ =	shalt  }
0x47: {  	_ =	shalt  }
0x48: {  	_ =	shalt  }
0x49: {  	_ =	shalt  }
0x4a: {  	_ =	shalt  }
0x4b: {  	_ =	shalt  }
0x4c: {  	_ =	shalt  }
0x4d: {  	_ =	shalt  }
0x4e: {  	_ =	shalt  }
0x4f: {  	_ =	shalt  }
0x50: {  	_ =	shalt  }
0x51: {  	_ =	shalt  }
0x52: {  	_ =	shalt  }
0x53: {  	_ =	shalt  }
0x54: {  	_ =	shalt  }
0x55: {  	_ =	shalt  }
0x56: {  	_ =	shalt  }
0x57: {  	_ =	shalt  }
0x58: {  	_ =	shalt  }
0x59: {  	_ =	shalt  }
0x5a: {  	_ =	shalt  }
0x5b: {  	_ =	shalt  }
0x5c: {  	_ =	shalt  }
0x5d: {  	_ =	shalt  }
0x5e: {  	_ =	shalt  }
0x5f: {  	_ =	shalt  }
0x60: {  	_ =	shalt  }
0x61: {  	_ =	shalt  }
0x62: {  	_ =	shalt  }
0x63: {  	_ =	shalt  }
0x64: {  	_ =	shalt  }
0x65: {  	_ =	shalt  }
0x66: {  	_ =	shalt  }
0x67: {  	_ =	shalt  }
0x68: {  	_ =	shalt  }
0x69: {  	_ =	shalt  }
0x6a: {  	_ =	shalt  }
0x6b: {  	_ =	shalt  }
0x6c: {  	_ =	shalt  }
0x6d: {  	_ =	shalt  }
0x6e: {  	_ =	shalt  }
0x6f: {  	_ =	shalt  }
0x70: {  	_ =	shalt  }
0x71: {  	_ =	shalt  }
0x72: {  	_ =	shalt  }
0x73: {  	_ =	shalt  }
0x74: {  	_ =	shalt  }
0x75: {  	_ =	shalt  }
0x76: {  	_ =	shalt  }
0x77: {  	_ =	shalt  }
0x78: {  	_ =	shalt  }
0x79: {  	_ =	shalt  }
0x7a: {  	_ =	shalt  }
0x7b: {  	_ =	shalt  }
0x7c: {  	_ =	shalt  }
0x7d: {  	_ =	shalt  }
0x7e: {  	_ =	shalt  }
0x7f: {  	_ =	shalt  }
0x80: {  	_ =	shalt  }
0x81: {  	_ =	shalt  }
0x82: {  	_ =	shalt  }
0x83: {  	_ =	shalt  }
0x84: {  	_ =	shalt  }
0x85: {  	_ =	shalt  }
0x86: {  	_ =	shalt  }
0x87: {  	_ =	shalt  }
.Lfunc_end0:
.L_simem_size_0:
called_computation.4_lowered:
.L_overlay_start_0:
0x88: {  	s2 =	sld [smem:$0x3FD9]  }
0x89: {  	s3 =	sld [smem:$0x3FFE];
	_ =	sdelay $0x1  }
0x8a: {  	s1 =	srdreg.scid  }
0x8b: {  	s0 =	sand.u32 $0x1, s1  }
0x8c: {  	s16 =	sshll.u32 s0, $0xA;
	s2 =	sadd.s32 s3, s2  }
0x8d: {  	s2 =	sadd.s32 s2, s16  }
0x8e: {  	[smem:$0x3FBA] =	sst s2  }
0x8f: {  	_ = 	snop  }
0x90: {  	(tm) =	ssettm $0x1  }
0x91: {  	s17 =	sld [smem:$0x3FFB];
	_ =	sdelay $0x3  }
0x92: {  	_ =	strace s17  }
0x93: {  	s2 =	sld [smem:$0x3FFC];
	_ =	sdelay $0x3  }
0x94: {  	_ =	strace s2  }
0x95: {  	s2 =	sld [smem:$0x3FFD];
	_ =	sdelay $0x3  }
0x96: {  	_ =	strace s2  }
0x97: {  	_ =	strace $0x8FFFFFFF  }
0x98: {  	s18 =	sld [smem:$0x3FDB];
	_ =	sdelay $0x1  }
0x99: {  	s19 =	simm.s32 $_scs_section_size  }
0x9a: {  	s4 =	simm.s32 $_size__tile_overlayer_lowered;
	s5 =	simm.s32 $_tile_overlayer_lowered  }
0x9b: {  	s22 =	simm.s32 $0x1BFF;
	s21 =	sshll.u32 s5, $0x1;
	s2 =	sadd.s32 s19, s18  }
0x9c: {  	s6 =	simm.s32 $0x0;
	s20 =	sshll.u32 s4, $0x1;
	s4 =	sadd.s32 s21, s2  }
0x9d: {  	[timem:s6], [sflag:s22] =	dma.local [hbm:s4], s20  }
0x9e: {  	_ =	swait.ge [sflag:s22], s20  }
0x9f: {  	s3 =	ssub.s32 $0x0, s20;
	[sflag:s22] =	ssyncset.done $0x0  }
0xa0: {  	[sflag:s22] =	ssyncadd.s32 s3;
	_ =	sdelay $0x1  }
0xa1: {  	s23 =	simm.s32 $0x1B8B  }
0xa2: {  	_ =	swait.ge [sflag:s23], $0x1  }
0xa3: {  	[sflag:s23] =	ssyncset.done $0x0  }
0xa4: {  	s25 =	simm.s32 $0x1B8E;
	s24 =	sld [smem:$0x3FFE];
	[sflag:s23] =	ssyncadd.s32 $0xFFFFFFFF  }
0xa5: {  	s26 =	simm.s32 $execute0_lowered;
	[smem:$0x3FD2] =	sst s25  }
0xa6: {  	s4 =	sshll.u32 s26, $0x1;
	_ =	strace $0x80000052;
	[dreg:$0x1] =	wrdreg $0xFFFFFFFF  }
0xa7: {  	s28 =	simm.s32 $_size_execute0_lowered;
	s2 =	sadd.s32 s2, s4;
	[dreg:$0x0] =	wrdreg $0x0  }
0xa8: {  	s4 =	sshll.u32 s28, $0x1;
	[dreg:$0x2] =	wrdreg s2  }
0xa9: {  	[dreg:$0x3] =	wrdreg s4  }
0xaa: {  	[dreg:$0x4] =	wrdreg $0xC0  }
0xab: {  	_ =	task [dreg:s6], $0x5FFFF  }
0xac: {  	[dreg:$0x1] =	wrdreg $0xFFFFFFFF  }
0xad: {  	[dreg:$0x0] =	wrdreg $0x60  }
0xae: {  	[dreg:$0x2] =	wrdreg s24  }
0xaf: {  	[dreg:$0x3] =	wrdreg $0x20800  }
0xb0: {  	[dreg:$0x4] =	wrdreg $0x9  }
0xb1: {  	_ =	task.clear_ibuf [dreg:s6], $0x5FFFF;
	_ =	strace $0x90000052  }
0xb2: {  	s29 =	simm.s32 $0x9;
	_ =	strace $0x80000054  }
0xb3: {  	_ =	swait.ge [sflag:s29], $0x1  }
0xb4: {  	[sflag:s29] =	ssyncadd.s32 $0xFFFFFFFF  }
0xb5: {  	_ =	strace $0x90000054  }
0xb6: {  	_ =	sfence  }
0xb7: {  	s30 =	sld [smem:$0x0];
	_ =	sdelay $0x2  }
0xb8: {  	s31 =	sshll.u32 s1, $0xD;
	s1 =	sshrl.u32 s1, $0x2  }
0xb9: {  	s3 =	sand.u32 $0x4000, s31;
	s1 =	sadd.s32 s1, s30  }
0xba: {  	s0 =	sor.u32 s3, s0;
	s1 =	sshll.u32 s1, $0x11  }
0xbb: {  	s0 =	sor.u32 s1, s0  }
0xbc: {  	s0 =	sadd.s32 $0x8F2B, s0  }
0xbd: {  	[sflag:s0] =	ssyncadd.remote.s32 $0x1  }
0xbe: {  	_ =	sfence.sel $0xFFFF  }
0xbf: {  	[dreg:$0x0] =	wrdreg $0xFFFFFFFF;
	(pc) =	sbr.abs _section_cstart, $3  }
0xc0: {  	[dreg:$0x1] =	wrdreg $0xFFFFFFFF  }
0xc1: {  	_ =	task.clear_ibuf [dreg:s6], $0x2FFFF;
	_ =	strace $0x9FFFFFFF  }
0xc2: {  	(tm) =	ssettm $0x7FFFFFFF  }
0xc3: {  	_ =	shalt  }
tec
execute0_lowered:
.L_overlay_start_1:
0x0: {  	(tag) =	ssettag $0x1  }
0x1: {  	s1 =	rddreg [dreg:$0x0]  }
0x2: {  	s2 =	rddreg [dreg:$0x1];
	s0 =	srdreg.scid;
	s3 =	simm.s32 $0x0  }
0x3: {  	s31 =	stileid.u32;
	p0 =	por $0x0, $0x0;
	s5 =	sand.u32 $0x1, s0  }
0x4: {  	[smem:$0x7FF] =	sst s3;
	s7 =	smul.u32 $0x14000, s31;
	s4 =	sadd.s32 $0x5E00, s1  }
0x5: {  	s0 =	sadd.s32 $0x5800, s1;
	s8 =	sadd.s32 $0x2DE00, s1;
	s6 =	smul.u32 $0x140000, s5  }
0x6: {  	s20 =	sshll.u32 s31, $0x1;
	s24 =	smul.u32 $0x2800, s31;
	s9 =	ssub.s32 $0x2, s5  }
0x7: {  	s29 =	smul.u32 $0x50000, s31;
	s21 =	sshrl.u32 s9, $0x1;
	s6 =	sadd.s32 s7, s6  }
0x8: {  	s7 =	sor.u32 s5, s20;
	s5 =	ssub.s32 s9, s21;
	s9 =	smul.u32 $0x280, s31  }
0x9: {  	_ =	strace $0x80000053;
	s6 =	sshrl.u32 s6, $0x3;
	s22 =	smul.u32 $0x1400, s7  }
0xa: {  	s7 =	smul.u32 $0x140, s7;
	s1 =	sadd.s32 s6, s1;
	s30 =	sor.u32 $0x40, s9  }
0xb: {  	s6 =	sadd.s32 s8, s24;
	s13 =	sadd.s32 $0x80, s9;
	s15 =	sadd.s32 $0xC0, s9  }
0xc: {  	s16 =	sadd.s32 $0x100, s9;
	s24 =	sadd.s32 $0x1C0, s9;
	s1 =	sadd.s32 $0xBAC00, s1  }
0xd: {  	s23 =	sadd.s32 s4, s22;
	s10 =	sshll.u32 s30, $0x4;
	[dreg:$0x5] =	wrdreg s6  }
0xe: {  	s26 =	sshll.u32 s13, $0x4;
	s11 =	sshll.u32 s16, $0x4;
	s22 =	sadd.s32 $0x140, s9  }
0xf: {  	s19 =	sshll.u32 s24, $0x4;
	s28 =	sadd.s32 $0x100, s7;
	s13 =	sshll.u32 s13, $0x7  }
0x10: {  	s16 =	sshll.u32 s16, $0x7;
	s24 =	sshll.u32 s24, $0x7;
	[dreg:$0x3] =	wrdreg s1  }
0x11: {  	[dreg:$0x4] =	wrdreg s23;
	s25 =	sadd.s32 s8, s10;
	s1 =	sadd.s32 s8, s26  }
0x12: {  	s10 =	sshll.u32 s15, $0x4;
	s12 =	sadd.s32 s8, s11;
	s14 =	sshll.u32 s22, $0x4  }
0x13: {  	s23 =	sadd.s32 $0x180, s9;
	s19 =	sadd.s32 s8, s19;
	s11 =	sadd.s32 $0x40, s7  }
0x14: {  	s15 =	sshll.u32 s15, $0x7;
	s22 =	sshll.u32 s22, $0x7;
	[dreg:$0x6] =	wrdreg s25  }
0x15: {  	s16 =	sadd.s32 s16, s2;
	s24 =	sadd.s32 s24, s2;
	[dreg:$0x7] =	wrdreg s1  }
0x16: {  	s6 =	sadd.s32 s8, s10;
	[dreg:$0x9] =	wrdreg s12;
	s17 =	sadd.s32 s8, s14  }
0x17: {  	s18 =	sshll.u32 s23, $0x4;
	s25 =	sadd.s32 $0x200, s9;
	s9 =	sadd.s32 $0x240, s9  }
0x18: {  	s1 =	sshll.u32 s11, $0x4;
	s15 =	sadd.s32 s15, s2;
	s22 =	sadd.s32 s22, s2  }
0x19: {  	s23 =	sshll.u32 s23, $0x7;
	s24 =	sshrl.u32 s24, $0x3;
	[dreg:$0x8] =	wrdreg s6  }
0x1a: {  	[dreg:$0xa] =	wrdreg s17;
	s20 =	sadd.s32 s8, s18;
	s21 =	sshll.u32 s25, $0x4  }
0x1b: {  	s26 =	sshll.u32 s9, $0x4;
	s6 =	sshrl.u32 s7, $0x3;
	s12 =	sadd.s32 s4, s1  }
0x1c: {  	s1 =	sshrl.u32 s11, $0x3;
	s23 =	sadd.s32 s23, s2;
	s25 =	sshll.u32 s25, $0x7  }
0x1d: {  	s9 =	sshll.u32 s9, $0x7;
	s18 =	sadd.s32 s8, s21;
	s17 =	sadd.s32 s8, s26  }
0x1e: {  	s8 =	sadd.s32 $0x80, s7;
	s26 =	sadd.s32 $0xC0, s7;
	s21 =	sshll.u32 s28, $0x4  }
0x1f: {  	s10 =	sshll.u32 s8, $0x4;
	s14 =	sshll.u32 s26, $0x4;
	s11 =	sshrl.u32 s8, $0x3  }
0x20: {  	s26 =	sshrl.u32 s26, $0x3;
	s10 =	sadd.s32 s4, s10;
	s7 =	sadd.s32 s4, s14  }
0x21: {  	s4 =	sadd.s32 s4, s21;
	s21 =	sadd.s32 s0, s6;
	s14 =	sadd.s32 s0, s1  }
0x22: {  	s11 =	sadd.s32 s0, s11;
	s1 =	sshrl.u32 s28, $0x3;
	s8 =	sadd.s32 s0, s26  }
0x23: {  	s26 =	sshll.u32 s31, $0x6;
	s6 =	sadd.s32 s0, s1;
	s1 =	sshrl.u32 s29, $0x2  }
0x24: {  	s0 =	sshll.u32 s30, $0x7;
	s29 =	sadd.s32 s13, s2;
	s13 =	sadd.s32 s9, s2  }
0x25: {  	s28 =	sadd.s32 s1, s2;
	s1 =	smax.u32 s5, $0x1;
	s5 =	sor.u32 $0x1C01, s26  }
0x26: {  	s26 =	sadd.s32 s0, s2;
	s0 =	sadd.s32 s25, s2;
	p1 =	sne.s32 s1, $0x1  }
.Ltmp0:
0x27: {  	s30 =	sshrl.u32 s29, $0x3;
	s29 =	sshrl.u32 s15, $0x3;
	(pc) =	sbr.rel @!p1 .LBB2_3-.Ltmp0, $4  }
0x28: {  	s25 =	sshrl.u32 s23, $0x3;
	s15 =	simm.s32 $0x80;
	s9 =	sshrl.u32 s28, $0x3  }
0x29: {  	s31 =	sshrl.u32 s26, $0x3;
	s28 =	sshrl.u32 s16, $0x3;
	s26 =	sshrl.u32 s22, $0x3  }
0x2a: {  	s23 =	sshrl.u32 s0, $0x3;
	s22 =	sshrl.u32 s13, $0x3;
	s0 =	sadd.s32 $0xFFFFFFFF, s1  }
0x2b: {  	s13 =	simm.s32 $0x1;
	s16 =	simm.s32 $0x40;
	s1 =	rddreg [dreg:$0x5]  }
0x2c: {  	[spmem:s9], [sflag:s5] =	dma.local [hbm:s1], $0x400  }
0x2d: {  	_ =	swait.ge [sflag:s13], $0x400  }
0x2e: {  	[sflag:s13] =	ssyncset.done $0x0  }
0x2f: {  	s1 =	rddreg [dreg:$0x6];
	[sflag:s13] =	ssyncadd.s32 $0xFFFFFC00  }
0x30: {  	[spmem:s31], [sflag:s5] =	dma.local [hbm:s1], $0x400  }
0x31: {  	_ =	swait.ge [sflag:s13], $0x400  }
0x32: {  	[sflag:s13] =	ssyncset.done $0x0  }
0x33: {  	s1 =	rddreg [dreg:$0x7];
	[sflag:s13] =	ssyncadd.s32 $0xFFFFFC00  }
0x34: {  	[spmem:s30], [sflag:s5] =	dma.local [hbm:s1], $0x400  }
0x35: {  	_ =	swait.ge [sflag:s13], $0x400  }
0x36: {  	[sflag:s13] =	ssyncset.done $0x0  }
0x37: {  	s1 =	rddreg [dreg:$0x8];
	[sflag:s13] =	ssyncadd.s32 $0xFFFFFC00  }
0x38: {  	[spmem:s29], [sflag:s5] =	dma.local [hbm:s1], $0x400  }
0x39: {  	_ =	swait.ge [sflag:s13], $0x400  }
0x3a: {  	[sflag:s13] =	ssyncset.done $0x0  }
0x3b: {  	s1 =	rddreg [dreg:$0x9];
	[sflag:s13] =	ssyncadd.s32 $0xFFFFFC00  }
0x3c: {  	[spmem:s28], [sflag:s5] =	dma.local [hbm:s1], $0x400  }
0x3d: {  	_ =	swait.ge [sflag:s13], $0x400  }
0x3e: {  	[sflag:s13] =	ssyncset.done $0x0  }
0x3f: {  	s1 =	rddreg [dreg:$0xa];
	[sflag:s13] =	ssyncadd.s32 $0xFFFFFC00  }
0x40: {  	[spmem:s26], [sflag:s5] =	dma.local [hbm:s1], $0x400  }
0x41: {  	_ =	swait.ge [sflag:s13], $0x400  }
0x42: {  	[sflag:s13] =	ssyncset.done $0x0  }
0x43: {  	[sflag:s13] =	ssyncadd.s32 $0xFFFFFC00  }
0x44: {  	[spmem:s25], [sflag:s5] =	dma.local [hbm:s20], $0x400  }
0x45: {  	_ =	swait.ge [sflag:s13], $0x400  }
0x46: {  	[sflag:s13] =	ssyncset.done $0x0  }
0x47: {  	[sflag:s13] =	ssyncadd.s32 $0xFFFFFC00  }
0x48: {  	[spmem:s24], [sflag:s5] =	dma.local [hbm:s19], $0x400  }
0x49: {  	_ =	swait.ge [sflag:s13], $0x400  }
0x4a: {  	[sflag:s13] =	ssyncset.done $0x0  }
0x4b: {  	[sflag:s13] =	ssyncadd.s32 $0xFFFFFC00  }
0x4c: {  	[spmem:s23], [sflag:s5] =	dma.local [hbm:s18], $0x400  }
0x4d: {  	_ =	swait.ge [sflag:s13], $0x400  }
0x4e: {  	[sflag:s13] =	ssyncset.done $0x0  }
0x4f: {  	[sflag:s13] =	ssyncadd.s32 $0xFFFFFC00  }
0x50: {  	[spmem:s22], [sflag:s5] =	dma.local [hbm:s17], $0x400  }
0x51: {  	_ =	swait.ge [sflag:s13], $0x400  }
0x52: {  	[sflag:s13] =	ssyncset.done $0x0  }
0x53: {  	[sflag:s13] =	ssyncadd.s32 $0xFFFFFC00  }
0x54: {  	[bflag:$0x0] =	sbarrier.arrive $0xFFFF  }
0x55: {  	s1 =	rddreg [dreg:$0x4]  }
0x56: {  	[tilespmem:s15], [sflag:$0x1] =	stream.linear.gather [hbm4b:s1+s3], $0x2000, $0x38;
	[tilespmem:$0x16080] =	vst v63  }
0x57: {  	_ =	swait.ge [sflag:s13], $0x2000  }
0x58: {  	[sflag:s13] =	ssyncset.done $0x0  }
0x59: {  	[sflag:s13] =	ssyncadd.s32 $0xFFFFE000  }
0x5a: {  	[tilespmem:s3], [sflag:$0x1] =	stream.linear.gather [hbm4b:s21+s3], $0x40, $0x38;
	[tilespmem:$0x16080] =	vst v63  }
0x5b: {  	_ =	swait.ge [sflag:s13], $0x40  }
0x5c: {  	[sflag:s13] =	ssyncset.done $0x0  }
0x5d: {  	[sflag:s13] =	ssyncadd.s32 $0xFFFFFFC0  }
0x5e: {  	[spmem:s2] =	stream.indirect.scatter.add.f32 [tilespmem:s15], [sflag:$0x1], $0x80, s3, s16, $0xb8;
	[tilespmem:$0x16080] =	vst v63  }
0x5f: {  	_ =	swait.ge [sflag:s13], $0x2000  }
0x60: {  	[sflag:s13] =	ssyncset.done $0x0  }
0x61: {  	[sflag:s13] =	ssyncadd.s32 $0xFFFFE000  }
0x62: {  	[tilespmem:s15], [sflag:$0x1] =	stream.linear.gather [hbm4b:s12+s3], $0x2000, $0x38;
	[tilespmem:$0x16080] =	vst v63  }
0x63: {  	_ =	swait.ge [sflag:s13], $0x2000  }
0x64: {  	[sflag:s13] =	ssyncset.done $0x0  }
0x65: {  	[sflag:s13] =	ssyncadd.s32 $0xFFFFE000  }
0x66: {  	[tilespmem:s3], [sflag:$0x1] =	stream.linear.gather [hbm4b:s14+s3], $0x40, $0x38;
	[tilespmem:$0x16080] =	vst v63  }
0x67: {  	_ =	swait.ge [sflag:s13], $0x40  }
0x68: {  	[sflag:s13] =	ssyncset.done $0x0  }
0x69: {  	[sflag:s13] =	ssyncadd.s32 $0xFFFFFFC0  }
0x6a: {  	[spmem:s2] =	stream.indirect.scatter.add.f32 [tilespmem:s15], [sflag:$0x1], $0x80, s3, s16, $0xb8;
	[tilespmem:$0x16080] =	vst v63  }
0x6b: {  	_ =	swait.ge [sflag:s13], $0x2000  }
0x6c: {  	[sflag:s13] =	ssyncset.done $0x0  }
0x6d: {  	[sflag:s13] =	ssyncadd.s32 $0xFFFFE000  }
0x6e: {  	[tilespmem:s15], [sflag:$0x1] =	stream.linear.gather [hbm4b:s10+s3], $0x2000, $0x38;
	[tilespmem:$0x16080] =	vst v63  }
0x6f: {  	_ =	swait.ge [sflag:s13], $0x2000  }
0x70: {  	[sflag:s13] =	ssyncset.done $0x0  }
0x71: {  	[sflag:s13] =	ssyncadd.s32 $0xFFFFE000  }
0x72: {  	[tilespmem:s3], [sflag:$0x1] =	stream.linear.gather [hbm4b:s11+s3], $0x40, $0x38;
	[tilespmem:$0x16080] =	vst v63  }
0x73: {  	_ =	swait.ge [sflag:s13], $0x40  }
0x74: {  	[sflag:s13] =	ssyncset.done $0x0  }
0x75: {  	[sflag:s13] =	ssyncadd.s32 $0xFFFFFFC0  }
0x76: {  	[spmem:s2] =	stream.indirect.scatter.add.f32 [tilespmem:s15], [sflag:$0x1], $0x80, s3, s16, $0xb8;
	[tilespmem:$0x16080] =	vst v63  }
0x77: {  	_ =	swait.ge [sflag:s13], $0x2000  }
0x78: {  	[sflag:s13] =	ssyncset.done $0x0  }
0x79: {  	[sflag:s13] =	ssyncadd.s32 $0xFFFFE000  }
0x7a: {  	[tilespmem:s15], [sflag:$0x1] =	stream.linear.gather [hbm4b:s7+s3], $0x2000, $0x38;
	[tilespmem:$0x16080] =	vst v63  }
0x7b: {  	_ =	swait.ge [sflag:s13], $0x2000  }
0x7c: {  	[sflag:s13] =	ssyncset.done $0x0  }
0x7d: {  	[sflag:s13] =	ssyncadd.s32 $0xFFFFE000  }
0x7e: {  	[tilespmem:s3], [sflag:$0x1] =	stream.linear.gather [hbm4b:s8+s3], $0x40, $0x38;
	[tilespmem:$0x16080] =	vst v63  }
0x7f: {  	_ =	swait.ge [sflag:s13], $0x40  }
0x80: {  	[sflag:s13] =	ssyncset.done $0x0  }
0x81: {  	[sflag:s13] =	ssyncadd.s32 $0xFFFFFFC0  }
0x82: {  	[spmem:s2] =	stream.indirect.scatter.add.f32 [tilespmem:s15], [sflag:$0x1], $0x80, s3, s16, $0xb8;
	[tilespmem:$0x16080] =	vst v63  }
0x83: {  	_ =	swait.ge [sflag:s13], $0x2000  }
0x84: {  	[sflag:s13] =	ssyncset.done $0x0  }
0x85: {  	[sflag:s13] =	ssyncadd.s32 $0xFFFFE000  }
0x86: {  	[tilespmem:s15], [sflag:$0x1] =	stream.linear.gather [hbm4b:s4+s3], $0x2000, $0x38;
	[tilespmem:$0x16080] =	vst v63  }
0x87: {  	_ =	swait.ge [sflag:s13], $0x2000  }
0x88: {  	[sflag:s13] =	ssyncset.done $0x0  }
0x89: {  	[sflag:s13] =	ssyncadd.s32 $0xFFFFE000  }
0x8a: {  	[tilespmem:s3], [sflag:$0x1] =	stream.linear.gather [hbm4b:s6+s3], $0x40, $0x38;
	[tilespmem:$0x16080] =	vst v63  }
0x8b: {  	_ =	swait.ge [sflag:s13], $0x40  }
0x8c: {  	[sflag:s13] =	ssyncset.done $0x0  }
0x8d: {  	[sflag:s13] =	ssyncadd.s32 $0xFFFFFFC0  }
0x8e: {  	[spmem:s2] =	stream.indirect.scatter.add.f32 [tilespmem:s15], [sflag:$0x1], $0x80, s3, s16, $0xb8;
	[tilespmem:$0x16080] =	vst v63  }
0x8f: {  	_ =	swait.ge [sflag:s13], $0x2000  }
0x90: {  	[sflag:s13] =	ssyncset.done $0x0  }
0x91: {  	p1 =	sne.s32 s0, $0x1;
	[sflag:s13] =	ssyncadd.s32 $0xFFFFE000  }
.Ltmp1:
0x92: {  	[bflag:$0x0] =	sbarrier.arrive $0xFFFF;
	(pc) =	sbr.rel @!p1 .LBB2_3-.Ltmp1, $4  }
0x93: {  	s1 =	rddreg [dreg:$0x3]  }
0x94: {  	[hbm:s1], [sflag:s5] =	dma.local [spmem:s9], $0x2800  }
0x95: {  	s0 =	sadd.s32 $0xFFFFFFFF, s0;
	_ =	swait.ge [sflag:s13], $0x2800  }
0x96: {  	p0 =	por $0x1, $0x1;
	s1 =	rddreg [dreg:$0x5];
	[sflag:s13] =	ssyncset.done $0x0  }
.LBB2_2:
0x97: {  	[sflag:s13] =	ssyncadd.s32 $0xFFFFD800  }
0x98: {  	[spmem:s9], [sflag:s5] =	dma.local [hbm:s1], $0x400  }
0x99: {  	_ =	swait.ge [sflag:s13], $0x400  }
0x9a: {  	[sflag:s13] =	ssyncset.done $0x0  }
0x9b: {  	s1 =	rddreg [dreg:$0x6];
	[sflag:s13] =	ssyncadd.s32 $0xFFFFFC00  }
0x9c: {  	[spmem:s31], [sflag:s5] =	dma.local [hbm:s1], $0x400  }
0x9d: {  	_ =	swait.ge [sflag:s13], $0x400  }
0x9e: {  	[sflag:s13] =	ssyncset.done $0x0  }
0x9f: {  	s1 =	rddreg [dreg:$0x7];
	[sflag:s13] =	ssyncadd.s32 $0xFFFFFC00  }
0xa0: {  	[spmem:s30], [sflag:s5] =	dma.local [hbm:s1], $0x400  }
0xa1: {  	_ =	swait.ge [sflag:s13], $0x400  }
0xa2: {  	[sflag:s13] =	ssyncset.done $0x0  }
0xa3: {  	s1 =	rddreg [dreg:$0x8];
	[sflag:s13] =	ssyncadd.s32 $0xFFFFFC00  }
0xa4: {  	[spmem:s29], [sflag:s5] =	dma.local [hbm:s1], $0x400  }
0xa5: {  	_ =	swait.ge [sflag:s13], $0x400  }
0xa6: {  	[sflag:s13] =	ssyncset.done $0x0  }
0xa7: {  	s1 =	rddreg [dreg:$0x9];
	[sflag:s13] =	ssyncadd.s32 $0xFFFFFC00  }
0xa8: {  	[spmem:s28], [sflag:s5] =	dma.local [hbm:s1], $0x400  }
0xa9: {  	_ =	swait.ge [sflag:s13], $0x400  }
0xaa: {  	[sflag:s13] =	ssyncset.done $0x0  }
0xab: {  	s1 =	rddreg [dreg:$0xa];
	[sflag:s13] =	ssyncadd.s32 $0xFFFFFC00  }
0xac: {  	[spmem:s26], [sflag:s5] =	dma.local [hbm:s1], $0x400  }
0xad: {  	_ =	swait.ge [sflag:s13], $0x400  }
0xae: {  	[sflag:s13] =	ssyncset.done $0x0  }
0xaf: {  	[sflag:s13] =	ssyncadd.s32 $0xFFFFFC00  }
0xb0: {  	[spmem:s25], [sflag:s5] =	dma.local [hbm:s20], $0x400  }
0xb1: {  	_ =	swait.ge [sflag:s13], $0x400  }
0xb2: {  	[sflag:s13] =	ssyncset.done $0x0  }
0xb3: {  	[sflag:s13] =	ssyncadd.s32 $0xFFFFFC00  }
0xb4: {  	[spmem:s24], [sflag:s5] =	dma.local [hbm:s19], $0x400  }
0xb5: {  	_ =	swait.ge [sflag:s13], $0x400  }
0xb6: {  	[sflag:s13] =	ssyncset.done $0x0  }
0xb7: {  	[sflag:s13] =	ssyncadd.s32 $0xFFFFFC00  }
0xb8: {  	[spmem:s23], [sflag:s5] =	dma.local [hbm:s18], $0x400  }
0xb9: {  	_ =	swait.ge [sflag:s13], $0x400  }
0xba: {  	[sflag:s13] =	ssyncset.done $0x0  }
0xbb: {  	[sflag:s13] =	ssyncadd.s32 $0xFFFFFC00  }
0xbc: {  	[spmem:s22], [sflag:s5] =	dma.local [hbm:s17], $0x400  }
0xbd: {  	_ =	swait.ge [sflag:s13], $0x400  }
0xbe: {  	[sflag:s13] =	ssyncset.done $0x0  }
0xbf: {  	[sflag:s13] =	ssyncadd.s32 $0xFFFFFC00  }
0xc0: {  	[bflag:$0x0] =	sbarrier.arrive $0xFFFF  }
0xc1: {  	s1 =	rddreg [dreg:$0x4]  }
0xc2: {  	[tilespmem:s15], [sflag:$0x1] =	stream.linear.gather [hbm4b:s1+s3], $0x2000, $0x38;
	[tilespmem:$0x16080] =	vst v63  }
0xc3: {  	_ =	swait.ge [sflag:s13], $0x2000  }
0xc4: {  	[sflag:s13] =	ssyncset.done $0x0  }
0xc5: {  	[sflag:s13] =	ssyncadd.s32 $0xFFFFE000  }
0xc6: {  	[tilespmem:s3], [sflag:$0x1] =	stream.linear.gather [hbm4b:s21+s3], $0x40, $0x38;
	[tilespmem:$0x16080] =	vst v63  }
0xc7: {  	_ =	swait.ge [sflag:s13], $0x40  }
0xc8: {  	[sflag:s13] =	ssyncset.done $0x0  }
0xc9: {  	[sflag:s13] =	ssyncadd.s32 $0xFFFFFFC0  }
0xca: {  	[spmem:s2] =	stream.indirect.scatter.add.f32 [tilespmem:s15], [sflag:$0x1], $0x80, s3, s16, $0xb8;
	[tilespmem:$0x16080] =	vst v63  }
0xcb: {  	_ =	swait.ge [sflag:s13], $0x2000  }
0xcc: {  	[sflag:s13] =	ssyncset.done $0x0  }
0xcd: {  	[sflag:s13] =	ssyncadd.s32 $0xFFFFE000  }
0xce: {  	[tilespmem:s15], [sflag:$0x1] =	stream.linear.gather [hbm4b:s12+s3], $0x2000, $0x38;
	[tilespmem:$0x16080] =	vst v63  }
0xcf: {  	_ =	swait.ge [sflag:s13], $0x2000  }
0xd0: {  	[sflag:s13] =	ssyncset.done $0x0  }
0xd1: {  	[sflag:s13] =	ssyncadd.s32 $0xFFFFE000  }
0xd2: {  	[tilespmem:s3], [sflag:$0x1] =	stream.linear.gather [hbm4b:s14+s3], $0x40, $0x38;
	[tilespmem:$0x16080] =	vst v63  }
0xd3: {  	_ =	swait.ge [sflag:s13], $0x40  }
0xd4: {  	[sflag:s13] =	ssyncset.done $0x0  }
0xd5: {  	[sflag:s13] =	ssyncadd.s32 $0xFFFFFFC0  }
0xd6: {  	[spmem:s2] =	stream.indirect.scatter.add.f32 [tilespmem:s15], [sflag:$0x1], $0x80, s3, s16, $0xb8;
	[tilespmem:$0x16080] =	vst v63  }
0xd7: {  	_ =	swait.ge [sflag:s13], $0x2000  }
0xd8: {  	[sflag:s13] =	ssyncset.done $0x0  }
0xd9: {  	[sflag:s13] =	ssyncadd.s32 $0xFFFFE000  }
0xda: {  	[tilespmem:s15], [sflag:$0x1] =	stream.linear.gather [hbm4b:s10+s3], $0x2000, $0x38;
	[tilespmem:$0x16080] =	vst v63  }
0xdb: {  	_ =	swait.ge [sflag:s13], $0x2000  }
0xdc: {  	[sflag:s13] =	ssyncset.done $0x0  }
0xdd: {  	[sflag:s13] =	ssyncadd.s32 $0xFFFFE000  }
0xde: {  	[tilespmem:s3], [sflag:$0x1] =	stream.linear.gather [hbm4b:s11+s3], $0x40, $0x38;
	[tilespmem:$0x16080] =	vst v63  }
0xdf: {  	_ =	swait.ge [sflag:s13], $0x40  }
0xe0: {  	[sflag:s13] =	ssyncset.done $0x0  }
0xe1: {  	[sflag:s13] =	ssyncadd.s32 $0xFFFFFFC0  }
0xe2: {  	[spmem:s2] =	stream.indirect.scatter.add.f32 [tilespmem:s15], [sflag:$0x1], $0x80, s3, s16, $0xb8;
	[tilespmem:$0x16080] =	vst v63  }
0xe3: {  	_ =	swait.ge [sflag:s13], $0x2000  }
0xe4: {  	[sflag:s13] =	ssyncset.done $0x0  }
0xe5: {  	[sflag:s13] =	ssyncadd.s32 $0xFFFFE000  }
0xe6: {  	[tilespmem:s15], [sflag:$0x1] =	stream.linear.gather [hbm4b:s7+s3], $0x2000, $0x38;
	[tilespmem:$0x16080] =	vst v63  }
0xe7: {  	_ =	swait.ge [sflag:s13], $0x2000  }
0xe8: {  	[sflag:s13] =	ssyncset.done $0x0  }
0xe9: {  	[sflag:s13] =	ssyncadd.s32 $0xFFFFE000  }
0xea: {  	[tilespmem:s3], [sflag:$0x1] =	stream.linear.gather [hbm4b:s8+s3], $0x40, $0x38;
	[tilespmem:$0x16080] =	vst v63  }
0xeb: {  	_ =	swait.ge [sflag:s13], $0x40  }
0xec: {  	[sflag:s13] =	ssyncset.done $0x0  }
0xed: {  	[sflag:s13] =	ssyncadd.s32 $0xFFFFFFC0  }
0xee: {  	[spmem:s2] =	stream.indirect.scatter.add.f32 [tilespmem:s15], [sflag:$0x1], $0x80, s3, s16, $0xb8;
	[tilespmem:$0x16080] =	vst v63  }
0xef: {  	_ =	swait.ge [sflag:s13], $0x2000  }
0xf0: {  	[sflag:s13] =	ssyncset.done $0x0  }
0xf1: {  	[sflag:s13] =	ssyncadd.s32 $0xFFFFE000  }
0xf2: {  	[tilespmem:s15], [sflag:$0x1] =	stream.linear.gather [hbm4b:s4+s3], $0x2000, $0x38;
	[tilespmem:$0x16080] =	vst v63  }
0xf3: {  	_ =	swait.ge [sflag:s13], $0x2000  }
0xf4: {  	[sflag:s13] =	ssyncset.done $0x0  }
0xf5: {  	[sflag:s13] =	ssyncadd.s32 $0xFFFFE000  }
0xf6: {  	[tilespmem:s3], [sflag:$0x1] =	stream.linear.gather [hbm4b:s6+s3], $0x40, $0x38;
	[tilespmem:$0x16080] =	vst v63  }
0xf7: {  	_ =	swait.ge [sflag:s13], $0x40  }
0xf8: {  	[sflag:s13] =	ssyncset.done $0x0  }
0xf9: {  	[sflag:s13] =	ssyncadd.s32 $0xFFFFFFC0  }
0xfa: {  	[spmem:s2] =	stream.indirect.scatter.add.f32 [tilespmem:s15], [sflag:$0x1], $0x80, s3, s16, $0xb8;
	[tilespmem:$0x16080] =	vst v63  }
0xfb: {  	_ =	swait.ge [sflag:s13], $0x2000  }
0xfc: {  	[sflag:s13] =	ssyncset.done $0x0  }
0xfd: {  	p1 =	sne.s32 s0, $0x1;
	[sflag:s13] =	ssyncadd.s32 $0xFFFFE000  }
.Ltmp2:
0xfe: {  	[bflag:$0x0] =	sbarrier.arrive $0xFFFF;
	(pc) =	sbr.rel @p1 .LBB2_2-.Ltmp2, $4  }
0xff: {  	s1 =	rddreg [dreg:$0x3]  }
0x100: {  	[hbm:s1], [sflag:s5] =	dma.local [spmem:s9], $0x2800  }
0x101: {  	_ =	swait.ge [sflag:s13], $0x2800  }
0x102: {  	s0 =	sadd.s32 $0xFFFFFFFF, s0;
	s1 =	rddreg [dreg:$0x5];
	[sflag:s13] =	ssyncset.done $0x0  }
.LBB2_3:
0x103: {  	[sflag:s13] =	ssyncadd.s32 @p0 $0xFFFFD800  }
0x104: {  	[spmem:s9], [sflag:s5] =	dma.local [hbm:s1], $0x400  }
0x105: {  	_ =	swait.ge [sflag:s13], $0x400  }
0x106: {  	[sflag:s13] =	ssyncset.done $0x0  }
0x107: {  	s0 =	rddreg [dreg:$0x6];
	[sflag:s13] =	ssyncadd.s32 $0xFFFFFC00  }
0x108: {  	[spmem:s31], [sflag:s5] =	dma.local [hbm:s0], $0x400  }
0x109: {  	_ =	swait.ge [sflag:s13], $0x400  }
0x10a: {  	[sflag:s13] =	ssyncset.done $0x0  }
0x10b: {  	s1 =	rddreg [dreg:$0x7];
	[sflag:s13] =	ssyncadd.s32 $0xFFFFFC00  }
0x10c: {  	[spmem:s30], [sflag:s5] =	dma.local [hbm:s1], $0x400  }
0x10d: {  	_ =	swait.ge [sflag:s13], $0x400  }
0x10e: {  	[sflag:s13] =	ssyncset.done $0x0  }
0x10f: {  	s31 =	rddreg [dreg:$0x8];
	[sflag:s13] =	ssyncadd.s32 $0xFFFFFC00  }
0x110: {  	[spmem:s29], [sflag:s5] =	dma.local [hbm:s31], $0x400  }
0x111: {  	_ =	swait.ge [sflag:s13], $0x400  }
0x112: {  	[sflag:s13] =	ssyncset.done $0x0  }
0x113: {  	s1 =	rddreg [dreg:$0x9];
	[sflag:s13] =	ssyncadd.s32 $0xFFFFFC00  }
0x114: {  	[spmem:s28], [sflag:s5] =	dma.local [hbm:s1], $0x400  }
0x115: {  	_ =	swait.ge [sflag:s13], $0x400  }
0x116: {  	[sflag:s13] =	ssyncset.done $0x0  }
0x117: {  	s28 =	rddreg [dreg:$0xa];
	[sflag:s13] =	ssyncadd.s32 $0xFFFFFC00  }
0x118: {  	[spmem:s26], [sflag:s5] =	dma.local [hbm:s28], $0x400  }
0x119: {  	_ =	swait.ge [sflag:s13], $0x400  }
0x11a: {  	[sflag:s13] =	ssyncset.done $0x0  }
0x11b: {  	[sflag:s13] =	ssyncadd.s32 $0xFFFFFC00  }
0x11c: {  	[spmem:s25], [sflag:s5] =	dma.local [hbm:s20], $0x400  }
0x11d: {  	_ =	swait.ge [sflag:s13], $0x400  }
0x11e: {  	[sflag:s13] =	ssyncset.done $0x0  }
0x11f: {  	[sflag:s13] =	ssyncadd.s32 $0xFFFFFC00  }
0x120: {  	[spmem:s24], [sflag:s5] =	dma.local [hbm:s19], $0x400  }
0x121: {  	_ =	swait.ge [sflag:s13], $0x400  }
0x122: {  	[sflag:s13] =	ssyncset.done $0x0  }
0x123: {  	[sflag:s13] =	ssyncadd.s32 $0xFFFFFC00  }
0x124: {  	[spmem:s23], [sflag:s5] =	dma.local [hbm:s18], $0x400  }
0x125: {  	_ =	swait.ge [sflag:s13], $0x400  }
0x126: {  	[sflag:s13] =	ssyncset.done $0x0  }
0x127: {  	[sflag:s13] =	ssyncadd.s32 $0xFFFFFC00  }
0x128: {  	[spmem:s22], [sflag:s5] =	dma.local [hbm:s17], $0x400  }
0x129: {  	_ =	swait.ge [sflag:s13], $0x400  }
0x12a: {  	[sflag:s13] =	ssyncset.done $0x0  }
0x12b: {  	[sflag:s13] =	ssyncadd.s32 $0xFFFFFC00  }
0x12c: {  	[bflag:$0x0] =	sbarrier.arrive $0xFFFF  }
0x12d: {  	s29 =	rddreg [dreg:$0x4]  }
0x12e: {  	[tilespmem:s15], [sflag:$0x1] =	stream.linear.gather [hbm4b:s29+s3], $0x2000, $0x38;
	[tilespmem:$0x16080] =	vst v63  }
0x12f: {  	_ =	swait.ge [sflag:s13], $0x2000  }
0x130: {  	[sflag:s13] =	ssyncset.done $0x0  }
0x131: {  	[sflag:s13] =	ssyncadd.s32 $0xFFFFE000  }
0x132: {  	[tilespmem:s3], [sflag:$0x1] =	stream.linear.gather [hbm4b:s21+s3], $0x40, $0x38;
	[tilespmem:$0x16080] =	vst v63  }
0x133: {  	_ =	swait.ge [sflag:s13], $0x40  }
0x134: {  	[sflag:s13] =	ssyncset.done $0x0  }
0x135: {  	[sflag:s13] =	ssyncadd.s32 $0xFFFFFFC0  }
0x136: {  	[spmem:s2] =	stream.indirect.scatter.add.f32 [tilespmem:s15], [sflag:$0x1], $0x80, s3, s16, $0xb8;
	[tilespmem:$0x16080] =	vst v63  }
0x137: {  	_ =	swait.ge [sflag:s13], $0x2000  }
0x138: {  	[sflag:s13] =	ssyncset.done $0x0  }
0x139: {  	[sflag:s13] =	ssyncadd.s32 $0xFFFFE000  }
0x13a: {  	[tilespmem:s15], [sflag:$0x1] =	stream.linear.gather [hbm4b:s12+s3], $0x2000, $0x38;
	[tilespmem:$0x16080] =	vst v63  }
0x13b: {  	_ =	swait.ge [sflag:s13], $0x2000  }
0x13c: {  	[sflag:s13] =	ssyncset.done $0x0  }
0x13d: {  	[sflag:s13] =	ssyncadd.s32 $0xFFFFE000  }
0x13e: {  	[tilespmem:s3], [sflag:$0x1] =	stream.linear.gather [hbm4b:s14+s3], $0x40, $0x38;
	[tilespmem:$0x16080] =	vst v63  }
0x13f: {  	_ =	swait.ge [sflag:s13], $0x40  }
0x140: {  	[sflag:s13] =	ssyncset.done $0x0  }
0x141: {  	[sflag:s13] =	ssyncadd.s32 $0xFFFFFFC0  }
0x142: {  	[spmem:s2] =	stream.indirect.scatter.add.f32 [tilespmem:s15], [sflag:$0x1], $0x80, s3, s16, $0xb8;
	[tilespmem:$0x16080] =	vst v63  }
0x143: {  	_ =	swait.ge [sflag:s13], $0x2000  }
0x144: {  	[sflag:s13] =	ssyncset.done $0x0  }
0x145: {  	[sflag:s13] =	ssyncadd.s32 $0xFFFFE000  }
0x146: {  	[tilespmem:s15], [sflag:$0x1] =	stream.linear.gather [hbm4b:s10+s3], $0x2000, $0x38;
	[tilespmem:$0x16080] =	vst v63  }
0x147: {  	_ =	swait.ge [sflag:s13], $0x2000  }
0x148: {  	[sflag:s13] =	ssyncset.done $0x0  }
0x149: {  	[sflag:s13] =	ssyncadd.s32 $0xFFFFE000  }
0x14a: {  	[tilespmem:s3], [sflag:$0x1] =	stream.linear.gather [hbm4b:s11+s3], $0x40, $0x38;
	[tilespmem:$0x16080] =	vst v63  }
0x14b: {  	_ =	swait.ge [sflag:s13], $0x40  }
0x14c: {  	[sflag:s13] =	ssyncset.done $0x0  }
0x14d: {  	[sflag:s13] =	ssyncadd.s32 $0xFFFFFFC0  }
0x14e: {  	[spmem:s2] =	stream.indirect.scatter.add.f32 [tilespmem:s15], [sflag:$0x1], $0x80, s3, s16, $0xb8;
	[tilespmem:$0x16080] =	vst v63  }
0x14f: {  	_ =	swait.ge [sflag:s13], $0x2000  }
0x150: {  	[sflag:s13] =	ssyncset.done $0x0  }
0x151: {  	[sflag:s13] =	ssyncadd.s32 $0xFFFFE000  }
0x152: {  	[tilespmem:s15], [sflag:$0x1] =	stream.linear.gather [hbm4b:s7+s3], $0x2000, $0x38;
	[tilespmem:$0x16080] =	vst v63  }
0x153: {  	_ =	swait.ge [sflag:s13], $0x2000  }
0x154: {  	[sflag:s13] =	ssyncset.done $0x0  }
0x155: {  	[sflag:s13] =	ssyncadd.s32 $0xFFFFE000  }
0x156: {  	[tilespmem:s3], [sflag:$0x1] =	stream.linear.gather [hbm4b:s8+s3], $0x40, $0x38;
	[tilespmem:$0x16080] =	vst v63  }
0x157: {  	_ =	swait.ge [sflag:s13], $0x40  }
0x158: {  	[sflag:s13] =	ssyncset.done $0x0  }
0x159: {  	[sflag:s13] =	ssyncadd.s32 $0xFFFFFFC0  }
0x15a: {  	[spmem:s2] =	stream.indirect.scatter.add.f32 [tilespmem:s15], [sflag:$0x1], $0x80, s3, s16, $0xb8;
	[tilespmem:$0x16080] =	vst v63  }
0x15b: {  	_ =	swait.ge [sflag:s13], $0x2000  }
0x15c: {  	[sflag:s13] =	ssyncset.done $0x0  }
0x15d: {  	[sflag:s13] =	ssyncadd.s32 $0xFFFFE000  }
0x15e: {  	[tilespmem:s15], [sflag:$0x1] =	stream.linear.gather [hbm4b:s4+s3], $0x2000, $0x38;
	[tilespmem:$0x16080] =	vst v63  }
0x15f: {  	_ =	swait.ge [sflag:s13], $0x2000  }
0x160: {  	[sflag:s13] =	ssyncset.done $0x0  }
0x161: {  	[sflag:s13] =	ssyncadd.s32 $0xFFFFE000  }
0x162: {  	[tilespmem:s3], [sflag:$0x1] =	stream.linear.gather [hbm4b:s6+s3], $0x40, $0x38;
	[tilespmem:$0x16080] =	vst v63  }
0x163: {  	_ =	swait.ge [sflag:s13], $0x40  }
0x164: {  	[sflag:s13] =	ssyncset.done $0x0  }
0x165: {  	[sflag:s13] =	ssyncadd.s32 $0xFFFFFFC0  }
0x166: {  	[spmem:s2] =	stream.indirect.scatter.add.f32 [tilespmem:s15], [sflag:$0x1], $0x80, s3, s16, $0xb8;
	[tilespmem:$0x16080] =	vst v63  }
0x167: {  	_ =	swait.ge [sflag:s13], $0x2000  }
0x168: {  	[sflag:s13] =	ssyncset.done $0x0  }
0x169: {  	[sflag:s13] =	ssyncadd.s32 $0xFFFFE000  }
0x16a: {  	[bflag:$0x0] =	sbarrier.arrive $0xFFFF  }
0x16b: {  	s30 =	rddreg [dreg:$0x3]  }
0x16c: {  	[hbm:s30], [sflag:s5] =	dma.local [spmem:s9], $0x2800  }
0x16d: {  	_ =	swait.ge [sflag:s13], $0x2800  }
0x16e: {  	[sflag:s13] =	ssyncset.done $0x0  }
0x16f: {  	[sflag:s13] =	ssyncadd.s32 $0xFFFFD800  }
0x170: {  	_ =	sfence.sel $0x180000  }
0x171: {  	[bflag:$0x0] =	sbarrier.arrive $0xFFFF  }
0x172: {  	_ =	strace $0x90000053  }
0x173: {  	s31 =	stileid.u32;
	[bflag:$0x2] =	sbarrier.arrive $0xFFFF  }
0x174: {  	p0 =	sne.s32 s31, $0x0;
	s0 =	rddreg [dreg:$0x2]  }
0x175: {  	s0 =	sadd.s32 @!p0 $0x100000, s0  }
0x176: {  	[sflag:s0] =	ssyncadd.tile.s32 @!p0 $0x1;
	_ =	shalt  }
.Lfunc_end2:
_tile_overlayer_lowered:
.L_overlay_start_2:
0x177: {  	(tag) =	ssettag $0x2  }
0x178: {  	s0 =	rddreg [dreg:$0x0];
	s2 =	stileid.u32  }
0x179: {  	s1 =	rddreg [dreg:$0x1];
	p0 =	sne.s32 s2, $0x0  }
0x17a: {  	s3 =	rddreg [dreg:$0x2];
	[bflag:$0x3] =	sbarrier.arrive $0xFFFF;
	s2 =	simm.s32 @!p0 $0x1C01  }
0x17b: {  	[timem:s3], [sflag:s2] =	dma.local @!p0 [hbm:s0], s1  }
0x17c: {  	s0 =	simm.s32 @!p0 $0x1  }
0x17d: {  	_ =	swait.ge @!p0 [sflag:s0], s1  }
0x17e: {  	s1 =	ssub.s32 @!p0 $0x0, s1;
	[sflag:s0] =	ssyncset.done @!p0 $0x0  }
0x17f: {  	[sflag:s0] =	ssyncadd.s32 @!p0 s1  }
0x180: {  	[bflag:$0x3] =	sbarrier.arrive $0xFFFF  }
0x181: {  	_ =	shalt  }

</sc_bundles>
